<compile_context>
chip_gen: v7x
topology: tpu7x:2x2x1
jax: 0.10.2.dev20260603
libtpu: 0.0.44.dev20260713+nightly
codegen_flags: <defaults>
</compile_context>

<pallas_src>
import functools

import jax
import jax.numpy as jnp
from jax import lax
from jax.experimental import pallas as pl
from jax.experimental.pallas import tpu as pltpu
from jax.experimental.pallas import tpu_sc as plsc

_LANES = 16
_NUM_CORES = 2
_NUM_SUBCORES = 16
_NUM_WORKERS = _NUM_CORES * _NUM_SUBCORES


def _mean_body(att_ref, avgT_ref):
    att = att_ref[0]
    avg = jnp.sum(att, axis=0) * (1.0 / att.shape[0])
    avgT_ref[0] = jnp.swapaxes(avg, 0, 1)


def _head_mean_t(attention_weights):
    B, H, N, _ = attention_weights.shape
    BI = 128
    return pl.pallas_call(
        _mean_body,
        grid=(B, N // BI),
        in_specs=[pl.BlockSpec((1, H, BI, N), lambda b, i: (b, 0, i, 0))],
        out_specs=pl.BlockSpec((1, N, BI), lambda b, i: (b, 0, i)),
        out_shape=jax.ShapeDtypeStruct((B, N, N), jnp.float32),
    )(attention_weights)


def _make_sc_bag(B, N, T):
    stripe = 128
    gps = stripe // _LANES
    n_stripes = B * N // stripe
    n_halves = _NUM_WORKERS // n_stripes
    jh_len = N // n_halves
    groups_per_b = N // _LANES
    G = B * groups_per_b
    mesh = plsc.VectorSubcoreMesh(core_axis_name="c", subcore_axis_name="s")
    unroll = 4

    @functools.partial(
        pl.kernel,
        mesh=mesh,
        out_type=jax.ShapeDtypeStruct((n_halves, G, T * _LANES), jnp.float32),
        scratch_types=[
            pltpu.VMEM((jh_len, stripe), jnp.float32),
            pltpu.VMEM((jh_len, stripe), jnp.int32),
            pltpu.VMEM((gps, T * _LANES), jnp.float32),
        ],
    )
    def sc_bag(avgT_hbm, et_hbm, s_hbm, avg_v, et_v, bins_v):
        wid = lax.axis_index("s") * _NUM_CORES + lax.axis_index("c")
        sid = wid // n_halves
        jh = wid % n_halves
        b = sid // (N // stripe)
        i0 = (sid % (N // stripe)) * stripe
        j0 = jh * jh_len
        pltpu.sync_copy(avgT_hbm.at[b, pl.ds(j0, jh_len), pl.ds(i0, stripe)], avg_v)
        pltpu.sync_copy(et_hbm.at[b, pl.ds(j0, jh_len), pl.ds(i0, stripe)], et_v)
        zero16 = jnp.zeros((_LANES,), jnp.float32)
        chunk = 32

        def group_body(gi, carry):
            l0 = pl.multiple_of(gi * _LANES, _LANES)
            for t in range(T):
                bins_v[gi, pl.ds(t * _LANES, _LANES)] = zero16

            def j_chunk(cc, c2):
                jb = cc * chunk
                acc = [zero16] * T
                for u in range(chunk):
                    w = avg_v[jb + u, pl.ds(l0, _LANES)]
                    tv = et_v[jb + u, pl.ds(l0, _LANES)]
                    for t in range(T):
                        acc[t] = acc[t] + jnp.where(tv == t, w, 0.0)
                for t in range(T):
                    sl = pl.ds(t * _LANES, _LANES)
                    bins_v[gi, sl] = bins_v[gi, sl] + acc[t]
                return c2

            lax.fori_loop(0, jh_len // chunk, j_chunk, 0)
            return carry

        lax.fori_loop(0, gps, group_body, 0)
        pltpu.sync_copy(bins_v, s_hbm.at[jh, pl.ds(sid * gps, gps)])

    return sc_bag


def _combine_body(s_ref, emb_ref, out_ref):
    S3 = s_ref[...]
    H2, G, TL = S3.shape
    T = emb_ref.shape[0]
    Sg = (S3[0] + S3[1]).reshape(G, T, _LANES)
    S = jnp.swapaxes(Sg, 1, 2).reshape(G * _LANES, T)
    out_ref[...] = jax.lax.dot_general(
        S, emb_ref[...], (((1,), (0,)), ((), ())),
        preferred_element_type=jnp.float32,
        precision=jax.lax.Precision.HIGHEST)


def _combine(s, embedding_table, R):
    H2, G, TL = s.shape
    T, D = embedding_table.shape
    return pl.pallas_call(
        _combine_body,
        in_specs=[
            pl.BlockSpec((H2, G, TL), lambda: (0, 0, 0)),
            pl.BlockSpec((T, D), lambda: (0, 0)),
        ],
        out_specs=pl.BlockSpec((R, D), lambda: (0, 0)),
        out_shape=jax.ShapeDtypeStruct((R, D), jnp.float32),
    )(s, embedding_table)


def kernel(attention_weights, edge_type_matrix, embedding_table):
    B, H, N, _ = attention_weights.shape
    T, D = embedding_table.shape
    R = B * N
    avgT = _head_mean_t(attention_weights)
    s = _make_sc_bag(B, N, T)(avgT, edge_type_matrix.astype(jnp.int32))
    out = _combine(s, embedding_table, R)
    return out.reshape(B, N, D)

# --- scband reference (transcript-rebuilt; emitter-appended) ---
"""Pipeline reference for scband-edge-update-gate-27436251087460 (READ-ONLY COPY).

The authoritative reference and input builder live on the scoring server;
editing this copy changes nothing except your own understanding.
"""

import jax, jax.numpy as jnp
import numpy as np


def setup_inputs(seed: int = 0) -> dict:
    key = jax.random.key(seed)
    k1, k2, k3 = jax.random.split(key, 3)
    attention_weights = jax.random.uniform(k1, (4, 16, 512, 512), dtype=jnp.float32)
    edge_type_matrix = jax.random.randint(k2, (4, 512, 512), 0, 17, dtype=jnp.int64)
    # learned parameter: nn.Embedding(num_edge_types + 1 = 17, embed_dim = 64)
    embedding_table = jax.random.normal(k3, (17, 64), dtype=jnp.float32)
    return {
        "attention_weights": attention_weights,
        "edge_type_matrix": edge_type_matrix,
        "embedding_table": embedding_table,
    }


def reference(attention_weights, edge_type_matrix, embedding_table):
    # edge_vector_matrix = self.edge_vector_embedding(edge_type_matrix)  -> [B, N, N, D]
    edge_vector_matrix = jnp.take(embedding_table, edge_type_matrix, axis=0)
    # avg_attention_weights = attention_weights.mean(dim=1).unsqueeze(-1) -> [B, N, N, 1]
    avg_attention_weights = jnp.mean(attention_weights, axis=1)[..., None]
    # update_vectors = (avg * edge_vector_matrix.transpose(1, 2)).sum(dim=2) -> [B, N, D]
    update_vectors = jnp.sum(
        avg_attention_weights * jnp.transpose(edge_vector_matrix, (0, 2, 1, 3)), axis=2
    )
    return update_vectors

if __name__ == "__main__":
    import jax
    _d = setup_inputs()
    print(jax.jit(kernel)(*tuple(_d.values())))

</pallas_src>

<mosaic_0001>
#map = affine_map<(d0, d1) -> (0, 0, 0)>
module attributes {stable_mosaic.version = 14 : i64} {
  func.func @sc_bag(%arg0: i32, %arg1: i32, %arg2: memref<4x512x512xf32, #tpu.memory_space<hbm>>, %arg3: memref<4x512x512xi32, #tpu.memory_space<hbm>>, %arg4: memref<2x128x272xf32, #tpu.memory_space<hbm>>, %arg5: memref<256x128xf32, #tpu.memory_space<vmem>>, %arg6: memref<256x128xi32, #tpu.memory_space<vmem>>, %arg7: memref<8x272xf32, #tpu.memory_space<vmem>>) attributes {dimension_semantics = [#tpu.dimension_semantics<core_parallel>, #tpu.dimension_semantics<subcore_parallel>], iteration_bounds = array<i64: 2, 16>, scalar_prefetch = 0 : i64, scratch_operands = 3 : i64, tpu.core_type = #tpu.core_type<sc_vector_subcore>, window_params = [{transform_indices = #map}, {transform_indices = #map}, {transform_indices = #map}]} {
    %mul3A = arith.constant 2 : i32
    %mul3A_0 = arith.muli %arg1, %mul3A : i32
    %add3A = arith.addi %mul3A_0, %arg0 : i32
    %jit3A = arith.constant 2 : i32
    %div3A = arith.divsi %add3A, %jit3A : i32
    %sign3A = arith.constant 0 : i32
    %sign3A_1 = arith.cmpi sgt, %add3A, %sign3A : i32
    %sign3A_2 = arith.extui %sign3A_1 : i1 to i32
    %sign3A_3 = arith.constant 0 : i32
    %sign3A_4 = arith.cmpi slt, %add3A, %sign3A_3 : i32
    %sign3A_5 = arith.extui %sign3A_4 : i1 to i32
    %sign3A_6 = arith.subi %sign3A_2, %sign3A_5 : i32
    %sign3A_7 = arith.constant 0 : i32
    %sign3A_8 = arith.cmpi sgt, %jit3A, %sign3A_7 : i32
    %sign3A_9 = arith.extui %sign3A_8 : i1 to i32
    %sign3A_10 = arith.constant 0 : i32
    %sign3A_11 = arith.cmpi slt, %jit3A, %sign3A_10 : i32
    %sign3A_12 = arith.extui %sign3A_11 : i1 to i32
    %sign3A_13 = arith.subi %sign3A_9, %sign3A_12 : i32
    %ne3A = arith.cmpi ne, %sign3A_6, %sign3A_13 : i32
    %rem3A = arith.remsi %add3A, %jit3A : i32
    %ne3A_14 = arith.constant 0 : i32
    %ne3A_15 = arith.cmpi ne, %rem3A, %ne3A_14 : i32
    %and3A = arith.andi %ne3A, %ne3A_15 : i1
    %sub3A = arith.constant 1 : i32
    %sub3A_16 = arith.subi %div3A, %sub3A : i32
    %select_n3A = arith.select %and3A, %sub3A_16, %div3A : i32
    %jit3A_17 = arith.constant 2 : i32
    %eq3A = arith.constant 0 : i32
    %eq3A_18 = arith.cmpi eq, %jit3A_17, %eq3A : i32
    %jit3A_19 = arith.constant 1 : i32
    %select_n3A_20 = arith.select %eq3A_18, %jit3A_19, %jit3A_17 : i32
    %rem3A_21 = arith.remsi %add3A, %select_n3A_20 : i32
    %ne3A_22 = arith.constant 0 : i32
    %ne3A_23 = arith.cmpi ne, %rem3A_21, %ne3A_22 : i32
    %lt3A = arith.constant 0 : i32
    %lt3A_24 = arith.cmpi slt, %rem3A_21, %lt3A : i32
    %lt3A_25 = arith.constant 0 : i32
    %lt3A_26 = arith.cmpi slt, %select_n3A_20, %lt3A_25 : i32
    %ne3A_27 = arith.xori %lt3A_24, %lt3A_26 : i1
    %and3A_28 = arith.andi %ne3A_27, %ne3A_23 : i1
    %add3A_29 = arith.addi %rem3A_21, %select_n3A_20 : i32
    %select_n3A_30 = arith.select %and3A_28, %add3A_29, %rem3A_21 : i32
    %jit3A_31 = arith.constant 4 : i32
    %div3A_32 = arith.divsi %select_n3A, %jit3A_31 : i32
    %sign3A_33 = arith.constant 0 : i32
    %sign3A_34 = arith.cmpi sgt, %select_n3A, %sign3A_33 : i32
    %sign3A_35 = arith.extui %sign3A_34 : i1 to i32
    %sign3A_36 = arith.constant 0 : i32
    %sign3A_37 = arith.cmpi slt, %select_n3A, %sign3A_36 : i32
    %sign3A_38 = arith.extui %sign3A_37 : i1 to i32
    %sign3A_39 = arith.subi %sign3A_35, %sign3A_38 : i32
    %sign3A_40 = arith.constant 0 : i32
    %sign3A_41 = arith.cmpi sgt, %jit3A_31, %sign3A_40 : i32
    %sign3A_42 = arith.extui %sign3A_41 : i1 to i32
    %sign3A_43 = arith.constant 0 : i32
    %sign3A_44 = arith.cmpi slt, %jit3A_31, %sign3A_43 : i32
    %sign3A_45 = arith.extui %sign3A_44 : i1 to i32
    %sign3A_46 = arith.subi %sign3A_42, %sign3A_45 : i32
    %ne3A_47 = arith.cmpi ne, %sign3A_39, %sign3A_46 : i32
    %rem3A_48 = arith.remsi %select_n3A, %jit3A_31 : i32
    %ne3A_49 = arith.constant 0 : i32
    %ne3A_50 = arith.cmpi ne, %rem3A_48, %ne3A_49 : i32
    %and3A_51 = arith.andi %ne3A_47, %ne3A_50 : i1
    %sub3A_52 = arith.constant 1 : i32
    %sub3A_53 = arith.subi %div3A_32, %sub3A_52 : i32
    %select_n3A_54 = arith.select %and3A_51, %sub3A_53, %div3A_32 : i32
    %jit3A_55 = arith.constant 4 : i32
    %eq3A_56 = arith.constant 0 : i32
    %eq3A_57 = arith.cmpi eq, %jit3A_55, %eq3A_56 : i32
    %jit3A_58 = arith.constant 1 : i32
    %select_n3A_59 = arith.select %eq3A_57, %jit3A_58, %jit3A_55 : i32
    %rem3A_60 = arith.remsi %select_n3A, %select_n3A_59 : i32
    %ne3A_61 = arith.constant 0 : i32
    %ne3A_62 = arith.cmpi ne, %rem3A_60, %ne3A_61 : i32
    %lt3A_63 = arith.constant 0 : i32
    %lt3A_64 = arith.cmpi slt, %rem3A_60, %lt3A_63 : i32
    %lt3A_65 = arith.constant 0 : i32
    %lt3A_66 = arith.cmpi slt, %select_n3A_59, %lt3A_65 : i32
    %ne3A_67 = arith.xori %lt3A_64, %lt3A_66 : i1
    %and3A_68 = arith.andi %ne3A_67, %ne3A_62 : i1
    %add3A_69 = arith.addi %rem3A_60, %select_n3A_59 : i32
    %select_n3A_70 = arith.select %and3A_68, %add3A_69, %rem3A_60 : i32
    %mul3A_71 = arith.constant 128 : i32
    %mul3A_72 = arith.muli %select_n3A_70, %mul3A_71 : i32
    %mul3A_73 = arith.constant 256 : i32
    %mul3A_74 = arith.muli %select_n3A_30, %mul3A_73 : i32
    "tpu.region"() ({
      %run_scoped3A = tpu.sem_alloc : memref<!tpu.dma_semaphore, #tpu.memory_space<semaphore_mem>>
      %dma_start3A = tpu.memref_slice %arg2[%select_n3A_54, %mul3A_74, %mul3A_72] : memref<4x512x512xf32, #tpu.memory_space<hbm>> -> memref<1x256x128xf32, #tpu.memory_space<hbm>>
      %dma_start3A_83 = tpu.memref_squeeze %dma_start3A : memref<1x256x128xf32, #tpu.memory_space<hbm>> -> memref<256x128xf32, #tpu.memory_space<hbm>>
      %dma_start3A_84 = tpu.memref_slice %arg2[%select_n3A_54, %mul3A_74, %mul3A_72] : memref<4x512x512xf32, #tpu.memory_space<hbm>> -> memref<1x256x128xf32, #tpu.memory_space<hbm>>
      %dma_start3A_85 = tpu.memref_squeeze %dma_start3A_84 : memref<1x256x128xf32, #tpu.memory_space<hbm>> -> memref<256x128xf32, #tpu.memory_space<hbm>>
      tpu.enqueue_dma source(%dma_start3A_85 : memref<256x128xf32, #tpu.memory_space<hbm>>) target(%arg5 : memref<256x128xf32, #tpu.memory_space<vmem>>) target_semaphore(%run_scoped3A : memref<!tpu.dma_semaphore, #tpu.memory_space<semaphore_mem>>)
      %dma_wait3A = tpu.memref_slice %arg2[%select_n3A_54, %mul3A_74, %mul3A_72] : memref<4x512x512xf32, #tpu.memory_space<hbm>> -> memref<1x256x128xf32, #tpu.memory_space<hbm>>
      %dma_wait3A_86 = tpu.memref_squeeze %dma_wait3A : memref<1x256x128xf32, #tpu.memory_space<hbm>> -> memref<256x128xf32, #tpu.memory_space<hbm>>
      %dma_wait3A_87 = tpu.memref_slice %arg2[%select_n3A_54, %mul3A_74, %mul3A_72] : memref<4x512x512xf32, #tpu.memory_space<hbm>> -> memref<1x256x128xf32, #tpu.memory_space<hbm>>
      %dma_wait3A_88 = tpu.memref_squeeze %dma_wait3A_87 : memref<1x256x128xf32, #tpu.memory_space<hbm>> -> memref<256x128xf32, #tpu.memory_space<hbm>>
      tpu.wait_dma2 semaphore(%run_scoped3A : memref<!tpu.dma_semaphore, #tpu.memory_space<semaphore_mem>>) src(%dma_wait3A_88 : memref<256x128xf32, #tpu.memory_space<hbm>>) dst(%arg5 : memref<256x128xf32, #tpu.memory_space<vmem>>)
      tpu.yield
    }) : () -> ()
    "tpu.region"() ({
      %run_scoped3A = tpu.sem_alloc : memref<!tpu.dma_semaphore, #tpu.memory_space<semaphore_mem>>
      %dma_start3A = tpu.memref_slice %arg3[%select_n3A_54, %mul3A_74, %mul3A_72] : memref<4x512x512xi32, #tpu.memory_space<hbm>> -> memref<1x256x128xi32, #tpu.memory_space<hbm>>
      %dma_start3A_83 = tpu.memref_squeeze %dma_start3A : memref<1x256x128xi32, #tpu.memory_space<hbm>> -> memref<256x128xi32, #tpu.memory_space<hbm>>
      %dma_start3A_84 = tpu.memref_slice %arg3[%select_n3A_54, %mul3A_74, %mul3A_72] : memref<4x512x512xi32, #tpu.memory_space<hbm>> -> memref<1x256x128xi32, #tpu.memory_space<hbm>>
      %dma_start3A_85 = tpu.memref_squeeze %dma_start3A_84 : memref<1x256x128xi32, #tpu.memory_space<hbm>> -> memref<256x128xi32, #tpu.memory_space<hbm>>
      tpu.enqueue_dma source(%dma_start3A_85 : memref<256x128xi32, #tpu.memory_space<hbm>>) target(%arg6 : memref<256x128xi32, #tpu.memory_space<vmem>>) target_semaphore(%run_scoped3A : memref<!tpu.dma_semaphore, #tpu.memory_space<semaphore_mem>>)
      %dma_wait3A = tpu.memref_slice %arg3[%select_n3A_54, %mul3A_74, %mul3A_72] : memref<4x512x512xi32, #tpu.memory_space<hbm>> -> memref<1x256x128xi32, #tpu.memory_space<hbm>>
      %dma_wait3A_86 = tpu.memref_squeeze %dma_wait3A : memref<1x256x128xi32, #tpu.memory_space<hbm>> -> memref<256x128xi32, #tpu.memory_space<hbm>>
      %dma_wait3A_87 = tpu.memref_slice %arg3[%select_n3A_54, %mul3A_74, %mul3A_72] : memref<4x512x512xi32, #tpu.memory_space<hbm>> -> memref<1x256x128xi32, #tpu.memory_space<hbm>>
      %dma_wait3A_88 = tpu.memref_squeeze %dma_wait3A_87 : memref<1x256x128xi32, #tpu.memory_space<hbm>> -> memref<256x128xi32, #tpu.memory_space<hbm>>
      tpu.wait_dma2 semaphore(%run_scoped3A : memref<!tpu.dma_semaphore, #tpu.memory_space<semaphore_mem>>) src(%dma_wait3A_88 : memref<256x128xi32, #tpu.memory_space<hbm>>) dst(%arg6 : memref<256x128xi32, #tpu.memory_space<vmem>>)
      tpu.yield
    }) : () -> ()
    %broadcast_in_dim3A = arith.constant 0.000000e+00 : f32
    %broadcast_in_dim3A_75 = vector.broadcast %broadcast_in_dim3A : f32 to vector<16xf32>
    %scan3A = arith.constant 0 : i32
    %scan3A_76 = arith.constant 0 : i32
    %scan3A_77 = arith.constant 8 : i32
    %scan3A_78 = arith.addi %scan3A_76, %scan3A_77 : i32
    %scan3A_79 = arith.constant 1 : i32
    scf.for %scan3A_83 = %scan3A_76 to %scan3A_78 step %scan3A_79  : i32 {
      %mul3A_84 = arith.constant 16 : i32
      %mul3A_85 = arith.muli %scan3A_83, %mul3A_84 : i32
      %multiple_of3A = tpu.assume_multiple %mul3A_85, 16 : i32
      %swap3A = arith.index_cast %scan3A_83 : i32 to index
      %swap3A_86 = arith.constant 0 : index
      %swap3A_87 = tpu.vector_load %arg7[%swap3A, %swap3A_86] {strides = array<i32>} : memref<8x272xf32, #tpu.memory_space<vmem>>, vector<1x16xf32>,
      %swap3A_88 = vector.shape_cast %swap3A_87 : vector<1x16xf32> to vector<16xf32>
      %swap3A_89 = vector.shape_cast %broadcast_in_dim3A_75 : vector<16xf32> to vector<1x16xf32>
      tpu.vector_store %arg7[%swap3A, %swap3A_86], %swap3A_89 {strides = array<i32>} : memref<8x272xf32, #tpu.memory_space<vmem>>, vector<1x16xf32>,
      %swap3A_90 = arith.index_cast %scan3A_83 : i32 to index
      %swap3A_91 = arith.constant 16 : index
      %swap3A_92 = tpu.vector_load %arg7[%swap3A_90, %swap3A_91] {strides = array<i32>} : memref<8x272xf32, #tpu.memory_space<vmem>>, vector<1x16xf32>,
      %swap3A_93 = vector.shape_cast %swap3A_92 : vector<1x16xf32> to vector<16xf32>
      %swap3A_94 = vector.shape_cast %broadcast_in_dim3A_75 : vector<16xf32> to vector<1x16xf32>
      tpu.vector_store %arg7[%swap3A_90, %swap3A_91], %swap3A_94 {strides = array<i32>} : memref<8x272xf32, #tpu.memory_space<vmem>>, vector<1x16xf32>,
      %swap3A_95 = arith.index_cast %scan3A_83 : i32 to index
      %swap3A_96 = arith.constant 32 : index
      %swap3A_97 = tpu.vector_load %arg7[%swap3A_95, %swap3A_96] {strides = array<i32>} : memref<8x272xf32, #tpu.memory_space<vmem>>, vector<1x16xf32>,
      %swap3A_98 = vector.shape_cast %swap3A_97 : vector<1x16xf32> to vector<16xf32>
      %swap3A_99 = vector.shape_cast %broadcast_in_dim3A_75 : vector<16xf32> to vector<1x16xf32>
      tpu.vector_store %arg7[%swap3A_95, %swap3A_96], %swap3A_99 {strides = array<i32>} : memref<8x272xf32, #tpu.memory_space<vmem>>, vector<1x16xf32>,
      %swap3A_100 = arith.index_cast %scan3A_83 : i32 to index
      %swap3A_101 = arith.constant 48 : index
      %swap3A_102 = tpu.vector_load %arg7[%swap3A_100, %swap3A_101] {strides = array<i32>} : memref<8x272xf32, #tpu.memory_space<vmem>>, vector<1x16xf32>,
      %swap3A_103 = vector.shape_cast %swap3A_102 : vector<1x16xf32> to vector<16xf32>
      %swap3A_104 = vector.shape_cast %broadcast_in_dim3A_75 : vector<16xf32> to vector<1x16xf32>
      tpu.vector_store %arg7[%swap3A_100, %swap3A_101], %swap3A_104 {strides = array<i32>} : memref<8x272xf32, #tpu.memory_space<vmem>>, vector<1x16xf32>,
      %swap3A_105 = arith.index_cast %scan3A_83 : i32 to index
      %swap3A_106 = arith.constant 64 : index
      %swap3A_107 = tpu.vector_load %arg7[%swap3A_105, %swap3A_106] {strides = array<i32>} : memref<8x272xf32, #tpu.memory_space<vmem>>, vector<1x16xf32>,
      %swap3A_108 = vector.shape_cast %swap3A_107 : vector<1x16xf32> to vector<16xf32>
      %swap3A_109 = vector.shape_cast %broadcast_in_dim3A_75 : vector<16xf32> to vector<1x16xf32>
      tpu.vector_store %arg7[%swap3A_105, %swap3A_106], %swap3A_109 {strides = array<i32>} : memref<8x272xf32, #tpu.memory_space<vmem>>, vector<1x16xf32>,
      %swap3A_110 = arith.index_cast %scan3A_83 : i32 to index
      %swap3A_111 = arith.constant 80 : index
      %swap3A_112 = tpu.vector_load %arg7[%swap3A_110, %swap3A_111] {strides = array<i32>} : memref<8x272xf32, #tpu.memory_space<vmem>>, vector<1x16xf32>,
      %swap3A_113 = vector.shape_cast %swap3A_112 : vector<1x16xf32> to vector<16xf32>
      %swap3A_114 = vector.shape_cast %broadcast_in_dim3A_75 : vector<16xf32> to vector<1x16xf32>
      tpu.vector_store %arg7[%swap3A_110, %swap3A_111], %swap3A_114 {strides = array<i32>} : memref<8x272xf32, #tpu.memory_space<vmem>>, vector<1x16xf32>,
      %swap3A_115 = arith.index_cast %scan3A_83 : i32 to index
      %swap3A_116 = arith.constant 96 : index
      %swap3A_117 = tpu.vector_load %arg7[%swap3A_115, %swap3A_116] {strides = array<i32>} : memref<8x272xf32, #tpu.memory_space<vmem>>, vector<1x16xf32>,
      %swap3A_118 = vector.shape_cast %swap3A_117 : vector<1x16xf32> to vector<16xf32>
      %swap3A_119 = vector.shape_cast %broadcast_in_dim3A_75 : vector<16xf32> to vector<1x16xf32>
      tpu.vector_store %arg7[%swap3A_115, %swap3A_116], %swap3A_119 {strides = array<i32>} : memref<8x272xf32, #tpu.memory_space<vmem>>, vector<1x16xf32>,
      %swap3A_120 = arith.index_cast %scan3A_83 : i32 to index
      %swap3A_121 = arith.constant 112 : index
      %swap3A_122 = tpu.vector_load %arg7[%swap3A_120, %swap3A_121] {strides = array<i32>} : memref<8x272xf32, #tpu.memory_space<vmem>>, vector<1x16xf32>,
      %swap3A_123 = vector.shape_cast %swap3A_122 : vector<1x16xf32> to vector<16xf32>
      %swap3A_124 = vector.shape_cast %broadcast_in_dim3A_75 : vector<16xf32> to vector<1x16xf32>
      tpu.vector_store %arg7[%swap3A_120, %swap3A_121], %swap3A_124 {strides = array<i32>} : memref<8x272xf32, #tpu.memory_space<vmem>>, vector<1x16xf32>,
      %swap3A_125 = arith.index_cast %scan3A_83 : i32 to index
      %swap3A_126 = arith.constant 128 : index
      %swap3A_127 = tpu.vector_load %arg7[%swap3A_125, %swap3A_126] {strides = array<i32>} : memref<8x272xf32, #tpu.memory_space<vmem>>, vector<1x16xf32>,
      %swap3A_128 = vector.shape_cast %swap3A_127 : vector<1x16xf32> to vector<16xf32>
      %swap3A_129 = vector.shape_cast %broadcast_in_dim3A_75 : vector<16xf32> to vector<1x16xf32>
      tpu.vector_store %arg7[%swap3A_125, %swap3A_126], %swap3A_129 {strides = array<i32>} : memref<8x272xf32, #tpu.memory_space<vmem>>, vector<1x16xf32>,
      %swap3A_130 = arith.index_cast %scan3A_83 : i32 to index
      %swap3A_131 = arith.constant 144 : index
      %swap3A_132 = tpu.vector_load %arg7[%swap3A_130, %swap3A_131] {strides = array<i32>} : memref<8x272xf32, #tpu.memory_space<vmem>>, vector<1x16xf32>,
      %swap3A_133 = vector.shape_cast %swap3A_132 : vector<1x16xf32> to vector<16xf32>
      %swap3A_134 = vector.shape_cast %broadcast_in_dim3A_75 : vector<16xf32> to vector<1x16xf32>
      tpu.vector_store %arg7[%swap3A_130, %swap3A_131], %swap3A_134 {strides = array<i32>} : memref<8x272xf32, #tpu.memory_space<vmem>>, vector<1x16xf32>,
      %swap3A_135 = arith.index_cast %scan3A_83 : i32 to index
      %swap3A_136 = arith.constant 160 : index
      %swap3A_137 = tpu.vector_load %arg7[%swap3A_135, %swap3A_136] {strides = array<i32>} : memref<8x272xf32, #tpu.memory_space<vmem>>, vector<1x16xf32>,
      %swap3A_138 = vector.shape_cast %swap3A_137 : vector<1x16xf32> to vector<16xf32>
      %swap3A_139 = vector.shape_cast %broadcast_in_dim3A_75 : vector<16xf32> to vector<1x16xf32>
      tpu.vector_store %arg7[%swap3A_135, %swap3A_136], %swap3A_139 {strides = array<i32>} : memref<8x272xf32, #tpu.memory_space<vmem>>, vector<1x16xf32>,
      %swap3A_140 = arith.index_cast %scan3A_83 : i32 to index
      %swap3A_141 = arith.constant 176 : index
      %swap3A_142 = tpu.vector_load %arg7[%swap3A_140, %swap3A_141] {strides = array<i32>} : memref<8x272xf32, #tpu.memory_space<vmem>>, vector<1x16xf32>,
      %swap3A_143 = vector.shape_cast %swap3A_142 : vector<1x16xf32> to vector<16xf32>
      %swap3A_144 = vector.shape_cast %broadcast_in_dim3A_75 : vector<16xf32> to vector<1x16xf32>
      tpu.vector_store %arg7[%swap3A_140, %swap3A_141], %swap3A_144 {strides = array<i32>} : memref<8x272xf32, #tpu.memory_space<vmem>>, vector<1x16xf32>,
      %swap3A_145 = arith.index_cast %scan3A_83 : i32 to index
      %swap3A_146 = arith.constant 192 : index
      %swap3A_147 = tpu.vector_load %arg7[%swap3A_145, %swap3A_146] {strides = array<i32>} : memref<8x272xf32, #tpu.memory_space<vmem>>, vector<1x16xf32>,
      %swap3A_148 = vector.shape_cast %swap3A_147 : vector<1x16xf32> to vector<16xf32>
      %swap3A_149 = vector.shape_cast %broadcast_in_dim3A_75 : vector<16xf32> to vector<1x16xf32>
      tpu.vector_store %arg7[%swap3A_145, %swap3A_146], %swap3A_149 {strides = array<i32>} : memref<8x272xf32, #tpu.memory_space<vmem>>, vector<1x16xf32>,
      %swap3A_150 = arith.index_cast %scan3A_83 : i32 to index
      %swap3A_151 = arith.constant 208 : index
      %swap3A_152 = tpu.vector_load %arg7[%swap3A_150, %swap3A_151] {strides = array<i32>} : memref<8x272xf32, #tpu.memory_space<vmem>>, vector<1x16xf32>,
      %swap3A_153 = vector.shape_cast %swap3A_152 : vector<1x16xf32> to vector<16xf32>
      %swap3A_154 = vector.shape_cast %broadcast_in_dim3A_75 : vector<16xf32> to vector<1x16xf32>
      tpu.vector_store %arg7[%swap3A_150, %swap3A_151], %swap3A_154 {strides = array<i32>} : memref<8x272xf32, #tpu.memory_space<vmem>>, vector<1x16xf32>,
      %swap3A_155 = arith.index_cast %scan3A_83 : i32 to index
      %swap3A_156 = arith.constant 224 : index
      %swap3A_157 = tpu.vector_load %arg7[%swap3A_155, %swap3A_156] {strides = array<i32>} : memref<8x272xf32, #tpu.memory_space<vmem>>, vector<1x16xf32>,
      %swap3A_158 = vector.shape_cast %swap3A_157 : vector<1x16xf32> to vector<16xf32>
      %swap3A_159 = vector.shape_cast %broadcast_in_dim3A_75 : vector<16xf32> to vector<1x16xf32>
      tpu.vector_store %arg7[%swap3A_155, %swap3A_156], %swap3A_159 {strides = array<i32>} : memref<8x272xf32, #tpu.memory_space<vmem>>, vector<1x16xf32>,
      %swap3A_160 = arith.index_cast %scan3A_83 : i32 to index
      %swap3A_161 = arith.constant 240 : index
      %swap3A_162 = tpu.vector_load %arg7[%swap3A_160, %swap3A_161] {strides = array<i32>} : memref<8x272xf32, #tpu.memory_space<vmem>>, vector<1x16xf32>,
      %swap3A_163 = vector.shape_cast %swap3A_162 : vector<1x16xf32> to vector<16xf32>
      %swap3A_164 = vector.shape_cast %broadcast_in_dim3A_75 : vector<16xf32> to vector<1x16xf32>
      tpu.vector_store %arg7[%swap3A_160, %swap3A_161], %swap3A_164 {strides = array<i32>} : memref<8x272xf32, #tpu.memory_space<vmem>>, vector<1x16xf32>,
      %swap3A_165 = arith.index_cast %scan3A_83 : i32 to index
      %swap3A_166 = arith.constant 256 : index
      %swap3A_167 = tpu.vector_load %arg7[%swap3A_165, %swap3A_166] {strides = array<i32>} : memref<8x272xf32, #tpu.memory_space<vmem>>, vector<1x16xf32>,
      %swap3A_168 = vector.shape_cast %swap3A_167 : vector<1x16xf32> to vector<16xf32>
      %swap3A_169 = vector.shape_cast %broadcast_in_dim3A_75 : vector<16xf32> to vector<1x16xf32>
      tpu.vector_store %arg7[%swap3A_165, %swap3A_166], %swap3A_169 {strides = array<i32>} : memref<8x272xf32, #tpu.memory_space<vmem>>, vector<1x16xf32>,
      %scan3A_170 = arith.constant 0 : i32
      %scan3A_171 = arith.constant 0 : i32
      %scan3A_172 = arith.constant 8 : i32
      %scan3A_173 = arith.addi %scan3A_171, %scan3A_172 : i32
      %scan3A_174 = arith.constant 1 : i32
      scf.for %scan3A_176 = %scan3A_171 to %scan3A_173 step %scan3A_174  : i32 {
        %mul3A_177 = arith.constant 32 : i32
        %mul3A_178 = arith.muli %scan3A_176, %mul3A_177 : i32
        %add3A_179 = arith.constant 0 : i32
        %add3A_180 = arith.addi %mul3A_178, %add3A_179 : i32
        %get3A = arith.index_cast %add3A_180 : i32 to index
        %get3A_181 = arith.index_cast %multiple_of3A : i32 to index
        %get3A_182 = tpu.vector_load %arg5[%get3A, %get3A_181] {strides = array<i32>} : memref<256x128xf32, #tpu.memory_space<vmem>>, vector<1x16xf32>,
        %get3A_183 = vector.shape_cast %get3A_182 : vector<1x16xf32> to vector<16xf32>
        %add3A_184 = arith.constant 0 : i32
        %add3A_185 = arith.addi %mul3A_178, %add3A_184 : i32
        %get3A_186 = arith.index_cast %add3A_185 : i32 to index
        %get3A_187 = arith.index_cast %multiple_of3A : i32 to index
        %get3A_188 = tpu.vector_load %arg6[%get3A_186, %get3A_187] {strides = array<i32>} : memref<256x128xi32, #tpu.memory_space<vmem>>, vector<1x16xi32>,
        %get3A_189 = vector.shape_cast %get3A_188 : vector<1x16xi32> to vector<16xi32>
        %eq3A_190 = arith.constant 0 : i32
        %eq3A_191 = vector.broadcast %eq3A_190 : i32 to vector<16xi32>
        %eq3A_192 = arith.cmpi eq, %get3A_189, %eq3A_191 : vector<16xi32>
        %jit3A_193 = arith.constant 0.000000e+00 : f32
        %broadcast_in_dim3A_194 = vector.broadcast %jit3A_193 : f32 to vector<16xf32>
        %select_n3A_195 = arith.select %eq3A_192, %get3A_183, %broadcast_in_dim3A_194 : vector<16xi1>, vector<16xf32>
        %add3A_196 = arith.addf %broadcast_in_dim3A_75, %select_n3A_195 : vector<16xf32>
        %eq3A_197 = arith.constant 1 : i32
        %eq3A_198 = vector.broadcast %eq3A_197 : i32 to vector<16xi32>
        %eq3A_199 = arith.cmpi eq, %get3A_189, %eq3A_198 : vector<16xi32>
        %jit3A_200 = arith.constant 0.000000e+00 : f32
        %broadcast_in_dim3A_201 = vector.broadcast %jit3A_200 : f32 to vector<16xf32>
        %select_n3A_202 = arith.select %eq3A_199, %get3A_183, %broadcast_in_dim3A_201 : vector<16xi1>, vector<16xf32>
        %add3A_203 = arith.addf %broadcast_in_dim3A_75, %select_n3A_202 : vector<16xf32>
        %eq3A_204 = arith.constant 2 : i32
        %eq3A_205 = vector.broadcast %eq3A_204 : i32 to vector<16xi32>
        %eq3A_206 = arith.cmpi eq, %get3A_189, %eq3A_205 : vector<16xi32>
        %jit3A_207 = arith.constant 0.000000e+00 : f32
        %broadcast_in_dim3A_208 = vector.broadcast %jit3A_207 : f32 to vector<16xf32>
        %select_n3A_209 = arith.select %eq3A_206, %get3A_183, %broadcast_in_dim3A_208 : vector<16xi1>, vector<16xf32>
        %add3A_210 = arith.addf %broadcast_in_dim3A_75, %select_n3A_209 : vector<16xf32>
        %eq3A_211 = arith.constant 3 : i32
        %eq3A_212 = vector.broadcast %eq3A_211 : i32 to vector<16xi32>
        %eq3A_213 = arith.cmpi eq, %get3A_189, %eq3A_212 : vector<16xi32>
        %jit3A_214 = arith.constant 0.000000e+00 : f32
        %broadcast_in_dim3A_215 = vector.broadcast %jit3A_214 : f32 to vector<16xf32>
        %select_n3A_216 = arith.select %eq3A_213, %get3A_183, %broadcast_in_dim3A_215 : vector<16xi1>, vector<16xf32>
        %add3A_217 = arith.addf %broadcast_in_dim3A_75, %select_n3A_216 : vector<16xf32>
        %eq3A_218 = arith.constant 4 : i32
        %eq3A_219 = vector.broadcast %eq3A_218 : i32 to vector<16xi32>
        %eq3A_220 = arith.cmpi eq, %get3A_189, %eq3A_219 : vector<16xi32>
        %jit3A_221 = arith.constant 0.000000e+00 : f32
        %broadcast_in_dim3A_222 = vector.broadcast %jit3A_221 : f32 to vector<16xf32>
        %select_n3A_223 = arith.select %eq3A_220, %get3A_183, %broadcast_in_dim3A_222 : vector<16xi1>, vector<16xf32>
        %add3A_224 = arith.addf %broadcast_in_dim3A_75, %select_n3A_223 : vector<16xf32>
        %eq3A_225 = arith.constant 5 : i32
        %eq3A_226 = vector.broadcast %eq3A_225 : i32 to vector<16xi32>
        %eq3A_227 = arith.cmpi eq, %get3A_189, %eq3A_226 : vector<16xi32>
        %jit3A_228 = arith.constant 0.000000e+00 : f32
        %broadcast_in_dim3A_229 = vector.broadcast %jit3A_228 : f32 to vector<16xf32>
        %select_n3A_230 = arith.select %eq3A_227, %get3A_183, %broadcast_in_dim3A_229 : vector<16xi1>, vector<16xf32>
        %add3A_231 = arith.addf %broadcast_in_dim3A_75, %select_n3A_230 : vector<16xf32>
        %eq3A_232 = arith.constant 6 : i32
        %eq3A_233 = vector.broadcast %eq3A_232 : i32 to vector<16xi32>
        %eq3A_234 = arith.cmpi eq, %get3A_189, %eq3A_233 : vector<16xi32>
        %jit3A_235 = arith.constant 0.000000e+00 : f32
        %broadcast_in_dim3A_236 = vector.broadcast %jit3A_235 : f32 to vector<16xf32>
        %select_n3A_237 = arith.select %eq3A_234, %get3A_183, %broadcast_in_dim3A_236 : vector<16xi1>, vector<16xf32>
        %add3A_238 = arith.addf %broadcast_in_dim3A_75, %select_n3A_237 : vector<16xf32>
        %eq3A_239 = arith.constant 7 : i32
        %eq3A_240 = vector.broadcast %eq3A_239 : i32 to vector<16xi32>
        %eq3A_241 = arith.cmpi eq, %get3A_189, %eq3A_240 : vector<16xi32>
        %jit3A_242 = arith.constant 0.000000e+00 : f32
        %broadcast_in_dim3A_243 = vector.broadcast %jit3A_242 : f32 to vector<16xf32>
        %select_n3A_244 = arith.select %eq3A_241, %get3A_183, %broadcast_in_dim3A_243 : vector<16xi1>, vector<16xf32>
        %add3A_245 = arith.addf %broadcast_in_dim3A_75, %select_n3A_244 : vector<16xf32>
        %eq3A_246 = arith.constant 8 : i32
        %eq3A_247 = vector.broadcast %eq3A_246 : i32 to vector<16xi32>
        %eq3A_248 = arith.cmpi eq, %get3A_189, %eq3A_247 : vector<16xi32>
        %jit3A_249 = arith.constant 0.000000e+00 : f32
        %broadcast_in_dim3A_250 = vector.broadcast %jit3A_249 : f32 to vector<16xf32>
        %select_n3A_251 = arith.select %eq3A_248, %get3A_183, %broadcast_in_dim3A_250 : vector<16xi1>, vector<16xf32>
        %add3A_252 = arith.addf %broadcast_in_dim3A_75, %select_n3A_251 : vector<16xf32>
        %eq3A_253 = arith.constant 9 : i32
        %eq3A_254 = vector.broadcast %eq3A_253 : i32 to vector<16xi32>
        %eq3A_255 = arith.cmpi eq, %get3A_189, %eq3A_254 : vector<16xi32>
        %jit3A_256 = arith.constant 0.000000e+00 : f32
        %broadcast_in_dim3A_257 = vector.broadcast %jit3A_256 : f32 to vector<16xf32>
        %select_n3A_258 = arith.select %eq3A_255, %get3A_183, %broadcast_in_dim3A_257 : vector<16xi1>, vector<16xf32>
        %add3A_259 = arith.addf %broadcast_in_dim3A_75, %select_n3A_258 : vector<16xf32>
        %eq3A_260 = arith.constant 10 : i32
        %eq3A_261 = vector.broadcast %eq3A_260 : i32 to vector<16xi32>
        %eq3A_262 = arith.cmpi eq, %get3A_189, %eq3A_261 : vector<16xi32>
        %jit3A_263 = arith.constant 0.000000e+00 : f32
        %broadcast_in_dim3A_264 = vector.broadcast %jit3A_263 : f32 to vector<16xf32>
        %select_n3A_265 = arith.select %eq3A_262, %get3A_183, %broadcast_in_dim3A_264 : vector<16xi1>, vector<16xf32>
        %add3A_266 = arith.addf %broadcast_in_dim3A_75, %select_n3A_265 : vector<16xf32>
        %eq3A_267 = arith.constant 11 : i32
        %eq3A_268 = vector.broadcast %eq3A_267 : i32 to vector<16xi32>
        %eq3A_269 = arith.cmpi eq, %get3A_189, %eq3A_268 : vector<16xi32>
        %jit3A_270 = arith.constant 0.000000e+00 : f32
        %broadcast_in_dim3A_271 = vector.broadcast %jit3A_270 : f32 to vector<16xf32>
        %select_n3A_272 = arith.select %eq3A_269, %get3A_183, %broadcast_in_dim3A_271 : vector<16xi1>, vector<16xf32>
        %add3A_273 = arith.addf %broadcast_in_dim3A_75, %select_n3A_272 : vector<16xf32>
        %eq3A_274 = arith.constant 12 : i32
        %eq3A_275 = vector.broadcast %eq3A_274 : i32 to vector<16xi32>
        %eq3A_276 = arith.cmpi eq, %get3A_189, %eq3A_275 : vector<16xi32>
        %jit3A_277 = arith.constant 0.000000e+00 : f32
        %broadcast_in_dim3A_278 = vector.broadcast %jit3A_277 : f32 to vector<16xf32>
        %select_n3A_279 = arith.select %eq3A_276, %get3A_183, %broadcast_in_dim3A_278 : vector<16xi1>, vector<16xf32>
        %add3A_280 = arith.addf %broadcast_in_dim3A_75, %select_n3A_279 : vector<16xf32>
        %eq3A_281 = arith.constant 13 : i32
        %eq3A_282 = vector.broadcast %eq3A_281 : i32 to vector<16xi32>
        %eq3A_283 = arith.cmpi eq, %get3A_189, %eq3A_282 : vector<16xi32>
        %jit3A_284 = arith.constant 0.000000e+00 : f32
        %broadcast_in_dim3A_285 = vector.broadcast %jit3A_284 : f32 to vector<16xf32>
        %select_n3A_286 = arith.select %eq3A_283, %get3A_183, %broadcast_in_dim3A_285 : vector<16xi1>, vector<16xf32>
        %add3A_287 = arith.addf %broadcast_in_dim3A_75, %select_n3A_286 : vector<16xf32>
        %eq3A_288 = arith.constant 14 : i32
        %eq3A_289 = vector.broadcast %eq3A_288 : i32 to vector<16xi32>
        %eq3A_290 = arith.cmpi eq, %get3A_189, %eq3A_289 : vector<16xi32>
        %jit3A_291 = arith.constant 0.000000e+00 : f32
        %broadcast_in_dim3A_292 = vector.broadcast %jit3A_291 : f32 to vector<16xf32>
        %select_n3A_293 = arith.select %eq3A_290, %get3A_183, %broadcast_in_dim3A_292 : vector<16xi1>, vector<16xf32>
        %add3A_294 = arith.addf %broadcast_in_dim3A_75, %select_n3A_293 : vector<16xf32>
        %eq3A_295 = arith.constant 15 : i32
        %eq3A_296 = vector.broadcast %eq3A_295 : i32 to vector<16xi32>
        %eq3A_297 = arith.cmpi eq, %get3A_189, %eq3A_296 : vector<16xi32>
        %jit3A_298 = arith.constant 0.000000e+00 : f32
        %broadcast_in_dim3A_299 = vector.broadcast %jit3A_298 : f32 to vector<16xf32>
        %select_n3A_300 = arith.select %eq3A_297, %get3A_183, %broadcast_in_dim3A_299 : vector<16xi1>, vector<16xf32>
        %add3A_301 = arith.addf %broadcast_in_dim3A_75, %select_n3A_300 : vector<16xf32>
        %eq3A_302 = arith.constant 16 : i32
        %eq3A_303 = vector.broadcast %eq3A_302 : i32 to vector<16xi32>
        %eq3A_304 = arith.cmpi eq, %get3A_189, %eq3A_303 : vector<16xi32>
        %jit3A_305 = arith.constant 0.000000e+00 : f32
        %broadcast_in_dim3A_306 = vector.broadcast %jit3A_305 : f32 to vector<16xf32>
        %select_n3A_307 = arith.select %eq3A_304, %get3A_183, %broadcast_in_dim3A_306 : vector<16xi1>, vector<16xf32>
        %add3A_308 = arith.addf %broadcast_in_dim3A_75, %select_n3A_307 : vector<16xf32>
        %add3A_309 = arith.constant 1 : i32
        %add3A_310 = arith.addi %mul3A_178, %add3A_309 : i32
        %get3A_311 = arith.index_cast %add3A_310 : i32 to index
        %get3A_312 = arith.index_cast %multiple_of3A : i32 to index
        %get3A_313 = tpu.vector_load %arg5[%get3A_311, %get3A_312] {strides = array<i32>} : memref<256x128xf32, #tpu.memory_space<vmem>>, vector<1x16xf32>,
        %get3A_314 = vector.shape_cast %get3A_313 : vector<1x16xf32> to vector<16xf32>
        %add3A_315 = arith.constant 1 : i32
        %add3A_316 = arith.addi %mul3A_178, %add3A_315 : i32
        %get3A_317 = arith.index_cast %add3A_316 : i32 to index
        %get3A_318 = arith.index_cast %multiple_of3A : i32 to index
        %get3A_319 = tpu.vector_load %arg6[%get3A_317, %get3A_318] {strides = array<i32>} : memref<256x128xi32, #tpu.memory_space<vmem>>, vector<1x16xi32>,
        %get3A_320 = vector.shape_cast %get3A_319 : vector<1x16xi32> to vector<16xi32>
        %eq3A_321 = arith.constant 0 : i32
        %eq3A_322 = vector.broadcast %eq3A_321 : i32 to vector<16xi32>
        %eq3A_323 = arith.cmpi eq, %get3A_320, %eq3A_322 : vector<16xi32>
        %jit3A_324 = arith.constant 0.000000e+00 : f32
        %broadcast_in_dim3A_325 = vector.broadcast %jit3A_324 : f32 to vector<16xf32>
        %select_n3A_326 = arith.select %eq3A_323, %get3A_314, %broadcast_in_dim3A_325 : vector<16xi1>, vector<16xf32>
        %add3A_327 = arith.addf %add3A_196, %select_n3A_326 : vector<16xf32>
        %eq3A_328 = arith.constant 1 : i32
        %eq3A_329 = vector.broadcast %eq3A_328 : i32 to vector<16xi32>
        %eq3A_330 = arith.cmpi eq, %get3A_320, %eq3A_329 : vector<16xi32>
        %jit3A_331 = arith.constant 0.000000e+00 : f32
        %broadcast_in_dim3A_332 = vector.broadcast %jit3A_331 : f32 to vector<16xf32>
        %select_n3A_333 = arith.select %eq3A_330, %get3A_314, %broadcast_in_dim3A_332 : vector<16xi1>, vector<16xf32>
        %add3A_334 = arith.addf %add3A_203, %select_n3A_333 : vector<16xf32>
        %eq3A_335 = arith.constant 2 : i32
        %eq3A_336 = vector.broadcast %eq3A_335 : i32 to vector<16xi32>
        %eq3A_337 = arith.cmpi eq, %get3A_320, %eq3A_336 : vector<16xi32>
        %jit3A_338 = arith.constant 0.000000e+00 : f32
        %broadcast_in_dim3A_339 = vector.broadcast %jit3A_338 : f32 to vector<16xf32>
        %select_n3A_340 = arith.select %eq3A_337, %get3A_314, %broadcast_in_dim3A_339 : vector<16xi1>, vector<16xf32>
        %add3A_341 = arith.addf %add3A_210, %select_n3A_340 : vector<16xf32>
        %eq3A_342 = arith.constant 3 : i32
        %eq3A_343 = vector.broadcast %eq3A_342 : i32 to vector<16xi32>
        %eq3A_344 = arith.cmpi eq, %get3A_320, %eq3A_343 : vector<16xi32>
        %jit3A_345 = arith.constant 0.000000e+00 : f32
        %broadcast_in_dim3A_346 = vector.broadcast %jit3A_345 : f32 to vector<16xf32>
        %select_n3A_347 = arith.select %eq3A_344, %get3A_314, %broadcast_in_dim3A_346 : vector<16xi1>, vector<16xf32>
        %add3A_348 = arith.addf %add3A_217, %select_n3A_347 : vector<16xf32>
        %eq3A_349 = arith.constant 4 : i32
        %eq3A_350 = vector.broadcast %eq3A_349 : i32 to vector<16xi32>
        %eq3A_351 = arith.cmpi eq, %get3A_320, %eq3A_350 : vector<16xi32>
        %jit3A_352 = arith.constant 0.000000e+00 : f32
        %broadcast_in_dim3A_353 = vector.broadcast %jit3A_352 : f32 to vector<16xf32>
        %select_n3A_354 = arith.select %eq3A_351, %get3A_314, %broadcast_in_dim3A_353 : vector<16xi1>, vector<16xf32>
        %add3A_355 = arith.addf %add3A_224, %select_n3A_354 : vector<16xf32>
        %eq3A_356 = arith.constant 5 : i32
        %eq3A_357 = vector.broadcast %eq3A_356 : i32 to vector<16xi32>
        %eq3A_358 = arith.cmpi eq, %get3A_320, %eq3A_357 : vector<16xi32>
        %jit3A_359 = arith.constant 0.000000e+00 : f32
        %broadcast_in_dim3A_360 = vector.broadcast %jit3A_359 : f32 to vector<16xf32>
        %select_n3A_361 = arith.select %eq3A_358, %get3A_314, %broadcast_in_dim3A_360 : vector<16xi1>, vector<16xf32>
        %add3A_362 = arith.addf %add3A_231, %select_n3A_361 : vector<16xf32>
        %eq3A_363 = arith.constant 6 : i32
        %eq3A_364 = vector.broadcast %eq3A_363 : i32 to vector<16xi32>
        %eq3A_365 = arith.cmpi eq, %get3A_320, %eq3A_364 : vector<16xi32>
        %jit3A_366 = arith.constant 0.000000e+00 : f32
        %broadcast_in_dim3A_367 = vector.broadcast %jit3A_366 : f32 to vector<16xf32>
        %select_n3A_368 = arith.select %eq3A_365, %get3A_314, %broadcast_in_dim3A_367 : vector<16xi1>, vector<16xf32>
        %add3A_369 = arith.addf %add3A_238, %select_n3A_368 : vector<16xf32>
        %eq3A_370 = arith.constant 7 : i32
        %eq3A_371 = vector.broadcast %eq3A_370 : i32 to vector<16xi32>
        %eq3A_372 = arith.cmpi eq, %get3A_320, %eq3A_371 : vector<16xi32>
        %jit3A_373 = arith.constant 0.000000e+00 : f32
        %broadcast_in_dim3A_374 = vector.broadcast %jit3A_373 : f32 to vector<16xf32>
        %select_n3A_375 = arith.select %eq3A_372, %get3A_314, %broadcast_in_dim3A_374 : vector<16xi1>, vector<16xf32>
        %add3A_376 = arith.addf %add3A_245, %select_n3A_375 : vector<16xf32>
        %eq3A_377 = arith.constant 8 : i32
        %eq3A_378 = vector.broadcast %eq3A_377 : i32 to vector<16xi32>
        %eq3A_379 = arith.cmpi eq, %get3A_320, %eq3A_378 : vector<16xi32>
        %jit3A_380 = arith.constant 0.000000e+00 : f32
        %broadcast_in_dim3A_381 = vector.broadcast %jit3A_380 : f32 to vector<16xf32>
        %select_n3A_382 = arith.select %eq3A_379, %get3A_314, %broadcast_in_dim3A_381 : vector<16xi1>, vector<16xf32>
        %add3A_383 = arith.addf %add3A_252, %select_n3A_382 : vector<16xf32>
        %eq3A_384 = arith.constant 9 : i32
        %eq3A_385 = vector.broadcast %eq3A_384 : i32 to vector<16xi32>
        %eq3A_386 = arith.cmpi eq, %get3A_320, %eq3A_385 : vector<16xi32>
        %jit3A_387 = arith.constant 0.000000e+00 : f32
        %broadcast_in_dim3A_388 = vector.broadcast %jit3A_387 : f32 to vector<16xf32>
        %select_n3A_389 = arith.select %eq3A_386, %get3A_314, %broadcast_in_dim3A_388 : vector<16xi1>, vector<16xf32>
        %add3A_390 = arith.addf %add3A_259, %select_n3A_389 : vector<16xf32>
        %eq3A_391 = arith.constant 10 : i32
        %eq3A_392 = vector.broadcast %eq3A_391 : i32 to vector<16xi32>
        %eq3A_393 = arith.cmpi eq, %get3A_320, %eq3A_392 : vector<16xi32>
        %jit3A_394 = arith.constant 0.000000e+00 : f32
        %broadcast_in_dim3A_395 = vector.broadcast %jit3A_394 : f32 to vector<16xf32>
        %select_n3A_396 = arith.select %eq3A_393, %get3A_314, %broadcast_in_dim3A_395 : vector<16xi1>, vector<16xf32>
        %add3A_397 = arith.addf %add3A_266, %select_n3A_396 : vector<16xf32>
        %eq3A_398 = arith.constant 11 : i32
        %eq3A_399 = vector.broadcast %eq3A_398 : i32 to vector<16xi32>
        %eq3A_400 = arith.cmpi eq, %get3A_320, %eq3A_399 : vector<16xi32>
        %jit3A_401 = arith.constant 0.000000e+00 : f32
        %broadcast_in_dim3A_402 = vector.broadcast %jit3A_401 : f32 to vector<16xf32>
        %select_n3A_403 = arith.select %eq3A_400, %get3A_314, %broadcast_in_dim3A_402 : vector<16xi1>, vector<16xf32>
        %add3A_404 = arith.addf %add3A_273, %select_n3A_403 : vector<16xf32>
        %eq3A_405 = arith.constant 12 : i32
        %eq3A_406 = vector.broadcast %eq3A_405 : i32 to vector<16xi32>
        %eq3A_407 = arith.cmpi eq, %get3A_320, %eq3A_406 : vector<16xi32>
        %jit3A_408 = arith.constant 0.000000e+00 : f32
        %broadcast_in_dim3A_409 = vector.broadcast %jit3A_408 : f32 to vector<16xf32>
        %select_n3A_410 = arith.select %eq3A_407, %get3A_314, %broadcast_in_dim3A_409 : vector<16xi1>, vector<16xf32>
        %add3A_411 = arith.addf %add3A_280, %select_n3A_410 : vector<16xf32>
        %eq3A_412 = arith.constant 13 : i32
        %eq3A_413 = vector.broadcast %eq3A_412 : i32 to vector<16xi32>
        %eq3A_414 = arith.cmpi eq, %get3A_320, %eq3A_413 : vector<16xi32>
        %jit3A_415 = arith.constant 0.000000e+00 : f32
        %broadcast_in_dim3A_416 = vector.broadcast %jit3A_415 : f32 to vector<16xf32>
        %select_n3A_417 = arith.select %eq3A_414, %get3A_314, %broadcast_in_dim3A_416 : vector<16xi1>, vector<16xf32>
        %add3A_418 = arith.addf %add3A_287, %select_n3A_417 : vector<16xf32>
        %eq3A_419 = arith.constant 14 : i32
        %eq3A_420 = vector.broadcast %eq3A_419 : i32 to vector<16xi32>
        %eq3A_421 = arith.cmpi eq, %get3A_320, %eq3A_420 : vector<16xi32>
        %jit3A_422 = arith.constant 0.000000e+00 : f32
        %broadcast_in_dim3A_423 = vector.broadcast %jit3A_422 : f32 to vector<16xf32>
        %select_n3A_424 = arith.select %eq3A_421, %get3A_314, %broadcast_in_dim3A_423 : vector<16xi1>, vector<16xf32>
        %add3A_425 = arith.addf %add3A_294, %select_n3A_424 : vector<16xf32>
        %eq3A_426 = arith.constant 15 : i32
        %eq3A_427 = vector.broadcast %eq3A_426 : i32 to vector<16xi32>
        %eq3A_428 = arith.cmpi eq, %get3A_320, %eq3A_427 : vector<16xi32>
        %jit3A_429 = arith.constant 0.000000e+00 : f32
        %broadcast_in_dim3A_430 = vector.broadcast %jit3A_429 : f32 to vector<16xf32>
        %select_n3A_431 = arith.select %eq3A_428, %get3A_314, %broadcast_in_dim3A_430 : vector<16xi1>, vector<16xf32>
        %add3A_432 = arith.addf %add3A_301, %select_n3A_431 : vector<16xf32>
        %eq3A_433 = arith.constant 16 : i32
        %eq3A_434 = vector.broadcast %eq3A_433 : i32 to vector<16xi32>
        %eq3A_435 = arith.cmpi eq, %get3A_320, %eq3A_434 : vector<16xi32>
        %jit3A_436 = arith.constant 0.000000e+00 : f32
        %broadcast_in_dim3A_437 = vector.broadcast %jit3A_436 : f32 to vector<16xf32>
        %select_n3A_438 = arith.select %eq3A_435, %get3A_314, %broadcast_in_dim3A_437 : vector<16xi1>, vector<16xf32>
        %add3A_439 = arith.addf %add3A_308, %select_n3A_438 : vector<16xf32>
        %add3A_440 = arith.constant 2 : i32
        %add3A_441 = arith.addi %mul3A_178, %add3A_440 : i32
        %get3A_442 = arith.index_cast %add3A_441 : i32 to index
        %get3A_443 = arith.index_cast %multiple_of3A : i32 to index
        %get3A_444 = tpu.vector_load %arg5[%get3A_442, %get3A_443] {strides = array<i32>} : memref<256x128xf32, #tpu.memory_space<vmem>>, vector<1x16xf32>,
        %get3A_445 = vector.shape_cast %get3A_444 : vector<1x16xf32> to vector<16xf32>
        %add3A_446 = arith.constant 2 : i32
        %add3A_447 = arith.addi %mul3A_178, %add3A_446 : i32
        %get3A_448 = arith.index_cast %add3A_447 : i32 to index
        %get3A_449 = arith.index_cast %multiple_of3A : i32 to index
        %get3A_450 = tpu.vector_load %arg6[%get3A_448, %get3A_449] {strides = array<i32>} : memref<256x128xi32, #tpu.memory_space<vmem>>, vector<1x16xi32>,
        %get3A_451 = vector.shape_cast %get3A_450 : vector<1x16xi32> to vector<16xi32>
        %eq3A_452 = arith.constant 0 : i32
        %eq3A_453 = vector.broadcast %eq3A_452 : i32 to vector<16xi32>
        %eq3A_454 = arith.cmpi eq, %get3A_451, %eq3A_453 : vector<16xi32>
        %jit3A_455 = arith.constant 0.000000e+00 : f32
        %broadcast_in_dim3A_456 = vector.broadcast %jit3A_455 : f32 to vector<16xf32>
        %select_n3A_457 = arith.select %eq3A_454, %get3A_445, %broadcast_in_dim3A_456 : vector<16xi1>, vector<16xf32>
        %add3A_458 = arith.addf %add3A_327, %select_n3A_457 : vector<16xf32>
        %eq3A_459 = arith.constant 1 : i32
        %eq3A_460 = vector.broadcast %eq3A_459 : i32 to vector<16xi32>
        %eq3A_461 = arith.cmpi eq, %get3A_451, %eq3A_460 : vector<16xi32>
        %jit3A_462 = arith.constant 0.000000e+00 : f32
        %broadcast_in_dim3A_463 = vector.broadcast %jit3A_462 : f32 to vector<16xf32>
        %select_n3A_464 = arith.select %eq3A_461, %get3A_445, %broadcast_in_dim3A_463 : vector<16xi1>, vector<16xf32>
        %add3A_465 = arith.addf %add3A_334, %select_n3A_464 : vector<16xf32>
        %eq3A_466 = arith.constant 2 : i32
        %eq3A_467 = vector.broadcast %eq3A_466 : i32 to vector<16xi32>
        %eq3A_468 = arith.cmpi eq, %get3A_451, %eq3A_467 : vector<16xi32>
        %jit3A_469 = arith.constant 0.000000e+00 : f32
        %broadcast_in_dim3A_470 = vector.broadcast %jit3A_469 : f32 to vector<16xf32>
        %select_n3A_471 = arith.select %eq3A_468, %get3A_445, %broadcast_in_dim3A_470 : vector<16xi1>, vector<16xf32>
        %add3A_472 = arith.addf %add3A_341, %select_n3A_471 : vector<16xf32>
        %eq3A_473 = arith.constant 3 : i32
        %eq3A_474 = vector.broadcast %eq3A_473 : i32 to vector<16xi32>
        %eq3A_475 = arith.cmpi eq, %get3A_451, %eq3A_474 : vector<16xi32>
        %jit3A_476 = arith.constant 0.000000e+00 : f32
        %broadcast_in_dim3A_477 = vector.broadcast %jit3A_476 : f32 to vector<16xf32>
        %select_n3A_478 = arith.select %eq3A_475, %get3A_445, %broadcast_in_dim3A_477 : vector<16xi1>, vector<16xf32>
        %add3A_479 = arith.addf %add3A_348, %select_n3A_478 : vector<16xf32>
        %eq3A_480 = arith.constant 4 : i32
        %eq3A_481 = vector.broadcast %eq3A_480 : i32 to vector<16xi32>
        %eq3A_482 = arith.cmpi eq, %get3A_451, %eq3A_481 : vector<16xi32>
        %jit3A_483 = arith.constant 0.000000e+00 : f32
        %broadcast_in_dim3A_484 = vector.broadcast %jit3A_483 : f32 to vector<16xf32>
        %select_n3A_485 = arith.select %eq3A_482, %get3A_445, %broadcast_in_dim3A_484 : vector<16xi1>, vector<16xf32>
        %add3A_486 = arith.addf %add3A_355, %select_n3A_485 : vector<16xf32>
        %eq3A_487 = arith.constant 5 : i32
        %eq3A_488 = vector.broadcast %eq3A_487 : i32 to vector<16xi32>
        %eq3A_489 = arith.cmpi eq, %get3A_451, %eq3A_488 : vector<16xi32>
        %jit3A_490 = arith.constant 0.000000e+00 : f32
        %broadcast_in_dim3A_491 = vector.broadcast %jit3A_490 : f32 to vector<16xf32>
        %select_n3A_492 = arith.select %eq3A_489, %get3A_445, %broadcast_in_dim3A_491 : vector<16xi1>, vector<16xf32>
        %add3A_493 = arith.addf %add3A_362, %select_n3A_492 : vector<16xf32>
        %eq3A_494 = arith.constant 6 : i32
        %eq3A_495 = vector.broadcast %eq3A_494 : i32 to vector<16xi32>
        %eq3A_496 = arith.cmpi eq, %get3A_451, %eq3A_495 : vector<16xi32>
        %jit3A_497 = arith.constant 0.000000e+00 : f32
        %broadcast_in_dim3A_498 = vector.broadcast %jit3A_497 : f32 to vector<16xf32>
        %select_n3A_499 = arith.select %eq3A_496, %get3A_445, %broadcast_in_dim3A_498 : vector<16xi1>, vector<16xf32>
        %add3A_500 = arith.addf %add3A_369, %select_n3A_499 : vector<16xf32>
        %eq3A_501 = arith.constant 7 : i32
        %eq3A_502 = vector.broadcast %eq3A_501 : i32 to vector<16xi32>
        %eq3A_503 = arith.cmpi eq, %get3A_451, %eq3A_502 : vector<16xi32>
        %jit3A_504 = arith.constant 0.000000e+00 : f32
        %broadcast_in_dim3A_505 = vector.broadcast %jit3A_504 : f32 to vector<16xf32>
        %select_n3A_506 = arith.select %eq3A_503, %get3A_445, %broadcast_in_dim3A_505 : vector<16xi1>, vector<16xf32>
        %add3A_507 = arith.addf %add3A_376, %select_n3A_506 : vector<16xf32>
        %eq3A_508 = arith.constant 8 : i32
        %eq3A_509 = vector.broadcast %eq3A_508 : i32 to vector<16xi32>
        %eq3A_510 = arith.cmpi eq, %get3A_451, %eq3A_509 : vector<16xi32>
        %jit3A_511 = arith.constant 0.000000e+00 : f32
        %broadcast_in_dim3A_512 = vector.broadcast %jit3A_511 : f32 to vector<16xf32>
        %select_n3A_513 = arith.select %eq3A_510, %get3A_445, %broadcast_in_dim3A_512 : vector<16xi1>, vector<16xf32>
        %add3A_514 = arith.addf %add3A_383, %select_n3A_513 : vector<16xf32>
        %eq3A_515 = arith.constant 9 : i32
        %eq3A_516 = vector.broadcast %eq3A_515 : i32 to vector<16xi32>
        %eq3A_517 = arith.cmpi eq, %get3A_451, %eq3A_516 : vector<16xi32>
        %jit3A_518 = arith.constant 0.000000e+00 : f32
        %broadcast_in_dim3A_519 = vector.broadcast %jit3A_518 : f32 to vector<16xf32>
        %select_n3A_520 = arith.select %eq3A_517, %get3A_445, %broadcast_in_dim3A_519 : vector<16xi1>, vector<16xf32>
        %add3A_521 = arith.addf %add3A_390, %select_n3A_520 : vector<16xf32>
        %eq3A_522 = arith.constant 10 : i32
        %eq3A_523 = vector.broadcast %eq3A_522 : i32 to vector<16xi32>
        %eq3A_524 = arith.cmpi eq, %get3A_451, %eq3A_523 : vector<16xi32>
        %jit3A_525 = arith.constant 0.000000e+00 : f32
        %broadcast_in_dim3A_526 = vector.broadcast %jit3A_525 : f32 to vector<16xf32>
        %select_n3A_527 = arith.select %eq3A_524, %get3A_445, %broadcast_in_dim3A_526 : vector<16xi1>, vector<16xf32>
        %add3A_528 = arith.addf %add3A_397, %select_n3A_527 : vector<16xf32>
        %eq3A_529 = arith.constant 11 : i32
        %eq3A_530 = vector.broadcast %eq3A_529 : i32 to vector<16xi32>
        %eq3A_531 = arith.cmpi eq, %get3A_451, %eq3A_530 : vector<16xi32>
        %jit3A_532 = arith.constant 0.000000e+00 : f32
        %broadcast_in_dim3A_533 = vector.broadcast %jit3A_532 : f32 to vector<16xf32>
        %select_n3A_534 = arith.select %eq3A_531, %get3A_445, %broadcast_in_dim3A_533 : vector<16xi1>, vector<16xf32>
        %add3A_535 = arith.addf %add3A_404, %select_n3A_534 : vector<16xf32>
        %eq3A_536 = arith.constant 12 : i32
        %eq3A_537 = vector.broadcast %eq3A_536 : i32 to vector<16xi32>
        %eq3A_538 = arith.cmpi eq, %get3A_451, %eq3A_537 : vector<16xi32>
        %jit3A_539 = arith.constant 0.000000e+00 : f32
        %broadcast_in_dim3A_540 = vector.broadcast %jit3A_539 : f32 to vector<16xf32>
        %select_n3A_541 = arith.select %eq3A_538, %get3A_445, %broadcast_in_dim3A_540 : vector<16xi1>, vector<16xf32>
        %add3A_542 = arith.addf %add3A_411, %select_n3A_541 : vector<16xf32>
        %eq3A_543 = arith.constant 13 : i32
        %eq3A_544 = vector.broadcast %eq3A_543 : i32 to vector<16xi32>
        %eq3A_545 = arith.cmpi eq, %get3A_451, %eq3A_544 : vector<16xi32>
        %jit3A_546 = arith.constant 0.000000e+00 : f32
        %broadcast_in_dim3A_547 = vector.broadcast %jit3A_546 : f32 to vector<16xf32>
        %select_n3A_548 = arith.select %eq3A_545, %get3A_445, %broadcast_in_dim3A_547 : vector<16xi1>, vector<16xf32>
        %add3A_549 = arith.addf %add3A_418, %select_n3A_548 : vector<16xf32>
        %eq3A_550 = arith.constant 14 : i32
        %eq3A_551 = vector.broadcast %eq3A_550 : i32 to vector<16xi32>
        %eq3A_552 = arith.cmpi eq, %get3A_451, %eq3A_551 : vector<16xi32>
        %jit3A_553 = arith.constant 0.000000e+00 : f32
        %broadcast_in_dim3A_554 = vector.broadcast %jit3A_553 : f32 to vector<16xf32>
        %select_n3A_555 = arith.select %eq3A_552, %get3A_445, %broadcast_in_dim3A_554 : vector<16xi1>, vector<16xf32>
        %add3A_556 = arith.addf %add3A_425, %select_n3A_555 : vector<16xf32>
        %eq3A_557 = arith.constant 15 : i32
        %eq3A_558 = vector.broadcast %eq3A_557 : i32 to vector<16xi32>
        %eq3A_559 = arith.cmpi eq, %get3A_451, %eq3A_558 : vector<16xi32>
        %jit3A_560 = arith.constant 0.000000e+00 : f32
        %broadcast_in_dim3A_561 = vector.broadcast %jit3A_560 : f32 to vector<16xf32>
        %select_n3A_562 = arith.select %eq3A_559, %get3A_445, %broadcast_in_dim3A_561 : vector<16xi1>, vector<16xf32>
        %add3A_563 = arith.addf %add3A_432, %select_n3A_562 : vector<16xf32>
        %eq3A_564 = arith.constant 16 : i32
        %eq3A_565 = vector.broadcast %eq3A_564 : i32 to vector<16xi32>
        %eq3A_566 = arith.cmpi eq, %get3A_451, %eq3A_565 : vector<16xi32>
        %jit3A_567 = arith.constant 0.000000e+00 : f32
        %broadcast_in_dim3A_568 = vector.broadcast %jit3A_567 : f32 to vector<16xf32>
        %select_n3A_569 = arith.select %eq3A_566, %get3A_445, %broadcast_in_dim3A_568 : vector<16xi1>, vector<16xf32>
        %add3A_570 = arith.addf %add3A_439, %select_n3A_569 : vector<16xf32>
        %add3A_571 = arith.constant 3 : i32
        %add3A_572 = arith.addi %mul3A_178, %add3A_571 : i32
        %get3A_573 = arith.index_cast %add3A_572 : i32 to index
        %get3A_574 = arith.index_cast %multiple_of3A : i32 to index
        %get3A_575 = tpu.vector_load %arg5[%get3A_573, %get3A_574] {strides = array<i32>} : memref<256x128xf32, #tpu.memory_space<vmem>>, vector<1x16xf32>,
        %get3A_576 = vector.shape_cast %get3A_575 : vector<1x16xf32> to vector<16xf32>
        %add3A_577 = arith.constant 3 : i32
        %add3A_578 = arith.addi %mul3A_178, %add3A_577 : i32
        %get3A_579 = arith.index_cast %add3A_578 : i32 to index
        %get3A_580 = arith.index_cast %multiple_of3A : i32 to index
        %get3A_581 = tpu.vector_load %arg6[%get3A_579, %get3A_580] {strides = array<i32>} : memref<256x128xi32, #tpu.memory_space<vmem>>, vector<1x16xi32>,
        %get3A_582 = vector.shape_cast %get3A_581 : vector<1x16xi32> to vector<16xi32>
        %eq3A_583 = arith.constant 0 : i32
        %eq3A_584 = vector.broadcast %eq3A_583 : i32 to vector<16xi32>
        %eq3A_585 = arith.cmpi eq, %get3A_582, %eq3A_584 : vector<16xi32>
        %jit3A_586 = arith.constant 0.000000e+00 : f32
        %broadcast_in_dim3A_587 = vector.broadcast %jit3A_586 : f32 to vector<16xf32>
        %select_n3A_588 = arith.select %eq3A_585, %get3A_576, %broadcast_in_dim3A_587 : vector<16xi1>, vector<16xf32>
        %add3A_589 = arith.addf %add3A_458, %select_n3A_588 : vector<16xf32>
        %eq3A_590 = arith.constant 1 : i32
        %eq3A_591 = vector.broadcast %eq3A_590 : i32 to vector<16xi32>
        %eq3A_592 = arith.cmpi eq, %get3A_582, %eq3A_591 : vector<16xi32>
        %jit3A_593 = arith.constant 0.000000e+00 : f32
        %broadcast_in_dim3A_594 = vector.broadcast %jit3A_593 : f32 to vector<16xf32>
        %select_n3A_595 = arith.select %eq3A_592, %get3A_576, %broadcast_in_dim3A_594 : vector<16xi1>, vector<16xf32>
        %add3A_596 = arith.addf %add3A_465, %select_n3A_595 : vector<16xf32>
        %eq3A_597 = arith.constant 2 : i32
        %eq3A_598 = vector.broadcast %eq3A_597 : i32 to vector<16xi32>
        %eq3A_599 = arith.cmpi eq, %get3A_582, %eq3A_598 : vector<16xi32>
        %jit3A_600 = arith.constant 0.000000e+00 : f32
        %broadcast_in_dim3A_601 = vector.broadcast %jit3A_600 : f32 to vector<16xf32>
        %select_n3A_602 = arith.select %eq3A_599, %get3A_576, %broadcast_in_dim3A_601 : vector<16xi1>, vector<16xf32>
        %add3A_603 = arith.addf %add3A_472, %select_n3A_602 : vector<16xf32>
        %eq3A_604 = arith.constant 3 : i32
        %eq3A_605 = vector.broadcast %eq3A_604 : i32 to vector<16xi32>
        %eq3A_606 = arith.cmpi eq, %get3A_582, %eq3A_605 : vector<16xi32>
        %jit3A_607 = arith.constant 0.000000e+00 : f32
        %broadcast_in_dim3A_608 = vector.broadcast %jit3A_607 : f32 to vector<16xf32>
        %select_n3A_609 = arith.select %eq3A_606, %get3A_576, %broadcast_in_dim3A_608 : vector<16xi1>, vector<16xf32>
        %add3A_610 = arith.addf %add3A_479, %select_n3A_609 : vector<16xf32>
        %eq3A_611 = arith.constant 4 : i32
        %eq3A_612 = vector.broadcast %eq3A_611 : i32 to vector<16xi32>
        %eq3A_613 = arith.cmpi eq, %get3A_582, %eq3A_612 : vector<16xi32>
        %jit3A_614 = arith.constant 0.000000e+00 : f32
        %broadcast_in_dim3A_615 = vector.broadcast %jit3A_614 : f32 to vector<16xf32>
        %select_n3A_616 = arith.select %eq3A_613, %get3A_576, %broadcast_in_dim3A_615 : vector<16xi1>, vector<16xf32>
        %add3A_617 = arith.addf %add3A_486, %select_n3A_616 : vector<16xf32>
        %eq3A_618 = arith.constant 5 : i32
        %eq3A_619 = vector.broadcast %eq3A_618 : i32 to vector<16xi32>
        %eq3A_620 = arith.cmpi eq, %get3A_582, %eq3A_619 : vector<16xi32>
        %jit3A_621 = arith.constant 0.000000e+00 : f32
        %broadcast_in_dim3A_622 = vector.broadcast %jit3A_621 : f32 to vector<16xf32>
        %select_n3A_623 = arith.select %eq3A_620, %get3A_576, %broadcast_in_dim3A_622 : vector<16xi1>, vector<16xf32>
        %add3A_624 = arith.addf %add3A_493, %select_n3A_623 : vector<16xf32>
        %eq3A_625 = arith.constant 6 : i32
        %eq3A_626 = vector.broadcast %eq3A_625 : i32 to vector<16xi32>
        %eq3A_627 = arith.cmpi eq, %get3A_582, %eq3A_626 : vector<16xi32>
        %jit3A_628 = arith.constant 0.000000e+00 : f32
        %broadcast_in_dim3A_629 = vector.broadcast %jit3A_628 : f32 to vector<16xf32>
        %select_n3A_630 = arith.select %eq3A_627, %get3A_576, %broadcast_in_dim3A_629 : vector<16xi1>, vector<16xf32>
        %add3A_631 = arith.addf %add3A_500, %select_n3A_630 : vector<16xf32>
        %eq3A_632 = arith.constant 7 : i32
        %eq3A_633 = vector.broadcast %eq3A_632 : i32 to vector<16xi32>
        %eq3A_634 = arith.cmpi eq, %get3A_582, %eq3A_633 : vector<16xi32>
        %jit3A_635 = arith.constant 0.000000e+00 : f32
        %broadcast_in_dim3A_636 = vector.broadcast %jit3A_635 : f32 to vector<16xf32>
        %select_n3A_637 = arith.select %eq3A_634, %get3A_576, %broadcast_in_dim3A_636 : vector<16xi1>, vector<16xf32>
        %add3A_638 = arith.addf %add3A_507, %select_n3A_637 : vector<16xf32>
        %eq3A_639 = arith.constant 8 : i32
        %eq3A_640 = vector.broadcast %eq3A_639 : i32 to vector<16xi32>
        %eq3A_641 = arith.cmpi eq, %get3A_582, %eq3A_640 : vector<16xi32>
        %jit3A_642 = arith.constant 0.000000e+00 : f32
        %broadcast_in_dim3A_643 = vector.broadcast %jit3A_642 : f32 to vector<16xf32>
        %select_n3A_644 = arith.select %eq3A_641, %get3A_576, %broadcast_in_dim3A_643 : vector<16xi1>, vector<16xf32>
        %add3A_645 = arith.addf %add3A_514, %select_n3A_644 : vector<16xf32>
        %eq3A_646 = arith.constant 9 : i32
        %eq3A_647 = vector.broadcast %eq3A_646 : i32 to vector<16xi32>
        %eq3A_648 = arith.cmpi eq, %get3A_582, %eq3A_647 : vector<16xi32>
        %jit3A_649 = arith.constant 0.000000e+00 : f32
        %broadcast_in_dim3A_650 = vector.broadcast %jit3A_649 : f32 to vector<16xf32>
        %select_n3A_651 = arith.select %eq3A_648, %get3A_576, %broadcast_in_dim3A_650 : vector<16xi1>, vector<16xf32>
        %add3A_652 = arith.addf %add3A_521, %select_n3A_651 : vector<16xf32>
        %eq3A_653 = arith.constant 10 : i32
        %eq3A_654 = vector.broadcast %eq3A_653 : i32 to vector<16xi32>
        %eq3A_655 = arith.cmpi eq, %get3A_582, %eq3A_654 : vector<16xi32>
        %jit3A_656 = arith.constant 0.000000e+00 : f32
        %broadcast_in_dim3A_657 = vector.broadcast %jit3A_656 : f32 to vector<16xf32>
        %select_n3A_658 = arith.select %eq3A_655, %get3A_576, %broadcast_in_dim3A_657 : vector<16xi1>, vector<16xf32>
        %add3A_659 = arith.addf %add3A_528, %select_n3A_658 : vector<16xf32>
        %eq3A_660 = arith.constant 11 : i32
        %eq3A_661 = vector.broadcast %eq3A_660 : i32 to vector<16xi32>
        %eq3A_662 = arith.cmpi eq, %get3A_582, %eq3A_661 : vector<16xi32>
        %jit3A_663 = arith.constant 0.000000e+00 : f32
        %broadcast_in_dim3A_664 = vector.broadcast %jit3A_663 : f32 to vector<16xf32>
        %select_n3A_665 = arith.select %eq3A_662, %get3A_576, %broadcast_in_dim3A_664 : vector<16xi1>, vector<16xf32>
        %add3A_666 = arith.addf %add3A_535, %select_n3A_665 : vector<16xf32>
        %eq3A_667 = arith.constant 12 : i32
        %eq3A_668 = vector.broadcast %eq3A_667 : i32 to vector<16xi32>
        %eq3A_669 = arith.cmpi eq, %get3A_582, %eq3A_668 : vector<16xi32>
        %jit3A_670 = arith.constant 0.000000e+00 : f32
        %broadcast_in_dim3A_671 = vector.broadcast %jit3A_670 : f32 to vector<16xf32>
        %select_n3A_672 = arith.select %eq3A_669, %get3A_576, %broadcast_in_dim3A_671 : vector<16xi1>, vector<16xf32>
        %add3A_673 = arith.addf %add3A_542, %select_n3A_672 : vector<16xf32>
        %eq3A_674 = arith.constant 13 : i32
        %eq3A_675 = vector.broadcast %eq3A_674 : i32 to vector<16xi32>
        %eq3A_676 = arith.cmpi eq, %get3A_582, %eq3A_675 : vector<16xi32>
        %jit3A_677 = arith.constant 0.000000e+00 : f32
        %broadcast_in_dim3A_678 = vector.broadcast %jit3A_677 : f32 to vector<16xf32>
        %select_n3A_679 = arith.select %eq3A_676, %get3A_576, %broadcast_in_dim3A_678 : vector<16xi1>, vector<16xf32>
        %add3A_680 = arith.addf %add3A_549, %select_n3A_679 : vector<16xf32>
        %eq3A_681 = arith.constant 14 : i32
        %eq3A_682 = vector.broadcast %eq3A_681 : i32 to vector<16xi32>
        %eq3A_683 = arith.cmpi eq, %get3A_582, %eq3A_682 : vector<16xi32>
        %jit3A_684 = arith.constant 0.000000e+00 : f32
        %broadcast_in_dim3A_685 = vector.broadcast %jit3A_684 : f32 to vector<16xf32>
        %select_n3A_686 = arith.select %eq3A_683, %get3A_576, %broadcast_in_dim3A_685 : vector<16xi1>, vector<16xf32>
        %add3A_687 = arith.addf %add3A_556, %select_n3A_686 : vector<16xf32>
        %eq3A_688 = arith.constant 15 : i32
        %eq3A_689 = vector.broadcast %eq3A_688 : i32 to vector<16xi32>
        %eq3A_690 = arith.cmpi eq, %get3A_582, %eq3A_689 : vector<16xi32>
        %jit3A_691 = arith.constant 0.000000e+00 : f32
        %broadcast_in_dim3A_692 = vector.broadcast %jit3A_691 : f32 to vector<16xf32>
        %select_n3A_693 = arith.select %eq3A_690, %get3A_576, %broadcast_in_dim3A_692 : vector<16xi1>, vector<16xf32>
        %add3A_694 = arith.addf %add3A_563, %select_n3A_693 : vector<16xf32>
        %eq3A_695 = arith.constant 16 : i32
        %eq3A_696 = vector.broadcast %eq3A_695 : i32 to vector<16xi32>
        %eq3A_697 = arith.cmpi eq, %get3A_582, %eq3A_696 : vector<16xi32>
        %jit3A_698 = arith.constant 0.000000e+00 : f32
        %broadcast_in_dim3A_699 = vector.broadcast %jit3A_698 : f32 to vector<16xf32>
        %select_n3A_700 = arith.select %eq3A_697, %get3A_576, %broadcast_in_dim3A_699 : vector<16xi1>, vector<16xf32>
        %add3A_701 = arith.addf %add3A_570, %select_n3A_700 : vector<16xf32>
        %add3A_702 = arith.constant 4 : i32
        %add3A_703 = arith.addi %mul3A_178, %add3A_702 : i32
        %get3A_704 = arith.index_cast %add3A_703 : i32 to index
        %get3A_705 = arith.index_cast %multiple_of3A : i32 to index
        %get3A_706 = tpu.vector_load %arg5[%get3A_704, %get3A_705] {strides = array<i32>} : memref<256x128xf32, #tpu.memory_space<vmem>>, vector<1x16xf32>,
        %get3A_707 = vector.shape_cast %get3A_706 : vector<1x16xf32> to vector<16xf32>
        %add3A_708 = arith.constant 4 : i32
        %add3A_709 = arith.addi %mul3A_178, %add3A_708 : i32
        %get3A_710 = arith.index_cast %add3A_709 : i32 to index
        %get3A_711 = arith.index_cast %multiple_of3A : i32 to index
        %get3A_712 = tpu.vector_load %arg6[%get3A_710, %get3A_711] {strides = array<i32>} : memref<256x128xi32, #tpu.memory_space<vmem>>, vector<1x16xi32>,
        %get3A_713 = vector.shape_cast %get3A_712 : vector<1x16xi32> to vector<16xi32>
        %eq3A_714 = arith.constant 0 : i32
        %eq3A_715 = vector.broadcast %eq3A_714 : i32 to vector<16xi32>
        %eq3A_716 = arith.cmpi eq, %get3A_713, %eq3A_715 : vector<16xi32>
        %jit3A_717 = arith.constant 0.000000e+00 : f32
        %broadcast_in_dim3A_718 = vector.broadcast %jit3A_717 : f32 to vector<16xf32>
        %select_n3A_719 = arith.select %eq3A_716, %get3A_707, %broadcast_in_dim3A_718 : vector<16xi1>, vector<16xf32>
        %add3A_720 = arith.addf %add3A_589, %select_n3A_719 : vector<16xf32>
        %eq3A_721 = arith.constant 1 : i32
        %eq3A_722 = vector.broadcast %eq3A_721 : i32 to vector<16xi32>
        %eq3A_723 = arith.cmpi eq, %get3A_713, %eq3A_722 : vector<16xi32>
        %jit3A_724 = arith.constant 0.000000e+00 : f32
        %broadcast_in_dim3A_725 = vector.broadcast %jit3A_724 : f32 to vector<16xf32>
        %select_n3A_726 = arith.select %eq3A_723, %get3A_707, %broadcast_in_dim3A_725 : vector<16xi1>, vector<16xf32>
        %add3A_727 = arith.addf %add3A_596, %select_n3A_726 : vector<16xf32>
        %eq3A_728 = arith.constant 2 : i32
        %eq3A_729 = vector.broadcast %eq3A_728 : i32 to vector<16xi32>
        %eq3A_730 = arith.cmpi eq, %get3A_713, %eq3A_729 : vector<16xi32>
        %jit3A_731 = arith.constant 0.000000e+00 : f32
        %broadcast_in_dim3A_732 = vector.broadcast %jit3A_731 : f32 to vector<16xf32>
        %select_n3A_733 = arith.select %eq3A_730, %get3A_707, %broadcast_in_dim3A_732 : vector<16xi1>, vector<16xf32>
        %add3A_734 = arith.addf %add3A_603, %select_n3A_733 : vector<16xf32>
        %eq3A_735 = arith.constant 3 : i32
        %eq3A_736 = vector.broadcast %eq3A_735 : i32 to vector<16xi32>
        %eq3A_737 = arith.cmpi eq, %get3A_713, %eq3A_736 : vector<16xi32>
        %jit3A_738 = arith.constant 0.000000e+00 : f32
        %broadcast_in_dim3A_739 = vector.broadcast %jit3A_738 : f32 to vector<16xf32>
        %select_n3A_740 = arith.select %eq3A_737, %get3A_707, %broadcast_in_dim3A_739 : vector<16xi1>, vector<16xf32>
        %add3A_741 = arith.addf %add3A_610, %select_n3A_740 : vector<16xf32>
        %eq3A_742 = arith.constant 4 : i32
        %eq3A_743 = vector.broadcast %eq3A_742 : i32 to vector<16xi32>
        %eq3A_744 = arith.cmpi eq, %get3A_713, %eq3A_743 : vector<16xi32>
        %jit3A_745 = arith.constant 0.000000e+00 : f32
        %broadcast_in_dim3A_746 = vector.broadcast %jit3A_745 : f32 to vector<16xf32>
        %select_n3A_747 = arith.select %eq3A_744, %get3A_707, %broadcast_in_dim3A_746 : vector<16xi1>, vector<16xf32>
        %add3A_748 = arith.addf %add3A_617, %select_n3A_747 : vector<16xf32>
        %eq3A_749 = arith.constant 5 : i32
        %eq3A_750 = vector.broadcast %eq3A_749 : i32 to vector<16xi32>
        %eq3A_751 = arith.cmpi eq, %get3A_713, %eq3A_750 : vector<16xi32>
        %jit3A_752 = arith.constant 0.000000e+00 : f32
        %broadcast_in_dim3A_753 = vector.broadcast %jit3A_752 : f32 to vector<16xf32>
        %select_n3A_754 = arith.select %eq3A_751, %get3A_707, %broadcast_in_dim3A_753 : vector<16xi1>, vector<16xf32>
        %add3A_755 = arith.addf %add3A_624, %select_n3A_754 : vector<16xf32>
        %eq3A_756 = arith.constant 6 : i32
        %eq3A_757 = vector.broadcast %eq3A_756 : i32 to vector<16xi32>
        %eq3A_758 = arith.cmpi eq, %get3A_713, %eq3A_757 : vector<16xi32>
        %jit3A_759 = arith.constant 0.000000e+00 : f32
        %broadcast_in_dim3A_760 = vector.broadcast %jit3A_759 : f32 to vector<16xf32>
        %select_n3A_761 = arith.select %eq3A_758, %get3A_707, %broadcast_in_dim3A_760 : vector<16xi1>, vector<16xf32>
        %add3A_762 = arith.addf %add3A_631, %select_n3A_761 : vector<16xf32>
        %eq3A_763 = arith.constant 7 : i32
        %eq3A_764 = vector.broadcast %eq3A_763 : i32 to vector<16xi32>
        %eq3A_765 = arith.cmpi eq, %get3A_713, %eq3A_764 : vector<16xi32>
        %jit3A_766 = arith.constant 0.000000e+00 : f32
        %broadcast_in_dim3A_767 = vector.broadcast %jit3A_766 : f32 to vector<16xf32>
        %select_n3A_768 = arith.select %eq3A_765, %get3A_707, %broadcast_in_dim3A_767 : vector<16xi1>, vector<16xf32>
        %add3A_769 = arith.addf %add3A_638, %select_n3A_768 : vector<16xf32>
        %eq3A_770 = arith.constant 8 : i32
        %eq3A_771 = vector.broadcast %eq3A_770 : i32 to vector<16xi32>
        %eq3A_772 = arith.cmpi eq, %get3A_713, %eq3A_771 : vector<16xi32>
        %jit3A_773 = arith.constant 0.000000e+00 : f32
        %broadcast_in_dim3A_774 = vector.broadcast %jit3A_773 : f32 to vector<16xf32>
        %select_n3A_775 = arith.select %eq3A_772, %get3A_707, %broadcast_in_dim3A_774 : vector<16xi1>, vector<16xf32>
        %add3A_776 = arith.addf %add3A_645, %select_n3A_775 : vector<16xf32>
        %eq3A_777 = arith.constant 9 : i32
        %eq3A_778 = vector.broadcast %eq3A_777 : i32 to vector<16xi32>
        %eq3A_779 = arith.cmpi eq, %get3A_713, %eq3A_778 : vector<16xi32>
        %jit3A_780 = arith.constant 0.000000e+00 : f32
        %broadcast_in_dim3A_781 = vector.broadcast %jit3A_780 : f32 to vector<16xf32>
        %select_n3A_782 = arith.select %eq3A_779, %get3A_707, %broadcast_in_dim3A_781 : vector<16xi1>, vector<16xf32>
        %add3A_783 = arith.addf %add3A_652, %select_n3A_782 : vector<16xf32>
        %eq3A_784 = arith.constant 10 : i32
        %eq3A_785 = vector.broadcast %eq3A_784 : i32 to vector<16xi32>
        %eq3A_786 = arith.cmpi eq, %get3A_713, %eq3A_785 : vector<16xi32>
        %jit3A_787 = arith.constant 0.000000e+00 : f32
        %broadcast_in_dim3A_788 = vector.broadcast %jit3A_787 : f32 to vector<16xf32>
        %select_n3A_789 = arith.select %eq3A_786, %get3A_707, %broadcast_in_dim3A_788 : vector<16xi1>, vector<16xf32>
        %add3A_790 = arith.addf %add3A_659, %select_n3A_789 : vector<16xf32>
        %eq3A_791 = arith.constant 11 : i32
        %eq3A_792 = vector.broadcast %eq3A_791 : i32 to vector<16xi32>
        %eq3A_793 = arith.cmpi eq, %get3A_713, %eq3A_792 : vector<16xi32>
        %jit3A_794 = arith.constant 0.000000e+00 : f32
        %broadcast_in_dim3A_795 = vector.broadcast %jit3A_794 : f32 to vector<16xf32>
        %select_n3A_796 = arith.select %eq3A_793, %get3A_707, %broadcast_in_dim3A_795 : vector<16xi1>, vector<16xf32>
        %add3A_797 = arith.addf %add3A_666, %select_n3A_796 : vector<16xf32>
        %eq3A_798 = arith.constant 12 : i32
        %eq3A_799 = vector.broadcast %eq3A_798 : i32 to vector<16xi32>
        %eq3A_800 = arith.cmpi eq, %get3A_713, %eq3A_799 : vector<16xi32>
        %jit3A_801 = arith.constant 0.000000e+00 : f32
        %broadcast_in_dim3A_802 = vector.broadcast %jit3A_801 : f32 to vector<16xf32>
        %select_n3A_803 = arith.select %eq3A_800, %get3A_707, %broadcast_in_dim3A_802 : vector<16xi1>, vector<16xf32>
        %add3A_804 = arith.addf %add3A_673, %select_n3A_803 : vector<16xf32>
        %eq3A_805 = arith.constant 13 : i32
        %eq3A_806 = vector.broadcast %eq3A_805 : i32 to vector<16xi32>
        %eq3A_807 = arith.cmpi eq, %get3A_713, %eq3A_806 : vector<16xi32>
        %jit3A_808 = arith.constant 0.000000e+00 : f32
        %broadcast_in_dim3A_809 = vector.broadcast %jit3A_808 : f32 to vector<16xf32>
        %select_n3A_810 = arith.select %eq3A_807, %get3A_707, %broadcast_in_dim3A_809 : vector<16xi1>, vector<16xf32>
        %add3A_811 = arith.addf %add3A_680, %select_n3A_810 : vector<16xf32>
        %eq3A_812 = arith.constant 14 : i32
        %eq3A_813 = vector.broadcast %eq3A_812 : i32 to vector<16xi32>
        %eq3A_814 = arith.cmpi eq, %get3A_713, %eq3A_813 : vector<16xi32>
        %jit3A_815 = arith.constant 0.000000e+00 : f32
        %broadcast_in_dim3A_816 = vector.broadcast %jit3A_815 : f32 to vector<16xf32>
        %select_n3A_817 = arith.select %eq3A_814, %get3A_707, %broadcast_in_dim3A_816 : vector<16xi1>, vector<16xf32>
        %add3A_818 = arith.addf %add3A_687, %select_n3A_817 : vector<16xf32>
        %eq3A_819 = arith.constant 15 : i32
        %eq3A_820 = vector.broadcast %eq3A_819 : i32 to vector<16xi32>
        %eq3A_821 = arith.cmpi eq, %get3A_713, %eq3A_820 : vector<16xi32>
        %jit3A_822 = arith.constant 0.000000e+00 : f32
        %broadcast_in_dim3A_823 = vector.broadcast %jit3A_822 : f32 to vector<16xf32>
        %select_n3A_824 = arith.select %eq3A_821, %get3A_707, %broadcast_in_dim3A_823 : vector<16xi1>, vector<16xf32>
        %add3A_825 = arith.addf %add3A_694, %select_n3A_824 : vector<16xf32>
        %eq3A_826 = arith.constant 16 : i32
        %eq3A_827 = vector.broadcast %eq3A_826 : i32 to vector<16xi32>
        %eq3A_828 = arith.cmpi eq, %get3A_713, %eq3A_827 : vector<16xi32>
        %jit3A_829 = arith.constant 0.000000e+00 : f32
        %broadcast_in_dim3A_830 = vector.broadcast %jit3A_829 : f32 to vector<16xf32>
        %select_n3A_831 = arith.select %eq3A_828, %get3A_707, %broadcast_in_dim3A_830 : vector<16xi1>, vector<16xf32>
        %add3A_832 = arith.addf %add3A_701, %select_n3A_831 : vector<16xf32>
        %add3A_833 = arith.constant 5 : i32
        %add3A_834 = arith.addi %mul3A_178, %add3A_833 : i32
        %get3A_835 = arith.index_cast %add3A_834 : i32 to index
        %get3A_836 = arith.index_cast %multiple_of3A : i32 to index
        %get3A_837 = tpu.vector_load %arg5[%get3A_835, %get3A_836] {strides = array<i32>} : memref<256x128xf32, #tpu.memory_space<vmem>>, vector<1x16xf32>,
        %get3A_838 = vector.shape_cast %get3A_837 : vector<1x16xf32> to vector<16xf32>
        %add3A_839 = arith.constant 5 : i32
        %add3A_840 = arith.addi %mul3A_178, %add3A_839 : i32
        %get3A_841 = arith.index_cast %add3A_840 : i32 to index
        %get3A_842 = arith.index_cast %multiple_of3A : i32 to index
        %get3A_843 = tpu.vector_load %arg6[%get3A_841, %get3A_842] {strides = array<i32>} : memref<256x128xi32, #tpu.memory_space<vmem>>, vector<1x16xi32>,
        %get3A_844 = vector.shape_cast %get3A_843 : vector<1x16xi32> to vector<16xi32>
        %eq3A_845 = arith.constant 0 : i32
        %eq3A_846 = vector.broadcast %eq3A_845 : i32 to vector<16xi32>
        %eq3A_847 = arith.cmpi eq, %get3A_844, %eq3A_846 : vector<16xi32>
        %jit3A_848 = arith.constant 0.000000e+00 : f32
        %broadcast_in_dim3A_849 = vector.broadcast %jit3A_848 : f32 to vector<16xf32>
        %select_n3A_850 = arith.select %eq3A_847, %get3A_838, %broadcast_in_dim3A_849 : vector<16xi1>, vector<16xf32>
        %add3A_851 = arith.addf %add3A_720, %select_n3A_850 : vector<16xf32>
        %eq3A_852 = arith.constant 1 : i32
        %eq3A_853 = vector.broadcast %eq3A_852 : i32 to vector<16xi32>
        %eq3A_854 = arith.cmpi eq, %get3A_844, %eq3A_853 : vector<16xi32>
        %jit3A_855 = arith.constant 0.000000e+00 : f32
        %broadcast_in_dim3A_856 = vector.broadcast %jit3A_855 : f32 to vector<16xf32>
        %select_n3A_857 = arith.select %eq3A_854, %get3A_838, %broadcast_in_dim3A_856 : vector<16xi1>, vector<16xf32>
        %add3A_858 = arith.addf %add3A_727, %select_n3A_857 : vector<16xf32>
        %eq3A_859 = arith.constant 2 : i32
        %eq3A_860 = vector.broadcast %eq3A_859 : i32 to vector<16xi32>
        %eq3A_861 = arith.cmpi eq, %get3A_844, %eq3A_860 : vector<16xi32>
        %jit3A_862 = arith.constant 0.000000e+00 : f32
        %broadcast_in_dim3A_863 = vector.broadcast %jit3A_862 : f32 to vector<16xf32>
        %select_n3A_864 = arith.select %eq3A_861, %get3A_838, %broadcast_in_dim3A_863 : vector<16xi1>, vector<16xf32>
        %add3A_865 = arith.addf %add3A_734, %select_n3A_864 : vector<16xf32>
        %eq3A_866 = arith.constant 3 : i32
        %eq3A_867 = vector.broadcast %eq3A_866 : i32 to vector<16xi32>
        %eq3A_868 = arith.cmpi eq, %get3A_844, %eq3A_867 : vector<16xi32>
        %jit3A_869 = arith.constant 0.000000e+00 : f32
        %broadcast_in_dim3A_870 = vector.broadcast %jit3A_869 : f32 to vector<16xf32>
        %select_n3A_871 = arith.select %eq3A_868, %get3A_838, %broadcast_in_dim3A_870 : vector<16xi1>, vector<16xf32>
        %add3A_872 = arith.addf %add3A_741, %select_n3A_871 : vector<16xf32>
        %eq3A_873 = arith.constant 4 : i32
        %eq3A_874 = vector.broadcast %eq3A_873 : i32 to vector<16xi32>
        %eq3A_875 = arith.cmpi eq, %get3A_844, %eq3A_874 : vector<16xi32>
        %jit3A_876 = arith.constant 0.000000e+00 : f32
        %broadcast_in_dim3A_877 = vector.broadcast %jit3A_876 : f32 to vector<16xf32>
        %select_n3A_878 = arith.select %eq3A_875, %get3A_838, %broadcast_in_dim3A_877 : vector<16xi1>, vector<16xf32>
        %add3A_879 = arith.addf %add3A_748, %select_n3A_878 : vector<16xf32>
        %eq3A_880 = arith.constant 5 : i32
        %eq3A_881 = vector.broadcast %eq3A_880 : i32 to vector<16xi32>
        %eq3A_882 = arith.cmpi eq, %get3A_844, %eq3A_881 : vector<16xi32>
        %jit3A_883 = arith.constant 0.000000e+00 : f32
        %broadcast_in_dim3A_884 = vector.broadcast %jit3A_883 : f32 to vector<16xf32>
        %select_n3A_885 = arith.select %eq3A_882, %get3A_838, %broadcast_in_dim3A_884 : vector<16xi1>, vector<16xf32>
        %add3A_886 = arith.addf %add3A_755, %select_n3A_885 : vector<16xf32>
        %eq3A_887 = arith.constant 6 : i32
        %eq3A_888 = vector.broadcast %eq3A_887 : i32 to vector<16xi32>
        %eq3A_889 = arith.cmpi eq, %get3A_844, %eq3A_888 : vector<16xi32>
        %jit3A_890 = arith.constant 0.000000e+00 : f32
        %broadcast_in_dim3A_891 = vector.broadcast %jit3A_890 : f32 to vector<16xf32>
        %select_n3A_892 = arith.select %eq3A_889, %get3A_838, %broadcast_in_dim3A_891 : vector<16xi1>, vector<16xf32>
        %add3A_893 = arith.addf %add3A_762, %select_n3A_892 : vector<16xf32>
        %eq3A_894 = arith.constant 7 : i32
        %eq3A_895 = vector.broadcast %eq3A_894 : i32 to vector<16xi32>
        %eq3A_896 = arith.cmpi eq, %get3A_844, %eq3A_895 : vector<16xi32>
        %jit3A_897 = arith.constant 0.000000e+00 : f32
        %broadcast_in_dim3A_898 = vector.broadcast %jit3A_897 : f32 to vector<16xf32>
        %select_n3A_899 = arith.select %eq3A_896, %get3A_838, %broadcast_in_dim3A_898 : vector<16xi1>, vector<16xf32>
        %add3A_900 = arith.addf %add3A_769, %select_n3A_899 : vector<16xf32>
        %eq3A_901 = arith.constant 8 : i32
        %eq3A_902 = vector.broadcast %eq3A_901 : i32 to vector<16xi32>
        %eq3A_903 = arith.cmpi eq, %get3A_844, %eq3A_902 : vector<16xi32>
        %jit3A_904 = arith.constant 0.000000e+00 : f32
        %broadcast_in_dim3A_905 = vector.broadcast %jit3A_904 : f32 to vector<16xf32>
        %select_n3A_906 = arith.select %eq3A_903, %get3A_838, %broadcast_in_dim3A_905 : vector<16xi1>, vector<16xf32>
        %add3A_907 = arith.addf %add3A_776, %select_n3A_906 : vector<16xf32>
        %eq3A_908 = arith.constant 9 : i32
        %eq3A_909 = vector.broadcast %eq3A_908 : i32 to vector<16xi32>
        %eq3A_910 = arith.cmpi eq, %get3A_844, %eq3A_909 : vector<16xi32>
        %jit3A_911 = arith.constant 0.000000e+00 : f32
        %broadcast_in_dim3A_912 = vector.broadcast %jit3A_911 : f32 to vector<16xf32>
        %select_n3A_913 = arith.select %eq3A_910, %get3A_838, %broadcast_in_dim3A_912 : vector<16xi1>, vector<16xf32>
        %add3A_914 = arith.addf %add3A_783, %select_n3A_913 : vector<16xf32>
        %eq3A_915 = arith.constant 10 : i32
        %eq3A_916 = vector.broadcast %eq3A_915 : i32 to vector<16xi32>
        %eq3A_917 = arith.cmpi eq, %get3A_844, %eq3A_916 : vector<16xi32>
        %jit3A_918 = arith.constant 0.000000e+00 : f32
        %broadcast_in_dim3A_919 = vector.broadcast %jit3A_918 : f32 to vector<16xf32>
        %select_n3A_920 = arith.select %eq3A_917, %get3A_838, %broadcast_in_dim3A_919 : vector<16xi1>, vector<16xf32>
        %add3A_921 = arith.addf %add3A_790, %select_n3A_920 : vector<16xf32>
        %eq3A_922 = arith.constant 11 : i32
        %eq3A_923 = vector.broadcast %eq3A_922 : i32 to vector<16xi32>
        %eq3A_924 = arith.cmpi eq, %get3A_844, %eq3A_923 : vector<16xi32>
        %jit3A_925 = arith.constant 0.000000e+00 : f32
        %broadcast_in_dim3A_926 = vector.broadcast %jit3A_925 : f32 to vector<16xf32>
        %select_n3A_927 = arith.select %eq3A_924, %get3A_838, %broadcast_in_dim3A_926 : vector<16xi1>, vector<16xf32>
        %add3A_928 = arith.addf %add3A_797, %select_n3A_927 : vector<16xf32>
        %eq3A_929 = arith.constant 12 : i32
        %eq3A_930 = vector.broadcast %eq3A_929 : i32 to vector<16xi32>
        %eq3A_931 = arith.cmpi eq, %get3A_844, %eq3A_930 : vector<16xi32>
        %jit3A_932 = arith.constant 0.000000e+00 : f32
        %broadcast_in_dim3A_933 = vector.broadcast %jit3A_932 : f32 to vector<16xf32>
        %select_n3A_934 = arith.select %eq3A_931, %get3A_838, %broadcast_in_dim3A_933 : vector<16xi1>, vector<16xf32>
        %add3A_935 = arith.addf %add3A_804, %select_n3A_934 : vector<16xf32>
        %eq3A_936 = arith.constant 13 : i32
        %eq3A_937 = vector.broadcast %eq3A_936 : i32 to vector<16xi32>
        %eq3A_938 = arith.cmpi eq, %get3A_844, %eq3A_937 : vector<16xi32>
        %jit3A_939 = arith.constant 0.000000e+00 : f32
        %broadcast_in_dim3A_940 = vector.broadcast %jit3A_939 : f32 to vector<16xf32>
        %select_n3A_941 = arith.select %eq3A_938, %get3A_838, %broadcast_in_dim3A_940 : vector<16xi1>, vector<16xf32>
        %add3A_942 = arith.addf %add3A_811, %select_n3A_941 : vector<16xf32>
        %eq3A_943 = arith.constant 14 : i32
        %eq3A_944 = vector.broadcast %eq3A_943 : i32 to vector<16xi32>
        %eq3A_945 = arith.cmpi eq, %get3A_844, %eq3A_944 : vector<16xi32>
        %jit3A_946 = arith.constant 0.000000e+00 : f32
        %broadcast_in_dim3A_947 = vector.broadcast %jit3A_946 : f32 to vector<16xf32>
        %select_n3A_948 = arith.select %eq3A_945, %get3A_838, %broadcast_in_dim3A_947 : vector<16xi1>, vector<16xf32>
        %add3A_949 = arith.addf %add3A_818, %select_n3A_948 : vector<16xf32>
        %eq3A_950 = arith.constant 15 : i32
        %eq3A_951 = vector.broadcast %eq3A_950 : i32 to vector<16xi32>
        %eq3A_952 = arith.cmpi eq, %get3A_844, %eq3A_951 : vector<16xi32>
        %jit3A_953 = arith.constant 0.000000e+00 : f32
        %broadcast_in_dim3A_954 = vector.broadcast %jit3A_953 : f32 to vector<16xf32>
        %select_n3A_955 = arith.select %eq3A_952, %get3A_838, %broadcast_in_dim3A_954 : vector<16xi1>, vector<16xf32>
        %add3A_956 = arith.addf %add3A_825, %select_n3A_955 : vector<16xf32>
        %eq3A_957 = arith.constant 16 : i32
        %eq3A_958 = vector.broadcast %eq3A_957 : i32 to vector<16xi32>
        %eq3A_959 = arith.cmpi eq, %get3A_844, %eq3A_958 : vector<16xi32>
        %jit3A_960 = arith.constant 0.000000e+00 : f32
        %broadcast_in_dim3A_961 = vector.broadcast %jit3A_960 : f32 to vector<16xf32>
        %select_n3A_962 = arith.select %eq3A_959, %get3A_838, %broadcast_in_dim3A_961 : vector<16xi1>, vector<16xf32>
        %add3A_963 = arith.addf %add3A_832, %select_n3A_962 : vector<16xf32>
        %add3A_964 = arith.constant 6 : i32
        %add3A_965 = arith.addi %mul3A_178, %add3A_964 : i32
        %get3A_966 = arith.index_cast %add3A_965 : i32 to index
        %get3A_967 = arith.index_cast %multiple_of3A : i32 to index
        %get3A_968 = tpu.vector_load %arg5[%get3A_966, %get3A_967] {strides = array<i32>} : memref<256x128xf32, #tpu.memory_space<vmem>>, vector<1x16xf32>,
        %get3A_969 = vector.shape_cast %get3A_968 : vector<1x16xf32> to vector<16xf32>
        %add3A_970 = arith.constant 6 : i32
        %add3A_971 = arith.addi %mul3A_178, %add3A_970 : i32
        %get3A_972 = arith.index_cast %add3A_971 : i32 to index
        %get3A_973 = arith.index_cast %multiple_of3A : i32 to index
        %get3A_974 = tpu.vector_load %arg6[%get3A_972, %get3A_973] {strides = array<i32>} : memref<256x128xi32, #tpu.memory_space<vmem>>, vector<1x16xi32>,
        %get3A_975 = vector.shape_cast %get3A_974 : vector<1x16xi32> to vector<16xi32>
        %eq3A_976 = arith.constant 0 : i32
        %eq3A_977 = vector.broadcast %eq3A_976 : i32 to vector<16xi32>
        %eq3A_978 = arith.cmpi eq, %get3A_975, %eq3A_977 : vector<16xi32>
        %jit3A_979 = arith.constant 0.000000e+00 : f32
        %broadcast_in_dim3A_980 = vector.broadcast %jit3A_979 : f32 to vector<16xf32>
        %select_n3A_981 = arith.select %eq3A_978, %get3A_969, %broadcast_in_dim3A_980 : vector<16xi1>, vector<16xf32>
        %add3A_982 = arith.addf %add3A_851, %select_n3A_981 : vector<16xf32>
        %eq3A_983 = arith.constant 1 : i32
        %eq3A_984 = vector.broadcast %eq3A_983 : i32 to vector<16xi32>
        %eq3A_985 = arith.cmpi eq, %get3A_975, %eq3A_984 : vector<16xi32>
        %jit3A_986 = arith.constant 0.000000e+00 : f32
        %broadcast_in_dim3A_987 = vector.broadcast %jit3A_986 : f32 to vector<16xf32>
        %select_n3A_988 = arith.select %eq3A_985, %get3A_969, %broadcast_in_dim3A_987 : vector<16xi1>, vector<16xf32>
        %add3A_989 = arith.addf %add3A_858, %select_n3A_988 : vector<16xf32>
        %eq3A_990 = arith.constant 2 : i32
        %eq3A_991 = vector.broadcast %eq3A_990 : i32 to vector<16xi32>
        %eq3A_992 = arith.cmpi eq, %get3A_975, %eq3A_991 : vector<16xi32>
        %jit3A_993 = arith.constant 0.000000e+00 : f32
        %broadcast_in_dim3A_994 = vector.broadcast %jit3A_993 : f32 to vector<16xf32>
        %select_n3A_995 = arith.select %eq3A_992, %get3A_969, %broadcast_in_dim3A_994 : vector<16xi1>, vector<16xf32>
        %add3A_996 = arith.addf %add3A_865, %select_n3A_995 : vector<16xf32>
        %eq3A_997 = arith.constant 3 : i32
        %eq3A_998 = vector.broadcast %eq3A_997 : i32 to vector<16xi32>
        %eq3A_999 = arith.cmpi eq, %get3A_975, %eq3A_998 : vector<16xi32>
        %jit3A_1000 = arith.constant 0.000000e+00 : f32
        %broadcast_in_dim3A_1001 = vector.broadcast %jit3A_1000 : f32 to vector<16xf32>
        %select_n3A_1002 = arith.select %eq3A_999, %get3A_969, %broadcast_in_dim3A_1001 : vector<16xi1>, vector<16xf32>
        %add3A_1003 = arith.addf %add3A_872, %select_n3A_1002 : vector<16xf32>
        %eq3A_1004 = arith.constant 4 : i32
        %eq3A_1005 = vector.broadcast %eq3A_1004 : i32 to vector<16xi32>
        %eq3A_1006 = arith.cmpi eq, %get3A_975, %eq3A_1005 : vector<16xi32>
        %jit3A_1007 = arith.constant 0.000000e+00 : f32
        %broadcast_in_dim3A_1008 = vector.broadcast %jit3A_1007 : f32 to vector<16xf32>
        %select_n3A_1009 = arith.select %eq3A_1006, %get3A_969, %broadcast_in_dim3A_1008 : vector<16xi1>, vector<16xf32>
        %add3A_1010 = arith.addf %add3A_879, %select_n3A_1009 : vector<16xf32>
        %eq3A_1011 = arith.constant 5 : i32
        %eq3A_1012 = vector.broadcast %eq3A_1011 : i32 to vector<16xi32>
        %eq3A_1013 = arith.cmpi eq, %get3A_975, %eq3A_1012 : vector<16xi32>
        %jit3A_1014 = arith.constant 0.000000e+00 : f32
        %broadcast_in_dim3A_1015 = vector.broadcast %jit3A_1014 : f32 to vector<16xf32>
        %select_n3A_1016 = arith.select %eq3A_1013, %get3A_969, %broadcast_in_dim3A_1015 : vector<16xi1>, vector<16xf32>
        %add3A_1017 = arith.addf %add3A_886, %select_n3A_1016 : vector<16xf32>
        %eq3A_1018 = arith.constant 6 : i32
        %eq3A_1019 = vector.broadcast %eq3A_1018 : i32 to vector<16xi32>
        %eq3A_1020 = arith.cmpi eq, %get3A_975, %eq3A_1019 : vector<16xi32>
        %jit3A_1021 = arith.constant 0.000000e+00 : f32
        %broadcast_in_dim3A_1022 = vector.broadcast %jit3A_1021 : f32 to vector<16xf32>
        %select_n3A_1023 = arith.select %eq3A_1020, %get3A_969, %broadcast_in_dim3A_1022 : vector<16xi1>, vector<16xf32>
        %add3A_1024 = arith.addf %add3A_893, %select_n3A_1023 : vector<16xf32>
        %eq3A_1025 = arith.constant 7 : i32
        %eq3A_1026 = vector.broadcast %eq3A_1025 : i32 to vector<16xi32>
        %eq3A_1027 = arith.cmpi eq, %get3A_975, %eq3A_1026 : vector<16xi32>
        %jit3A_1028 = arith.constant 0.000000e+00 : f32
        %broadcast_in_dim3A_1029 = vector.broadcast %jit3A_1028 : f32 to vector<16xf32>
        %select_n3A_1030 = arith.select %eq3A_1027, %get3A_969, %broadcast_in_dim3A_1029 : vector<16xi1>, vector<16xf32>
        %add3A_1031 = arith.addf %add3A_900, %select_n3A_1030 : vector<16xf32>
        %eq3A_1032 = arith.constant 8 : i32
        %eq3A_1033 = vector.broadcast %eq3A_1032 : i32 to vector<16xi32>
        %eq3A_1034 = arith.cmpi eq, %get3A_975, %eq3A_1033 : vector<16xi32>
        %jit3A_1035 = arith.constant 0.000000e+00 : f32
        %broadcast_in_dim3A_1036 = vector.broadcast %jit3A_1035 : f32 to vector<16xf32>
        %select_n3A_1037 = arith.select %eq3A_1034, %get3A_969, %broadcast_in_dim3A_1036 : vector<16xi1>, vector<16xf32>
        %add3A_1038 = arith.addf %add3A_907, %select_n3A_1037 : vector<16xf32>
        %eq3A_1039 = arith.constant 9 : i32
        %eq3A_1040 = vector.broadcast %eq3A_1039 : i32 to vector<16xi32>
        %eq3A_1041 = arith.cmpi eq, %get3A_975, %eq3A_1040 : vector<16xi32>
        %jit3A_1042 = arith.constant 0.000000e+00 : f32
        %broadcast_in_dim3A_1043 = vector.broadcast %jit3A_1042 : f32 to vector<16xf32>
        %select_n3A_1044 = arith.select %eq3A_1041, %get3A_969, %broadcast_in_dim3A_1043 : vector<16xi1>, vector<16xf32>
        %add3A_1045 = arith.addf %add3A_914, %select_n3A_1044 : vector<16xf32>
        %eq3A_1046 = arith.constant 10 : i32
        %eq3A_1047 = vector.broadcast %eq3A_1046 : i32 to vector<16xi32>
        %eq3A_1048 = arith.cmpi eq, %get3A_975, %eq3A_1047 : vector<16xi32>
        %jit3A_1049 = arith.constant 0.000000e+00 : f32
        %broadcast_in_dim3A_1050 = vector.broadcast %jit3A_1049 : f32 to vector<16xf32>
        %select_n3A_1051 = arith.select %eq3A_1048, %get3A_969, %broadcast_in_dim3A_1050 : vector<16xi1>, vector<16xf32>
        %add3A_1052 = arith.addf %add3A_921, %select_n3A_1051 : vector<16xf32>
        %eq3A_1053 = arith.constant 11 : i32
        %eq3A_1054 = vector.broadcast %eq3A_1053 : i32 to vector<16xi32>
        %eq3A_1055 = arith.cmpi eq, %get3A_975, %eq3A_1054 : vector<16xi32>
        %jit3A_1056 = arith.constant 0.000000e+00 : f32
        %broadcast_in_dim3A_1057 = vector.broadcast %jit3A_1056 : f32 to vector<16xf32>
        %select_n3A_1058 = arith.select %eq3A_1055, %get3A_969, %broadcast_in_dim3A_1057 : vector<16xi1>, vector<16xf32>
        %add3A_1059 = arith.addf %add3A_928, %select_n3A_1058 : vector<16xf32>
        %eq3A_1060 = arith.constant 12 : i32
        %eq3A_1061 = vector.broadcast %eq3A_1060 : i32 to vector<16xi32>
        %eq3A_1062 = arith.cmpi eq, %get3A_975, %eq3A_1061 : vector<16xi32>
        %jit3A_1063 = arith.constant 0.000000e+00 : f32
        %broadcast_in_dim3A_1064 = vector.broadcast %jit3A_1063 : f32 to vector<16xf32>
        %select_n3A_1065 = arith.select %eq3A_1062, %get3A_969, %broadcast_in_dim3A_1064 : vector<16xi1>, vector<16xf32>
        %add3A_1066 = arith.addf %add3A_935, %select_n3A_1065 : vector<16xf32>
        %eq3A_1067 = arith.constant 13 : i32
        %eq3A_1068 = vector.broadcast %eq3A_1067 : i32 to vector<16xi32>
        %eq3A_1069 = arith.cmpi eq, %get3A_975, %eq3A_1068 : vector<16xi32>
        %jit3A_1070 = arith.constant 0.000000e+00 : f32
        %broadcast_in_dim3A_1071 = vector.broadcast %jit3A_1070 : f32 to vector<16xf32>
        %select_n3A_1072 = arith.select %eq3A_1069, %get3A_969, %broadcast_in_dim3A_1071 : vector<16xi1>, vector<16xf32>
        %add3A_1073 = arith.addf %add3A_942, %select_n3A_1072 : vector<16xf32>
        %eq3A_1074 = arith.constant 14 : i32
        %eq3A_1075 = vector.broadcast %eq3A_1074 : i32 to vector<16xi32>
        %eq3A_1076 = arith.cmpi eq, %get3A_975, %eq3A_1075 : vector<16xi32>
        %jit3A_1077 = arith.constant 0.000000e+00 : f32
        %broadcast_in_dim3A_1078 = vector.broadcast %jit3A_1077 : f32 to vector<16xf32>
        %select_n3A_1079 = arith.select %eq3A_1076, %get3A_969, %broadcast_in_dim3A_1078 : vector<16xi1>, vector<16xf32>
        %add3A_1080 = arith.addf %add3A_949, %select_n3A_1079 : vector<16xf32>
        %eq3A_1081 = arith.constant 15 : i32
        %eq3A_1082 = vector.broadcast %eq3A_1081 : i32 to vector<16xi32>
        %eq3A_1083 = arith.cmpi eq, %get3A_975, %eq3A_1082 : vector<16xi32>
        %jit3A_1084 = arith.constant 0.000000e+00 : f32
        %broadcast_in_dim3A_1085 = vector.broadcast %jit3A_1084 : f32 to vector<16xf32>
        %select_n3A_1086 = arith.select %eq3A_1083, %get3A_969, %broadcast_in_dim3A_1085 : vector<16xi1>, vector<16xf32>
        %add3A_1087 = arith.addf %add3A_956, %select_n3A_1086 : vector<16xf32>
        %eq3A_1088 = arith.constant 16 : i32
        %eq3A_1089 = vector.broadcast %eq3A_1088 : i32 to vector<16xi32>
        %eq3A_1090 = arith.cmpi eq, %get3A_975, %eq3A_1089 : vector<16xi32>
        %jit3A_1091 = arith.constant 0.000000e+00 : f32
        %broadcast_in_dim3A_1092 = vector.broadcast %jit3A_1091 : f32 to vector<16xf32>
        %select_n3A_1093 = arith.select %eq3A_1090, %get3A_969, %broadcast_in_dim3A_1092 : vector<16xi1>, vector<16xf32>
        %add3A_1094 = arith.addf %add3A_963, %select_n3A_1093 : vector<16xf32>
        %add3A_1095 = arith.constant 7 : i32
        %add3A_1096 = arith.addi %mul3A_178, %add3A_1095 : i32
        %get3A_1097 = arith.index_cast %add3A_1096 : i32 to index
        %get3A_1098 = arith.index_cast %multiple_of3A : i32 to index
        %get3A_1099 = tpu.vector_load %arg5[%get3A_1097, %get3A_1098] {strides = array<i32>} : memref<256x128xf32, #tpu.memory_space<vmem>>, vector<1x16xf32>,
        %get3A_1100 = vector.shape_cast %get3A_1099 : vector<1x16xf32> to vector<16xf32>
        %add3A_1101 = arith.constant 7 : i32
        %add3A_1102 = arith.addi %mul3A_178, %add3A_1101 : i32
        %get3A_1103 = arith.index_cast %add3A_1102 : i32 to index
        %get3A_1104 = arith.index_cast %multiple_of3A : i32 to index
        %get3A_1105 = tpu.vector_load %arg6[%get3A_1103, %get3A_1104] {strides = array<i32>} : memref<256x128xi32, #tpu.memory_space<vmem>>, vector<1x16xi32>,
        %get3A_1106 = vector.shape_cast %get3A_1105 : vector<1x16xi32> to vector<16xi32>
        %eq3A_1107 = arith.constant 0 : i32
        %eq3A_1108 = vector.broadcast %eq3A_1107 : i32 to vector<16xi32>
        %eq3A_1109 = arith.cmpi eq, %get3A_1106, %eq3A_1108 : vector<16xi32>
        %jit3A_1110 = arith.constant 0.000000e+00 : f32
        %broadcast_in_dim3A_1111 = vector.broadcast %jit3A_1110 : f32 to vector<16xf32>
        %select_n3A_1112 = arith.select %eq3A_1109, %get3A_1100, %broadcast_in_dim3A_1111 : vector<16xi1>, vector<16xf32>
        %add3A_1113 = arith.addf %add3A_982, %select_n3A_1112 : vector<16xf32>
        %eq3A_1114 = arith.constant 1 : i32
        %eq3A_1115 = vector.broadcast %eq3A_1114 : i32 to vector<16xi32>
        %eq3A_1116 = arith.cmpi eq, %get3A_1106, %eq3A_1115 : vector<16xi32>
        %jit3A_1117 = arith.constant 0.000000e+00 : f32
        %broadcast_in_dim3A_1118 = vector.broadcast %jit3A_1117 : f32 to vector<16xf32>
        %select_n3A_1119 = arith.select %eq3A_1116, %get3A_1100, %broadcast_in_dim3A_1118 : vector<16xi1>, vector<16xf32>
        %add3A_1120 = arith.addf %add3A_989, %select_n3A_1119 : vector<16xf32>
        %eq3A_1121 = arith.constant 2 : i32
        %eq3A_1122 = vector.broadcast %eq3A_1121 : i32 to vector<16xi32>
        %eq3A_1123 = arith.cmpi eq, %get3A_1106, %eq3A_1122 : vector<16xi32>
        %jit3A_1124 = arith.constant 0.000000e+00 : f32
        %broadcast_in_dim3A_1125 = vector.broadcast %jit3A_1124 : f32 to vector<16xf32>
        %select_n3A_1126 = arith.select %eq3A_1123, %get3A_1100, %broadcast_in_dim3A_1125 : vector<16xi1>, vector<16xf32>
        %add3A_1127 = arith.addf %add3A_996, %select_n3A_1126 : vector<16xf32>
        %eq3A_1128 = arith.constant 3 : i32
        %eq3A_1129 = vector.broadcast %eq3A_1128 : i32 to vector<16xi32>
        %eq3A_1130 = arith.cmpi eq, %get3A_1106, %eq3A_1129 : vector<16xi32>
        %jit3A_1131 = arith.constant 0.000000e+00 : f32
        %broadcast_in_dim3A_1132 = vector.broadcast %jit3A_1131 : f32 to vector<16xf32>
        %select_n3A_1133 = arith.select %eq3A_1130, %get3A_1100, %broadcast_in_dim3A_1132 : vector<16xi1>, vector<16xf32>
        %add3A_1134 = arith.addf %add3A_1003, %select_n3A_1133 : vector<16xf32>
        %eq3A_1135 = arith.constant 4 : i32
        %eq3A_1136 = vector.broadcast %eq3A_1135 : i32 to vector<16xi32>
        %eq3A_1137 = arith.cmpi eq, %get3A_1106, %eq3A_1136 : vector<16xi32>
        %jit3A_1138 = arith.constant 0.000000e+00 : f32
        %broadcast_in_dim3A_1139 = vector.broadcast %jit3A_1138 : f32 to vector<16xf32>
        %select_n3A_1140 = arith.select %eq3A_1137, %get3A_1100, %broadcast_in_dim3A_1139 : vector<16xi1>, vector<16xf32>
        %add3A_1141 = arith.addf %add3A_1010, %select_n3A_1140 : vector<16xf32>
        %eq3A_1142 = arith.constant 5 : i32
        %eq3A_1143 = vector.broadcast %eq3A_1142 : i32 to vector<16xi32>
        %eq3A_1144 = arith.cmpi eq, %get3A_1106, %eq3A_1143 : vector<16xi32>
        %jit3A_1145 = arith.constant 0.000000e+00 : f32
        %broadcast_in_dim3A_1146 = vector.broadcast %jit3A_1145 : f32 to vector<16xf32>
        %select_n3A_1147 = arith.select %eq3A_1144, %get3A_1100, %broadcast_in_dim3A_1146 : vector<16xi1>, vector<16xf32>
        %add3A_1148 = arith.addf %add3A_1017, %select_n3A_1147 : vector<16xf32>
        %eq3A_1149 = arith.constant 6 : i32
        %eq3A_1150 = vector.broadcast %eq3A_1149 : i32 to vector<16xi32>
        %eq3A_1151 = arith.cmpi eq, %get3A_1106, %eq3A_1150 : vector<16xi32>
        %jit3A_1152 = arith.constant 0.000000e+00 : f32
        %broadcast_in_dim3A_1153 = vector.broadcast %jit3A_1152 : f32 to vector<16xf32>
        %select_n3A_1154 = arith.select %eq3A_1151, %get3A_1100, %broadcast_in_dim3A_1153 : vector<16xi1>, vector<16xf32>
        %add3A_1155 = arith.addf %add3A_1024, %select_n3A_1154 : vector<16xf32>
        %eq3A_1156 = arith.constant 7 : i32
        %eq3A_1157 = vector.broadcast %eq3A_1156 : i32 to vector<16xi32>
        %eq3A_1158 = arith.cmpi eq, %get3A_1106, %eq3A_1157 : vector<16xi32>
        %jit3A_1159 = arith.constant 0.000000e+00 : f32
        %broadcast_in_dim3A_1160 = vector.broadcast %jit3A_1159 : f32 to vector<16xf32>
        %select_n3A_1161 = arith.select %eq3A_1158, %get3A_1100, %broadcast_in_dim3A_1160 : vector<16xi1>, vector<16xf32>
        %add3A_1162 = arith.addf %add3A_1031, %select_n3A_1161 : vector<16xf32>
        %eq3A_1163 = arith.constant 8 : i32
        %eq3A_1164 = vector.broadcast %eq3A_1163 : i32 to vector<16xi32>
        %eq3A_1165 = arith.cmpi eq, %get3A_1106, %eq3A_1164 : vector<16xi32>
        %jit3A_1166 = arith.constant 0.000000e+00 : f32
        %broadcast_in_dim3A_1167 = vector.broadcast %jit3A_1166 : f32 to vector<16xf32>
        %select_n3A_1168 = arith.select %eq3A_1165, %get3A_1100, %broadcast_in_dim3A_1167 : vector<16xi1>, vector<16xf32>
        %add3A_1169 = arith.addf %add3A_1038, %select_n3A_1168 : vector<16xf32>
        %eq3A_1170 = arith.constant 9 : i32
        %eq3A_1171 = vector.broadcast %eq3A_1170 : i32 to vector<16xi32>
        %eq3A_1172 = arith.cmpi eq, %get3A_1106, %eq3A_1171 : vector<16xi32>
        %jit3A_1173 = arith.constant 0.000000e+00 : f32
        %broadcast_in_dim3A_1174 = vector.broadcast %jit3A_1173 : f32 to vector<16xf32>
        %select_n3A_1175 = arith.select %eq3A_1172, %get3A_1100, %broadcast_in_dim3A_1174 : vector<16xi1>, vector<16xf32>
        %add3A_1176 = arith.addf %add3A_1045, %select_n3A_1175 : vector<16xf32>
        %eq3A_1177 = arith.constant 10 : i32
        %eq3A_1178 = vector.broadcast %eq3A_1177 : i32 to vector<16xi32>
        %eq3A_1179 = arith.cmpi eq, %get3A_1106, %eq3A_1178 : vector<16xi32>
        %jit3A_1180 = arith.constant 0.000000e+00 : f32
        %broadcast_in_dim3A_1181 = vector.broadcast %jit3A_1180 : f32 to vector<16xf32>
        %select_n3A_1182 = arith.select %eq3A_1179, %get3A_1100, %broadcast_in_dim3A_1181 : vector<16xi1>, vector<16xf32>
        %add3A_1183 = arith.addf %add3A_1052, %select_n3A_1182 : vector<16xf32>
        %eq3A_1184 = arith.constant 11 : i32
        %eq3A_1185 = vector.broadcast %eq3A_1184 : i32 to vector<16xi32>
        %eq3A_1186 = arith.cmpi eq, %get3A_1106, %eq3A_1185 : vector<16xi32>
        %jit3A_1187 = arith.constant 0.000000e+00 : f32
        %broadcast_in_dim3A_1188 = vector.broadcast %jit3A_1187 : f32 to vector<16xf32>
        %select_n3A_1189 = arith.select %eq3A_1186, %get3A_1100, %broadcast_in_dim3A_1188 : vector<16xi1>, vector<16xf32>
        %add3A_1190 = arith.addf %add3A_1059, %select_n3A_1189 : vector<16xf32>
        %eq3A_1191 = arith.constant 12 : i32
        %eq3A_1192 = vector.broadcast %eq3A_1191 : i32 to vector<16xi32>
        %eq3A_1193 = arith.cmpi eq, %get3A_1106, %eq3A_1192 : vector<16xi32>
        %jit3A_1194 = arith.constant 0.000000e+00 : f32
        %broadcast_in_dim3A_1195 = vector.broadcast %jit3A_1194 : f32 to vector<16xf32>
        %select_n3A_1196 = arith.select %eq3A_1193, %get3A_1100, %broadcast_in_dim3A_1195 : vector<16xi1>, vector<16xf32>
        %add3A_1197 = arith.addf %add3A_1066, %select_n3A_1196 : vector<16xf32>
        %eq3A_1198 = arith.constant 13 : i32
        %eq3A_1199 = vector.broadcast %eq3A_1198 : i32 to vector<16xi32>
        %eq3A_1200 = arith.cmpi eq, %get3A_1106, %eq3A_1199 : vector<16xi32>
        %jit3A_1201 = arith.constant 0.000000e+00 : f32
        %broadcast_in_dim3A_1202 = vector.broadcast %jit3A_1201 : f32 to vector<16xf32>
        %select_n3A_1203 = arith.select %eq3A_1200, %get3A_1100, %broadcast_in_dim3A_1202 : vector<16xi1>, vector<16xf32>
        %add3A_1204 = arith.addf %add3A_1073, %select_n3A_1203 : vector<16xf32>
        %eq3A_1205 = arith.constant 14 : i32
        %eq3A_1206 = vector.broadcast %eq3A_1205 : i32 to vector<16xi32>
        %eq3A_1207 = arith.cmpi eq, %get3A_1106, %eq3A_1206 : vector<16xi32>
        %jit3A_1208 = arith.constant 0.000000e+00 : f32
        %broadcast_in_dim3A_1209 = vector.broadcast %jit3A_1208 : f32 to vector<16xf32>
        %select_n3A_1210 = arith.select %eq3A_1207, %get3A_1100, %broadcast_in_dim3A_1209 : vector<16xi1>, vector<16xf32>
        %add3A_1211 = arith.addf %add3A_1080, %select_n3A_1210 : vector<16xf32>
        %eq3A_1212 = arith.constant 15 : i32
        %eq3A_1213 = vector.broadcast %eq3A_1212 : i32 to vector<16xi32>
        %eq3A_1214 = arith.cmpi eq, %get3A_1106, %eq3A_1213 : vector<16xi32>
        %jit3A_1215 = arith.constant 0.000000e+00 : f32
        %broadcast_in_dim3A_1216 = vector.broadcast %jit3A_1215 : f32 to vector<16xf32>
        %select_n3A_1217 = arith.select %eq3A_1214, %get3A_1100, %broadcast_in_dim3A_1216 : vector<16xi1>, vector<16xf32>
        %add3A_1218 = arith.addf %add3A_1087, %select_n3A_1217 : vector<16xf32>
        %eq3A_1219 = arith.constant 16 : i32
        %eq3A_1220 = vector.broadcast %eq3A_1219 : i32 to vector<16xi32>
        %eq3A_1221 = arith.cmpi eq, %get3A_1106, %eq3A_1220 : vector<16xi32>
        %jit3A_1222 = arith.constant 0.000000e+00 : f32
        %broadcast_in_dim3A_1223 = vector.broadcast %jit3A_1222 : f32 to vector<16xf32>
        %select_n3A_1224 = arith.select %eq3A_1221, %get3A_1100, %broadcast_in_dim3A_1223 : vector<16xi1>, vector<16xf32>
        %add3A_1225 = arith.addf %add3A_1094, %select_n3A_1224 : vector<16xf32>
        %add3A_1226 = arith.constant 8 : i32
        %add3A_1227 = arith.addi %mul3A_178, %add3A_1226 : i32
        %get3A_1228 = arith.index_cast %add3A_1227 : i32 to index
        %get3A_1229 = arith.index_cast %multiple_of3A : i32 to index
        %get3A_1230 = tpu.vector_load %arg5[%get3A_1228, %get3A_1229] {strides = array<i32>} : memref<256x128xf32, #tpu.memory_space<vmem>>, vector<1x16xf32>,
        %get3A_1231 = vector.shape_cast %get3A_1230 : vector<1x16xf32> to vector<16xf32>
        %add3A_1232 = arith.constant 8 : i32
        %add3A_1233 = arith.addi %mul3A_178, %add3A_1232 : i32
        %get3A_1234 = arith.index_cast %add3A_1233 : i32 to index
        %get3A_1235 = arith.index_cast %multiple_of3A : i32 to index
        %get3A_1236 = tpu.vector_load %arg6[%get3A_1234, %get3A_1235] {strides = array<i32>} : memref<256x128xi32, #tpu.memory_space<vmem>>, vector<1x16xi32>,
        %get3A_1237 = vector.shape_cast %get3A_1236 : vector<1x16xi32> to vector<16xi32>
        %eq3A_1238 = arith.constant 0 : i32
        %eq3A_1239 = vector.broadcast %eq3A_1238 : i32 to vector<16xi32>
        %eq3A_1240 = arith.cmpi eq, %get3A_1237, %eq3A_1239 : vector<16xi32>
        %jit3A_1241 = arith.constant 0.000000e+00 : f32
        %broadcast_in_dim3A_1242 = vector.broadcast %jit3A_1241 : f32 to vector<16xf32>
        %select_n3A_1243 = arith.select %eq3A_1240, %get3A_1231, %broadcast_in_dim3A_1242 : vector<16xi1>, vector<16xf32>
        %add3A_1244 = arith.addf %add3A_1113, %select_n3A_1243 : vector<16xf32>
        %eq3A_1245 = arith.constant 1 : i32
        %eq3A_1246 = vector.broadcast %eq3A_1245 : i32 to vector<16xi32>
        %eq3A_1247 = arith.cmpi eq, %get3A_1237, %eq3A_1246 : vector<16xi32>
        %jit3A_1248 = arith.constant 0.000000e+00 : f32
        %broadcast_in_dim3A_1249 = vector.broadcast %jit3A_1248 : f32 to vector<16xf32>
        %select_n3A_1250 = arith.select %eq3A_1247, %get3A_1231, %broadcast_in_dim3A_1249 : vector<16xi1>, vector<16xf32>
        %add3A_1251 = arith.addf %add3A_1120, %select_n3A_1250 : vector<16xf32>
        %eq3A_1252 = arith.constant 2 : i32
        %eq3A_1253 = vector.broadcast %eq3A_1252 : i32 to vector<16xi32>
        %eq3A_1254 = arith.cmpi eq, %get3A_1237, %eq3A_1253 : vector<16xi32>
        %jit3A_1255 = arith.constant 0.000000e+00 : f32
        %broadcast_in_dim3A_1256 = vector.broadcast %jit3A_1255 : f32 to vector<16xf32>
        %select_n3A_1257 = arith.select %eq3A_1254, %get3A_1231, %broadcast_in_dim3A_1256 : vector<16xi1>, vector<16xf32>
        %add3A_1258 = arith.addf %add3A_1127, %select_n3A_1257 : vector<16xf32>
        %eq3A_1259 = arith.constant 3 : i32
        %eq3A_1260 = vector.broadcast %eq3A_1259 : i32 to vector<16xi32>
        %eq3A_1261 = arith.cmpi eq, %get3A_1237, %eq3A_1260 : vector<16xi32>
        %jit3A_1262 = arith.constant 0.000000e+00 : f32
        %broadcast_in_dim3A_1263 = vector.broadcast %jit3A_1262 : f32 to vector<16xf32>
        %select_n3A_1264 = arith.select %eq3A_1261, %get3A_1231, %broadcast_in_dim3A_1263 : vector<16xi1>, vector<16xf32>
        %add3A_1265 = arith.addf %add3A_1134, %select_n3A_1264 : vector<16xf32>
        %eq3A_1266 = arith.constant 4 : i32
        %eq3A_1267 = vector.broadcast %eq3A_1266 : i32 to vector<16xi32>
        %eq3A_1268 = arith.cmpi eq, %get3A_1237, %eq3A_1267 : vector<16xi32>
        %jit3A_1269 = arith.constant 0.000000e+00 : f32
        %broadcast_in_dim3A_1270 = vector.broadcast %jit3A_1269 : f32 to vector<16xf32>
        %select_n3A_1271 = arith.select %eq3A_1268, %get3A_1231, %broadcast_in_dim3A_1270 : vector<16xi1>, vector<16xf32>
        %add3A_1272 = arith.addf %add3A_1141, %select_n3A_1271 : vector<16xf32>
        %eq3A_1273 = arith.constant 5 : i32
        %eq3A_1274 = vector.broadcast %eq3A_1273 : i32 to vector<16xi32>
        %eq3A_1275 = arith.cmpi eq, %get3A_1237, %eq3A_1274 : vector<16xi32>
        %jit3A_1276 = arith.constant 0.000000e+00 : f32
        %broadcast_in_dim3A_1277 = vector.broadcast %jit3A_1276 : f32 to vector<16xf32>
        %select_n3A_1278 = arith.select %eq3A_1275, %get3A_1231, %broadcast_in_dim3A_1277 : vector<16xi1>, vector<16xf32>
        %add3A_1279 = arith.addf %add3A_1148, %select_n3A_1278 : vector<16xf32>
        %eq3A_1280 = arith.constant 6 : i32
        %eq3A_1281 = vector.broadcast %eq3A_1280 : i32 to vector<16xi32>
        %eq3A_1282 = arith.cmpi eq, %get3A_1237, %eq3A_1281 : vector<16xi32>
        %jit3A_1283 = arith.constant 0.000000e+00 : f32
        %broadcast_in_dim3A_1284 = vector.broadcast %jit3A_1283 : f32 to vector<16xf32>
        %select_n3A_1285 = arith.select %eq3A_1282, %get3A_1231, %broadcast_in_dim3A_1284 : vector<16xi1>, vector<16xf32>
        %add3A_1286 = arith.addf %add3A_1155, %select_n3A_1285 : vector<16xf32>
        %eq3A_1287 = arith.constant 7 : i32
        %eq3A_1288 = vector.broadcast %eq3A_1287 : i32 to vector<16xi32>
        %eq3A_1289 = arith.cmpi eq, %get3A_1237, %eq3A_1288 : vector<16xi32>
        %jit3A_1290 = arith.constant 0.000000e+00 : f32
        %broadcast_in_dim3A_1291 = vector.broadcast %jit3A_1290 : f32 to vector<16xf32>
        %select_n3A_1292 = arith.select %eq3A_1289, %get3A_1231, %broadcast_in_dim3A_1291 : vector<16xi1>, vector<16xf32>
        %add3A_1293 = arith.addf %add3A_1162, %select_n3A_1292 : vector<16xf32>
        %eq3A_1294 = arith.constant 8 : i32
        %eq3A_1295 = vector.broadcast %eq3A_1294 : i32 to vector<16xi32>
        %eq3A_1296 = arith.cmpi eq, %get3A_1237, %eq3A_1295 : vector<16xi32>
        %jit3A_1297 = arith.constant 0.000000e+00 : f32
        %broadcast_in_dim3A_1298 = vector.broadcast %jit3A_1297 : f32 to vector<16xf32>
        %select_n3A_1299 = arith.select %eq3A_1296, %get3A_1231, %broadcast_in_dim3A_1298 : vector<16xi1>, vector<16xf32>
        %add3A_1300 = arith.addf %add3A_1169, %select_n3A_1299 : vector<16xf32>
        %eq3A_1301 = arith.constant 9 : i32
        %eq3A_1302 = vector.broadcast %eq3A_1301 : i32 to vector<16xi32>
        %eq3A_1303 = arith.cmpi eq, %get3A_1237, %eq3A_1302 : vector<16xi32>
        %jit3A_1304 = arith.constant 0.000000e+00 : f32
        %broadcast_in_dim3A_1305 = vector.broadcast %jit3A_1304 : f32 to vector<16xf32>
        %select_n3A_1306 = arith.select %eq3A_1303, %get3A_1231, %broadcast_in_dim3A_1305 : vector<16xi1>, vector<16xf32>
        %add3A_1307 = arith.addf %add3A_1176, %select_n3A_1306 : vector<16xf32>
        %eq3A_1308 = arith.constant 10 : i32
        %eq3A_1309 = vector.broadcast %eq3A_1308 : i32 to vector<16xi32>
        %eq3A_1310 = arith.cmpi eq, %get3A_1237, %eq3A_1309 : vector<16xi32>
        %jit3A_1311 = arith.constant 0.000000e+00 : f32
        %broadcast_in_dim3A_1312 = vector.broadcast %jit3A_1311 : f32 to vector<16xf32>
        %select_n3A_1313 = arith.select %eq3A_1310, %get3A_1231, %broadcast_in_dim3A_1312 : vector<16xi1>, vector<16xf32>
        %add3A_1314 = arith.addf %add3A_1183, %select_n3A_1313 : vector<16xf32>
        %eq3A_1315 = arith.constant 11 : i32
        %eq3A_1316 = vector.broadcast %eq3A_1315 : i32 to vector<16xi32>
        %eq3A_1317 = arith.cmpi eq, %get3A_1237, %eq3A_1316 : vector<16xi32>
        %jit3A_1318 = arith.constant 0.000000e+00 : f32
        %broadcast_in_dim3A_1319 = vector.broadcast %jit3A_1318 : f32 to vector<16xf32>
        %select_n3A_1320 = arith.select %eq3A_1317, %get3A_1231, %broadcast_in_dim3A_1319 : vector<16xi1>, vector<16xf32>
        %add3A_1321 = arith.addf %add3A_1190, %select_n3A_1320 : vector<16xf32>
        %eq3A_1322 = arith.constant 12 : i32
        %eq3A_1323 = vector.broadcast %eq3A_1322 : i32 to vector<16xi32>
        %eq3A_1324 = arith.cmpi eq, %get3A_1237, %eq3A_1323 : vector<16xi32>
        %jit3A_1325 = arith.constant 0.000000e+00 : f32
        %broadcast_in_dim3A_1326 = vector.broadcast %jit3A_1325 : f32 to vector<16xf32>
        %select_n3A_1327 = arith.select %eq3A_1324, %get3A_1231, %broadcast_in_dim3A_1326 : vector<16xi1>, vector<16xf32>
        %add3A_1328 = arith.addf %add3A_1197, %select_n3A_1327 : vector<16xf32>
        %eq3A_1329 = arith.constant 13 : i32
        %eq3A_1330 = vector.broadcast %eq3A_1329 : i32 to vector<16xi32>
        %eq3A_1331 = arith.cmpi eq, %get3A_1237, %eq3A_1330 : vector<16xi32>
        %jit3A_1332 = arith.constant 0.000000e+00 : f32
        %broadcast_in_dim3A_1333 = vector.broadcast %jit3A_1332 : f32 to vector<16xf32>
        %select_n3A_1334 = arith.select %eq3A_1331, %get3A_1231, %broadcast_in_dim3A_1333 : vector<16xi1>, vector<16xf32>
        %add3A_1335 = arith.addf %add3A_1204, %select_n3A_1334 : vector<16xf32>
        %eq3A_1336 = arith.constant 14 : i32
        %eq3A_1337 = vector.broadcast %eq3A_1336 : i32 to vector<16xi32>
        %eq3A_1338 = arith.cmpi eq, %get3A_1237, %eq3A_1337 : vector<16xi32>
        %jit3A_1339 = arith.constant 0.000000e+00 : f32
        %broadcast_in_dim3A_1340 = vector.broadcast %jit3A_1339 : f32 to vector<16xf32>
        %select_n3A_1341 = arith.select %eq3A_1338, %get3A_1231, %broadcast_in_dim3A_1340 : vector<16xi1>, vector<16xf32>
        %add3A_1342 = arith.addf %add3A_1211, %select_n3A_1341 : vector<16xf32>
        %eq3A_1343 = arith.constant 15 : i32
        %eq3A_1344 = vector.broadcast %eq3A_1343 : i32 to vector<16xi32>
        %eq3A_1345 = arith.cmpi eq, %get3A_1237, %eq3A_1344 : vector<16xi32>
        %jit3A_1346 = arith.constant 0.000000e+00 : f32
        %broadcast_in_dim3A_1347 = vector.broadcast %jit3A_1346 : f32 to vector<16xf32>
        %select_n3A_1348 = arith.select %eq3A_1345, %get3A_1231, %broadcast_in_dim3A_1347 : vector<16xi1>, vector<16xf32>
        %add3A_1349 = arith.addf %add3A_1218, %select_n3A_1348 : vector<16xf32>
        %eq3A_1350 = arith.constant 16 : i32
        %eq3A_1351 = vector.broadcast %eq3A_1350 : i32 to vector<16xi32>
        %eq3A_1352 = arith.cmpi eq, %get3A_1237, %eq3A_1351 : vector<16xi32>
        %jit3A_1353 = arith.constant 0.000000e+00 : f32
        %broadcast_in_dim3A_1354 = vector.broadcast %jit3A_1353 : f32 to vector<16xf32>
        %select_n3A_1355 = arith.select %eq3A_1352, %get3A_1231, %broadcast_in_dim3A_1354 : vector<16xi1>, vector<16xf32>
        %add3A_1356 = arith.addf %add3A_1225, %select_n3A_1355 : vector<16xf32>
        %add3A_1357 = arith.constant 9 : i32
        %add3A_1358 = arith.addi %mul3A_178, %add3A_1357 : i32
        %get3A_1359 = arith.index_cast %add3A_1358 : i32 to index
        %get3A_1360 = arith.index_cast %multiple_of3A : i32 to index
        %get3A_1361 = tpu.vector_load %arg5[%get3A_1359, %get3A_1360] {strides = array<i32>} : memref<256x128xf32, #tpu.memory_space<vmem>>, vector<1x16xf32>,
        %get3A_1362 = vector.shape_cast %get3A_1361 : vector<1x16xf32> to vector<16xf32>
        %add3A_1363 = arith.constant 9 : i32
        %add3A_1364 = arith.addi %mul3A_178, %add3A_1363 : i32
        %get3A_1365 = arith.index_cast %add3A_1364 : i32 to index
        %get3A_1366 = arith.index_cast %multiple_of3A : i32 to index
        %get3A_1367 = tpu.vector_load %arg6[%get3A_1365, %get3A_1366] {strides = array<i32>} : memref<256x128xi32, #tpu.memory_space<vmem>>, vector<1x16xi32>,
        %get3A_1368 = vector.shape_cast %get3A_1367 : vector<1x16xi32> to vector<16xi32>
        %eq3A_1369 = arith.constant 0 : i32
        %eq3A_1370 = vector.broadcast %eq3A_1369 : i32 to vector<16xi32>
        %eq3A_1371 = arith.cmpi eq, %get3A_1368, %eq3A_1370 : vector<16xi32>
        %jit3A_1372 = arith.constant 0.000000e+00 : f32
        %broadcast_in_dim3A_1373 = vector.broadcast %jit3A_1372 : f32 to vector<16xf32>
        %select_n3A_1374 = arith.select %eq3A_1371, %get3A_1362, %broadcast_in_dim3A_1373 : vector<16xi1>, vector<16xf32>
        %add3A_1375 = arith.addf %add3A_1244, %select_n3A_1374 : vector<16xf32>
        %eq3A_1376 = arith.constant 1 : i32
        %eq3A_1377 = vector.broadcast %eq3A_1376 : i32 to vector<16xi32>
        %eq3A_1378 = arith.cmpi eq, %get3A_1368, %eq3A_1377 : vector<16xi32>
        %jit3A_1379 = arith.constant 0.000000e+00 : f32
        %broadcast_in_dim3A_1380 = vector.broadcast %jit3A_1379 : f32 to vector<16xf32>
        %select_n3A_1381 = arith.select %eq3A_1378, %get3A_1362, %broadcast_in_dim3A_1380 : vector<16xi1>, vector<16xf32>
        %add3A_1382 = arith.addf %add3A_1251, %select_n3A_1381 : vector<16xf32>
        %eq3A_1383 = arith.constant 2 : i32
        %eq3A_1384 = vector.broadcast %eq3A_1383 : i32 to vector<16xi32>
        %eq3A_1385 = arith.cmpi eq, %get3A_1368, %eq3A_1384 : vector<16xi32>
        %jit3A_1386 = arith.constant 0.000000e+00 : f32
        %broadcast_in_dim3A_1387 = vector.broadcast %jit3A_1386 : f32 to vector<16xf32>
        %select_n3A_1388 = arith.select %eq3A_1385, %get3A_1362, %broadcast_in_dim3A_1387 : vector<16xi1>, vector<16xf32>
        %add3A_1389 = arith.addf %add3A_1258, %select_n3A_1388 : vector<16xf32>
        %eq3A_1390 = arith.constant 3 : i32
        %eq3A_1391 = vector.broadcast %eq3A_1390 : i32 to vector<16xi32>
        %eq3A_1392 = arith.cmpi eq, %get3A_1368, %eq3A_1391 : vector<16xi32>
        %jit3A_1393 = arith.constant 0.000000e+00 : f32
        %broadcast_in_dim3A_1394 = vector.broadcast %jit3A_1393 : f32 to vector<16xf32>
        %select_n3A_1395 = arith.select %eq3A_1392, %get3A_1362, %broadcast_in_dim3A_1394 : vector<16xi1>, vector<16xf32>
        %add3A_1396 = arith.addf %add3A_1265, %select_n3A_1395 : vector<16xf32>
        %eq3A_1397 = arith.constant 4 : i32
        %eq3A_1398 = vector.broadcast %eq3A_1397 : i32 to vector<16xi32>
        %eq3A_1399 = arith.cmpi eq, %get3A_1368, %eq3A_1398 : vector<16xi32>
        %jit3A_1400 = arith.constant 0.000000e+00 : f32
        %broadcast_in_dim3A_1401 = vector.broadcast %jit3A_1400 : f32 to vector<16xf32>
        %select_n3A_1402 = arith.select %eq3A_1399, %get3A_1362, %broadcast_in_dim3A_1401 : vector<16xi1>, vector<16xf32>
        %add3A_1403 = arith.addf %add3A_1272, %select_n3A_1402 : vector<16xf32>
        %eq3A_1404 = arith.constant 5 : i32
        %eq3A_1405 = vector.broadcast %eq3A_1404 : i32 to vector<16xi32>
        %eq3A_1406 = arith.cmpi eq, %get3A_1368, %eq3A_1405 : vector<16xi32>
        %jit3A_1407 = arith.constant 0.000000e+00 : f32
        %broadcast_in_dim3A_1408 = vector.broadcast %jit3A_1407 : f32 to vector<16xf32>
        %select_n3A_1409 = arith.select %eq3A_1406, %get3A_1362, %broadcast_in_dim3A_1408 : vector<16xi1>, vector<16xf32>
        %add3A_1410 = arith.addf %add3A_1279, %select_n3A_1409 : vector<16xf32>
        %eq3A_1411 = arith.constant 6 : i32
        %eq3A_1412 = vector.broadcast %eq3A_1411 : i32 to vector<16xi32>
        %eq3A_1413 = arith.cmpi eq, %get3A_1368, %eq3A_1412 : vector<16xi32>
        %jit3A_1414 = arith.constant 0.000000e+00 : f32
        %broadcast_in_dim3A_1415 = vector.broadcast %jit3A_1414 : f32 to vector<16xf32>
        %select_n3A_1416 = arith.select %eq3A_1413, %get3A_1362, %broadcast_in_dim3A_1415 : vector<16xi1>, vector<16xf32>
        %add3A_1417 = arith.addf %add3A_1286, %select_n3A_1416 : vector<16xf32>
        %eq3A_1418 = arith.constant 7 : i32
        %eq3A_1419 = vector.broadcast %eq3A_1418 : i32 to vector<16xi32>
        %eq3A_1420 = arith.cmpi eq, %get3A_1368, %eq3A_1419 : vector<16xi32>
        %jit3A_1421 = arith.constant 0.000000e+00 : f32
        %broadcast_in_dim3A_1422 = vector.broadcast %jit3A_1421 : f32 to vector<16xf32>
        %select_n3A_1423 = arith.select %eq3A_1420, %get3A_1362, %broadcast_in_dim3A_1422 : vector<16xi1>, vector<16xf32>
        %add3A_1424 = arith.addf %add3A_1293, %select_n3A_1423 : vector<16xf32>
        %eq3A_1425 = arith.constant 8 : i32
        %eq3A_1426 = vector.broadcast %eq3A_1425 : i32 to vector<16xi32>
        %eq3A_1427 = arith.cmpi eq, %get3A_1368, %eq3A_1426 : vector<16xi32>
        %jit3A_1428 = arith.constant 0.000000e+00 : f32
        %broadcast_in_dim3A_1429 = vector.broadcast %jit3A_1428 : f32 to vector<16xf32>
        %select_n3A_1430 = arith.select %eq3A_1427, %get3A_1362, %broadcast_in_dim3A_1429 : vector<16xi1>, vector<16xf32>
        %add3A_1431 = arith.addf %add3A_1300, %select_n3A_1430 : vector<16xf32>
        %eq3A_1432 = arith.constant 9 : i32
        %eq3A_1433 = vector.broadcast %eq3A_1432 : i32 to vector<16xi32>
        %eq3A_1434 = arith.cmpi eq, %get3A_1368, %eq3A_1433 : vector<16xi32>
        %jit3A_1435 = arith.constant 0.000000e+00 : f32
        %broadcast_in_dim3A_1436 = vector.broadcast %jit3A_1435 : f32 to vector<16xf32>
        %select_n3A_1437 = arith.select %eq3A_1434, %get3A_1362, %broadcast_in_dim3A_1436 : vector<16xi1>, vector<16xf32>
        %add3A_1438 = arith.addf %add3A_1307, %select_n3A_1437 : vector<16xf32>
        %eq3A_1439 = arith.constant 10 : i32
        %eq3A_1440 = vector.broadcast %eq3A_1439 : i32 to vector<16xi32>
        %eq3A_1441 = arith.cmpi eq, %get3A_1368, %eq3A_1440 : vector<16xi32>
        %jit3A_1442 = arith.constant 0.000000e+00 : f32
        %broadcast_in_dim3A_1443 = vector.broadcast %jit3A_1442 : f32 to vector<16xf32>
        %select_n3A_1444 = arith.select %eq3A_1441, %get3A_1362, %broadcast_in_dim3A_1443 : vector<16xi1>, vector<16xf32>
        %add3A_1445 = arith.addf %add3A_1314, %select_n3A_1444 : vector<16xf32>
        %eq3A_1446 = arith.constant 11 : i32
        %eq3A_1447 = vector.broadcast %eq3A_1446 : i32 to vector<16xi32>
        %eq3A_1448 = arith.cmpi eq, %get3A_1368, %eq3A_1447 : vector<16xi32>
        %jit3A_1449 = arith.constant 0.000000e+00 : f32
        %broadcast_in_dim3A_1450 = vector.broadcast %jit3A_1449 : f32 to vector<16xf32>
        %select_n3A_1451 = arith.select %eq3A_1448, %get3A_1362, %broadcast_in_dim3A_1450 : vector<16xi1>, vector<16xf32>
        %add3A_1452 = arith.addf %add3A_1321, %select_n3A_1451 : vector<16xf32>
        %eq3A_1453 = arith.constant 12 : i32
        %eq3A_1454 = vector.broadcast %eq3A_1453 : i32 to vector<16xi32>
        %eq3A_1455 = arith.cmpi eq, %get3A_1368, %eq3A_1454 : vector<16xi32>
        %jit3A_1456 = arith.constant 0.000000e+00 : f32
        %broadcast_in_dim3A_1457 = vector.broadcast %jit3A_1456 : f32 to vector<16xf32>
        %select_n3A_1458 = arith.select %eq3A_1455, %get3A_1362, %broadcast_in_dim3A_1457 : vector<16xi1>, vector<16xf32>
        %add3A_1459 = arith.addf %add3A_1328, %select_n3A_1458 : vector<16xf32>
        %eq3A_1460 = arith.constant 13 : i32
        %eq3A_1461 = vector.broadcast %eq3A_1460 : i32 to vector<16xi32>
        %eq3A_1462 = arith.cmpi eq, %get3A_1368, %eq3A_1461 : vector<16xi32>
        %jit3A_1463 = arith.constant 0.000000e+00 : f32
        %broadcast_in_dim3A_1464 = vector.broadcast %jit3A_1463 : f32 to vector<16xf32>
        %select_n3A_1465 = arith.select %eq3A_1462, %get3A_1362, %broadcast_in_dim3A_1464 : vector<16xi1>, vector<16xf32>
        %add3A_1466 = arith.addf %add3A_1335, %select_n3A_1465 : vector<16xf32>
        %eq3A_1467 = arith.constant 14 : i32
        %eq3A_1468 = vector.broadcast %eq3A_1467 : i32 to vector<16xi32>
        %eq3A_1469 = arith.cmpi eq, %get3A_1368, %eq3A_1468 : vector<16xi32>
        %jit3A_1470 = arith.constant 0.000000e+00 : f32
        %broadcast_in_dim3A_1471 = vector.broadcast %jit3A_1470 : f32 to vector<16xf32>
        %select_n3A_1472 = arith.select %eq3A_1469, %get3A_1362, %broadcast_in_dim3A_1471 : vector<16xi1>, vector<16xf32>
        %add3A_1473 = arith.addf %add3A_1342, %select_n3A_1472 : vector<16xf32>
        %eq3A_1474 = arith.constant 15 : i32
        %eq3A_1475 = vector.broadcast %eq3A_1474 : i32 to vector<16xi32>
        %eq3A_1476 = arith.cmpi eq, %get3A_1368, %eq3A_1475 : vector<16xi32>
        %jit3A_1477 = arith.constant 0.000000e+00 : f32
        %broadcast_in_dim3A_1478 = vector.broadcast %jit3A_1477 : f32 to vector<16xf32>
        %select_n3A_1479 = arith.select %eq3A_1476, %get3A_1362, %broadcast_in_dim3A_1478 : vector<16xi1>, vector<16xf32>
        %add3A_1480 = arith.addf %add3A_1349, %select_n3A_1479 : vector<16xf32>
        %eq3A_1481 = arith.constant 16 : i32
        %eq3A_1482 = vector.broadcast %eq3A_1481 : i32 to vector<16xi32>
        %eq3A_1483 = arith.cmpi eq, %get3A_1368, %eq3A_1482 : vector<16xi32>
        %jit3A_1484 = arith.constant 0.000000e+00 : f32
        %broadcast_in_dim3A_1485 = vector.broadcast %jit3A_1484 : f32 to vector<16xf32>
        %select_n3A_1486 = arith.select %eq3A_1483, %get3A_1362, %broadcast_in_dim3A_1485 : vector<16xi1>, vector<16xf32>
        %add3A_1487 = arith.addf %add3A_1356, %select_n3A_1486 : vector<16xf32>
        %add3A_1488 = arith.constant 10 : i32
        %add3A_1489 = arith.addi %mul3A_178, %add3A_1488 : i32
        %get3A_1490 = arith.index_cast %add3A_1489 : i32 to index
        %get3A_1491 = arith.index_cast %multiple_of3A : i32 to index
        %get3A_1492 = tpu.vector_load %arg5[%get3A_1490, %get3A_1491] {strides = array<i32>} : memref<256x128xf32, #tpu.memory_space<vmem>>, vector<1x16xf32>,
        %get3A_1493 = vector.shape_cast %get3A_1492 : vector<1x16xf32> to vector<16xf32>
        %add3A_1494 = arith.constant 10 : i32
        %add3A_1495 = arith.addi %mul3A_178, %add3A_1494 : i32
        %get3A_1496 = arith.index_cast %add3A_1495 : i32 to index
        %get3A_1497 = arith.index_cast %multiple_of3A : i32 to index
        %get3A_1498 = tpu.vector_load %arg6[%get3A_1496, %get3A_1497] {strides = array<i32>} : memref<256x128xi32, #tpu.memory_space<vmem>>, vector<1x16xi32>,
        %get3A_1499 = vector.shape_cast %get3A_1498 : vector<1x16xi32> to vector<16xi32>
        %eq3A_1500 = arith.constant 0 : i32
        %eq3A_1501 = vector.broadcast %eq3A_1500 : i32 to vector<16xi32>
        %eq3A_1502 = arith.cmpi eq, %get3A_1499, %eq3A_1501 : vector<16xi32>
        %jit3A_1503 = arith.constant 0.000000e+00 : f32
        %broadcast_in_dim3A_1504 = vector.broadcast %jit3A_1503 : f32 to vector<16xf32>
        %select_n3A_1505 = arith.select %eq3A_1502, %get3A_1493, %broadcast_in_dim3A_1504 : vector<16xi1>, vector<16xf32>
        %add3A_1506 = arith.addf %add3A_1375, %select_n3A_1505 : vector<16xf32>
        %eq3A_1507 = arith.constant 1 : i32
        %eq3A_1508 = vector.broadcast %eq3A_1507 : i32 to vector<16xi32>
        %eq3A_1509 = arith.cmpi eq, %get3A_1499, %eq3A_1508 : vector<16xi32>
        %jit3A_1510 = arith.constant 0.000000e+00 : f32
        %broadcast_in_dim3A_1511 = vector.broadcast %jit3A_1510 : f32 to vector<16xf32>
        %select_n3A_1512 = arith.select %eq3A_1509, %get3A_1493, %broadcast_in_dim3A_1511 : vector<16xi1>, vector<16xf32>
        %add3A_1513 = arith.addf %add3A_1382, %select_n3A_1512 : vector<16xf32>
        %eq3A_1514 = arith.constant 2 : i32
        %eq3A_1515 = vector.broadcast %eq3A_1514 : i32 to vector<16xi32>
        %eq3A_1516 = arith.cmpi eq, %get3A_1499, %eq3A_1515 : vector<16xi32>
        %jit3A_1517 = arith.constant 0.000000e+00 : f32
        %broadcast_in_dim3A_1518 = vector.broadcast %jit3A_1517 : f32 to vector<16xf32>
        %select_n3A_1519 = arith.select %eq3A_1516, %get3A_1493, %broadcast_in_dim3A_1518 : vector<16xi1>, vector<16xf32>
        %add3A_1520 = arith.addf %add3A_1389, %select_n3A_1519 : vector<16xf32>
        %eq3A_1521 = arith.constant 3 : i32
        %eq3A_1522 = vector.broadcast %eq3A_1521 : i32 to vector<16xi32>
        %eq3A_1523 = arith.cmpi eq, %get3A_1499, %eq3A_1522 : vector<16xi32>
        %jit3A_1524 = arith.constant 0.000000e+00 : f32
        %broadcast_in_dim3A_1525 = vector.broadcast %jit3A_1524 : f32 to vector<16xf32>
        %select_n3A_1526 = arith.select %eq3A_1523, %get3A_1493, %broadcast_in_dim3A_1525 : vector<16xi1>, vector<16xf32>
        %add3A_1527 = arith.addf %add3A_1396, %select_n3A_1526 : vector<16xf32>
        %eq3A_1528 = arith.constant 4 : i32
        %eq3A_1529 = vector.broadcast %eq3A_1528 : i32 to vector<16xi32>
        %eq3A_1530 = arith.cmpi eq, %get3A_1499, %eq3A_1529 : vector<16xi32>
        %jit3A_1531 = arith.constant 0.000000e+00 : f32
        %broadcast_in_dim3A_1532 = vector.broadcast %jit3A_1531 : f32 to vector<16xf32>
        %select_n3A_1533 = arith.select %eq3A_1530, %get3A_1493, %broadcast_in_dim3A_1532 : vector<16xi1>, vector<16xf32>
        %add3A_1534 = arith.addf %add3A_1403, %select_n3A_1533 : vector<16xf32>
        %eq3A_1535 = arith.constant 5 : i32
        %eq3A_1536 = vector.broadcast %eq3A_1535 : i32 to vector<16xi32>
        %eq3A_1537 = arith.cmpi eq, %get3A_1499, %eq3A_1536 : vector<16xi32>
        %jit3A_1538 = arith.constant 0.000000e+00 : f32
        %broadcast_in_dim3A_1539 = vector.broadcast %jit3A_1538 : f32 to vector<16xf32>
        %select_n3A_1540 = arith.select %eq3A_1537, %get3A_1493, %broadcast_in_dim3A_1539 : vector<16xi1>, vector<16xf32>
        %add3A_1541 = arith.addf %add3A_1410, %select_n3A_1540 : vector<16xf32>
        %eq3A_1542 = arith.constant 6 : i32
        %eq3A_1543 = vector.broadcast %eq3A_1542 : i32 to vector<16xi32>
        %eq3A_1544 = arith.cmpi eq, %get3A_1499, %eq3A_1543 : vector<16xi32>
        %jit3A_1545 = arith.constant 0.000000e+00 : f32
        %broadcast_in_dim3A_1546 = vector.broadcast %jit3A_1545 : f32 to vector<16xf32>
        %select_n3A_1547 = arith.select %eq3A_1544, %get3A_1493, %broadcast_in_dim3A_1546 : vector<16xi1>, vector<16xf32>
        %add3A_1548 = arith.addf %add3A_1417, %select_n3A_1547 : vector<16xf32>
        %eq3A_1549 = arith.constant 7 : i32
        %eq3A_1550 = vector.broadcast %eq3A_1549 : i32 to vector<16xi32>
        %eq3A_1551 = arith.cmpi eq, %get3A_1499, %eq3A_1550 : vector<16xi32>
        %jit3A_1552 = arith.constant 0.000000e+00 : f32
        %broadcast_in_dim3A_1553 = vector.broadcast %jit3A_1552 : f32 to vector<16xf32>
        %select_n3A_1554 = arith.select %eq3A_1551, %get3A_1493, %broadcast_in_dim3A_1553 : vector<16xi1>, vector<16xf32>
        %add3A_1555 = arith.addf %add3A_1424, %select_n3A_1554 : vector<16xf32>
        %eq3A_1556 = arith.constant 8 : i32
        %eq3A_1557 = vector.broadcast %eq3A_1556 : i32 to vector<16xi32>
        %eq3A_1558 = arith.cmpi eq, %get3A_1499, %eq3A_1557 : vector<16xi32>
        %jit3A_1559 = arith.constant 0.000000e+00 : f32
        %broadcast_in_dim3A_1560 = vector.broadcast %jit3A_1559 : f32 to vector<16xf32>
        %select_n3A_1561 = arith.select %eq3A_1558, %get3A_1493, %broadcast_in_dim3A_1560 : vector<16xi1>, vector<16xf32>
        %add3A_1562 = arith.addf %add3A_1431, %select_n3A_1561 : vector<16xf32>
        %eq3A_1563 = arith.constant 9 : i32
        %eq3A_1564 = vector.broadcast %eq3A_1563 : i32 to vector<16xi32>
        %eq3A_1565 = arith.cmpi eq, %get3A_1499, %eq3A_1564 : vector<16xi32>
        %jit3A_1566 = arith.constant 0.000000e+00 : f32
        %broadcast_in_dim3A_1567 = vector.broadcast %jit3A_1566 : f32 to vector<16xf32>
        %select_n3A_1568 = arith.select %eq3A_1565, %get3A_1493, %broadcast_in_dim3A_1567 : vector<16xi1>, vector<16xf32>
        %add3A_1569 = arith.addf %add3A_1438, %select_n3A_1568 : vector<16xf32>
        %eq3A_1570 = arith.constant 10 : i32
        %eq3A_1571 = vector.broadcast %eq3A_1570 : i32 to vector<16xi32>
        %eq3A_1572 = arith.cmpi eq, %get3A_1499, %eq3A_1571 : vector<16xi32>
        %jit3A_1573 = arith.constant 0.000000e+00 : f32
        %broadcast_in_dim3A_1574 = vector.broadcast %jit3A_1573 : f32 to vector<16xf32>
        %select_n3A_1575 = arith.select %eq3A_1572, %get3A_1493, %broadcast_in_dim3A_1574 : vector<16xi1>, vector<16xf32>
        %add3A_1576 = arith.addf %add3A_1445, %select_n3A_1575 : vector<16xf32>
        %eq3A_1577 = arith.constant 11 : i32
        %eq3A_1578 = vector.broadcast %eq3A_1577 : i32 to vector<16xi32>
        %eq3A_1579 = arith.cmpi eq, %get3A_1499, %eq3A_1578 : vector<16xi32>
        %jit3A_1580 = arith.constant 0.000000e+00 : f32
        %broadcast_in_dim3A_1581 = vector.broadcast %jit3A_1580 : f32 to vector<16xf32>
        %select_n3A_1582 = arith.select %eq3A_1579, %get3A_1493, %broadcast_in_dim3A_1581 : vector<16xi1>, vector<16xf32>
        %add3A_1583 = arith.addf %add3A_1452, %select_n3A_1582 : vector<16xf32>
        %eq3A_1584 = arith.constant 12 : i32
        %eq3A_1585 = vector.broadcast %eq3A_1584 : i32 to vector<16xi32>
        %eq3A_1586 = arith.cmpi eq, %get3A_1499, %eq3A_1585 : vector<16xi32>
        %jit3A_1587 = arith.constant 0.000000e+00 : f32
        %broadcast_in_dim3A_1588 = vector.broadcast %jit3A_1587 : f32 to vector<16xf32>
        %select_n3A_1589 = arith.select %eq3A_1586, %get3A_1493, %broadcast_in_dim3A_1588 : vector<16xi1>, vector<16xf32>
        %add3A_1590 = arith.addf %add3A_1459, %select_n3A_1589 : vector<16xf32>
        %eq3A_1591 = arith.constant 13 : i32
        %eq3A_1592 = vector.broadcast %eq3A_1591 : i32 to vector<16xi32>
        %eq3A_1593 = arith.cmpi eq, %get3A_1499, %eq3A_1592 : vector<16xi32>
        %jit3A_1594 = arith.constant 0.000000e+00 : f32
        %broadcast_in_dim3A_1595 = vector.broadcast %jit3A_1594 : f32 to vector<16xf32>
        %select_n3A_1596 = arith.select %eq3A_1593, %get3A_1493, %broadcast_in_dim3A_1595 : vector<16xi1>, vector<16xf32>
        %add3A_1597 = arith.addf %add3A_1466, %select_n3A_1596 : vector<16xf32>
        %eq3A_1598 = arith.constant 14 : i32
        %eq3A_1599 = vector.broadcast %eq3A_1598 : i32 to vector<16xi32>
        %eq3A_1600 = arith.cmpi eq, %get3A_1499, %eq3A_1599 : vector<16xi32>
        %jit3A_1601 = arith.constant 0.000000e+00 : f32
        %broadcast_in_dim3A_1602 = vector.broadcast %jit3A_1601 : f32 to vector<16xf32>
        %select_n3A_1603 = arith.select %eq3A_1600, %get3A_1493, %broadcast_in_dim3A_1602 : vector<16xi1>, vector<16xf32>
        %add3A_1604 = arith.addf %add3A_1473, %select_n3A_1603 : vector<16xf32>
        %eq3A_1605 = arith.constant 15 : i32
        %eq3A_1606 = vector.broadcast %eq3A_1605 : i32 to vector<16xi32>
        %eq3A_1607 = arith.cmpi eq, %get3A_1499, %eq3A_1606 : vector<16xi32>
        %jit3A_1608 = arith.constant 0.000000e+00 : f32
        %broadcast_in_dim3A_1609 = vector.broadcast %jit3A_1608 : f32 to vector<16xf32>
        %select_n3A_1610 = arith.select %eq3A_1607, %get3A_1493, %broadcast_in_dim3A_1609 : vector<16xi1>, vector<16xf32>
        %add3A_1611 = arith.addf %add3A_1480, %select_n3A_1610 : vector<16xf32>
        %eq3A_1612 = arith.constant 16 : i32
        %eq3A_1613 = vector.broadcast %eq3A_1612 : i32 to vector<16xi32>
        %eq3A_1614 = arith.cmpi eq, %get3A_1499, %eq3A_1613 : vector<16xi32>
        %jit3A_1615 = arith.constant 0.000000e+00 : f32
        %broadcast_in_dim3A_1616 = vector.broadcast %jit3A_1615 : f32 to vector<16xf32>
        %select_n3A_1617 = arith.select %eq3A_1614, %get3A_1493, %broadcast_in_dim3A_1616 : vector<16xi1>, vector<16xf32>
        %add3A_1618 = arith.addf %add3A_1487, %select_n3A_1617 : vector<16xf32>
        %add3A_1619 = arith.constant 11 : i32
        %add3A_1620 = arith.addi %mul3A_178, %add3A_1619 : i32
        %get3A_1621 = arith.index_cast %add3A_1620 : i32 to index
        %get3A_1622 = arith.index_cast %multiple_of3A : i32 to index
        %get3A_1623 = tpu.vector_load %arg5[%get3A_1621, %get3A_1622] {strides = array<i32>} : memref<256x128xf32, #tpu.memory_space<vmem>>, vector<1x16xf32>,
        %get3A_1624 = vector.shape_cast %get3A_1623 : vector<1x16xf32> to vector<16xf32>
        %add3A_1625 = arith.constant 11 : i32
        %add3A_1626 = arith.addi %mul3A_178, %add3A_1625 : i32
        %get3A_1627 = arith.index_cast %add3A_1626 : i32 to index
        %get3A_1628 = arith.index_cast %multiple_of3A : i32 to index
        %get3A_1629 = tpu.vector_load %arg6[%get3A_1627, %get3A_1628] {strides = array<i32>} : memref<256x128xi32, #tpu.memory_space<vmem>>, vector<1x16xi32>,
        %get3A_1630 = vector.shape_cast %get3A_1629 : vector<1x16xi32> to vector<16xi32>
        %eq3A_1631 = arith.constant 0 : i32
        %eq3A_1632 = vector.broadcast %eq3A_1631 : i32 to vector<16xi32>
        %eq3A_1633 = arith.cmpi eq, %get3A_1630, %eq3A_1632 : vector<16xi32>
        %jit3A_1634 = arith.constant 0.000000e+00 : f32
        %broadcast_in_dim3A_1635 = vector.broadcast %jit3A_1634 : f32 to vector<16xf32>
        %select_n3A_1636 = arith.select %eq3A_1633, %get3A_1624, %broadcast_in_dim3A_1635 : vector<16xi1>, vector<16xf32>
        %add3A_1637 = arith.addf %add3A_1506, %select_n3A_1636 : vector<16xf32>
        %eq3A_1638 = arith.constant 1 : i32
        %eq3A_1639 = vector.broadcast %eq3A_1638 : i32 to vector<16xi32>
        %eq3A_1640 = arith.cmpi eq, %get3A_1630, %eq3A_1639 : vector<16xi32>
        %jit3A_1641 = arith.constant 0.000000e+00 : f32
        %broadcast_in_dim3A_1642 = vector.broadcast %jit3A_1641 : f32 to vector<16xf32>
        %select_n3A_1643 = arith.select %eq3A_1640, %get3A_1624, %broadcast_in_dim3A_1642 : vector<16xi1>, vector<16xf32>
        %add3A_1644 = arith.addf %add3A_1513, %select_n3A_1643 : vector<16xf32>
        %eq3A_1645 = arith.constant 2 : i32
        %eq3A_1646 = vector.broadcast %eq3A_1645 : i32 to vector<16xi32>
        %eq3A_1647 = arith.cmpi eq, %get3A_1630, %eq3A_1646 : vector<16xi32>
        %jit3A_1648 = arith.constant 0.000000e+00 : f32
        %broadcast_in_dim3A_1649 = vector.broadcast %jit3A_1648 : f32 to vector<16xf32>
        %select_n3A_1650 = arith.select %eq3A_1647, %get3A_1624, %broadcast_in_dim3A_1649 : vector<16xi1>, vector<16xf32>
        %add3A_1651 = arith.addf %add3A_1520, %select_n3A_1650 : vector<16xf32>
        %eq3A_1652 = arith.constant 3 : i32
        %eq3A_1653 = vector.broadcast %eq3A_1652 : i32 to vector<16xi32>
        %eq3A_1654 = arith.cmpi eq, %get3A_1630, %eq3A_1653 : vector<16xi32>
        %jit3A_1655 = arith.constant 0.000000e+00 : f32
        %broadcast_in_dim3A_1656 = vector.broadcast %jit3A_1655 : f32 to vector<16xf32>
        %select_n3A_1657 = arith.select %eq3A_1654, %get3A_1624, %broadcast_in_dim3A_1656 : vector<16xi1>, vector<16xf32>
        %add3A_1658 = arith.addf %add3A_1527, %select_n3A_1657 : vector<16xf32>
        %eq3A_1659 = arith.constant 4 : i32
        %eq3A_1660 = vector.broadcast %eq3A_1659 : i32 to vector<16xi32>
        %eq3A_1661 = arith.cmpi eq, %get3A_1630, %eq3A_1660 : vector<16xi32>
        %jit3A_1662 = arith.constant 0.000000e+00 : f32
        %broadcast_in_dim3A_1663 = vector.broadcast %jit3A_1662 : f32 to vector<16xf32>
        %select_n3A_1664 = arith.select %eq3A_1661, %get3A_1624, %broadcast_in_dim3A_1663 : vector<16xi1>, vector<16xf32>
        %add3A_1665 = arith.addf %add3A_1534, %select_n3A_1664 : vector<16xf32>
        %eq3A_1666 = arith.constant 5 : i32
        %eq3A_1667 = vector.broadcast %eq3A_1666 : i32 to vector<16xi32>
        %eq3A_1668 = arith.cmpi eq, %get3A_1630, %eq3A_1667 : vector<16xi32>
        %jit3A_1669 = arith.constant 0.000000e+00 : f32
        %broadcast_in_dim3A_1670 = vector.broadcast %jit3A_1669 : f32 to vector<16xf32>
        %select_n3A_1671 = arith.select %eq3A_1668, %get3A_1624, %broadcast_in_dim3A_1670 : vector<16xi1>, vector<16xf32>
        %add3A_1672 = arith.addf %add3A_1541, %select_n3A_1671 : vector<16xf32>
        %eq3A_1673 = arith.constant 6 : i32
        %eq3A_1674 = vector.broadcast %eq3A_1673 : i32 to vector<16xi32>
        %eq3A_1675 = arith.cmpi eq, %get3A_1630, %eq3A_1674 : vector<16xi32>
        %jit3A_1676 = arith.constant 0.000000e+00 : f32
        %broadcast_in_dim3A_1677 = vector.broadcast %jit3A_1676 : f32 to vector<16xf32>
        %select_n3A_1678 = arith.select %eq3A_1675, %get3A_1624, %broadcast_in_dim3A_1677 : vector<16xi1>, vector<16xf32>
        %add3A_1679 = arith.addf %add3A_1548, %select_n3A_1678 : vector<16xf32>
        %eq3A_1680 = arith.constant 7 : i32
        %eq3A_1681 = vector.broadcast %eq3A_1680 : i32 to vector<16xi32>
        %eq3A_1682 = arith.cmpi eq, %get3A_1630, %eq3A_1681 : vector<16xi32>
        %jit3A_1683 = arith.constant 0.000000e+00 : f32
        %broadcast_in_dim3A_1684 = vector.broadcast %jit3A_1683 : f32 to vector<16xf32>
        %select_n3A_1685 = arith.select %eq3A_1682, %get3A_1624, %broadcast_in_dim3A_1684 : vector<16xi1>, vector<16xf32>
        %add3A_1686 = arith.addf %add3A_1555, %select_n3A_1685 : vector<16xf32>
        %eq3A_1687 = arith.constant 8 : i32
        %eq3A_1688 = vector.broadcast %eq3A_1687 : i32 to vector<16xi32>
        %eq3A_1689 = arith.cmpi eq, %get3A_1630, %eq3A_1688 : vector<16xi32>
        %jit3A_1690 = arith.constant 0.000000e+00 : f32
        %broadcast_in_dim3A_1691 = vector.broadcast %jit3A_1690 : f32 to vector<16xf32>
        %select_n3A_1692 = arith.select %eq3A_1689, %get3A_1624, %broadcast_in_dim3A_1691 : vector<16xi1>, vector<16xf32>
        %add3A_1693 = arith.addf %add3A_1562, %select_n3A_1692 : vector<16xf32>
        %eq3A_1694 = arith.constant 9 : i32
        %eq3A_1695 = vector.broadcast %eq3A_1694 : i32 to vector<16xi32>
        %eq3A_1696 = arith.cmpi eq, %get3A_1630, %eq3A_1695 : vector<16xi32>
        %jit3A_1697 = arith.constant 0.000000e+00 : f32
        %broadcast_in_dim3A_1698 = vector.broadcast %jit3A_1697 : f32 to vector<16xf32>
        %select_n3A_1699 = arith.select %eq3A_1696, %get3A_1624, %broadcast_in_dim3A_1698 : vector<16xi1>, vector<16xf32>
        %add3A_1700 = arith.addf %add3A_1569, %select_n3A_1699 : vector<16xf32>
        %eq3A_1701 = arith.constant 10 : i32
        %eq3A_1702 = vector.broadcast %eq3A_1701 : i32 to vector<16xi32>
        %eq3A_1703 = arith.cmpi eq, %get3A_1630, %eq3A_1702 : vector<16xi32>
        %jit3A_1704 = arith.constant 0.000000e+00 : f32
        %broadcast_in_dim3A_1705 = vector.broadcast %jit3A_1704 : f32 to vector<16xf32>
        %select_n3A_1706 = arith.select %eq3A_1703, %get3A_1624, %broadcast_in_dim3A_1705 : vector<16xi1>, vector<16xf32>
        %add3A_1707 = arith.addf %add3A_1576, %select_n3A_1706 : vector<16xf32>
        %eq3A_1708 = arith.constant 11 : i32
        %eq3A_1709 = vector.broadcast %eq3A_1708 : i32 to vector<16xi32>
        %eq3A_1710 = arith.cmpi eq, %get3A_1630, %eq3A_1709 : vector<16xi32>
        %jit3A_1711 = arith.constant 0.000000e+00 : f32
        %broadcast_in_dim3A_1712 = vector.broadcast %jit3A_1711 : f32 to vector<16xf32>
        %select_n3A_1713 = arith.select %eq3A_1710, %get3A_1624, %broadcast_in_dim3A_1712 : vector<16xi1>, vector<16xf32>
        %add3A_1714 = arith.addf %add3A_1583, %select_n3A_1713 : vector<16xf32>
        %eq3A_1715 = arith.constant 12 : i32
        %eq3A_1716 = vector.broadcast %eq3A_1715 : i32 to vector<16xi32>
        %eq3A_1717 = arith.cmpi eq, %get3A_1630, %eq3A_1716 : vector<16xi32>
        %jit3A_1718 = arith.constant 0.000000e+00 : f32
        %broadcast_in_dim3A_1719 = vector.broadcast %jit3A_1718 : f32 to vector<16xf32>
        %select_n3A_1720 = arith.select %eq3A_1717, %get3A_1624, %broadcast_in_dim3A_1719 : vector<16xi1>, vector<16xf32>
        %add3A_1721 = arith.addf %add3A_1590, %select_n3A_1720 : vector<16xf32>
        %eq3A_1722 = arith.constant 13 : i32
        %eq3A_1723 = vector.broadcast %eq3A_1722 : i32 to vector<16xi32>
        %eq3A_1724 = arith.cmpi eq, %get3A_1630, %eq3A_1723 : vector<16xi32>
        %jit3A_1725 = arith.constant 0.000000e+00 : f32
        %broadcast_in_dim3A_1726 = vector.broadcast %jit3A_1725 : f32 to vector<16xf32>
        %select_n3A_1727 = arith.select %eq3A_1724, %get3A_1624, %broadcast_in_dim3A_1726 : vector<16xi1>, vector<16xf32>
        %add3A_1728 = arith.addf %add3A_1597, %select_n3A_1727 : vector<16xf32>
        %eq3A_1729 = arith.constant 14 : i32
        %eq3A_1730 = vector.broadcast %eq3A_1729 : i32 to vector<16xi32>
        %eq3A_1731 = arith.cmpi eq, %get3A_1630, %eq3A_1730 : vector<16xi32>
        %jit3A_1732 = arith.constant 0.000000e+00 : f32
        %broadcast_in_dim3A_1733 = vector.broadcast %jit3A_1732 : f32 to vector<16xf32>
        %select_n3A_1734 = arith.select %eq3A_1731, %get3A_1624, %broadcast_in_dim3A_1733 : vector<16xi1>, vector<16xf32>
        %add3A_1735 = arith.addf %add3A_1604, %select_n3A_1734 : vector<16xf32>
        %eq3A_1736 = arith.constant 15 : i32
        %eq3A_1737 = vector.broadcast %eq3A_1736 : i32 to vector<16xi32>
        %eq3A_1738 = arith.cmpi eq, %get3A_1630, %eq3A_1737 : vector<16xi32>
        %jit3A_1739 = arith.constant 0.000000e+00 : f32
        %broadcast_in_dim3A_1740 = vector.broadcast %jit3A_1739 : f32 to vector<16xf32>
        %select_n3A_1741 = arith.select %eq3A_1738, %get3A_1624, %broadcast_in_dim3A_1740 : vector<16xi1>, vector<16xf32>
        %add3A_1742 = arith.addf %add3A_1611, %select_n3A_1741 : vector<16xf32>
        %eq3A_1743 = arith.constant 16 : i32
        %eq3A_1744 = vector.broadcast %eq3A_1743 : i32 to vector<16xi32>
        %eq3A_1745 = arith.cmpi eq, %get3A_1630, %eq3A_1744 : vector<16xi32>
        %jit3A_1746 = arith.constant 0.000000e+00 : f32
        %broadcast_in_dim3A_1747 = vector.broadcast %jit3A_1746 : f32 to vector<16xf32>
        %select_n3A_1748 = arith.select %eq3A_1745, %get3A_1624, %broadcast_in_dim3A_1747 : vector<16xi1>, vector<16xf32>
        %add3A_1749 = arith.addf %add3A_1618, %select_n3A_1748 : vector<16xf32>
        %add3A_1750 = arith.constant 12 : i32
        %add3A_1751 = arith.addi %mul3A_178, %add3A_1750 : i32
        %get3A_1752 = arith.index_cast %add3A_1751 : i32 to index
        %get3A_1753 = arith.index_cast %multiple_of3A : i32 to index
        %get3A_1754 = tpu.vector_load %arg5[%get3A_1752, %get3A_1753] {strides = array<i32>} : memref<256x128xf32, #tpu.memory_space<vmem>>, vector<1x16xf32>,
        %get3A_1755 = vector.shape_cast %get3A_1754 : vector<1x16xf32> to vector<16xf32>
        %add3A_1756 = arith.constant 12 : i32
        %add3A_1757 = arith.addi %mul3A_178, %add3A_1756 : i32
        %get3A_1758 = arith.index_cast %add3A_1757 : i32 to index
        %get3A_1759 = arith.index_cast %multiple_of3A : i32 to index
        %get3A_1760 = tpu.vector_load %arg6[%get3A_1758, %get3A_1759] {strides = array<i32>} : memref<256x128xi32, #tpu.memory_space<vmem>>, vector<1x16xi32>,
        %get3A_1761 = vector.shape_cast %get3A_1760 : vector<1x16xi32> to vector<16xi32>
        %eq3A_1762 = arith.constant 0 : i32
        %eq3A_1763 = vector.broadcast %eq3A_1762 : i32 to vector<16xi32>
        %eq3A_1764 = arith.cmpi eq, %get3A_1761, %eq3A_1763 : vector<16xi32>
        %jit3A_1765 = arith.constant 0.000000e+00 : f32
        %broadcast_in_dim3A_1766 = vector.broadcast %jit3A_1765 : f32 to vector<16xf32>
        %select_n3A_1767 = arith.select %eq3A_1764, %get3A_1755, %broadcast_in_dim3A_1766 : vector<16xi1>, vector<16xf32>
        %add3A_1768 = arith.addf %add3A_1637, %select_n3A_1767 : vector<16xf32>
        %eq3A_1769 = arith.constant 1 : i32
        %eq3A_1770 = vector.broadcast %eq3A_1769 : i32 to vector<16xi32>
        %eq3A_1771 = arith.cmpi eq, %get3A_1761, %eq3A_1770 : vector<16xi32>
        %jit3A_1772 = arith.constant 0.000000e+00 : f32
        %broadcast_in_dim3A_1773 = vector.broadcast %jit3A_1772 : f32 to vector<16xf32>
        %select_n3A_1774 = arith.select %eq3A_1771, %get3A_1755, %broadcast_in_dim3A_1773 : vector<16xi1>, vector<16xf32>
        %add3A_1775 = arith.addf %add3A_1644, %select_n3A_1774 : vector<16xf32>
        %eq3A_1776 = arith.constant 2 : i32
        %eq3A_1777 = vector.broadcast %eq3A_1776 : i32 to vector<16xi32>
        %eq3A_1778 = arith.cmpi eq, %get3A_1761, %eq3A_1777 : vector<16xi32>
        %jit3A_1779 = arith.constant 0.000000e+00 : f32
        %broadcast_in_dim3A_1780 = vector.broadcast %jit3A_1779 : f32 to vector<16xf32>
        %select_n3A_1781 = arith.select %eq3A_1778, %get3A_1755, %broadcast_in_dim3A_1780 : vector<16xi1>, vector<16xf32>
        %add3A_1782 = arith.addf %add3A_1651, %select_n3A_1781 : vector<16xf32>
        %eq3A_1783 = arith.constant 3 : i32
        %eq3A_1784 = vector.broadcast %eq3A_1783 : i32 to vector<16xi32>
        %eq3A_1785 = arith.cmpi eq, %get3A_1761, %eq3A_1784 : vector<16xi32>
        %jit3A_1786 = arith.constant 0.000000e+00 : f32
        %broadcast_in_dim3A_1787 = vector.broadcast %jit3A_1786 : f32 to vector<16xf32>
        %select_n3A_1788 = arith.select %eq3A_1785, %get3A_1755, %broadcast_in_dim3A_1787 : vector<16xi1>, vector<16xf32>
        %add3A_1789 = arith.addf %add3A_1658, %select_n3A_1788 : vector<16xf32>
        %eq3A_1790 = arith.constant 4 : i32
        %eq3A_1791 = vector.broadcast %eq3A_1790 : i32 to vector<16xi32>
        %eq3A_1792 = arith.cmpi eq, %get3A_1761, %eq3A_1791 : vector<16xi32>
        %jit3A_1793 = arith.constant 0.000000e+00 : f32
        %broadcast_in_dim3A_1794 = vector.broadcast %jit3A_1793 : f32 to vector<16xf32>
        %select_n3A_1795 = arith.select %eq3A_1792, %get3A_1755, %broadcast_in_dim3A_1794 : vector<16xi1>, vector<16xf32>
        %add3A_1796 = arith.addf %add3A_1665, %select_n3A_1795 : vector<16xf32>
        %eq3A_1797 = arith.constant 5 : i32
        %eq3A_1798 = vector.broadcast %eq3A_1797 : i32 to vector<16xi32>
        %eq3A_1799 = arith.cmpi eq, %get3A_1761, %eq3A_1798 : vector<16xi32>
        %jit3A_1800 = arith.constant 0.000000e+00 : f32
        %broadcast_in_dim3A_1801 = vector.broadcast %jit3A_1800 : f32 to vector<16xf32>
        %select_n3A_1802 = arith.select %eq3A_1799, %get3A_1755, %broadcast_in_dim3A_1801 : vector<16xi1>, vector<16xf32>
        %add3A_1803 = arith.addf %add3A_1672, %select_n3A_1802 : vector<16xf32>
        %eq3A_1804 = arith.constant 6 : i32
        %eq3A_1805 = vector.broadcast %eq3A_1804 : i32 to vector<16xi32>
        %eq3A_1806 = arith.cmpi eq, %get3A_1761, %eq3A_1805 : vector<16xi32>
        %jit3A_1807 = arith.constant 0.000000e+00 : f32
        %broadcast_in_dim3A_1808 = vector.broadcast %jit3A_1807 : f32 to vector<16xf32>
        %select_n3A_1809 = arith.select %eq3A_1806, %get3A_1755, %broadcast_in_dim3A_1808 : vector<16xi1>, vector<16xf32>
        %add3A_1810 = arith.addf %add3A_1679, %select_n3A_1809 : vector<16xf32>
        %eq3A_1811 = arith.constant 7 : i32
        %eq3A_1812 = vector.broadcast %eq3A_1811 : i32 to vector<16xi32>
        %eq3A_1813 = arith.cmpi eq, %get3A_1761, %eq3A_1812 : vector<16xi32>
        %jit3A_1814 = arith.constant 0.000000e+00 : f32
        %broadcast_in_dim3A_1815 = vector.broadcast %jit3A_1814 : f32 to vector<16xf32>
        %select_n3A_1816 = arith.select %eq3A_1813, %get3A_1755, %broadcast_in_dim3A_1815 : vector<16xi1>, vector<16xf32>
        %add3A_1817 = arith.addf %add3A_1686, %select_n3A_1816 : vector<16xf32>
        %eq3A_1818 = arith.constant 8 : i32
        %eq3A_1819 = vector.broadcast %eq3A_1818 : i32 to vector<16xi32>
        %eq3A_1820 = arith.cmpi eq, %get3A_1761, %eq3A_1819 : vector<16xi32>
        %jit3A_1821 = arith.constant 0.000000e+00 : f32
        %broadcast_in_dim3A_1822 = vector.broadcast %jit3A_1821 : f32 to vector<16xf32>
        %select_n3A_1823 = arith.select %eq3A_1820, %get3A_1755, %broadcast_in_dim3A_1822 : vector<16xi1>, vector<16xf32>
        %add3A_1824 = arith.addf %add3A_1693, %select_n3A_1823 : vector<16xf32>
        %eq3A_1825 = arith.constant 9 : i32
        %eq3A_1826 = vector.broadcast %eq3A_1825 : i32 to vector<16xi32>
        %eq3A_1827 = arith.cmpi eq, %get3A_1761, %eq3A_1826 : vector<16xi32>
        %jit3A_1828 = arith.constant 0.000000e+00 : f32
        %broadcast_in_dim3A_1829 = vector.broadcast %jit3A_1828 : f32 to vector<16xf32>
        %select_n3A_1830 = arith.select %eq3A_1827, %get3A_1755, %broadcast_in_dim3A_1829 : vector<16xi1>, vector<16xf32>
        %add3A_1831 = arith.addf %add3A_1700, %select_n3A_1830 : vector<16xf32>
        %eq3A_1832 = arith.constant 10 : i32
        %eq3A_1833 = vector.broadcast %eq3A_1832 : i32 to vector<16xi32>
        %eq3A_1834 = arith.cmpi eq, %get3A_1761, %eq3A_1833 : vector<16xi32>
        %jit3A_1835 = arith.constant 0.000000e+00 : f32
        %broadcast_in_dim3A_1836 = vector.broadcast %jit3A_1835 : f32 to vector<16xf32>
        %select_n3A_1837 = arith.select %eq3A_1834, %get3A_1755, %broadcast_in_dim3A_1836 : vector<16xi1>, vector<16xf32>
        %add3A_1838 = arith.addf %add3A_1707, %select_n3A_1837 : vector<16xf32>
        %eq3A_1839 = arith.constant 11 : i32
        %eq3A_1840 = vector.broadcast %eq3A_1839 : i32 to vector<16xi32>
        %eq3A_1841 = arith.cmpi eq, %get3A_1761, %eq3A_1840 : vector<16xi32>
        %jit3A_1842 = arith.constant 0.000000e+00 : f32
        %broadcast_in_dim3A_1843 = vector.broadcast %jit3A_1842 : f32 to vector<16xf32>
        %select_n3A_1844 = arith.select %eq3A_1841, %get3A_1755, %broadcast_in_dim3A_1843 : vector<16xi1>, vector<16xf32>
        %add3A_1845 = arith.addf %add3A_1714, %select_n3A_1844 : vector<16xf32>
        %eq3A_1846 = arith.constant 12 : i32
        %eq3A_1847 = vector.broadcast %eq3A_1846 : i32 to vector<16xi32>
        %eq3A_1848 = arith.cmpi eq, %get3A_1761, %eq3A_1847 : vector<16xi32>
        %jit3A_1849 = arith.constant 0.000000e+00 : f32
        %broadcast_in_dim3A_1850 = vector.broadcast %jit3A_1849 : f32 to vector<16xf32>
        %select_n3A_1851 = arith.select %eq3A_1848, %get3A_1755, %broadcast_in_dim3A_1850 : vector<16xi1>, vector<16xf32>
        %add3A_1852 = arith.addf %add3A_1721, %select_n3A_1851 : vector<16xf32>
        %eq3A_1853 = arith.constant 13 : i32
        %eq3A_1854 = vector.broadcast %eq3A_1853 : i32 to vector<16xi32>
        %eq3A_1855 = arith.cmpi eq, %get3A_1761, %eq3A_1854 : vector<16xi32>
        %jit3A_1856 = arith.constant 0.000000e+00 : f32
        %broadcast_in_dim3A_1857 = vector.broadcast %jit3A_1856 : f32 to vector<16xf32>
        %select_n3A_1858 = arith.select %eq3A_1855, %get3A_1755, %broadcast_in_dim3A_1857 : vector<16xi1>, vector<16xf32>
        %add3A_1859 = arith.addf %add3A_1728, %select_n3A_1858 : vector<16xf32>
        %eq3A_1860 = arith.constant 14 : i32
        %eq3A_1861 = vector.broadcast %eq3A_1860 : i32 to vector<16xi32>
        %eq3A_1862 = arith.cmpi eq, %get3A_1761, %eq3A_1861 : vector<16xi32>
        %jit3A_1863 = arith.constant 0.000000e+00 : f32
        %broadcast_in_dim3A_1864 = vector.broadcast %jit3A_1863 : f32 to vector<16xf32>
        %select_n3A_1865 = arith.select %eq3A_1862, %get3A_1755, %broadcast_in_dim3A_1864 : vector<16xi1>, vector<16xf32>
        %add3A_1866 = arith.addf %add3A_1735, %select_n3A_1865 : vector<16xf32>
        %eq3A_1867 = arith.constant 15 : i32
        %eq3A_1868 = vector.broadcast %eq3A_1867 : i32 to vector<16xi32>
        %eq3A_1869 = arith.cmpi eq, %get3A_1761, %eq3A_1868 : vector<16xi32>
        %jit3A_1870 = arith.constant 0.000000e+00 : f32
        %broadcast_in_dim3A_1871 = vector.broadcast %jit3A_1870 : f32 to vector<16xf32>
        %select_n3A_1872 = arith.select %eq3A_1869, %get3A_1755, %broadcast_in_dim3A_1871 : vector<16xi1>, vector<16xf32>
        %add3A_1873 = arith.addf %add3A_1742, %select_n3A_1872 : vector<16xf32>
        %eq3A_1874 = arith.constant 16 : i32
        %eq3A_1875 = vector.broadcast %eq3A_1874 : i32 to vector<16xi32>
        %eq3A_1876 = arith.cmpi eq, %get3A_1761, %eq3A_1875 : vector<16xi32>
        %jit3A_1877 = arith.constant 0.000000e+00 : f32
        %broadcast_in_dim3A_1878 = vector.broadcast %jit3A_1877 : f32 to vector<16xf32>
        %select_n3A_1879 = arith.select %eq3A_1876, %get3A_1755, %broadcast_in_dim3A_1878 : vector<16xi1>, vector<16xf32>
        %add3A_1880 = arith.addf %add3A_1749, %select_n3A_1879 : vector<16xf32>
        %add3A_1881 = arith.constant 13 : i32
        %add3A_1882 = arith.addi %mul3A_178, %add3A_1881 : i32
        %get3A_1883 = arith.index_cast %add3A_1882 : i32 to index
        %get3A_1884 = arith.index_cast %multiple_of3A : i32 to index
        %get3A_1885 = tpu.vector_load %arg5[%get3A_1883, %get3A_1884] {strides = array<i32>} : memref<256x128xf32, #tpu.memory_space<vmem>>, vector<1x16xf32>,
        %get3A_1886 = vector.shape_cast %get3A_1885 : vector<1x16xf32> to vector<16xf32>
        %add3A_1887 = arith.constant 13 : i32
        %add3A_1888 = arith.addi %mul3A_178, %add3A_1887 : i32
        %get3A_1889 = arith.index_cast %add3A_1888 : i32 to index
        %get3A_1890 = arith.index_cast %multiple_of3A : i32 to index
        %get3A_1891 = tpu.vector_load %arg6[%get3A_1889, %get3A_1890] {strides = array<i32>} : memref<256x128xi32, #tpu.memory_space<vmem>>, vector<1x16xi32>,
        %get3A_1892 = vector.shape_cast %get3A_1891 : vector<1x16xi32> to vector<16xi32>
        %eq3A_1893 = arith.constant 0 : i32
        %eq3A_1894 = vector.broadcast %eq3A_1893 : i32 to vector<16xi32>
        %eq3A_1895 = arith.cmpi eq, %get3A_1892, %eq3A_1894 : vector<16xi32>
        %jit3A_1896 = arith.constant 0.000000e+00 : f32
        %broadcast_in_dim3A_1897 = vector.broadcast %jit3A_1896 : f32 to vector<16xf32>
        %select_n3A_1898 = arith.select %eq3A_1895, %get3A_1886, %broadcast_in_dim3A_1897 : vector<16xi1>, vector<16xf32>
        %add3A_1899 = arith.addf %add3A_1768, %select_n3A_1898 : vector<16xf32>
        %eq3A_1900 = arith.constant 1 : i32
        %eq3A_1901 = vector.broadcast %eq3A_1900 : i32 to vector<16xi32>
        %eq3A_1902 = arith.cmpi eq, %get3A_1892, %eq3A_1901 : vector<16xi32>
        %jit3A_1903 = arith.constant 0.000000e+00 : f32
        %broadcast_in_dim3A_1904 = vector.broadcast %jit3A_1903 : f32 to vector<16xf32>
        %select_n3A_1905 = arith.select %eq3A_1902, %get3A_1886, %broadcast_in_dim3A_1904 : vector<16xi1>, vector<16xf32>
        %add3A_1906 = arith.addf %add3A_1775, %select_n3A_1905 : vector<16xf32>
        %eq3A_1907 = arith.constant 2 : i32
        %eq3A_1908 = vector.broadcast %eq3A_1907 : i32 to vector<16xi32>
        %eq3A_1909 = arith.cmpi eq, %get3A_1892, %eq3A_1908 : vector<16xi32>
        %jit3A_1910 = arith.constant 0.000000e+00 : f32
        %broadcast_in_dim3A_1911 = vector.broadcast %jit3A_1910 : f32 to vector<16xf32>
        %select_n3A_1912 = arith.select %eq3A_1909, %get3A_1886, %broadcast_in_dim3A_1911 : vector<16xi1>, vector<16xf32>
        %add3A_1913 = arith.addf %add3A_1782, %select_n3A_1912 : vector<16xf32>
        %eq3A_1914 = arith.constant 3 : i32
        %eq3A_1915 = vector.broadcast %eq3A_1914 : i32 to vector<16xi32>
        %eq3A_1916 = arith.cmpi eq, %get3A_1892, %eq3A_1915 : vector<16xi32>
        %jit3A_1917 = arith.constant 0.000000e+00 : f32
        %broadcast_in_dim3A_1918 = vector.broadcast %jit3A_1917 : f32 to vector<16xf32>
        %select_n3A_1919 = arith.select %eq3A_1916, %get3A_1886, %broadcast_in_dim3A_1918 : vector<16xi1>, vector<16xf32>
        %add3A_1920 = arith.addf %add3A_1789, %select_n3A_1919 : vector<16xf32>
        %eq3A_1921 = arith.constant 4 : i32
        %eq3A_1922 = vector.broadcast %eq3A_1921 : i32 to vector<16xi32>
        %eq3A_1923 = arith.cmpi eq, %get3A_1892, %eq3A_1922 : vector<16xi32>
        %jit3A_1924 = arith.constant 0.000000e+00 : f32
        %broadcast_in_dim3A_1925 = vector.broadcast %jit3A_1924 : f32 to vector<16xf32>
        %select_n3A_1926 = arith.select %eq3A_1923, %get3A_1886, %broadcast_in_dim3A_1925 : vector<16xi1>, vector<16xf32>
        %add3A_1927 = arith.addf %add3A_1796, %select_n3A_1926 : vector<16xf32>
        %eq3A_1928 = arith.constant 5 : i32
        %eq3A_1929 = vector.broadcast %eq3A_1928 : i32 to vector<16xi32>
        %eq3A_1930 = arith.cmpi eq, %get3A_1892, %eq3A_1929 : vector<16xi32>
        %jit3A_1931 = arith.constant 0.000000e+00 : f32
        %broadcast_in_dim3A_1932 = vector.broadcast %jit3A_1931 : f32 to vector<16xf32>
        %select_n3A_1933 = arith.select %eq3A_1930, %get3A_1886, %broadcast_in_dim3A_1932 : vector<16xi1>, vector<16xf32>
        %add3A_1934 = arith.addf %add3A_1803, %select_n3A_1933 : vector<16xf32>
        %eq3A_1935 = arith.constant 6 : i32
        %eq3A_1936 = vector.broadcast %eq3A_1935 : i32 to vector<16xi32>
        %eq3A_1937 = arith.cmpi eq, %get3A_1892, %eq3A_1936 : vector<16xi32>
        %jit3A_1938 = arith.constant 0.000000e+00 : f32
        %broadcast_in_dim3A_1939 = vector.broadcast %jit3A_1938 : f32 to vector<16xf32>
        %select_n3A_1940 = arith.select %eq3A_1937, %get3A_1886, %broadcast_in_dim3A_1939 : vector<16xi1>, vector<16xf32>
        %add3A_1941 = arith.addf %add3A_1810, %select_n3A_1940 : vector<16xf32>
        %eq3A_1942 = arith.constant 7 : i32
        %eq3A_1943 = vector.broadcast %eq3A_1942 : i32 to vector<16xi32>
        %eq3A_1944 = arith.cmpi eq, %get3A_1892, %eq3A_1943 : vector<16xi32>
        %jit3A_1945 = arith.constant 0.000000e+00 : f32
        %broadcast_in_dim3A_1946 = vector.broadcast %jit3A_1945 : f32 to vector<16xf32>
        %select_n3A_1947 = arith.select %eq3A_1944, %get3A_1886, %broadcast_in_dim3A_1946 : vector<16xi1>, vector<16xf32>
        %add3A_1948 = arith.addf %add3A_1817, %select_n3A_1947 : vector<16xf32>
        %eq3A_1949 = arith.constant 8 : i32
        %eq3A_1950 = vector.broadcast %eq3A_1949 : i32 to vector<16xi32>
        %eq3A_1951 = arith.cmpi eq, %get3A_1892, %eq3A_1950 : vector<16xi32>
        %jit3A_1952 = arith.constant 0.000000e+00 : f32
        %broadcast_in_dim3A_1953 = vector.broadcast %jit3A_1952 : f32 to vector<16xf32>
        %select_n3A_1954 = arith.select %eq3A_1951, %get3A_1886, %broadcast_in_dim3A_1953 : vector<16xi1>, vector<16xf32>
        %add3A_1955 = arith.addf %add3A_1824, %select_n3A_1954 : vector<16xf32>
        %eq3A_1956 = arith.constant 9 : i32
        %eq3A_1957 = vector.broadcast %eq3A_1956 : i32 to vector<16xi32>
        %eq3A_1958 = arith.cmpi eq, %get3A_1892, %eq3A_1957 : vector<16xi32>
        %jit3A_1959 = arith.constant 0.000000e+00 : f32
        %broadcast_in_dim3A_1960 = vector.broadcast %jit3A_1959 : f32 to vector<16xf32>
        %select_n3A_1961 = arith.select %eq3A_1958, %get3A_1886, %broadcast_in_dim3A_1960 : vector<16xi1>, vector<16xf32>
        %add3A_1962 = arith.addf %add3A_1831, %select_n3A_1961 : vector<16xf32>
        %eq3A_1963 = arith.constant 10 : i32
        %eq3A_1964 = vector.broadcast %eq3A_1963 : i32 to vector<16xi32>
        %eq3A_1965 = arith.cmpi eq, %get3A_1892, %eq3A_1964 : vector<16xi32>
        %jit3A_1966 = arith.constant 0.000000e+00 : f32
        %broadcast_in_dim3A_1967 = vector.broadcast %jit3A_1966 : f32 to vector<16xf32>
        %select_n3A_1968 = arith.select %eq3A_1965, %get3A_1886, %broadcast_in_dim3A_1967 : vector<16xi1>, vector<16xf32>
        %add3A_1969 = arith.addf %add3A_1838, %select_n3A_1968 : vector<16xf32>
        %eq3A_1970 = arith.constant 11 : i32
        %eq3A_1971 = vector.broadcast %eq3A_1970 : i32 to vector<16xi32>
        %eq3A_1972 = arith.cmpi eq, %get3A_1892, %eq3A_1971 : vector<16xi32>
        %jit3A_1973 = arith.constant 0.000000e+00 : f32
        %broadcast_in_dim3A_1974 = vector.broadcast %jit3A_1973 : f32 to vector<16xf32>
        %select_n3A_1975 = arith.select %eq3A_1972, %get3A_1886, %broadcast_in_dim3A_1974 : vector<16xi1>, vector<16xf32>
        %add3A_1976 = arith.addf %add3A_1845, %select_n3A_1975 : vector<16xf32>
        %eq3A_1977 = arith.constant 12 : i32
        %eq3A_1978 = vector.broadcast %eq3A_1977 : i32 to vector<16xi32>
        %eq3A_1979 = arith.cmpi eq, %get3A_1892, %eq3A_1978 : vector<16xi32>
        %jit3A_1980 = arith.constant 0.000000e+00 : f32
        %broadcast_in_dim3A_1981 = vector.broadcast %jit3A_1980 : f32 to vector<16xf32>
        %select_n3A_1982 = arith.select %eq3A_1979, %get3A_1886, %broadcast_in_dim3A_1981 : vector<16xi1>, vector<16xf32>
        %add3A_1983 = arith.addf %add3A_1852, %select_n3A_1982 : vector<16xf32>
        %eq3A_1984 = arith.constant 13 : i32
        %eq3A_1985 = vector.broadcast %eq3A_1984 : i32 to vector<16xi32>
        %eq3A_1986 = arith.cmpi eq, %get3A_1892, %eq3A_1985 : vector<16xi32>
        %jit3A_1987 = arith.constant 0.000000e+00 : f32
        %broadcast_in_dim3A_1988 = vector.broadcast %jit3A_1987 : f32 to vector<16xf32>
        %select_n3A_1989 = arith.select %eq3A_1986, %get3A_1886, %broadcast_in_dim3A_1988 : vector<16xi1>, vector<16xf32>
        %add3A_1990 = arith.addf %add3A_1859, %select_n3A_1989 : vector<16xf32>
        %eq3A_1991 = arith.constant 14 : i32
        %eq3A_1992 = vector.broadcast %eq3A_1991 : i32 to vector<16xi32>
        %eq3A_1993 = arith.cmpi eq, %get3A_1892, %eq3A_1992 : vector<16xi32>
        %jit3A_1994 = arith.constant 0.000000e+00 : f32
        %broadcast_in_dim3A_1995 = vector.broadcast %jit3A_1994 : f32 to vector<16xf32>
        %select_n3A_1996 = arith.select %eq3A_1993, %get3A_1886, %broadcast_in_dim3A_1995 : vector<16xi1>, vector<16xf32>
        %add3A_1997 = arith.addf %add3A_1866, %select_n3A_1996 : vector<16xf32>
        %eq3A_1998 = arith.constant 15 : i32
        %eq3A_1999 = vector.broadcast %eq3A_1998 : i32 to vector<16xi32>
        %eq3A_2000 = arith.cmpi eq, %get3A_1892, %eq3A_1999 : vector<16xi32>
        %jit3A_2001 = arith.constant 0.000000e+00 : f32
        %broadcast_in_dim3A_2002 = vector.broadcast %jit3A_2001 : f32 to vector<16xf32>
        %select_n3A_2003 = arith.select %eq3A_2000, %get3A_1886, %broadcast_in_dim3A_2002 : vector<16xi1>, vector<16xf32>
        %add3A_2004 = arith.addf %add3A_1873, %select_n3A_2003 : vector<16xf32>
        %eq3A_2005 = arith.constant 16 : i32
        %eq3A_2006 = vector.broadcast %eq3A_2005 : i32 to vector<16xi32>
        %eq3A_2007 = arith.cmpi eq, %get3A_1892, %eq3A_2006 : vector<16xi32>
        %jit3A_2008 = arith.constant 0.000000e+00 : f32
        %broadcast_in_dim3A_2009 = vector.broadcast %jit3A_2008 : f32 to vector<16xf32>
        %select_n3A_2010 = arith.select %eq3A_2007, %get3A_1886, %broadcast_in_dim3A_2009 : vector<16xi1>, vector<16xf32>
        %add3A_2011 = arith.addf %add3A_1880, %select_n3A_2010 : vector<16xf32>
        %add3A_2012 = arith.constant 14 : i32
        %add3A_2013 = arith.addi %mul3A_178, %add3A_2012 : i32
        %get3A_2014 = arith.index_cast %add3A_2013 : i32 to index
        %get3A_2015 = arith.index_cast %multiple_of3A : i32 to index
        %get3A_2016 = tpu.vector_load %arg5[%get3A_2014, %get3A_2015] {strides = array<i32>} : memref<256x128xf32, #tpu.memory_space<vmem>>, vector<1x16xf32>,
        %get3A_2017 = vector.shape_cast %get3A_2016 : vector<1x16xf32> to vector<16xf32>
        %add3A_2018 = arith.constant 14 : i32
        %add3A_2019 = arith.addi %mul3A_178, %add3A_2018 : i32
        %get3A_2020 = arith.index_cast %add3A_2019 : i32 to index
        %get3A_2021 = arith.index_cast %multiple_of3A : i32 to index
        %get3A_2022 = tpu.vector_load %arg6[%get3A_2020, %get3A_2021] {strides = array<i32>} : memref<256x128xi32, #tpu.memory_space<vmem>>, vector<1x16xi32>,
        %get3A_2023 = vector.shape_cast %get3A_2022 : vector<1x16xi32> to vector<16xi32>
        %eq3A_2024 = arith.constant 0 : i32
        %eq3A_2025 = vector.broadcast %eq3A_2024 : i32 to vector<16xi32>
        %eq3A_2026 = arith.cmpi eq, %get3A_2023, %eq3A_2025 : vector<16xi32>
        %jit3A_2027 = arith.constant 0.000000e+00 : f32
        %broadcast_in_dim3A_2028 = vector.broadcast %jit3A_2027 : f32 to vector<16xf32>
        %select_n3A_2029 = arith.select %eq3A_2026, %get3A_2017, %broadcast_in_dim3A_2028 : vector<16xi1>, vector<16xf32>
        %add3A_2030 = arith.addf %add3A_1899, %select_n3A_2029 : vector<16xf32>
        %eq3A_2031 = arith.constant 1 : i32
        %eq3A_2032 = vector.broadcast %eq3A_2031 : i32 to vector<16xi32>
        %eq3A_2033 = arith.cmpi eq, %get3A_2023, %eq3A_2032 : vector<16xi32>
        %jit3A_2034 = arith.constant 0.000000e+00 : f32
        %broadcast_in_dim3A_2035 = vector.broadcast %jit3A_2034 : f32 to vector<16xf32>
        %select_n3A_2036 = arith.select %eq3A_2033, %get3A_2017, %broadcast_in_dim3A_2035 : vector<16xi1>, vector<16xf32>
        %add3A_2037 = arith.addf %add3A_1906, %select_n3A_2036 : vector<16xf32>
        %eq3A_2038 = arith.constant 2 : i32
        %eq3A_2039 = vector.broadcast %eq3A_2038 : i32 to vector<16xi32>
        %eq3A_2040 = arith.cmpi eq, %get3A_2023, %eq3A_2039 : vector<16xi32>
        %jit3A_2041 = arith.constant 0.000000e+00 : f32
        %broadcast_in_dim3A_2042 = vector.broadcast %jit3A_2041 : f32 to vector<16xf32>
        %select_n3A_2043 = arith.select %eq3A_2040, %get3A_2017, %broadcast_in_dim3A_2042 : vector<16xi1>, vector<16xf32>
        %add3A_2044 = arith.addf %add3A_1913, %select_n3A_2043 : vector<16xf32>
        %eq3A_2045 = arith.constant 3 : i32
        %eq3A_2046 = vector.broadcast %eq3A_2045 : i32 to vector<16xi32>
        %eq3A_2047 = arith.cmpi eq, %get3A_2023, %eq3A_2046 : vector<16xi32>
        %jit3A_2048 = arith.constant 0.000000e+00 : f32
        %broadcast_in_dim3A_2049 = vector.broadcast %jit3A_2048 : f32 to vector<16xf32>
        %select_n3A_2050 = arith.select %eq3A_2047, %get3A_2017, %broadcast_in_dim3A_2049 : vector<16xi1>, vector<16xf32>
        %add3A_2051 = arith.addf %add3A_1920, %select_n3A_2050 : vector<16xf32>
        %eq3A_2052 = arith.constant 4 : i32
        %eq3A_2053 = vector.broadcast %eq3A_2052 : i32 to vector<16xi32>
        %eq3A_2054 = arith.cmpi eq, %get3A_2023, %eq3A_2053 : vector<16xi32>
        %jit3A_2055 = arith.constant 0.000000e+00 : f32
        %broadcast_in_dim3A_2056 = vector.broadcast %jit3A_2055 : f32 to vector<16xf32>
        %select_n3A_2057 = arith.select %eq3A_2054, %get3A_2017, %broadcast_in_dim3A_2056 : vector<16xi1>, vector<16xf32>
        %add3A_2058 = arith.addf %add3A_1927, %select_n3A_2057 : vector<16xf32>
        %eq3A_2059 = arith.constant 5 : i32
        %eq3A_2060 = vector.broadcast %eq3A_2059 : i32 to vector<16xi32>
        %eq3A_2061 = arith.cmpi eq, %get3A_2023, %eq3A_2060 : vector<16xi32>
        %jit3A_2062 = arith.constant 0.000000e+00 : f32
        %broadcast_in_dim3A_2063 = vector.broadcast %jit3A_2062 : f32 to vector<16xf32>
        %select_n3A_2064 = arith.select %eq3A_2061, %get3A_2017, %broadcast_in_dim3A_2063 : vector<16xi1>, vector<16xf32>
        %add3A_2065 = arith.addf %add3A_1934, %select_n3A_2064 : vector<16xf32>
        %eq3A_2066 = arith.constant 6 : i32
        %eq3A_2067 = vector.broadcast %eq3A_2066 : i32 to vector<16xi32>
        %eq3A_2068 = arith.cmpi eq, %get3A_2023, %eq3A_2067 : vector<16xi32>
        %jit3A_2069 = arith.constant 0.000000e+00 : f32
        %broadcast_in_dim3A_2070 = vector.broadcast %jit3A_2069 : f32 to vector<16xf32>
        %select_n3A_2071 = arith.select %eq3A_2068, %get3A_2017, %broadcast_in_dim3A_2070 : vector<16xi1>, vector<16xf32>
        %add3A_2072 = arith.addf %add3A_1941, %select_n3A_2071 : vector<16xf32>
        %eq3A_2073 = arith.constant 7 : i32
        %eq3A_2074 = vector.broadcast %eq3A_2073 : i32 to vector<16xi32>
        %eq3A_2075 = arith.cmpi eq, %get3A_2023, %eq3A_2074 : vector<16xi32>
        %jit3A_2076 = arith.constant 0.000000e+00 : f32
        %broadcast_in_dim3A_2077 = vector.broadcast %jit3A_2076 : f32 to vector<16xf32>
        %select_n3A_2078 = arith.select %eq3A_2075, %get3A_2017, %broadcast_in_dim3A_2077 : vector<16xi1>, vector<16xf32>
        %add3A_2079 = arith.addf %add3A_1948, %select_n3A_2078 : vector<16xf32>
        %eq3A_2080 = arith.constant 8 : i32
        %eq3A_2081 = vector.broadcast %eq3A_2080 : i32 to vector<16xi32>
        %eq3A_2082 = arith.cmpi eq, %get3A_2023, %eq3A_2081 : vector<16xi32>
        %jit3A_2083 = arith.constant 0.000000e+00 : f32
        %broadcast_in_dim3A_2084 = vector.broadcast %jit3A_2083 : f32 to vector<16xf32>
        %select_n3A_2085 = arith.select %eq3A_2082, %get3A_2017, %broadcast_in_dim3A_2084 : vector<16xi1>, vector<16xf32>
        %add3A_2086 = arith.addf %add3A_1955, %select_n3A_2085 : vector<16xf32>
        %eq3A_2087 = arith.constant 9 : i32
        %eq3A_2088 = vector.broadcast %eq3A_2087 : i32 to vector<16xi32>
        %eq3A_2089 = arith.cmpi eq, %get3A_2023, %eq3A_2088 : vector<16xi32>
        %jit3A_2090 = arith.constant 0.000000e+00 : f32
        %broadcast_in_dim3A_2091 = vector.broadcast %jit3A_2090 : f32 to vector<16xf32>
        %select_n3A_2092 = arith.select %eq3A_2089, %get3A_2017, %broadcast_in_dim3A_2091 : vector<16xi1>, vector<16xf32>
        %add3A_2093 = arith.addf %add3A_1962, %select_n3A_2092 : vector<16xf32>
        %eq3A_2094 = arith.constant 10 : i32
        %eq3A_2095 = vector.broadcast %eq3A_2094 : i32 to vector<16xi32>
        %eq3A_2096 = arith.cmpi eq, %get3A_2023, %eq3A_2095 : vector<16xi32>
        %jit3A_2097 = arith.constant 0.000000e+00 : f32
        %broadcast_in_dim3A_2098 = vector.broadcast %jit3A_2097 : f32 to vector<16xf32>
        %select_n3A_2099 = arith.select %eq3A_2096, %get3A_2017, %broadcast_in_dim3A_2098 : vector<16xi1>, vector<16xf32>
        %add3A_2100 = arith.addf %add3A_1969, %select_n3A_2099 : vector<16xf32>
        %eq3A_2101 = arith.constant 11 : i32
        %eq3A_2102 = vector.broadcast %eq3A_2101 : i32 to vector<16xi32>
        %eq3A_2103 = arith.cmpi eq, %get3A_2023, %eq3A_2102 : vector<16xi32>
        %jit3A_2104 = arith.constant 0.000000e+00 : f32
        %broadcast_in_dim3A_2105 = vector.broadcast %jit3A_2104 : f32 to vector<16xf32>
        %select_n3A_2106 = arith.select %eq3A_2103, %get3A_2017, %broadcast_in_dim3A_2105 : vector<16xi1>, vector<16xf32>
        %add3A_2107 = arith.addf %add3A_1976, %select_n3A_2106 : vector<16xf32>
        %eq3A_2108 = arith.constant 12 : i32
        %eq3A_2109 = vector.broadcast %eq3A_2108 : i32 to vector<16xi32>
        %eq3A_2110 = arith.cmpi eq, %get3A_2023, %eq3A_2109 : vector<16xi32>
        %jit3A_2111 = arith.constant 0.000000e+00 : f32
        %broadcast_in_dim3A_2112 = vector.broadcast %jit3A_2111 : f32 to vector<16xf32>
        %select_n3A_2113 = arith.select %eq3A_2110, %get3A_2017, %broadcast_in_dim3A_2112 : vector<16xi1>, vector<16xf32>
        %add3A_2114 = arith.addf %add3A_1983, %select_n3A_2113 : vector<16xf32>
        %eq3A_2115 = arith.constant 13 : i32
        %eq3A_2116 = vector.broadcast %eq3A_2115 : i32 to vector<16xi32>
        %eq3A_2117 = arith.cmpi eq, %get3A_2023, %eq3A_2116 : vector<16xi32>
        %jit3A_2118 = arith.constant 0.000000e+00 : f32
        %broadcast_in_dim3A_2119 = vector.broadcast %jit3A_2118 : f32 to vector<16xf32>
        %select_n3A_2120 = arith.select %eq3A_2117, %get3A_2017, %broadcast_in_dim3A_2119 : vector<16xi1>, vector<16xf32>
        %add3A_2121 = arith.addf %add3A_1990, %select_n3A_2120 : vector<16xf32>
        %eq3A_2122 = arith.constant 14 : i32
        %eq3A_2123 = vector.broadcast %eq3A_2122 : i32 to vector<16xi32>
        %eq3A_2124 = arith.cmpi eq, %get3A_2023, %eq3A_2123 : vector<16xi32>
        %jit3A_2125 = arith.constant 0.000000e+00 : f32
        %broadcast_in_dim3A_2126 = vector.broadcast %jit3A_2125 : f32 to vector<16xf32>
        %select_n3A_2127 = arith.select %eq3A_2124, %get3A_2017, %broadcast_in_dim3A_2126 : vector<16xi1>, vector<16xf32>
        %add3A_2128 = arith.addf %add3A_1997, %select_n3A_2127 : vector<16xf32>
        %eq3A_2129 = arith.constant 15 : i32
        %eq3A_2130 = vector.broadcast %eq3A_2129 : i32 to vector<16xi32>
        %eq3A_2131 = arith.cmpi eq, %get3A_2023, %eq3A_2130 : vector<16xi32>
        %jit3A_2132 = arith.constant 0.000000e+00 : f32
        %broadcast_in_dim3A_2133 = vector.broadcast %jit3A_2132 : f32 to vector<16xf32>
        %select_n3A_2134 = arith.select %eq3A_2131, %get3A_2017, %broadcast_in_dim3A_2133 : vector<16xi1>, vector<16xf32>
        %add3A_2135 = arith.addf %add3A_2004, %select_n3A_2134 : vector<16xf32>
        %eq3A_2136 = arith.constant 16 : i32
        %eq3A_2137 = vector.broadcast %eq3A_2136 : i32 to vector<16xi32>
        %eq3A_2138 = arith.cmpi eq, %get3A_2023, %eq3A_2137 : vector<16xi32>
        %jit3A_2139 = arith.constant 0.000000e+00 : f32
        %broadcast_in_dim3A_2140 = vector.broadcast %jit3A_2139 : f32 to vector<16xf32>
        %select_n3A_2141 = arith.select %eq3A_2138, %get3A_2017, %broadcast_in_dim3A_2140 : vector<16xi1>, vector<16xf32>
        %add3A_2142 = arith.addf %add3A_2011, %select_n3A_2141 : vector<16xf32>
        %add3A_2143 = arith.constant 15 : i32
        %add3A_2144 = arith.addi %mul3A_178, %add3A_2143 : i32
        %get3A_2145 = arith.index_cast %add3A_2144 : i32 to index
        %get3A_2146 = arith.index_cast %multiple_of3A : i32 to index
        %get3A_2147 = tpu.vector_load %arg5[%get3A_2145, %get3A_2146] {strides = array<i32>} : memref<256x128xf32, #tpu.memory_space<vmem>>, vector<1x16xf32>,
        %get3A_2148 = vector.shape_cast %get3A_2147 : vector<1x16xf32> to vector<16xf32>
        %add3A_2149 = arith.constant 15 : i32
        %add3A_2150 = arith.addi %mul3A_178, %add3A_2149 : i32
        %get3A_2151 = arith.index_cast %add3A_2150 : i32 to index
        %get3A_2152 = arith.index_cast %multiple_of3A : i32 to index
        %get3A_2153 = tpu.vector_load %arg6[%get3A_2151, %get3A_2152] {strides = array<i32>} : memref<256x128xi32, #tpu.memory_space<vmem>>, vector<1x16xi32>,
        %get3A_2154 = vector.shape_cast %get3A_2153 : vector<1x16xi32> to vector<16xi32>
        %eq3A_2155 = arith.constant 0 : i32
        %eq3A_2156 = vector.broadcast %eq3A_2155 : i32 to vector<16xi32>
        %eq3A_2157 = arith.cmpi eq, %get3A_2154, %eq3A_2156 : vector<16xi32>
        %jit3A_2158 = arith.constant 0.000000e+00 : f32
        %broadcast_in_dim3A_2159 = vector.broadcast %jit3A_2158 : f32 to vector<16xf32>
        %select_n3A_2160 = arith.select %eq3A_2157, %get3A_2148, %broadcast_in_dim3A_2159 : vector<16xi1>, vector<16xf32>
        %add3A_2161 = arith.addf %add3A_2030, %select_n3A_2160 : vector<16xf32>
        %eq3A_2162 = arith.constant 1 : i32
        %eq3A_2163 = vector.broadcast %eq3A_2162 : i32 to vector<16xi32>
        %eq3A_2164 = arith.cmpi eq, %get3A_2154, %eq3A_2163 : vector<16xi32>
        %jit3A_2165 = arith.constant 0.000000e+00 : f32
        %broadcast_in_dim3A_2166 = vector.broadcast %jit3A_2165 : f32 to vector<16xf32>
        %select_n3A_2167 = arith.select %eq3A_2164, %get3A_2148, %broadcast_in_dim3A_2166 : vector<16xi1>, vector<16xf32>
        %add3A_2168 = arith.addf %add3A_2037, %select_n3A_2167 : vector<16xf32>
        %eq3A_2169 = arith.constant 2 : i32
        %eq3A_2170 = vector.broadcast %eq3A_2169 : i32 to vector<16xi32>
        %eq3A_2171 = arith.cmpi eq, %get3A_2154, %eq3A_2170 : vector<16xi32>
        %jit3A_2172 = arith.constant 0.000000e+00 : f32
        %broadcast_in_dim3A_2173 = vector.broadcast %jit3A_2172 : f32 to vector<16xf32>
        %select_n3A_2174 = arith.select %eq3A_2171, %get3A_2148, %broadcast_in_dim3A_2173 : vector<16xi1>, vector<16xf32>
        %add3A_2175 = arith.addf %add3A_2044, %select_n3A_2174 : vector<16xf32>
        %eq3A_2176 = arith.constant 3 : i32
        %eq3A_2177 = vector.broadcast %eq3A_2176 : i32 to vector<16xi32>
        %eq3A_2178 = arith.cmpi eq, %get3A_2154, %eq3A_2177 : vector<16xi32>
        %jit3A_2179 = arith.constant 0.000000e+00 : f32
        %broadcast_in_dim3A_2180 = vector.broadcast %jit3A_2179 : f32 to vector<16xf32>
        %select_n3A_2181 = arith.select %eq3A_2178, %get3A_2148, %broadcast_in_dim3A_2180 : vector<16xi1>, vector<16xf32>
        %add3A_2182 = arith.addf %add3A_2051, %select_n3A_2181 : vector<16xf32>
        %eq3A_2183 = arith.constant 4 : i32
        %eq3A_2184 = vector.broadcast %eq3A_2183 : i32 to vector<16xi32>
        %eq3A_2185 = arith.cmpi eq, %get3A_2154, %eq3A_2184 : vector<16xi32>
        %jit3A_2186 = arith.constant 0.000000e+00 : f32
        %broadcast_in_dim3A_2187 = vector.broadcast %jit3A_2186 : f32 to vector<16xf32>
        %select_n3A_2188 = arith.select %eq3A_2185, %get3A_2148, %broadcast_in_dim3A_2187 : vector<16xi1>, vector<16xf32>
        %add3A_2189 = arith.addf %add3A_2058, %select_n3A_2188 : vector<16xf32>
        %eq3A_2190 = arith.constant 5 : i32
        %eq3A_2191 = vector.broadcast %eq3A_2190 : i32 to vector<16xi32>
        %eq3A_2192 = arith.cmpi eq, %get3A_2154, %eq3A_2191 : vector<16xi32>
        %jit3A_2193 = arith.constant 0.000000e+00 : f32
        %broadcast_in_dim3A_2194 = vector.broadcast %jit3A_2193 : f32 to vector<16xf32>
        %select_n3A_2195 = arith.select %eq3A_2192, %get3A_2148, %broadcast_in_dim3A_2194 : vector<16xi1>, vector<16xf32>
        %add3A_2196 = arith.addf %add3A_2065, %select_n3A_2195 : vector<16xf32>
        %eq3A_2197 = arith.constant 6 : i32
        %eq3A_2198 = vector.broadcast %eq3A_2197 : i32 to vector<16xi32>
        %eq3A_2199 = arith.cmpi eq, %get3A_2154, %eq3A_2198 : vector<16xi32>
        %jit3A_2200 = arith.constant 0.000000e+00 : f32
        %broadcast_in_dim3A_2201 = vector.broadcast %jit3A_2200 : f32 to vector<16xf32>
        %select_n3A_2202 = arith.select %eq3A_2199, %get3A_2148, %broadcast_in_dim3A_2201 : vector<16xi1>, vector<16xf32>
        %add3A_2203 = arith.addf %add3A_2072, %select_n3A_2202 : vector<16xf32>
        %eq3A_2204 = arith.constant 7 : i32
        %eq3A_2205 = vector.broadcast %eq3A_2204 : i32 to vector<16xi32>
        %eq3A_2206 = arith.cmpi eq, %get3A_2154, %eq3A_2205 : vector<16xi32>
        %jit3A_2207 = arith.constant 0.000000e+00 : f32
        %broadcast_in_dim3A_2208 = vector.broadcast %jit3A_2207 : f32 to vector<16xf32>
        %select_n3A_2209 = arith.select %eq3A_2206, %get3A_2148, %broadcast_in_dim3A_2208 : vector<16xi1>, vector<16xf32>
        %add3A_2210 = arith.addf %add3A_2079, %select_n3A_2209 : vector<16xf32>
        %eq3A_2211 = arith.constant 8 : i32
        %eq3A_2212 = vector.broadcast %eq3A_2211 : i32 to vector<16xi32>
        %eq3A_2213 = arith.cmpi eq, %get3A_2154, %eq3A_2212 : vector<16xi32>
        %jit3A_2214 = arith.constant 0.000000e+00 : f32
        %broadcast_in_dim3A_2215 = vector.broadcast %jit3A_2214 : f32 to vector<16xf32>
        %select_n3A_2216 = arith.select %eq3A_2213, %get3A_2148, %broadcast_in_dim3A_2215 : vector<16xi1>, vector<16xf32>
        %add3A_2217 = arith.addf %add3A_2086, %select_n3A_2216 : vector<16xf32>
        %eq3A_2218 = arith.constant 9 : i32
        %eq3A_2219 = vector.broadcast %eq3A_2218 : i32 to vector<16xi32>
        %eq3A_2220 = arith.cmpi eq, %get3A_2154, %eq3A_2219 : vector<16xi32>
        %jit3A_2221 = arith.constant 0.000000e+00 : f32
        %broadcast_in_dim3A_2222 = vector.broadcast %jit3A_2221 : f32 to vector<16xf32>
        %select_n3A_2223 = arith.select %eq3A_2220, %get3A_2148, %broadcast_in_dim3A_2222 : vector<16xi1>, vector<16xf32>
        %add3A_2224 = arith.addf %add3A_2093, %select_n3A_2223 : vector<16xf32>
        %eq3A_2225 = arith.constant 10 : i32
        %eq3A_2226 = vector.broadcast %eq3A_2225 : i32 to vector<16xi32>
        %eq3A_2227 = arith.cmpi eq, %get3A_2154, %eq3A_2226 : vector<16xi32>
        %jit3A_2228 = arith.constant 0.000000e+00 : f32
        %broadcast_in_dim3A_2229 = vector.broadcast %jit3A_2228 : f32 to vector<16xf32>
        %select_n3A_2230 = arith.select %eq3A_2227, %get3A_2148, %broadcast_in_dim3A_2229 : vector<16xi1>, vector<16xf32>
        %add3A_2231 = arith.addf %add3A_2100, %select_n3A_2230 : vector<16xf32>
        %eq3A_2232 = arith.constant 11 : i32
        %eq3A_2233 = vector.broadcast %eq3A_2232 : i32 to vector<16xi32>
        %eq3A_2234 = arith.cmpi eq, %get3A_2154, %eq3A_2233 : vector<16xi32>
        %jit3A_2235 = arith.constant 0.000000e+00 : f32
        %broadcast_in_dim3A_2236 = vector.broadcast %jit3A_2235 : f32 to vector<16xf32>
        %select_n3A_2237 = arith.select %eq3A_2234, %get3A_2148, %broadcast_in_dim3A_2236 : vector<16xi1>, vector<16xf32>
        %add3A_2238 = arith.addf %add3A_2107, %select_n3A_2237 : vector<16xf32>
        %eq3A_2239 = arith.constant 12 : i32
        %eq3A_2240 = vector.broadcast %eq3A_2239 : i32 to vector<16xi32>
        %eq3A_2241 = arith.cmpi eq, %get3A_2154, %eq3A_2240 : vector<16xi32>
        %jit3A_2242 = arith.constant 0.000000e+00 : f32
        %broadcast_in_dim3A_2243 = vector.broadcast %jit3A_2242 : f32 to vector<16xf32>
        %select_n3A_2244 = arith.select %eq3A_2241, %get3A_2148, %broadcast_in_dim3A_2243 : vector<16xi1>, vector<16xf32>
        %add3A_2245 = arith.addf %add3A_2114, %select_n3A_2244 : vector<16xf32>
        %eq3A_2246 = arith.constant 13 : i32
        %eq3A_2247 = vector.broadcast %eq3A_2246 : i32 to vector<16xi32>
        %eq3A_2248 = arith.cmpi eq, %get3A_2154, %eq3A_2247 : vector<16xi32>
        %jit3A_2249 = arith.constant 0.000000e+00 : f32
        %broadcast_in_dim3A_2250 = vector.broadcast %jit3A_2249 : f32 to vector<16xf32>
        %select_n3A_2251 = arith.select %eq3A_2248, %get3A_2148, %broadcast_in_dim3A_2250 : vector<16xi1>, vector<16xf32>
        %add3A_2252 = arith.addf %add3A_2121, %select_n3A_2251 : vector<16xf32>
        %eq3A_2253 = arith.constant 14 : i32
        %eq3A_2254 = vector.broadcast %eq3A_2253 : i32 to vector<16xi32>
        %eq3A_2255 = arith.cmpi eq, %get3A_2154, %eq3A_2254 : vector<16xi32>
        %jit3A_2256 = arith.constant 0.000000e+00 : f32
        %broadcast_in_dim3A_2257 = vector.broadcast %jit3A_2256 : f32 to vector<16xf32>
        %select_n3A_2258 = arith.select %eq3A_2255, %get3A_2148, %broadcast_in_dim3A_2257 : vector<16xi1>, vector<16xf32>
        %add3A_2259 = arith.addf %add3A_2128, %select_n3A_2258 : vector<16xf32>
        %eq3A_2260 = arith.constant 15 : i32
        %eq3A_2261 = vector.broadcast %eq3A_2260 : i32 to vector<16xi32>
        %eq3A_2262 = arith.cmpi eq, %get3A_2154, %eq3A_2261 : vector<16xi32>
        %jit3A_2263 = arith.constant 0.000000e+00 : f32
        %broadcast_in_dim3A_2264 = vector.broadcast %jit3A_2263 : f32 to vector<16xf32>
        %select_n3A_2265 = arith.select %eq3A_2262, %get3A_2148, %broadcast_in_dim3A_2264 : vector<16xi1>, vector<16xf32>
        %add3A_2266 = arith.addf %add3A_2135, %select_n3A_2265 : vector<16xf32>
        %eq3A_2267 = arith.constant 16 : i32
        %eq3A_2268 = vector.broadcast %eq3A_2267 : i32 to vector<16xi32>
        %eq3A_2269 = arith.cmpi eq, %get3A_2154, %eq3A_2268 : vector<16xi32>
        %jit3A_2270 = arith.constant 0.000000e+00 : f32
        %broadcast_in_dim3A_2271 = vector.broadcast %jit3A_2270 : f32 to vector<16xf32>
        %select_n3A_2272 = arith.select %eq3A_2269, %get3A_2148, %broadcast_in_dim3A_2271 : vector<16xi1>, vector<16xf32>
        %add3A_2273 = arith.addf %add3A_2142, %select_n3A_2272 : vector<16xf32>
        %add3A_2274 = arith.constant 16 : i32
        %add3A_2275 = arith.addi %mul3A_178, %add3A_2274 : i32
        %get3A_2276 = arith.index_cast %add3A_2275 : i32 to index
        %get3A_2277 = arith.index_cast %multiple_of3A : i32 to index
        %get3A_2278 = tpu.vector_load %arg5[%get3A_2276, %get3A_2277] {strides = array<i32>} : memref<256x128xf32, #tpu.memory_space<vmem>>, vector<1x16xf32>,
        %get3A_2279 = vector.shape_cast %get3A_2278 : vector<1x16xf32> to vector<16xf32>
        %add3A_2280 = arith.constant 16 : i32
        %add3A_2281 = arith.addi %mul3A_178, %add3A_2280 : i32
        %get3A_2282 = arith.index_cast %add3A_2281 : i32 to index
        %get3A_2283 = arith.index_cast %multiple_of3A : i32 to index
        %get3A_2284 = tpu.vector_load %arg6[%get3A_2282, %get3A_2283] {strides = array<i32>} : memref<256x128xi32, #tpu.memory_space<vmem>>, vector<1x16xi32>,
        %get3A_2285 = vector.shape_cast %get3A_2284 : vector<1x16xi32> to vector<16xi32>
        %eq3A_2286 = arith.constant 0 : i32
        %eq3A_2287 = vector.broadcast %eq3A_2286 : i32 to vector<16xi32>
        %eq3A_2288 = arith.cmpi eq, %get3A_2285, %eq3A_2287 : vector<16xi32>
        %jit3A_2289 = arith.constant 0.000000e+00 : f32
        %broadcast_in_dim3A_2290 = vector.broadcast %jit3A_2289 : f32 to vector<16xf32>
        %select_n3A_2291 = arith.select %eq3A_2288, %get3A_2279, %broadcast_in_dim3A_2290 : vector<16xi1>, vector<16xf32>
        %add3A_2292 = arith.addf %add3A_2161, %select_n3A_2291 : vector<16xf32>
        %eq3A_2293 = arith.constant 1 : i32
        %eq3A_2294 = vector.broadcast %eq3A_2293 : i32 to vector<16xi32>
        %eq3A_2295 = arith.cmpi eq, %get3A_2285, %eq3A_2294 : vector<16xi32>
        %jit3A_2296 = arith.constant 0.000000e+00 : f32
        %broadcast_in_dim3A_2297 = vector.broadcast %jit3A_2296 : f32 to vector<16xf32>
        %select_n3A_2298 = arith.select %eq3A_2295, %get3A_2279, %broadcast_in_dim3A_2297 : vector<16xi1>, vector<16xf32>
        %add3A_2299 = arith.addf %add3A_2168, %select_n3A_2298 : vector<16xf32>
        %eq3A_2300 = arith.constant 2 : i32
        %eq3A_2301 = vector.broadcast %eq3A_2300 : i32 to vector<16xi32>
        %eq3A_2302 = arith.cmpi eq, %get3A_2285, %eq3A_2301 : vector<16xi32>
        %jit3A_2303 = arith.constant 0.000000e+00 : f32
        %broadcast_in_dim3A_2304 = vector.broadcast %jit3A_2303 : f32 to vector<16xf32>
        %select_n3A_2305 = arith.select %eq3A_2302, %get3A_2279, %broadcast_in_dim3A_2304 : vector<16xi1>, vector<16xf32>
        %add3A_2306 = arith.addf %add3A_2175, %select_n3A_2305 : vector<16xf32>
        %eq3A_2307 = arith.constant 3 : i32
        %eq3A_2308 = vector.broadcast %eq3A_2307 : i32 to vector<16xi32>
        %eq3A_2309 = arith.cmpi eq, %get3A_2285, %eq3A_2308 : vector<16xi32>
        %jit3A_2310 = arith.constant 0.000000e+00 : f32
        %broadcast_in_dim3A_2311 = vector.broadcast %jit3A_2310 : f32 to vector<16xf32>
        %select_n3A_2312 = arith.select %eq3A_2309, %get3A_2279, %broadcast_in_dim3A_2311 : vector<16xi1>, vector<16xf32>
        %add3A_2313 = arith.addf %add3A_2182, %select_n3A_2312 : vector<16xf32>
        %eq3A_2314 = arith.constant 4 : i32
        %eq3A_2315 = vector.broadcast %eq3A_2314 : i32 to vector<16xi32>
        %eq3A_2316 = arith.cmpi eq, %get3A_2285, %eq3A_2315 : vector<16xi32>
        %jit3A_2317 = arith.constant 0.000000e+00 : f32
        %broadcast_in_dim3A_2318 = vector.broadcast %jit3A_2317 : f32 to vector<16xf32>
        %select_n3A_2319 = arith.select %eq3A_2316, %get3A_2279, %broadcast_in_dim3A_2318 : vector<16xi1>, vector<16xf32>
        %add3A_2320 = arith.addf %add3A_2189, %select_n3A_2319 : vector<16xf32>
        %eq3A_2321 = arith.constant 5 : i32
        %eq3A_2322 = vector.broadcast %eq3A_2321 : i32 to vector<16xi32>
        %eq3A_2323 = arith.cmpi eq, %get3A_2285, %eq3A_2322 : vector<16xi32>
        %jit3A_2324 = arith.constant 0.000000e+00 : f32
        %broadcast_in_dim3A_2325 = vector.broadcast %jit3A_2324 : f32 to vector<16xf32>
        %select_n3A_2326 = arith.select %eq3A_2323, %get3A_2279, %broadcast_in_dim3A_2325 : vector<16xi1>, vector<16xf32>
        %add3A_2327 = arith.addf %add3A_2196, %select_n3A_2326 : vector<16xf32>
        %eq3A_2328 = arith.constant 6 : i32
        %eq3A_2329 = vector.broadcast %eq3A_2328 : i32 to vector<16xi32>
        %eq3A_2330 = arith.cmpi eq, %get3A_2285, %eq3A_2329 : vector<16xi32>
        %jit3A_2331 = arith.constant 0.000000e+00 : f32
        %broadcast_in_dim3A_2332 = vector.broadcast %jit3A_2331 : f32 to vector<16xf32>
        %select_n3A_2333 = arith.select %eq3A_2330, %get3A_2279, %broadcast_in_dim3A_2332 : vector<16xi1>, vector<16xf32>
        %add3A_2334 = arith.addf %add3A_2203, %select_n3A_2333 : vector<16xf32>
        %eq3A_2335 = arith.constant 7 : i32
        %eq3A_2336 = vector.broadcast %eq3A_2335 : i32 to vector<16xi32>
        %eq3A_2337 = arith.cmpi eq, %get3A_2285, %eq3A_2336 : vector<16xi32>
        %jit3A_2338 = arith.constant 0.000000e+00 : f32
        %broadcast_in_dim3A_2339 = vector.broadcast %jit3A_2338 : f32 to vector<16xf32>
        %select_n3A_2340 = arith.select %eq3A_2337, %get3A_2279, %broadcast_in_dim3A_2339 : vector<16xi1>, vector<16xf32>
        %add3A_2341 = arith.addf %add3A_2210, %select_n3A_2340 : vector<16xf32>
        %eq3A_2342 = arith.constant 8 : i32
        %eq3A_2343 = vector.broadcast %eq3A_2342 : i32 to vector<16xi32>
        %eq3A_2344 = arith.cmpi eq, %get3A_2285, %eq3A_2343 : vector<16xi32>
        %jit3A_2345 = arith.constant 0.000000e+00 : f32
        %broadcast_in_dim3A_2346 = vector.broadcast %jit3A_2345 : f32 to vector<16xf32>
        %select_n3A_2347 = arith.select %eq3A_2344, %get3A_2279, %broadcast_in_dim3A_2346 : vector<16xi1>, vector<16xf32>
        %add3A_2348 = arith.addf %add3A_2217, %select_n3A_2347 : vector<16xf32>
        %eq3A_2349 = arith.constant 9 : i32
        %eq3A_2350 = vector.broadcast %eq3A_2349 : i32 to vector<16xi32>
        %eq3A_2351 = arith.cmpi eq, %get3A_2285, %eq3A_2350 : vector<16xi32>
        %jit3A_2352 = arith.constant 0.000000e+00 : f32
        %broadcast_in_dim3A_2353 = vector.broadcast %jit3A_2352 : f32 to vector<16xf32>
        %select_n3A_2354 = arith.select %eq3A_2351, %get3A_2279, %broadcast_in_dim3A_2353 : vector<16xi1>, vector<16xf32>
        %add3A_2355 = arith.addf %add3A_2224, %select_n3A_2354 : vector<16xf32>
        %eq3A_2356 = arith.constant 10 : i32
        %eq3A_2357 = vector.broadcast %eq3A_2356 : i32 to vector<16xi32>
        %eq3A_2358 = arith.cmpi eq, %get3A_2285, %eq3A_2357 : vector<16xi32>
        %jit3A_2359 = arith.constant 0.000000e+00 : f32
        %broadcast_in_dim3A_2360 = vector.broadcast %jit3A_2359 : f32 to vector<16xf32>
        %select_n3A_2361 = arith.select %eq3A_2358, %get3A_2279, %broadcast_in_dim3A_2360 : vector<16xi1>, vector<16xf32>
        %add3A_2362 = arith.addf %add3A_2231, %select_n3A_2361 : vector<16xf32>
        %eq3A_2363 = arith.constant 11 : i32
        %eq3A_2364 = vector.broadcast %eq3A_2363 : i32 to vector<16xi32>
        %eq3A_2365 = arith.cmpi eq, %get3A_2285, %eq3A_2364 : vector<16xi32>
        %jit3A_2366 = arith.constant 0.000000e+00 : f32
        %broadcast_in_dim3A_2367 = vector.broadcast %jit3A_2366 : f32 to vector<16xf32>
        %select_n3A_2368 = arith.select %eq3A_2365, %get3A_2279, %broadcast_in_dim3A_2367 : vector<16xi1>, vector<16xf32>
        %add3A_2369 = arith.addf %add3A_2238, %select_n3A_2368 : vector<16xf32>
        %eq3A_2370 = arith.constant 12 : i32
        %eq3A_2371 = vector.broadcast %eq3A_2370 : i32 to vector<16xi32>
        %eq3A_2372 = arith.cmpi eq, %get3A_2285, %eq3A_2371 : vector<16xi32>
        %jit3A_2373 = arith.constant 0.000000e+00 : f32
        %broadcast_in_dim3A_2374 = vector.broadcast %jit3A_2373 : f32 to vector<16xf32>
        %select_n3A_2375 = arith.select %eq3A_2372, %get3A_2279, %broadcast_in_dim3A_2374 : vector<16xi1>, vector<16xf32>
        %add3A_2376 = arith.addf %add3A_2245, %select_n3A_2375 : vector<16xf32>
        %eq3A_2377 = arith.constant 13 : i32
        %eq3A_2378 = vector.broadcast %eq3A_2377 : i32 to vector<16xi32>
        %eq3A_2379 = arith.cmpi eq, %get3A_2285, %eq3A_2378 : vector<16xi32>
        %jit3A_2380 = arith.constant 0.000000e+00 : f32
        %broadcast_in_dim3A_2381 = vector.broadcast %jit3A_2380 : f32 to vector<16xf32>
        %select_n3A_2382 = arith.select %eq3A_2379, %get3A_2279, %broadcast_in_dim3A_2381 : vector<16xi1>, vector<16xf32>
        %add3A_2383 = arith.addf %add3A_2252, %select_n3A_2382 : vector<16xf32>
        %eq3A_2384 = arith.constant 14 : i32
        %eq3A_2385 = vector.broadcast %eq3A_2384 : i32 to vector<16xi32>
        %eq3A_2386 = arith.cmpi eq, %get3A_2285, %eq3A_2385 : vector<16xi32>
        %jit3A_2387 = arith.constant 0.000000e+00 : f32
        %broadcast_in_dim3A_2388 = vector.broadcast %jit3A_2387 : f32 to vector<16xf32>
        %select_n3A_2389 = arith.select %eq3A_2386, %get3A_2279, %broadcast_in_dim3A_2388 : vector<16xi1>, vector<16xf32>
        %add3A_2390 = arith.addf %add3A_2259, %select_n3A_2389 : vector<16xf32>
        %eq3A_2391 = arith.constant 15 : i32
        %eq3A_2392 = vector.broadcast %eq3A_2391 : i32 to vector<16xi32>
        %eq3A_2393 = arith.cmpi eq, %get3A_2285, %eq3A_2392 : vector<16xi32>
        %jit3A_2394 = arith.constant 0.000000e+00 : f32
        %broadcast_in_dim3A_2395 = vector.broadcast %jit3A_2394 : f32 to vector<16xf32>
        %select_n3A_2396 = arith.select %eq3A_2393, %get3A_2279, %broadcast_in_dim3A_2395 : vector<16xi1>, vector<16xf32>
        %add3A_2397 = arith.addf %add3A_2266, %select_n3A_2396 : vector<16xf32>
        %eq3A_2398 = arith.constant 16 : i32
        %eq3A_2399 = vector.broadcast %eq3A_2398 : i32 to vector<16xi32>
        %eq3A_2400 = arith.cmpi eq, %get3A_2285, %eq3A_2399 : vector<16xi32>
        %jit3A_2401 = arith.constant 0.000000e+00 : f32
        %broadcast_in_dim3A_2402 = vector.broadcast %jit3A_2401 : f32 to vector<16xf32>
        %select_n3A_2403 = arith.select %eq3A_2400, %get3A_2279, %broadcast_in_dim3A_2402 : vector<16xi1>, vector<16xf32>
        %add3A_2404 = arith.addf %add3A_2273, %select_n3A_2403 : vector<16xf32>
        %add3A_2405 = arith.constant 17 : i32
        %add3A_2406 = arith.addi %mul3A_178, %add3A_2405 : i32
        %get3A_2407 = arith.index_cast %add3A_2406 : i32 to index
        %get3A_2408 = arith.index_cast %multiple_of3A : i32 to index
        %get3A_2409 = tpu.vector_load %arg5[%get3A_2407, %get3A_2408] {strides = array<i32>} : memref<256x128xf32, #tpu.memory_space<vmem>>, vector<1x16xf32>,
        %get3A_2410 = vector.shape_cast %get3A_2409 : vector<1x16xf32> to vector<16xf32>
        %add3A_2411 = arith.constant 17 : i32
        %add3A_2412 = arith.addi %mul3A_178, %add3A_2411 : i32
        %get3A_2413 = arith.index_cast %add3A_2412 : i32 to index
        %get3A_2414 = arith.index_cast %multiple_of3A : i32 to index
        %get3A_2415 = tpu.vector_load %arg6[%get3A_2413, %get3A_2414] {strides = array<i32>} : memref<256x128xi32, #tpu.memory_space<vmem>>, vector<1x16xi32>,
        %get3A_2416 = vector.shape_cast %get3A_2415 : vector<1x16xi32> to vector<16xi32>
        %eq3A_2417 = arith.constant 0 : i32
        %eq3A_2418 = vector.broadcast %eq3A_2417 : i32 to vector<16xi32>
        %eq3A_2419 = arith.cmpi eq, %get3A_2416, %eq3A_2418 : vector<16xi32>
        %jit3A_2420 = arith.constant 0.000000e+00 : f32
        %broadcast_in_dim3A_2421 = vector.broadcast %jit3A_2420 : f32 to vector<16xf32>
        %select_n3A_2422 = arith.select %eq3A_2419, %get3A_2410, %broadcast_in_dim3A_2421 : vector<16xi1>, vector<16xf32>
        %add3A_2423 = arith.addf %add3A_2292, %select_n3A_2422 : vector<16xf32>
        %eq3A_2424 = arith.constant 1 : i32
        %eq3A_2425 = vector.broadcast %eq3A_2424 : i32 to vector<16xi32>
        %eq3A_2426 = arith.cmpi eq, %get3A_2416, %eq3A_2425 : vector<16xi32>
        %jit3A_2427 = arith.constant 0.000000e+00 : f32
        %broadcast_in_dim3A_2428 = vector.broadcast %jit3A_2427 : f32 to vector<16xf32>
        %select_n3A_2429 = arith.select %eq3A_2426, %get3A_2410, %broadcast_in_dim3A_2428 : vector<16xi1>, vector<16xf32>
        %add3A_2430 = arith.addf %add3A_2299, %select_n3A_2429 : vector<16xf32>
        %eq3A_2431 = arith.constant 2 : i32
        %eq3A_2432 = vector.broadcast %eq3A_2431 : i32 to vector<16xi32>
        %eq3A_2433 = arith.cmpi eq, %get3A_2416, %eq3A_2432 : vector<16xi32>
        %jit3A_2434 = arith.constant 0.000000e+00 : f32
        %broadcast_in_dim3A_2435 = vector.broadcast %jit3A_2434 : f32 to vector<16xf32>
        %select_n3A_2436 = arith.select %eq3A_2433, %get3A_2410, %broadcast_in_dim3A_2435 : vector<16xi1>, vector<16xf32>
        %add3A_2437 = arith.addf %add3A_2306, %select_n3A_2436 : vector<16xf32>
        %eq3A_2438 = arith.constant 3 : i32
        %eq3A_2439 = vector.broadcast %eq3A_2438 : i32 to vector<16xi32>
        %eq3A_2440 = arith.cmpi eq, %get3A_2416, %eq3A_2439 : vector<16xi32>
        %jit3A_2441 = arith.constant 0.000000e+00 : f32
        %broadcast_in_dim3A_2442 = vector.broadcast %jit3A_2441 : f32 to vector<16xf32>
        %select_n3A_2443 = arith.select %eq3A_2440, %get3A_2410, %broadcast_in_dim3A_2442 : vector<16xi1>, vector<16xf32>
        %add3A_2444 = arith.addf %add3A_2313, %select_n3A_2443 : vector<16xf32>
        %eq3A_2445 = arith.constant 4 : i32
        %eq3A_2446 = vector.broadcast %eq3A_2445 : i32 to vector<16xi32>
        %eq3A_2447 = arith.cmpi eq, %get3A_2416, %eq3A_2446 : vector<16xi32>
        %jit3A_2448 = arith.constant 0.000000e+00 : f32
        %broadcast_in_dim3A_2449 = vector.broadcast %jit3A_2448 : f32 to vector<16xf32>
        %select_n3A_2450 = arith.select %eq3A_2447, %get3A_2410, %broadcast_in_dim3A_2449 : vector<16xi1>, vector<16xf32>
        %add3A_2451 = arith.addf %add3A_2320, %select_n3A_2450 : vector<16xf32>
        %eq3A_2452 = arith.constant 5 : i32
        %eq3A_2453 = vector.broadcast %eq3A_2452 : i32 to vector<16xi32>
        %eq3A_2454 = arith.cmpi eq, %get3A_2416, %eq3A_2453 : vector<16xi32>
        %jit3A_2455 = arith.constant 0.000000e+00 : f32
        %broadcast_in_dim3A_2456 = vector.broadcast %jit3A_2455 : f32 to vector<16xf32>
        %select_n3A_2457 = arith.select %eq3A_2454, %get3A_2410, %broadcast_in_dim3A_2456 : vector<16xi1>, vector<16xf32>
        %add3A_2458 = arith.addf %add3A_2327, %select_n3A_2457 : vector<16xf32>
        %eq3A_2459 = arith.constant 6 : i32
        %eq3A_2460 = vector.broadcast %eq3A_2459 : i32 to vector<16xi32>
        %eq3A_2461 = arith.cmpi eq, %get3A_2416, %eq3A_2460 : vector<16xi32>
        %jit3A_2462 = arith.constant 0.000000e+00 : f32
        %broadcast_in_dim3A_2463 = vector.broadcast %jit3A_2462 : f32 to vector<16xf32>
        %select_n3A_2464 = arith.select %eq3A_2461, %get3A_2410, %broadcast_in_dim3A_2463 : vector<16xi1>, vector<16xf32>
        %add3A_2465 = arith.addf %add3A_2334, %select_n3A_2464 : vector<16xf32>
        %eq3A_2466 = arith.constant 7 : i32
        %eq3A_2467 = vector.broadcast %eq3A_2466 : i32 to vector<16xi32>
        %eq3A_2468 = arith.cmpi eq, %get3A_2416, %eq3A_2467 : vector<16xi32>
        %jit3A_2469 = arith.constant 0.000000e+00 : f32
        %broadcast_in_dim3A_2470 = vector.broadcast %jit3A_2469 : f32 to vector<16xf32>
        %select_n3A_2471 = arith.select %eq3A_2468, %get3A_2410, %broadcast_in_dim3A_2470 : vector<16xi1>, vector<16xf32>
        %add3A_2472 = arith.addf %add3A_2341, %select_n3A_2471 : vector<16xf32>
        %eq3A_2473 = arith.constant 8 : i32
        %eq3A_2474 = vector.broadcast %eq3A_2473 : i32 to vector<16xi32>
        %eq3A_2475 = arith.cmpi eq, %get3A_2416, %eq3A_2474 : vector<16xi32>
        %jit3A_2476 = arith.constant 0.000000e+00 : f32
        %broadcast_in_dim3A_2477 = vector.broadcast %jit3A_2476 : f32 to vector<16xf32>
        %select_n3A_2478 = arith.select %eq3A_2475, %get3A_2410, %broadcast_in_dim3A_2477 : vector<16xi1>, vector<16xf32>
        %add3A_2479 = arith.addf %add3A_2348, %select_n3A_2478 : vector<16xf32>
        %eq3A_2480 = arith.constant 9 : i32
        %eq3A_2481 = vector.broadcast %eq3A_2480 : i32 to vector<16xi32>
        %eq3A_2482 = arith.cmpi eq, %get3A_2416, %eq3A_2481 : vector<16xi32>
        %jit3A_2483 = arith.constant 0.000000e+00 : f32
        %broadcast_in_dim3A_2484 = vector.broadcast %jit3A_2483 : f32 to vector<16xf32>
        %select_n3A_2485 = arith.select %eq3A_2482, %get3A_2410, %broadcast_in_dim3A_2484 : vector<16xi1>, vector<16xf32>
        %add3A_2486 = arith.addf %add3A_2355, %select_n3A_2485 : vector<16xf32>
        %eq3A_2487 = arith.constant 10 : i32
        %eq3A_2488 = vector.broadcast %eq3A_2487 : i32 to vector<16xi32>
        %eq3A_2489 = arith.cmpi eq, %get3A_2416, %eq3A_2488 : vector<16xi32>
        %jit3A_2490 = arith.constant 0.000000e+00 : f32
        %broadcast_in_dim3A_2491 = vector.broadcast %jit3A_2490 : f32 to vector<16xf32>
        %select_n3A_2492 = arith.select %eq3A_2489, %get3A_2410, %broadcast_in_dim3A_2491 : vector<16xi1>, vector<16xf32>
        %add3A_2493 = arith.addf %add3A_2362, %select_n3A_2492 : vector<16xf32>
        %eq3A_2494 = arith.constant 11 : i32
        %eq3A_2495 = vector.broadcast %eq3A_2494 : i32 to vector<16xi32>
        %eq3A_2496 = arith.cmpi eq, %get3A_2416, %eq3A_2495 : vector<16xi32>
        %jit3A_2497 = arith.constant 0.000000e+00 : f32
        %broadcast_in_dim3A_2498 = vector.broadcast %jit3A_2497 : f32 to vector<16xf32>
        %select_n3A_2499 = arith.select %eq3A_2496, %get3A_2410, %broadcast_in_dim3A_2498 : vector<16xi1>, vector<16xf32>
        %add3A_2500 = arith.addf %add3A_2369, %select_n3A_2499 : vector<16xf32>
        %eq3A_2501 = arith.constant 12 : i32
        %eq3A_2502 = vector.broadcast %eq3A_2501 : i32 to vector<16xi32>
        %eq3A_2503 = arith.cmpi eq, %get3A_2416, %eq3A_2502 : vector<16xi32>
        %jit3A_2504 = arith.constant 0.000000e+00 : f32
        %broadcast_in_dim3A_2505 = vector.broadcast %jit3A_2504 : f32 to vector<16xf32>
        %select_n3A_2506 = arith.select %eq3A_2503, %get3A_2410, %broadcast_in_dim3A_2505 : vector<16xi1>, vector<16xf32>
        %add3A_2507 = arith.addf %add3A_2376, %select_n3A_2506 : vector<16xf32>
        %eq3A_2508 = arith.constant 13 : i32
        %eq3A_2509 = vector.broadcast %eq3A_2508 : i32 to vector<16xi32>
        %eq3A_2510 = arith.cmpi eq, %get3A_2416, %eq3A_2509 : vector<16xi32>
        %jit3A_2511 = arith.constant 0.000000e+00 : f32
        %broadcast_in_dim3A_2512 = vector.broadcast %jit3A_2511 : f32 to vector<16xf32>
        %select_n3A_2513 = arith.select %eq3A_2510, %get3A_2410, %broadcast_in_dim3A_2512 : vector<16xi1>, vector<16xf32>
        %add3A_2514 = arith.addf %add3A_2383, %select_n3A_2513 : vector<16xf32>
        %eq3A_2515 = arith.constant 14 : i32
        %eq3A_2516 = vector.broadcast %eq3A_2515 : i32 to vector<16xi32>
        %eq3A_2517 = arith.cmpi eq, %get3A_2416, %eq3A_2516 : vector<16xi32>
        %jit3A_2518 = arith.constant 0.000000e+00 : f32
        %broadcast_in_dim3A_2519 = vector.broadcast %jit3A_2518 : f32 to vector<16xf32>
        %select_n3A_2520 = arith.select %eq3A_2517, %get3A_2410, %broadcast_in_dim3A_2519 : vector<16xi1>, vector<16xf32>
        %add3A_2521 = arith.addf %add3A_2390, %select_n3A_2520 : vector<16xf32>
        %eq3A_2522 = arith.constant 15 : i32
        %eq3A_2523 = vector.broadcast %eq3A_2522 : i32 to vector<16xi32>
        %eq3A_2524 = arith.cmpi eq, %get3A_2416, %eq3A_2523 : vector<16xi32>
        %jit3A_2525 = arith.constant 0.000000e+00 : f32
        %broadcast_in_dim3A_2526 = vector.broadcast %jit3A_2525 : f32 to vector<16xf32>
        %select_n3A_2527 = arith.select %eq3A_2524, %get3A_2410, %broadcast_in_dim3A_2526 : vector<16xi1>, vector<16xf32>
        %add3A_2528 = arith.addf %add3A_2397, %select_n3A_2527 : vector<16xf32>
        %eq3A_2529 = arith.constant 16 : i32
        %eq3A_2530 = vector.broadcast %eq3A_2529 : i32 to vector<16xi32>
        %eq3A_2531 = arith.cmpi eq, %get3A_2416, %eq3A_2530 : vector<16xi32>
        %jit3A_2532 = arith.constant 0.000000e+00 : f32
        %broadcast_in_dim3A_2533 = vector.broadcast %jit3A_2532 : f32 to vector<16xf32>
        %select_n3A_2534 = arith.select %eq3A_2531, %get3A_2410, %broadcast_in_dim3A_2533 : vector<16xi1>, vector<16xf32>
        %add3A_2535 = arith.addf %add3A_2404, %select_n3A_2534 : vector<16xf32>
        %add3A_2536 = arith.constant 18 : i32
        %add3A_2537 = arith.addi %mul3A_178, %add3A_2536 : i32
        %get3A_2538 = arith.index_cast %add3A_2537 : i32 to index
        %get3A_2539 = arith.index_cast %multiple_of3A : i32 to index
        %get3A_2540 = tpu.vector_load %arg5[%get3A_2538, %get3A_2539] {strides = array<i32>} : memref<256x128xf32, #tpu.memory_space<vmem>>, vector<1x16xf32>,
        %get3A_2541 = vector.shape_cast %get3A_2540 : vector<1x16xf32> to vector<16xf32>
        %add3A_2542 = arith.constant 18 : i32
        %add3A_2543 = arith.addi %mul3A_178, %add3A_2542 : i32
        %get3A_2544 = arith.index_cast %add3A_2543 : i32 to index
        %get3A_2545 = arith.index_cast %multiple_of3A : i32 to index
        %get3A_2546 = tpu.vector_load %arg6[%get3A_2544, %get3A_2545] {strides = array<i32>} : memref<256x128xi32, #tpu.memory_space<vmem>>, vector<1x16xi32>,
        %get3A_2547 = vector.shape_cast %get3A_2546 : vector<1x16xi32> to vector<16xi32>
        %eq3A_2548 = arith.constant 0 : i32
        %eq3A_2549 = vector.broadcast %eq3A_2548 : i32 to vector<16xi32>
        %eq3A_2550 = arith.cmpi eq, %get3A_2547, %eq3A_2549 : vector<16xi32>
        %jit3A_2551 = arith.constant 0.000000e+00 : f32
        %broadcast_in_dim3A_2552 = vector.broadcast %jit3A_2551 : f32 to vector<16xf32>
        %select_n3A_2553 = arith.select %eq3A_2550, %get3A_2541, %broadcast_in_dim3A_2552 : vector<16xi1>, vector<16xf32>
        %add3A_2554 = arith.addf %add3A_2423, %select_n3A_2553 : vector<16xf32>
        %eq3A_2555 = arith.constant 1 : i32
        %eq3A_2556 = vector.broadcast %eq3A_2555 : i32 to vector<16xi32>
        %eq3A_2557 = arith.cmpi eq, %get3A_2547, %eq3A_2556 : vector<16xi32>
        %jit3A_2558 = arith.constant 0.000000e+00 : f32
        %broadcast_in_dim3A_2559 = vector.broadcast %jit3A_2558 : f32 to vector<16xf32>
        %select_n3A_2560 = arith.select %eq3A_2557, %get3A_2541, %broadcast_in_dim3A_2559 : vector<16xi1>, vector<16xf32>
        %add3A_2561 = arith.addf %add3A_2430, %select_n3A_2560 : vector<16xf32>
        %eq3A_2562 = arith.constant 2 : i32
        %eq3A_2563 = vector.broadcast %eq3A_2562 : i32 to vector<16xi32>
        %eq3A_2564 = arith.cmpi eq, %get3A_2547, %eq3A_2563 : vector<16xi32>
        %jit3A_2565 = arith.constant 0.000000e+00 : f32
        %broadcast_in_dim3A_2566 = vector.broadcast %jit3A_2565 : f32 to vector<16xf32>
        %select_n3A_2567 = arith.select %eq3A_2564, %get3A_2541, %broadcast_in_dim3A_2566 : vector<16xi1>, vector<16xf32>
        %add3A_2568 = arith.addf %add3A_2437, %select_n3A_2567 : vector<16xf32>
        %eq3A_2569 = arith.constant 3 : i32
        %eq3A_2570 = vector.broadcast %eq3A_2569 : i32 to vector<16xi32>
        %eq3A_2571 = arith.cmpi eq, %get3A_2547, %eq3A_2570 : vector<16xi32>
        %jit3A_2572 = arith.constant 0.000000e+00 : f32
        %broadcast_in_dim3A_2573 = vector.broadcast %jit3A_2572 : f32 to vector<16xf32>
        %select_n3A_2574 = arith.select %eq3A_2571, %get3A_2541, %broadcast_in_dim3A_2573 : vector<16xi1>, vector<16xf32>
        %add3A_2575 = arith.addf %add3A_2444, %select_n3A_2574 : vector<16xf32>
        %eq3A_2576 = arith.constant 4 : i32
        %eq3A_2577 = vector.broadcast %eq3A_2576 : i32 to vector<16xi32>
        %eq3A_2578 = arith.cmpi eq, %get3A_2547, %eq3A_2577 : vector<16xi32>
        %jit3A_2579 = arith.constant 0.000000e+00 : f32
        %broadcast_in_dim3A_2580 = vector.broadcast %jit3A_2579 : f32 to vector<16xf32>
        %select_n3A_2581 = arith.select %eq3A_2578, %get3A_2541, %broadcast_in_dim3A_2580 : vector<16xi1>, vector<16xf32>
        %add3A_2582 = arith.addf %add3A_2451, %select_n3A_2581 : vector<16xf32>
        %eq3A_2583 = arith.constant 5 : i32
        %eq3A_2584 = vector.broadcast %eq3A_2583 : i32 to vector<16xi32>
        %eq3A_2585 = arith.cmpi eq, %get3A_2547, %eq3A_2584 : vector<16xi32>
        %jit3A_2586 = arith.constant 0.000000e+00 : f32
        %broadcast_in_dim3A_2587 = vector.broadcast %jit3A_2586 : f32 to vector<16xf32>
        %select_n3A_2588 = arith.select %eq3A_2585, %get3A_2541, %broadcast_in_dim3A_2587 : vector<16xi1>, vector<16xf32>
        %add3A_2589 = arith.addf %add3A_2458, %select_n3A_2588 : vector<16xf32>
        %eq3A_2590 = arith.constant 6 : i32
        %eq3A_2591 = vector.broadcast %eq3A_2590 : i32 to vector<16xi32>
        %eq3A_2592 = arith.cmpi eq, %get3A_2547, %eq3A_2591 : vector<16xi32>
        %jit3A_2593 = arith.constant 0.000000e+00 : f32
        %broadcast_in_dim3A_2594 = vector.broadcast %jit3A_2593 : f32 to vector<16xf32>
        %select_n3A_2595 = arith.select %eq3A_2592, %get3A_2541, %broadcast_in_dim3A_2594 : vector<16xi1>, vector<16xf32>
        %add3A_2596 = arith.addf %add3A_2465, %select_n3A_2595 : vector<16xf32>
        %eq3A_2597 = arith.constant 7 : i32
        %eq3A_2598 = vector.broadcast %eq3A_2597 : i32 to vector<16xi32>
        %eq3A_2599 = arith.cmpi eq, %get3A_2547, %eq3A_2598 : vector<16xi32>
        %jit3A_2600 = arith.constant 0.000000e+00 : f32
        %broadcast_in_dim3A_2601 = vector.broadcast %jit3A_2600 : f32 to vector<16xf32>
        %select_n3A_2602 = arith.select %eq3A_2599, %get3A_2541, %broadcast_in_dim3A_2601 : vector<16xi1>, vector<16xf32>
        %add3A_2603 = arith.addf %add3A_2472, %select_n3A_2602 : vector<16xf32>
        %eq3A_2604 = arith.constant 8 : i32
        %eq3A_2605 = vector.broadcast %eq3A_2604 : i32 to vector<16xi32>
        %eq3A_2606 = arith.cmpi eq, %get3A_2547, %eq3A_2605 : vector<16xi32>
        %jit3A_2607 = arith.constant 0.000000e+00 : f32
        %broadcast_in_dim3A_2608 = vector.broadcast %jit3A_2607 : f32 to vector<16xf32>
        %select_n3A_2609 = arith.select %eq3A_2606, %get3A_2541, %broadcast_in_dim3A_2608 : vector<16xi1>, vector<16xf32>
        %add3A_2610 = arith.addf %add3A_2479, %select_n3A_2609 : vector<16xf32>
        %eq3A_2611 = arith.constant 9 : i32
        %eq3A_2612 = vector.broadcast %eq3A_2611 : i32 to vector<16xi32>
        %eq3A_2613 = arith.cmpi eq, %get3A_2547, %eq3A_2612 : vector<16xi32>
        %jit3A_2614 = arith.constant 0.000000e+00 : f32
        %broadcast_in_dim3A_2615 = vector.broadcast %jit3A_2614 : f32 to vector<16xf32>
        %select_n3A_2616 = arith.select %eq3A_2613, %get3A_2541, %broadcast_in_dim3A_2615 : vector<16xi1>, vector<16xf32>
        %add3A_2617 = arith.addf %add3A_2486, %select_n3A_2616 : vector<16xf32>
        %eq3A_2618 = arith.constant 10 : i32
        %eq3A_2619 = vector.broadcast %eq3A_2618 : i32 to vector<16xi32>
        %eq3A_2620 = arith.cmpi eq, %get3A_2547, %eq3A_2619 : vector<16xi32>
        %jit3A_2621 = arith.constant 0.000000e+00 : f32
        %broadcast_in_dim3A_2622 = vector.broadcast %jit3A_2621 : f32 to vector<16xf32>
        %select_n3A_2623 = arith.select %eq3A_2620, %get3A_2541, %broadcast_in_dim3A_2622 : vector<16xi1>, vector<16xf32>
        %add3A_2624 = arith.addf %add3A_2493, %select_n3A_2623 : vector<16xf32>
        %eq3A_2625 = arith.constant 11 : i32
        %eq3A_2626 = vector.broadcast %eq3A_2625 : i32 to vector<16xi32>
        %eq3A_2627 = arith.cmpi eq, %get3A_2547, %eq3A_2626 : vector<16xi32>
        %jit3A_2628 = arith.constant 0.000000e+00 : f32
        %broadcast_in_dim3A_2629 = vector.broadcast %jit3A_2628 : f32 to vector<16xf32>
        %select_n3A_2630 = arith.select %eq3A_2627, %get3A_2541, %broadcast_in_dim3A_2629 : vector<16xi1>, vector<16xf32>
        %add3A_2631 = arith.addf %add3A_2500, %select_n3A_2630 : vector<16xf32>
        %eq3A_2632 = arith.constant 12 : i32
        %eq3A_2633 = vector.broadcast %eq3A_2632 : i32 to vector<16xi32>
        %eq3A_2634 = arith.cmpi eq, %get3A_2547, %eq3A_2633 : vector<16xi32>
        %jit3A_2635 = arith.constant 0.000000e+00 : f32
        %broadcast_in_dim3A_2636 = vector.broadcast %jit3A_2635 : f32 to vector<16xf32>
        %select_n3A_2637 = arith.select %eq3A_2634, %get3A_2541, %broadcast_in_dim3A_2636 : vector<16xi1>, vector<16xf32>
        %add3A_2638 = arith.addf %add3A_2507, %select_n3A_2637 : vector<16xf32>
        %eq3A_2639 = arith.constant 13 : i32
        %eq3A_2640 = vector.broadcast %eq3A_2639 : i32 to vector<16xi32>
        %eq3A_2641 = arith.cmpi eq, %get3A_2547, %eq3A_2640 : vector<16xi32>
        %jit3A_2642 = arith.constant 0.000000e+00 : f32
        %broadcast_in_dim3A_2643 = vector.broadcast %jit3A_2642 : f32 to vector<16xf32>
        %select_n3A_2644 = arith.select %eq3A_2641, %get3A_2541, %broadcast_in_dim3A_2643 : vector<16xi1>, vector<16xf32>
        %add3A_2645 = arith.addf %add3A_2514, %select_n3A_2644 : vector<16xf32>
        %eq3A_2646 = arith.constant 14 : i32
        %eq3A_2647 = vector.broadcast %eq3A_2646 : i32 to vector<16xi32>
        %eq3A_2648 = arith.cmpi eq, %get3A_2547, %eq3A_2647 : vector<16xi32>
        %jit3A_2649 = arith.constant 0.000000e+00 : f32
        %broadcast_in_dim3A_2650 = vector.broadcast %jit3A_2649 : f32 to vector<16xf32>
        %select_n3A_2651 = arith.select %eq3A_2648, %get3A_2541, %broadcast_in_dim3A_2650 : vector<16xi1>, vector<16xf32>
        %add3A_2652 = arith.addf %add3A_2521, %select_n3A_2651 : vector<16xf32>
        %eq3A_2653 = arith.constant 15 : i32
        %eq3A_2654 = vector.broadcast %eq3A_2653 : i32 to vector<16xi32>
        %eq3A_2655 = arith.cmpi eq, %get3A_2547, %eq3A_2654 : vector<16xi32>
        %jit3A_2656 = arith.constant 0.000000e+00 : f32
        %broadcast_in_dim3A_2657 = vector.broadcast %jit3A_2656 : f32 to vector<16xf32>
        %select_n3A_2658 = arith.select %eq3A_2655, %get3A_2541, %broadcast_in_dim3A_2657 : vector<16xi1>, vector<16xf32>
        %add3A_2659 = arith.addf %add3A_2528, %select_n3A_2658 : vector<16xf32>
        %eq3A_2660 = arith.constant 16 : i32
        %eq3A_2661 = vector.broadcast %eq3A_2660 : i32 to vector<16xi32>
        %eq3A_2662 = arith.cmpi eq, %get3A_2547, %eq3A_2661 : vector<16xi32>
        %jit3A_2663 = arith.constant 0.000000e+00 : f32
        %broadcast_in_dim3A_2664 = vector.broadcast %jit3A_2663 : f32 to vector<16xf32>
        %select_n3A_2665 = arith.select %eq3A_2662, %get3A_2541, %broadcast_in_dim3A_2664 : vector<16xi1>, vector<16xf32>
        %add3A_2666 = arith.addf %add3A_2535, %select_n3A_2665 : vector<16xf32>
        %add3A_2667 = arith.constant 19 : i32
        %add3A_2668 = arith.addi %mul3A_178, %add3A_2667 : i32
        %get3A_2669 = arith.index_cast %add3A_2668 : i32 to index
        %get3A_2670 = arith.index_cast %multiple_of3A : i32 to index
        %get3A_2671 = tpu.vector_load %arg5[%get3A_2669, %get3A_2670] {strides = array<i32>} : memref<256x128xf32, #tpu.memory_space<vmem>>, vector<1x16xf32>,
        %get3A_2672 = vector.shape_cast %get3A_2671 : vector<1x16xf32> to vector<16xf32>
        %add3A_2673 = arith.constant 19 : i32
        %add3A_2674 = arith.addi %mul3A_178, %add3A_2673 : i32
        %get3A_2675 = arith.index_cast %add3A_2674 : i32 to index
        %get3A_2676 = arith.index_cast %multiple_of3A : i32 to index
        %get3A_2677 = tpu.vector_load %arg6[%get3A_2675, %get3A_2676] {strides = array<i32>} : memref<256x128xi32, #tpu.memory_space<vmem>>, vector<1x16xi32>,
        %get3A_2678 = vector.shape_cast %get3A_2677 : vector<1x16xi32> to vector<16xi32>
        %eq3A_2679 = arith.constant 0 : i32
        %eq3A_2680 = vector.broadcast %eq3A_2679 : i32 to vector<16xi32>
        %eq3A_2681 = arith.cmpi eq, %get3A_2678, %eq3A_2680 : vector<16xi32>
        %jit3A_2682 = arith.constant 0.000000e+00 : f32
        %broadcast_in_dim3A_2683 = vector.broadcast %jit3A_2682 : f32 to vector<16xf32>
        %select_n3A_2684 = arith.select %eq3A_2681, %get3A_2672, %broadcast_in_dim3A_2683 : vector<16xi1>, vector<16xf32>
        %add3A_2685 = arith.addf %add3A_2554, %select_n3A_2684 : vector<16xf32>
        %eq3A_2686 = arith.constant 1 : i32
        %eq3A_2687 = vector.broadcast %eq3A_2686 : i32 to vector<16xi32>
        %eq3A_2688 = arith.cmpi eq, %get3A_2678, %eq3A_2687 : vector<16xi32>
        %jit3A_2689 = arith.constant 0.000000e+00 : f32
        %broadcast_in_dim3A_2690 = vector.broadcast %jit3A_2689 : f32 to vector<16xf32>
        %select_n3A_2691 = arith.select %eq3A_2688, %get3A_2672, %broadcast_in_dim3A_2690 : vector<16xi1>, vector<16xf32>
        %add3A_2692 = arith.addf %add3A_2561, %select_n3A_2691 : vector<16xf32>
        %eq3A_2693 = arith.constant 2 : i32
        %eq3A_2694 = vector.broadcast %eq3A_2693 : i32 to vector<16xi32>
        %eq3A_2695 = arith.cmpi eq, %get3A_2678, %eq3A_2694 : vector<16xi32>
        %jit3A_2696 = arith.constant 0.000000e+00 : f32
        %broadcast_in_dim3A_2697 = vector.broadcast %jit3A_2696 : f32 to vector<16xf32>
        %select_n3A_2698 = arith.select %eq3A_2695, %get3A_2672, %broadcast_in_dim3A_2697 : vector<16xi1>, vector<16xf32>
        %add3A_2699 = arith.addf %add3A_2568, %select_n3A_2698 : vector<16xf32>
        %eq3A_2700 = arith.constant 3 : i32
        %eq3A_2701 = vector.broadcast %eq3A_2700 : i32 to vector<16xi32>
        %eq3A_2702 = arith.cmpi eq, %get3A_2678, %eq3A_2701 : vector<16xi32>
        %jit3A_2703 = arith.constant 0.000000e+00 : f32
        %broadcast_in_dim3A_2704 = vector.broadcast %jit3A_2703 : f32 to vector<16xf32>
        %select_n3A_2705 = arith.select %eq3A_2702, %get3A_2672, %broadcast_in_dim3A_2704 : vector<16xi1>, vector<16xf32>
        %add3A_2706 = arith.addf %add3A_2575, %select_n3A_2705 : vector<16xf32>
        %eq3A_2707 = arith.constant 4 : i32
        %eq3A_2708 = vector.broadcast %eq3A_2707 : i32 to vector<16xi32>
        %eq3A_2709 = arith.cmpi eq, %get3A_2678, %eq3A_2708 : vector<16xi32>
        %jit3A_2710 = arith.constant 0.000000e+00 : f32
        %broadcast_in_dim3A_2711 = vector.broadcast %jit3A_2710 : f32 to vector<16xf32>
        %select_n3A_2712 = arith.select %eq3A_2709, %get3A_2672, %broadcast_in_dim3A_2711 : vector<16xi1>, vector<16xf32>
        %add3A_2713 = arith.addf %add3A_2582, %select_n3A_2712 : vector<16xf32>
        %eq3A_2714 = arith.constant 5 : i32
        %eq3A_2715 = vector.broadcast %eq3A_2714 : i32 to vector<16xi32>
        %eq3A_2716 = arith.cmpi eq, %get3A_2678, %eq3A_2715 : vector<16xi32>
        %jit3A_2717 = arith.constant 0.000000e+00 : f32
        %broadcast_in_dim3A_2718 = vector.broadcast %jit3A_2717 : f32 to vector<16xf32>
        %select_n3A_2719 = arith.select %eq3A_2716, %get3A_2672, %broadcast_in_dim3A_2718 : vector<16xi1>, vector<16xf32>
        %add3A_2720 = arith.addf %add3A_2589, %select_n3A_2719 : vector<16xf32>
        %eq3A_2721 = arith.constant 6 : i32
        %eq3A_2722 = vector.broadcast %eq3A_2721 : i32 to vector<16xi32>
        %eq3A_2723 = arith.cmpi eq, %get3A_2678, %eq3A_2722 : vector<16xi32>
        %jit3A_2724 = arith.constant 0.000000e+00 : f32
        %broadcast_in_dim3A_2725 = vector.broadcast %jit3A_2724 : f32 to vector<16xf32>
        %select_n3A_2726 = arith.select %eq3A_2723, %get3A_2672, %broadcast_in_dim3A_2725 : vector<16xi1>, vector<16xf32>
        %add3A_2727 = arith.addf %add3A_2596, %select_n3A_2726 : vector<16xf32>
        %eq3A_2728 = arith.constant 7 : i32
        %eq3A_2729 = vector.broadcast %eq3A_2728 : i32 to vector<16xi32>
        %eq3A_2730 = arith.cmpi eq, %get3A_2678, %eq3A_2729 : vector<16xi32>
        %jit3A_2731 = arith.constant 0.000000e+00 : f32
        %broadcast_in_dim3A_2732 = vector.broadcast %jit3A_2731 : f32 to vector<16xf32>
        %select_n3A_2733 = arith.select %eq3A_2730, %get3A_2672, %broadcast_in_dim3A_2732 : vector<16xi1>, vector<16xf32>
        %add3A_2734 = arith.addf %add3A_2603, %select_n3A_2733 : vector<16xf32>
        %eq3A_2735 = arith.constant 8 : i32
        %eq3A_2736 = vector.broadcast %eq3A_2735 : i32 to vector<16xi32>
        %eq3A_2737 = arith.cmpi eq, %get3A_2678, %eq3A_2736 : vector<16xi32>
        %jit3A_2738 = arith.constant 0.000000e+00 : f32
        %broadcast_in_dim3A_2739 = vector.broadcast %jit3A_2738 : f32 to vector<16xf32>
        %select_n3A_2740 = arith.select %eq3A_2737, %get3A_2672, %broadcast_in_dim3A_2739 : vector<16xi1>, vector<16xf32>
        %add3A_2741 = arith.addf %add3A_2610, %select_n3A_2740 : vector<16xf32>
        %eq3A_2742 = arith.constant 9 : i32
        %eq3A_2743 = vector.broadcast %eq3A_2742 : i32 to vector<16xi32>
        %eq3A_2744 = arith.cmpi eq, %get3A_2678, %eq3A_2743 : vector<16xi32>
        %jit3A_2745 = arith.constant 0.000000e+00 : f32
        %broadcast_in_dim3A_2746 = vector.broadcast %jit3A_2745 : f32 to vector<16xf32>
        %select_n3A_2747 = arith.select %eq3A_2744, %get3A_2672, %broadcast_in_dim3A_2746 : vector<16xi1>, vector<16xf32>
        %add3A_2748 = arith.addf %add3A_2617, %select_n3A_2747 : vector<16xf32>
        %eq3A_2749 = arith.constant 10 : i32
        %eq3A_2750 = vector.broadcast %eq3A_2749 : i32 to vector<16xi32>
        %eq3A_2751 = arith.cmpi eq, %get3A_2678, %eq3A_2750 : vector<16xi32>
        %jit3A_2752 = arith.constant 0.000000e+00 : f32
        %broadcast_in_dim3A_2753 = vector.broadcast %jit3A_2752 : f32 to vector<16xf32>
        %select_n3A_2754 = arith.select %eq3A_2751, %get3A_2672, %broadcast_in_dim3A_2753 : vector<16xi1>, vector<16xf32>
        %add3A_2755 = arith.addf %add3A_2624, %select_n3A_2754 : vector<16xf32>
        %eq3A_2756 = arith.constant 11 : i32
        %eq3A_2757 = vector.broadcast %eq3A_2756 : i32 to vector<16xi32>
        %eq3A_2758 = arith.cmpi eq, %get3A_2678, %eq3A_2757 : vector<16xi32>
        %jit3A_2759 = arith.constant 0.000000e+00 : f32
        %broadcast_in_dim3A_2760 = vector.broadcast %jit3A_2759 : f32 to vector<16xf32>
        %select_n3A_2761 = arith.select %eq3A_2758, %get3A_2672, %broadcast_in_dim3A_2760 : vector<16xi1>, vector<16xf32>
        %add3A_2762 = arith.addf %add3A_2631, %select_n3A_2761 : vector<16xf32>
        %eq3A_2763 = arith.constant 12 : i32
        %eq3A_2764 = vector.broadcast %eq3A_2763 : i32 to vector<16xi32>
        %eq3A_2765 = arith.cmpi eq, %get3A_2678, %eq3A_2764 : vector<16xi32>
        %jit3A_2766 = arith.constant 0.000000e+00 : f32
        %broadcast_in_dim3A_2767 = vector.broadcast %jit3A_2766 : f32 to vector<16xf32>
        %select_n3A_2768 = arith.select %eq3A_2765, %get3A_2672, %broadcast_in_dim3A_2767 : vector<16xi1>, vector<16xf32>
        %add3A_2769 = arith.addf %add3A_2638, %select_n3A_2768 : vector<16xf32>
        %eq3A_2770 = arith.constant 13 : i32
        %eq3A_2771 = vector.broadcast %eq3A_2770 : i32 to vector<16xi32>
        %eq3A_2772 = arith.cmpi eq, %get3A_2678, %eq3A_2771 : vector<16xi32>
        %jit3A_2773 = arith.constant 0.000000e+00 : f32
        %broadcast_in_dim3A_2774 = vector.broadcast %jit3A_2773 : f32 to vector<16xf32>
        %select_n3A_2775 = arith.select %eq3A_2772, %get3A_2672, %broadcast_in_dim3A_2774 : vector<16xi1>, vector<16xf32>
        %add3A_2776 = arith.addf %add3A_2645, %select_n3A_2775 : vector<16xf32>
        %eq3A_2777 = arith.constant 14 : i32
        %eq3A_2778 = vector.broadcast %eq3A_2777 : i32 to vector<16xi32>
        %eq3A_2779 = arith.cmpi eq, %get3A_2678, %eq3A_2778 : vector<16xi32>
        %jit3A_2780 = arith.constant 0.000000e+00 : f32
        %broadcast_in_dim3A_2781 = vector.broadcast %jit3A_2780 : f32 to vector<16xf32>
        %select_n3A_2782 = arith.select %eq3A_2779, %get3A_2672, %broadcast_in_dim3A_2781 : vector<16xi1>, vector<16xf32>
        %add3A_2783 = arith.addf %add3A_2652, %select_n3A_2782 : vector<16xf32>
        %eq3A_2784 = arith.constant 15 : i32
        %eq3A_2785 = vector.broadcast %eq3A_2784 : i32 to vector<16xi32>
        %eq3A_2786 = arith.cmpi eq, %get3A_2678, %eq3A_2785 : vector<16xi32>
        %jit3A_2787 = arith.constant 0.000000e+00 : f32
        %broadcast_in_dim3A_2788 = vector.broadcast %jit3A_2787 : f32 to vector<16xf32>
        %select_n3A_2789 = arith.select %eq3A_2786, %get3A_2672, %broadcast_in_dim3A_2788 : vector<16xi1>, vector<16xf32>
        %add3A_2790 = arith.addf %add3A_2659, %select_n3A_2789 : vector<16xf32>
        %eq3A_2791 = arith.constant 16 : i32
        %eq3A_2792 = vector.broadcast %eq3A_2791 : i32 to vector<16xi32>
        %eq3A_2793 = arith.cmpi eq, %get3A_2678, %eq3A_2792 : vector<16xi32>
        %jit3A_2794 = arith.constant 0.000000e+00 : f32
        %broadcast_in_dim3A_2795 = vector.broadcast %jit3A_2794 : f32 to vector<16xf32>
        %select_n3A_2796 = arith.select %eq3A_2793, %get3A_2672, %broadcast_in_dim3A_2795 : vector<16xi1>, vector<16xf32>
        %add3A_2797 = arith.addf %add3A_2666, %select_n3A_2796 : vector<16xf32>
        %add3A_2798 = arith.constant 20 : i32
        %add3A_2799 = arith.addi %mul3A_178, %add3A_2798 : i32
        %get3A_2800 = arith.index_cast %add3A_2799 : i32 to index
        %get3A_2801 = arith.index_cast %multiple_of3A : i32 to index
        %get3A_2802 = tpu.vector_load %arg5[%get3A_2800, %get3A_2801] {strides = array<i32>} : memref<256x128xf32, #tpu.memory_space<vmem>>, vector<1x16xf32>,
        %get3A_2803 = vector.shape_cast %get3A_2802 : vector<1x16xf32> to vector<16xf32>
        %add3A_2804 = arith.constant 20 : i32
        %add3A_2805 = arith.addi %mul3A_178, %add3A_2804 : i32
        %get3A_2806 = arith.index_cast %add3A_2805 : i32 to index
        %get3A_2807 = arith.index_cast %multiple_of3A : i32 to index
        %get3A_2808 = tpu.vector_load %arg6[%get3A_2806, %get3A_2807] {strides = array<i32>} : memref<256x128xi32, #tpu.memory_space<vmem>>, vector<1x16xi32>,
        %get3A_2809 = vector.shape_cast %get3A_2808 : vector<1x16xi32> to vector<16xi32>
        %eq3A_2810 = arith.constant 0 : i32
        %eq3A_2811 = vector.broadcast %eq3A_2810 : i32 to vector<16xi32>
        %eq3A_2812 = arith.cmpi eq, %get3A_2809, %eq3A_2811 : vector<16xi32>
        %jit3A_2813 = arith.constant 0.000000e+00 : f32
        %broadcast_in_dim3A_2814 = vector.broadcast %jit3A_2813 : f32 to vector<16xf32>
        %select_n3A_2815 = arith.select %eq3A_2812, %get3A_2803, %broadcast_in_dim3A_2814 : vector<16xi1>, vector<16xf32>
        %add3A_2816 = arith.addf %add3A_2685, %select_n3A_2815 : vector<16xf32>
        %eq3A_2817 = arith.constant 1 : i32
        %eq3A_2818 = vector.broadcast %eq3A_2817 : i32 to vector<16xi32>
        %eq3A_2819 = arith.cmpi eq, %get3A_2809, %eq3A_2818 : vector<16xi32>
        %jit3A_2820 = arith.constant 0.000000e+00 : f32
        %broadcast_in_dim3A_2821 = vector.broadcast %jit3A_2820 : f32 to vector<16xf32>
        %select_n3A_2822 = arith.select %eq3A_2819, %get3A_2803, %broadcast_in_dim3A_2821 : vector<16xi1>, vector<16xf32>
        %add3A_2823 = arith.addf %add3A_2692, %select_n3A_2822 : vector<16xf32>
        %eq3A_2824 = arith.constant 2 : i32
        %eq3A_2825 = vector.broadcast %eq3A_2824 : i32 to vector<16xi32>
        %eq3A_2826 = arith.cmpi eq, %get3A_2809, %eq3A_2825 : vector<16xi32>
        %jit3A_2827 = arith.constant 0.000000e+00 : f32
        %broadcast_in_dim3A_2828 = vector.broadcast %jit3A_2827 : f32 to vector<16xf32>
        %select_n3A_2829 = arith.select %eq3A_2826, %get3A_2803, %broadcast_in_dim3A_2828 : vector<16xi1>, vector<16xf32>
        %add3A_2830 = arith.addf %add3A_2699, %select_n3A_2829 : vector<16xf32>
        %eq3A_2831 = arith.constant 3 : i32
        %eq3A_2832 = vector.broadcast %eq3A_2831 : i32 to vector<16xi32>
        %eq3A_2833 = arith.cmpi eq, %get3A_2809, %eq3A_2832 : vector<16xi32>
        %jit3A_2834 = arith.constant 0.000000e+00 : f32
        %broadcast_in_dim3A_2835 = vector.broadcast %jit3A_2834 : f32 to vector<16xf32>
        %select_n3A_2836 = arith.select %eq3A_2833, %get3A_2803, %broadcast_in_dim3A_2835 : vector<16xi1>, vector<16xf32>
        %add3A_2837 = arith.addf %add3A_2706, %select_n3A_2836 : vector<16xf32>
        %eq3A_2838 = arith.constant 4 : i32
        %eq3A_2839 = vector.broadcast %eq3A_2838 : i32 to vector<16xi32>
        %eq3A_2840 = arith.cmpi eq, %get3A_2809, %eq3A_2839 : vector<16xi32>
        %jit3A_2841 = arith.constant 0.000000e+00 : f32
        %broadcast_in_dim3A_2842 = vector.broadcast %jit3A_2841 : f32 to vector<16xf32>
        %select_n3A_2843 = arith.select %eq3A_2840, %get3A_2803, %broadcast_in_dim3A_2842 : vector<16xi1>, vector<16xf32>
        %add3A_2844 = arith.addf %add3A_2713, %select_n3A_2843 : vector<16xf32>
        %eq3A_2845 = arith.constant 5 : i32
        %eq3A_2846 = vector.broadcast %eq3A_2845 : i32 to vector<16xi32>
        %eq3A_2847 = arith.cmpi eq, %get3A_2809, %eq3A_2846 : vector<16xi32>
        %jit3A_2848 = arith.constant 0.000000e+00 : f32
        %broadcast_in_dim3A_2849 = vector.broadcast %jit3A_2848 : f32 to vector<16xf32>
        %select_n3A_2850 = arith.select %eq3A_2847, %get3A_2803, %broadcast_in_dim3A_2849 : vector<16xi1>, vector<16xf32>
        %add3A_2851 = arith.addf %add3A_2720, %select_n3A_2850 : vector<16xf32>
        %eq3A_2852 = arith.constant 6 : i32
        %eq3A_2853 = vector.broadcast %eq3A_2852 : i32 to vector<16xi32>
        %eq3A_2854 = arith.cmpi eq, %get3A_2809, %eq3A_2853 : vector<16xi32>
        %jit3A_2855 = arith.constant 0.000000e+00 : f32
        %broadcast_in_dim3A_2856 = vector.broadcast %jit3A_2855 : f32 to vector<16xf32>
        %select_n3A_2857 = arith.select %eq3A_2854, %get3A_2803, %broadcast_in_dim3A_2856 : vector<16xi1>, vector<16xf32>
        %add3A_2858 = arith.addf %add3A_2727, %select_n3A_2857 : vector<16xf32>
        %eq3A_2859 = arith.constant 7 : i32
        %eq3A_2860 = vector.broadcast %eq3A_2859 : i32 to vector<16xi32>
        %eq3A_2861 = arith.cmpi eq, %get3A_2809, %eq3A_2860 : vector<16xi32>
        %jit3A_2862 = arith.constant 0.000000e+00 : f32
        %broadcast_in_dim3A_2863 = vector.broadcast %jit3A_2862 : f32 to vector<16xf32>
        %select_n3A_2864 = arith.select %eq3A_2861, %get3A_2803, %broadcast_in_dim3A_2863 : vector<16xi1>, vector<16xf32>
        %add3A_2865 = arith.addf %add3A_2734, %select_n3A_2864 : vector<16xf32>
        %eq3A_2866 = arith.constant 8 : i32
        %eq3A_2867 = vector.broadcast %eq3A_2866 : i32 to vector<16xi32>
        %eq3A_2868 = arith.cmpi eq, %get3A_2809, %eq3A_2867 : vector<16xi32>
        %jit3A_2869 = arith.constant 0.000000e+00 : f32
        %broadcast_in_dim3A_2870 = vector.broadcast %jit3A_2869 : f32 to vector<16xf32>
        %select_n3A_2871 = arith.select %eq3A_2868, %get3A_2803, %broadcast_in_dim3A_2870 : vector<16xi1>, vector<16xf32>
        %add3A_2872 = arith.addf %add3A_2741, %select_n3A_2871 : vector<16xf32>
        %eq3A_2873 = arith.constant 9 : i32
        %eq3A_2874 = vector.broadcast %eq3A_2873 : i32 to vector<16xi32>
        %eq3A_2875 = arith.cmpi eq, %get3A_2809, %eq3A_2874 : vector<16xi32>
        %jit3A_2876 = arith.constant 0.000000e+00 : f32
        %broadcast_in_dim3A_2877 = vector.broadcast %jit3A_2876 : f32 to vector<16xf32>
        %select_n3A_2878 = arith.select %eq3A_2875, %get3A_2803, %broadcast_in_dim3A_2877 : vector<16xi1>, vector<16xf32>
        %add3A_2879 = arith.addf %add3A_2748, %select_n3A_2878 : vector<16xf32>
        %eq3A_2880 = arith.constant 10 : i32
        %eq3A_2881 = vector.broadcast %eq3A_2880 : i32 to vector<16xi32>
        %eq3A_2882 = arith.cmpi eq, %get3A_2809, %eq3A_2881 : vector<16xi32>
        %jit3A_2883 = arith.constant 0.000000e+00 : f32
        %broadcast_in_dim3A_2884 = vector.broadcast %jit3A_2883 : f32 to vector<16xf32>
        %select_n3A_2885 = arith.select %eq3A_2882, %get3A_2803, %broadcast_in_dim3A_2884 : vector<16xi1>, vector<16xf32>
        %add3A_2886 = arith.addf %add3A_2755, %select_n3A_2885 : vector<16xf32>
        %eq3A_2887 = arith.constant 11 : i32
        %eq3A_2888 = vector.broadcast %eq3A_2887 : i32 to vector<16xi32>
        %eq3A_2889 = arith.cmpi eq, %get3A_2809, %eq3A_2888 : vector<16xi32>
        %jit3A_2890 = arith.constant 0.000000e+00 : f32
        %broadcast_in_dim3A_2891 = vector.broadcast %jit3A_2890 : f32 to vector<16xf32>
        %select_n3A_2892 = arith.select %eq3A_2889, %get3A_2803, %broadcast_in_dim3A_2891 : vector<16xi1>, vector<16xf32>
        %add3A_2893 = arith.addf %add3A_2762, %select_n3A_2892 : vector<16xf32>
        %eq3A_2894 = arith.constant 12 : i32
        %eq3A_2895 = vector.broadcast %eq3A_2894 : i32 to vector<16xi32>
        %eq3A_2896 = arith.cmpi eq, %get3A_2809, %eq3A_2895 : vector<16xi32>
        %jit3A_2897 = arith.constant 0.000000e+00 : f32
        %broadcast_in_dim3A_2898 = vector.broadcast %jit3A_2897 : f32 to vector<16xf32>
        %select_n3A_2899 = arith.select %eq3A_2896, %get3A_2803, %broadcast_in_dim3A_2898 : vector<16xi1>, vector<16xf32>
        %add3A_2900 = arith.addf %add3A_2769, %select_n3A_2899 : vector<16xf32>
        %eq3A_2901 = arith.constant 13 : i32
        %eq3A_2902 = vector.broadcast %eq3A_2901 : i32 to vector<16xi32>
        %eq3A_2903 = arith.cmpi eq, %get3A_2809, %eq3A_2902 : vector<16xi32>
        %jit3A_2904 = arith.constant 0.000000e+00 : f32
        %broadcast_in_dim3A_2905 = vector.broadcast %jit3A_2904 : f32 to vector<16xf32>
        %select_n3A_2906 = arith.select %eq3A_2903, %get3A_2803, %broadcast_in_dim3A_2905 : vector<16xi1>, vector<16xf32>
        %add3A_2907 = arith.addf %add3A_2776, %select_n3A_2906 : vector<16xf32>
        %eq3A_2908 = arith.constant 14 : i32
        %eq3A_2909 = vector.broadcast %eq3A_2908 : i32 to vector<16xi32>
        %eq3A_2910 = arith.cmpi eq, %get3A_2809, %eq3A_2909 : vector<16xi32>
        %jit3A_2911 = arith.constant 0.000000e+00 : f32
        %broadcast_in_dim3A_2912 = vector.broadcast %jit3A_2911 : f32 to vector<16xf32>
        %select_n3A_2913 = arith.select %eq3A_2910, %get3A_2803, %broadcast_in_dim3A_2912 : vector<16xi1>, vector<16xf32>
        %add3A_2914 = arith.addf %add3A_2783, %select_n3A_2913 : vector<16xf32>
        %eq3A_2915 = arith.constant 15 : i32
        %eq3A_2916 = vector.broadcast %eq3A_2915 : i32 to vector<16xi32>
        %eq3A_2917 = arith.cmpi eq, %get3A_2809, %eq3A_2916 : vector<16xi32>
        %jit3A_2918 = arith.constant 0.000000e+00 : f32
        %broadcast_in_dim3A_2919 = vector.broadcast %jit3A_2918 : f32 to vector<16xf32>
        %select_n3A_2920 = arith.select %eq3A_2917, %get3A_2803, %broadcast_in_dim3A_2919 : vector<16xi1>, vector<16xf32>
        %add3A_2921 = arith.addf %add3A_2790, %select_n3A_2920 : vector<16xf32>
        %eq3A_2922 = arith.constant 16 : i32
        %eq3A_2923 = vector.broadcast %eq3A_2922 : i32 to vector<16xi32>
        %eq3A_2924 = arith.cmpi eq, %get3A_2809, %eq3A_2923 : vector<16xi32>
        %jit3A_2925 = arith.constant 0.000000e+00 : f32
        %broadcast_in_dim3A_2926 = vector.broadcast %jit3A_2925 : f32 to vector<16xf32>
        %select_n3A_2927 = arith.select %eq3A_2924, %get3A_2803, %broadcast_in_dim3A_2926 : vector<16xi1>, vector<16xf32>
        %add3A_2928 = arith.addf %add3A_2797, %select_n3A_2927 : vector<16xf32>
        %add3A_2929 = arith.constant 21 : i32
        %add3A_2930 = arith.addi %mul3A_178, %add3A_2929 : i32
        %get3A_2931 = arith.index_cast %add3A_2930 : i32 to index
        %get3A_2932 = arith.index_cast %multiple_of3A : i32 to index
        %get3A_2933 = tpu.vector_load %arg5[%get3A_2931, %get3A_2932] {strides = array<i32>} : memref<256x128xf32, #tpu.memory_space<vmem>>, vector<1x16xf32>,
        %get3A_2934 = vector.shape_cast %get3A_2933 : vector<1x16xf32> to vector<16xf32>
        %add3A_2935 = arith.constant 21 : i32
        %add3A_2936 = arith.addi %mul3A_178, %add3A_2935 : i32
        %get3A_2937 = arith.index_cast %add3A_2936 : i32 to index
        %get3A_2938 = arith.index_cast %multiple_of3A : i32 to index
        %get3A_2939 = tpu.vector_load %arg6[%get3A_2937, %get3A_2938] {strides = array<i32>} : memref<256x128xi32, #tpu.memory_space<vmem>>, vector<1x16xi32>,
        %get3A_2940 = vector.shape_cast %get3A_2939 : vector<1x16xi32> to vector<16xi32>
        %eq3A_2941 = arith.constant 0 : i32
        %eq3A_2942 = vector.broadcast %eq3A_2941 : i32 to vector<16xi32>
        %eq3A_2943 = arith.cmpi eq, %get3A_2940, %eq3A_2942 : vector<16xi32>
        %jit3A_2944 = arith.constant 0.000000e+00 : f32
        %broadcast_in_dim3A_2945 = vector.broadcast %jit3A_2944 : f32 to vector<16xf32>
        %select_n3A_2946 = arith.select %eq3A_2943, %get3A_2934, %broadcast_in_dim3A_2945 : vector<16xi1>, vector<16xf32>
        %add3A_2947 = arith.addf %add3A_2816, %select_n3A_2946 : vector<16xf32>
        %eq3A_2948 = arith.constant 1 : i32
        %eq3A_2949 = vector.broadcast %eq3A_2948 : i32 to vector<16xi32>
        %eq3A_2950 = arith.cmpi eq, %get3A_2940, %eq3A_2949 : vector<16xi32>
        %jit3A_2951 = arith.constant 0.000000e+00 : f32
        %broadcast_in_dim3A_2952 = vector.broadcast %jit3A_2951 : f32 to vector<16xf32>
        %select_n3A_2953 = arith.select %eq3A_2950, %get3A_2934, %broadcast_in_dim3A_2952 : vector<16xi1>, vector<16xf32>
        %add3A_2954 = arith.addf %add3A_2823, %select_n3A_2953 : vector<16xf32>
        %eq3A_2955 = arith.constant 2 : i32
        %eq3A_2956 = vector.broadcast %eq3A_2955 : i32 to vector<16xi32>
        %eq3A_2957 = arith.cmpi eq, %get3A_2940, %eq3A_2956 : vector<16xi32>
        %jit3A_2958 = arith.constant 0.000000e+00 : f32
        %broadcast_in_dim3A_2959 = vector.broadcast %jit3A_2958 : f32 to vector<16xf32>
        %select_n3A_2960 = arith.select %eq3A_2957, %get3A_2934, %broadcast_in_dim3A_2959 : vector<16xi1>, vector<16xf32>
        %add3A_2961 = arith.addf %add3A_2830, %select_n3A_2960 : vector<16xf32>
        %eq3A_2962 = arith.constant 3 : i32
        %eq3A_2963 = vector.broadcast %eq3A_2962 : i32 to vector<16xi32>
        %eq3A_2964 = arith.cmpi eq, %get3A_2940, %eq3A_2963 : vector<16xi32>
        %jit3A_2965 = arith.constant 0.000000e+00 : f32
        %broadcast_in_dim3A_2966 = vector.broadcast %jit3A_2965 : f32 to vector<16xf32>
        %select_n3A_2967 = arith.select %eq3A_2964, %get3A_2934, %broadcast_in_dim3A_2966 : vector<16xi1>, vector<16xf32>
        %add3A_2968 = arith.addf %add3A_2837, %select_n3A_2967 : vector<16xf32>
        %eq3A_2969 = arith.constant 4 : i32
        %eq3A_2970 = vector.broadcast %eq3A_2969 : i32 to vector<16xi32>
        %eq3A_2971 = arith.cmpi eq, %get3A_2940, %eq3A_2970 : vector<16xi32>
        %jit3A_2972 = arith.constant 0.000000e+00 : f32
        %broadcast_in_dim3A_2973 = vector.broadcast %jit3A_2972 : f32 to vector<16xf32>
        %select_n3A_2974 = arith.select %eq3A_2971, %get3A_2934, %broadcast_in_dim3A_2973 : vector<16xi1>, vector<16xf32>
        %add3A_2975 = arith.addf %add3A_2844, %select_n3A_2974 : vector<16xf32>
        %eq3A_2976 = arith.constant 5 : i32
        %eq3A_2977 = vector.broadcast %eq3A_2976 : i32 to vector<16xi32>
        %eq3A_2978 = arith.cmpi eq, %get3A_2940, %eq3A_2977 : vector<16xi32>
        %jit3A_2979 = arith.constant 0.000000e+00 : f32
        %broadcast_in_dim3A_2980 = vector.broadcast %jit3A_2979 : f32 to vector<16xf32>
        %select_n3A_2981 = arith.select %eq3A_2978, %get3A_2934, %broadcast_in_dim3A_2980 : vector<16xi1>, vector<16xf32>
        %add3A_2982 = arith.addf %add3A_2851, %select_n3A_2981 : vector<16xf32>
        %eq3A_2983 = arith.constant 6 : i32
        %eq3A_2984 = vector.broadcast %eq3A_2983 : i32 to vector<16xi32>
        %eq3A_2985 = arith.cmpi eq, %get3A_2940, %eq3A_2984 : vector<16xi32>
        %jit3A_2986 = arith.constant 0.000000e+00 : f32
        %broadcast_in_dim3A_2987 = vector.broadcast %jit3A_2986 : f32 to vector<16xf32>
        %select_n3A_2988 = arith.select %eq3A_2985, %get3A_2934, %broadcast_in_dim3A_2987 : vector<16xi1>, vector<16xf32>
        %add3A_2989 = arith.addf %add3A_2858, %select_n3A_2988 : vector<16xf32>
        %eq3A_2990 = arith.constant 7 : i32
        %eq3A_2991 = vector.broadcast %eq3A_2990 : i32 to vector<16xi32>
        %eq3A_2992 = arith.cmpi eq, %get3A_2940, %eq3A_2991 : vector<16xi32>
        %jit3A_2993 = arith.constant 0.000000e+00 : f32
        %broadcast_in_dim3A_2994 = vector.broadcast %jit3A_2993 : f32 to vector<16xf32>
        %select_n3A_2995 = arith.select %eq3A_2992, %get3A_2934, %broadcast_in_dim3A_2994 : vector<16xi1>, vector<16xf32>
        %add3A_2996 = arith.addf %add3A_2865, %select_n3A_2995 : vector<16xf32>
        %eq3A_2997 = arith.constant 8 : i32
        %eq3A_2998 = vector.broadcast %eq3A_2997 : i32 to vector<16xi32>
        %eq3A_2999 = arith.cmpi eq, %get3A_2940, %eq3A_2998 : vector<16xi32>
        %jit3A_3000 = arith.constant 0.000000e+00 : f32
        %broadcast_in_dim3A_3001 = vector.broadcast %jit3A_3000 : f32 to vector<16xf32>
        %select_n3A_3002 = arith.select %eq3A_2999, %get3A_2934, %broadcast_in_dim3A_3001 : vector<16xi1>, vector<16xf32>
        %add3A_3003 = arith.addf %add3A_2872, %select_n3A_3002 : vector<16xf32>
        %eq3A_3004 = arith.constant 9 : i32
        %eq3A_3005 = vector.broadcast %eq3A_3004 : i32 to vector<16xi32>
        %eq3A_3006 = arith.cmpi eq, %get3A_2940, %eq3A_3005 : vector<16xi32>
        %jit3A_3007 = arith.constant 0.000000e+00 : f32
        %broadcast_in_dim3A_3008 = vector.broadcast %jit3A_3007 : f32 to vector<16xf32>
        %select_n3A_3009 = arith.select %eq3A_3006, %get3A_2934, %broadcast_in_dim3A_3008 : vector<16xi1>, vector<16xf32>
        %add3A_3010 = arith.addf %add3A_2879, %select_n3A_3009 : vector<16xf32>
        %eq3A_3011 = arith.constant 10 : i32
        %eq3A_3012 = vector.broadcast %eq3A_3011 : i32 to vector<16xi32>
        %eq3A_3013 = arith.cmpi eq, %get3A_2940, %eq3A_3012 : vector<16xi32>
        %jit3A_3014 = arith.constant 0.000000e+00 : f32
        %broadcast_in_dim3A_3015 = vector.broadcast %jit3A_3014 : f32 to vector<16xf32>
        %select_n3A_3016 = arith.select %eq3A_3013, %get3A_2934, %broadcast_in_dim3A_3015 : vector<16xi1>, vector<16xf32>
        %add3A_3017 = arith.addf %add3A_2886, %select_n3A_3016 : vector<16xf32>
        %eq3A_3018 = arith.constant 11 : i32
        %eq3A_3019 = vector.broadcast %eq3A_3018 : i32 to vector<16xi32>
        %eq3A_3020 = arith.cmpi eq, %get3A_2940, %eq3A_3019 : vector<16xi32>
        %jit3A_3021 = arith.constant 0.000000e+00 : f32
        %broadcast_in_dim3A_3022 = vector.broadcast %jit3A_3021 : f32 to vector<16xf32>
        %select_n3A_3023 = arith.select %eq3A_3020, %get3A_2934, %broadcast_in_dim3A_3022 : vector<16xi1>, vector<16xf32>
        %add3A_3024 = arith.addf %add3A_2893, %select_n3A_3023 : vector<16xf32>
        %eq3A_3025 = arith.constant 12 : i32
        %eq3A_3026 = vector.broadcast %eq3A_3025 : i32 to vector<16xi32>
        %eq3A_3027 = arith.cmpi eq, %get3A_2940, %eq3A_3026 : vector<16xi32>
        %jit3A_3028 = arith.constant 0.000000e+00 : f32
        %broadcast_in_dim3A_3029 = vector.broadcast %jit3A_3028 : f32 to vector<16xf32>
        %select_n3A_3030 = arith.select %eq3A_3027, %get3A_2934, %broadcast_in_dim3A_3029 : vector<16xi1>, vector<16xf32>
        %add3A_3031 = arith.addf %add3A_2900, %select_n3A_3030 : vector<16xf32>
        %eq3A_3032 = arith.constant 13 : i32
        %eq3A_3033 = vector.broadcast %eq3A_3032 : i32 to vector<16xi32>
        %eq3A_3034 = arith.cmpi eq, %get3A_2940, %eq3A_3033 : vector<16xi32>
        %jit3A_3035 = arith.constant 0.000000e+00 : f32
        %broadcast_in_dim3A_3036 = vector.broadcast %jit3A_3035 : f32 to vector<16xf32>
        %select_n3A_3037 = arith.select %eq3A_3034, %get3A_2934, %broadcast_in_dim3A_3036 : vector<16xi1>, vector<16xf32>
        %add3A_3038 = arith.addf %add3A_2907, %select_n3A_3037 : vector<16xf32>
        %eq3A_3039 = arith.constant 14 : i32
        %eq3A_3040 = vector.broadcast %eq3A_3039 : i32 to vector<16xi32>
        %eq3A_3041 = arith.cmpi eq, %get3A_2940, %eq3A_3040 : vector<16xi32>
        %jit3A_3042 = arith.constant 0.000000e+00 : f32
        %broadcast_in_dim3A_3043 = vector.broadcast %jit3A_3042 : f32 to vector<16xf32>
        %select_n3A_3044 = arith.select %eq3A_3041, %get3A_2934, %broadcast_in_dim3A_3043 : vector<16xi1>, vector<16xf32>
        %add3A_3045 = arith.addf %add3A_2914, %select_n3A_3044 : vector<16xf32>
        %eq3A_3046 = arith.constant 15 : i32
        %eq3A_3047 = vector.broadcast %eq3A_3046 : i32 to vector<16xi32>
        %eq3A_3048 = arith.cmpi eq, %get3A_2940, %eq3A_3047 : vector<16xi32>
        %jit3A_3049 = arith.constant 0.000000e+00 : f32
        %broadcast_in_dim3A_3050 = vector.broadcast %jit3A_3049 : f32 to vector<16xf32>
        %select_n3A_3051 = arith.select %eq3A_3048, %get3A_2934, %broadcast_in_dim3A_3050 : vector<16xi1>, vector<16xf32>
        %add3A_3052 = arith.addf %add3A_2921, %select_n3A_3051 : vector<16xf32>
        %eq3A_3053 = arith.constant 16 : i32
        %eq3A_3054 = vector.broadcast %eq3A_3053 : i32 to vector<16xi32>
        %eq3A_3055 = arith.cmpi eq, %get3A_2940, %eq3A_3054 : vector<16xi32>
        %jit3A_3056 = arith.constant 0.000000e+00 : f32
        %broadcast_in_dim3A_3057 = vector.broadcast %jit3A_3056 : f32 to vector<16xf32>
        %select_n3A_3058 = arith.select %eq3A_3055, %get3A_2934, %broadcast_in_dim3A_3057 : vector<16xi1>, vector<16xf32>
        %add3A_3059 = arith.addf %add3A_2928, %select_n3A_3058 : vector<16xf32>
        %add3A_3060 = arith.constant 22 : i32
        %add3A_3061 = arith.addi %mul3A_178, %add3A_3060 : i32
        %get3A_3062 = arith.index_cast %add3A_3061 : i32 to index
        %get3A_3063 = arith.index_cast %multiple_of3A : i32 to index
        %get3A_3064 = tpu.vector_load %arg5[%get3A_3062, %get3A_3063] {strides = array<i32>} : memref<256x128xf32, #tpu.memory_space<vmem>>, vector<1x16xf32>,
        %get3A_3065 = vector.shape_cast %get3A_3064 : vector<1x16xf32> to vector<16xf32>
        %add3A_3066 = arith.constant 22 : i32
        %add3A_3067 = arith.addi %mul3A_178, %add3A_3066 : i32
        %get3A_3068 = arith.index_cast %add3A_3067 : i32 to index
        %get3A_3069 = arith.index_cast %multiple_of3A : i32 to index
        %get3A_3070 = tpu.vector_load %arg6[%get3A_3068, %get3A_3069] {strides = array<i32>} : memref<256x128xi32, #tpu.memory_space<vmem>>, vector<1x16xi32>,
        %get3A_3071 = vector.shape_cast %get3A_3070 : vector<1x16xi32> to vector<16xi32>
        %eq3A_3072 = arith.constant 0 : i32
        %eq3A_3073 = vector.broadcast %eq3A_3072 : i32 to vector<16xi32>
        %eq3A_3074 = arith.cmpi eq, %get3A_3071, %eq3A_3073 : vector<16xi32>
        %jit3A_3075 = arith.constant 0.000000e+00 : f32
        %broadcast_in_dim3A_3076 = vector.broadcast %jit3A_3075 : f32 to vector<16xf32>
        %select_n3A_3077 = arith.select %eq3A_3074, %get3A_3065, %broadcast_in_dim3A_3076 : vector<16xi1>, vector<16xf32>
        %add3A_3078 = arith.addf %add3A_2947, %select_n3A_3077 : vector<16xf32>
        %eq3A_3079 = arith.constant 1 : i32
        %eq3A_3080 = vector.broadcast %eq3A_3079 : i32 to vector<16xi32>
        %eq3A_3081 = arith.cmpi eq, %get3A_3071, %eq3A_3080 : vector<16xi32>
        %jit3A_3082 = arith.constant 0.000000e+00 : f32
        %broadcast_in_dim3A_3083 = vector.broadcast %jit3A_3082 : f32 to vector<16xf32>
        %select_n3A_3084 = arith.select %eq3A_3081, %get3A_3065, %broadcast_in_dim3A_3083 : vector<16xi1>, vector<16xf32>
        %add3A_3085 = arith.addf %add3A_2954, %select_n3A_3084 : vector<16xf32>
        %eq3A_3086 = arith.constant 2 : i32
        %eq3A_3087 = vector.broadcast %eq3A_3086 : i32 to vector<16xi32>
        %eq3A_3088 = arith.cmpi eq, %get3A_3071, %eq3A_3087 : vector<16xi32>
        %jit3A_3089 = arith.constant 0.000000e+00 : f32
        %broadcast_in_dim3A_3090 = vector.broadcast %jit3A_3089 : f32 to vector<16xf32>
        %select_n3A_3091 = arith.select %eq3A_3088, %get3A_3065, %broadcast_in_dim3A_3090 : vector<16xi1>, vector<16xf32>
        %add3A_3092 = arith.addf %add3A_2961, %select_n3A_3091 : vector<16xf32>
        %eq3A_3093 = arith.constant 3 : i32
        %eq3A_3094 = vector.broadcast %eq3A_3093 : i32 to vector<16xi32>
        %eq3A_3095 = arith.cmpi eq, %get3A_3071, %eq3A_3094 : vector<16xi32>
        %jit3A_3096 = arith.constant 0.000000e+00 : f32
        %broadcast_in_dim3A_3097 = vector.broadcast %jit3A_3096 : f32 to vector<16xf32>
        %select_n3A_3098 = arith.select %eq3A_3095, %get3A_3065, %broadcast_in_dim3A_3097 : vector<16xi1>, vector<16xf32>
        %add3A_3099 = arith.addf %add3A_2968, %select_n3A_3098 : vector<16xf32>
        %eq3A_3100 = arith.constant 4 : i32
        %eq3A_3101 = vector.broadcast %eq3A_3100 : i32 to vector<16xi32>
        %eq3A_3102 = arith.cmpi eq, %get3A_3071, %eq3A_3101 : vector<16xi32>
        %jit3A_3103 = arith.constant 0.000000e+00 : f32
        %broadcast_in_dim3A_3104 = vector.broadcast %jit3A_3103 : f32 to vector<16xf32>
        %select_n3A_3105 = arith.select %eq3A_3102, %get3A_3065, %broadcast_in_dim3A_3104 : vector<16xi1>, vector<16xf32>
        %add3A_3106 = arith.addf %add3A_2975, %select_n3A_3105 : vector<16xf32>
        %eq3A_3107 = arith.constant 5 : i32
        %eq3A_3108 = vector.broadcast %eq3A_3107 : i32 to vector<16xi32>
        %eq3A_3109 = arith.cmpi eq, %get3A_3071, %eq3A_3108 : vector<16xi32>
        %jit3A_3110 = arith.constant 0.000000e+00 : f32
        %broadcast_in_dim3A_3111 = vector.broadcast %jit3A_3110 : f32 to vector<16xf32>
        %select_n3A_3112 = arith.select %eq3A_3109, %get3A_3065, %broadcast_in_dim3A_3111 : vector<16xi1>, vector<16xf32>
        %add3A_3113 = arith.addf %add3A_2982, %select_n3A_3112 : vector<16xf32>
        %eq3A_3114 = arith.constant 6 : i32
        %eq3A_3115 = vector.broadcast %eq3A_3114 : i32 to vector<16xi32>
        %eq3A_3116 = arith.cmpi eq, %get3A_3071, %eq3A_3115 : vector<16xi32>
        %jit3A_3117 = arith.constant 0.000000e+00 : f32
        %broadcast_in_dim3A_3118 = vector.broadcast %jit3A_3117 : f32 to vector<16xf32>
        %select_n3A_3119 = arith.select %eq3A_3116, %get3A_3065, %broadcast_in_dim3A_3118 : vector<16xi1>, vector<16xf32>
        %add3A_3120 = arith.addf %add3A_2989, %select_n3A_3119 : vector<16xf32>
        %eq3A_3121 = arith.constant 7 : i32
        %eq3A_3122 = vector.broadcast %eq3A_3121 : i32 to vector<16xi32>
        %eq3A_3123 = arith.cmpi eq, %get3A_3071, %eq3A_3122 : vector<16xi32>
        %jit3A_3124 = arith.constant 0.000000e+00 : f32
        %broadcast_in_dim3A_3125 = vector.broadcast %jit3A_3124 : f32 to vector<16xf32>
        %select_n3A_3126 = arith.select %eq3A_3123, %get3A_3065, %broadcast_in_dim3A_3125 : vector<16xi1>, vector<16xf32>
        %add3A_3127 = arith.addf %add3A_2996, %select_n3A_3126 : vector<16xf32>
        %eq3A_3128 = arith.constant 8 : i32
        %eq3A_3129 = vector.broadcast %eq3A_3128 : i32 to vector<16xi32>
        %eq3A_3130 = arith.cmpi eq, %get3A_3071, %eq3A_3129 : vector<16xi32>
        %jit3A_3131 = arith.constant 0.000000e+00 : f32
        %broadcast_in_dim3A_3132 = vector.broadcast %jit3A_3131 : f32 to vector<16xf32>
        %select_n3A_3133 = arith.select %eq3A_3130, %get3A_3065, %broadcast_in_dim3A_3132 : vector<16xi1>, vector<16xf32>
        %add3A_3134 = arith.addf %add3A_3003, %select_n3A_3133 : vector<16xf32>
        %eq3A_3135 = arith.constant 9 : i32
        %eq3A_3136 = vector.broadcast %eq3A_3135 : i32 to vector<16xi32>
        %eq3A_3137 = arith.cmpi eq, %get3A_3071, %eq3A_3136 : vector<16xi32>
        %jit3A_3138 = arith.constant 0.000000e+00 : f32
        %broadcast_in_dim3A_3139 = vector.broadcast %jit3A_3138 : f32 to vector<16xf32>
        %select_n3A_3140 = arith.select %eq3A_3137, %get3A_3065, %broadcast_in_dim3A_3139 : vector<16xi1>, vector<16xf32>
        %add3A_3141 = arith.addf %add3A_3010, %select_n3A_3140 : vector<16xf32>
        %eq3A_3142 = arith.constant 10 : i32
        %eq3A_3143 = vector.broadcast %eq3A_3142 : i32 to vector<16xi32>
        %eq3A_3144 = arith.cmpi eq, %get3A_3071, %eq3A_3143 : vector<16xi32>
        %jit3A_3145 = arith.constant 0.000000e+00 : f32
        %broadcast_in_dim3A_3146 = vector.broadcast %jit3A_3145 : f32 to vector<16xf32>
        %select_n3A_3147 = arith.select %eq3A_3144, %get3A_3065, %broadcast_in_dim3A_3146 : vector<16xi1>, vector<16xf32>
        %add3A_3148 = arith.addf %add3A_3017, %select_n3A_3147 : vector<16xf32>
        %eq3A_3149 = arith.constant 11 : i32
        %eq3A_3150 = vector.broadcast %eq3A_3149 : i32 to vector<16xi32>
        %eq3A_3151 = arith.cmpi eq, %get3A_3071, %eq3A_3150 : vector<16xi32>
        %jit3A_3152 = arith.constant 0.000000e+00 : f32
        %broadcast_in_dim3A_3153 = vector.broadcast %jit3A_3152 : f32 to vector<16xf32>
        %select_n3A_3154 = arith.select %eq3A_3151, %get3A_3065, %broadcast_in_dim3A_3153 : vector<16xi1>, vector<16xf32>
        %add3A_3155 = arith.addf %add3A_3024, %select_n3A_3154 : vector<16xf32>
        %eq3A_3156 = arith.constant 12 : i32
        %eq3A_3157 = vector.broadcast %eq3A_3156 : i32 to vector<16xi32>
        %eq3A_3158 = arith.cmpi eq, %get3A_3071, %eq3A_3157 : vector<16xi32>
        %jit3A_3159 = arith.constant 0.000000e+00 : f32
        %broadcast_in_dim3A_3160 = vector.broadcast %jit3A_3159 : f32 to vector<16xf32>
        %select_n3A_3161 = arith.select %eq3A_3158, %get3A_3065, %broadcast_in_dim3A_3160 : vector<16xi1>, vector<16xf32>
        %add3A_3162 = arith.addf %add3A_3031, %select_n3A_3161 : vector<16xf32>
        %eq3A_3163 = arith.constant 13 : i32
        %eq3A_3164 = vector.broadcast %eq3A_3163 : i32 to vector<16xi32>
        %eq3A_3165 = arith.cmpi eq, %get3A_3071, %eq3A_3164 : vector<16xi32>
        %jit3A_3166 = arith.constant 0.000000e+00 : f32
        %broadcast_in_dim3A_3167 = vector.broadcast %jit3A_3166 : f32 to vector<16xf32>
        %select_n3A_3168 = arith.select %eq3A_3165, %get3A_3065, %broadcast_in_dim3A_3167 : vector<16xi1>, vector<16xf32>
        %add3A_3169 = arith.addf %add3A_3038, %select_n3A_3168 : vector<16xf32>
        %eq3A_3170 = arith.constant 14 : i32
        %eq3A_3171 = vector.broadcast %eq3A_3170 : i32 to vector<16xi32>
        %eq3A_3172 = arith.cmpi eq, %get3A_3071, %eq3A_3171 : vector<16xi32>
        %jit3A_3173 = arith.constant 0.000000e+00 : f32
        %broadcast_in_dim3A_3174 = vector.broadcast %jit3A_3173 : f32 to vector<16xf32>
        %select_n3A_3175 = arith.select %eq3A_3172, %get3A_3065, %broadcast_in_dim3A_3174 : vector<16xi1>, vector<16xf32>
        %add3A_3176 = arith.addf %add3A_3045, %select_n3A_3175 : vector<16xf32>
        %eq3A_3177 = arith.constant 15 : i32
        %eq3A_3178 = vector.broadcast %eq3A_3177 : i32 to vector<16xi32>
        %eq3A_3179 = arith.cmpi eq, %get3A_3071, %eq3A_3178 : vector<16xi32>
        %jit3A_3180 = arith.constant 0.000000e+00 : f32
        %broadcast_in_dim3A_3181 = vector.broadcast %jit3A_3180 : f32 to vector<16xf32>
        %select_n3A_3182 = arith.select %eq3A_3179, %get3A_3065, %broadcast_in_dim3A_3181 : vector<16xi1>, vector<16xf32>
        %add3A_3183 = arith.addf %add3A_3052, %select_n3A_3182 : vector<16xf32>
        %eq3A_3184 = arith.constant 16 : i32
        %eq3A_3185 = vector.broadcast %eq3A_3184 : i32 to vector<16xi32>
        %eq3A_3186 = arith.cmpi eq, %get3A_3071, %eq3A_3185 : vector<16xi32>
        %jit3A_3187 = arith.constant 0.000000e+00 : f32
        %broadcast_in_dim3A_3188 = vector.broadcast %jit3A_3187 : f32 to vector<16xf32>
        %select_n3A_3189 = arith.select %eq3A_3186, %get3A_3065, %broadcast_in_dim3A_3188 : vector<16xi1>, vector<16xf32>
        %add3A_3190 = arith.addf %add3A_3059, %select_n3A_3189 : vector<16xf32>
        %add3A_3191 = arith.constant 23 : i32
        %add3A_3192 = arith.addi %mul3A_178, %add3A_3191 : i32
        %get3A_3193 = arith.index_cast %add3A_3192 : i32 to index
        %get3A_3194 = arith.index_cast %multiple_of3A : i32 to index
        %get3A_3195 = tpu.vector_load %arg5[%get3A_3193, %get3A_3194] {strides = array<i32>} : memref<256x128xf32, #tpu.memory_space<vmem>>, vector<1x16xf32>,
        %get3A_3196 = vector.shape_cast %get3A_3195 : vector<1x16xf32> to vector<16xf32>
        %add3A_3197 = arith.constant 23 : i32
        %add3A_3198 = arith.addi %mul3A_178, %add3A_3197 : i32
        %get3A_3199 = arith.index_cast %add3A_3198 : i32 to index
        %get3A_3200 = arith.index_cast %multiple_of3A : i32 to index
        %get3A_3201 = tpu.vector_load %arg6[%get3A_3199, %get3A_3200] {strides = array<i32>} : memref<256x128xi32, #tpu.memory_space<vmem>>, vector<1x16xi32>,
        %get3A_3202 = vector.shape_cast %get3A_3201 : vector<1x16xi32> to vector<16xi32>
        %eq3A_3203 = arith.constant 0 : i32
        %eq3A_3204 = vector.broadcast %eq3A_3203 : i32 to vector<16xi32>
        %eq3A_3205 = arith.cmpi eq, %get3A_3202, %eq3A_3204 : vector<16xi32>
        %jit3A_3206 = arith.constant 0.000000e+00 : f32
        %broadcast_in_dim3A_3207 = vector.broadcast %jit3A_3206 : f32 to vector<16xf32>
        %select_n3A_3208 = arith.select %eq3A_3205, %get3A_3196, %broadcast_in_dim3A_3207 : vector<16xi1>, vector<16xf32>
        %add3A_3209 = arith.addf %add3A_3078, %select_n3A_3208 : vector<16xf32>
        %eq3A_3210 = arith.constant 1 : i32
        %eq3A_3211 = vector.broadcast %eq3A_3210 : i32 to vector<16xi32>
        %eq3A_3212 = arith.cmpi eq, %get3A_3202, %eq3A_3211 : vector<16xi32>
        %jit3A_3213 = arith.constant 0.000000e+00 : f32
        %broadcast_in_dim3A_3214 = vector.broadcast %jit3A_3213 : f32 to vector<16xf32>
        %select_n3A_3215 = arith.select %eq3A_3212, %get3A_3196, %broadcast_in_dim3A_3214 : vector<16xi1>, vector<16xf32>
        %add3A_3216 = arith.addf %add3A_3085, %select_n3A_3215 : vector<16xf32>
        %eq3A_3217 = arith.constant 2 : i32
        %eq3A_3218 = vector.broadcast %eq3A_3217 : i32 to vector<16xi32>
        %eq3A_3219 = arith.cmpi eq, %get3A_3202, %eq3A_3218 : vector<16xi32>
        %jit3A_3220 = arith.constant 0.000000e+00 : f32
        %broadcast_in_dim3A_3221 = vector.broadcast %jit3A_3220 : f32 to vector<16xf32>
        %select_n3A_3222 = arith.select %eq3A_3219, %get3A_3196, %broadcast_in_dim3A_3221 : vector<16xi1>, vector<16xf32>
        %add3A_3223 = arith.addf %add3A_3092, %select_n3A_3222 : vector<16xf32>
        %eq3A_3224 = arith.constant 3 : i32
        %eq3A_3225 = vector.broadcast %eq3A_3224 : i32 to vector<16xi32>
        %eq3A_3226 = arith.cmpi eq, %get3A_3202, %eq3A_3225 : vector<16xi32>
        %jit3A_3227 = arith.constant 0.000000e+00 : f32
        %broadcast_in_dim3A_3228 = vector.broadcast %jit3A_3227 : f32 to vector<16xf32>
        %select_n3A_3229 = arith.select %eq3A_3226, %get3A_3196, %broadcast_in_dim3A_3228 : vector<16xi1>, vector<16xf32>
        %add3A_3230 = arith.addf %add3A_3099, %select_n3A_3229 : vector<16xf32>
        %eq3A_3231 = arith.constant 4 : i32
        %eq3A_3232 = vector.broadcast %eq3A_3231 : i32 to vector<16xi32>
        %eq3A_3233 = arith.cmpi eq, %get3A_3202, %eq3A_3232 : vector<16xi32>
        %jit3A_3234 = arith.constant 0.000000e+00 : f32
        %broadcast_in_dim3A_3235 = vector.broadcast %jit3A_3234 : f32 to vector<16xf32>
        %select_n3A_3236 = arith.select %eq3A_3233, %get3A_3196, %broadcast_in_dim3A_3235 : vector<16xi1>, vector<16xf32>
        %add3A_3237 = arith.addf %add3A_3106, %select_n3A_3236 : vector<16xf32>
        %eq3A_3238 = arith.constant 5 : i32
        %eq3A_3239 = vector.broadcast %eq3A_3238 : i32 to vector<16xi32>
        %eq3A_3240 = arith.cmpi eq, %get3A_3202, %eq3A_3239 : vector<16xi32>
        %jit3A_3241 = arith.constant 0.000000e+00 : f32
        %broadcast_in_dim3A_3242 = vector.broadcast %jit3A_3241 : f32 to vector<16xf32>
        %select_n3A_3243 = arith.select %eq3A_3240, %get3A_3196, %broadcast_in_dim3A_3242 : vector<16xi1>, vector<16xf32>
        %add3A_3244 = arith.addf %add3A_3113, %select_n3A_3243 : vector<16xf32>
        %eq3A_3245 = arith.constant 6 : i32
        %eq3A_3246 = vector.broadcast %eq3A_3245 : i32 to vector<16xi32>
        %eq3A_3247 = arith.cmpi eq, %get3A_3202, %eq3A_3246 : vector<16xi32>
        %jit3A_3248 = arith.constant 0.000000e+00 : f32
        %broadcast_in_dim3A_3249 = vector.broadcast %jit3A_3248 : f32 to vector<16xf32>
        %select_n3A_3250 = arith.select %eq3A_3247, %get3A_3196, %broadcast_in_dim3A_3249 : vector<16xi1>, vector<16xf32>
        %add3A_3251 = arith.addf %add3A_3120, %select_n3A_3250 : vector<16xf32>
        %eq3A_3252 = arith.constant 7 : i32
        %eq3A_3253 = vector.broadcast %eq3A_3252 : i32 to vector<16xi32>
        %eq3A_3254 = arith.cmpi eq, %get3A_3202, %eq3A_3253 : vector<16xi32>
        %jit3A_3255 = arith.constant 0.000000e+00 : f32
        %broadcast_in_dim3A_3256 = vector.broadcast %jit3A_3255 : f32 to vector<16xf32>
        %select_n3A_3257 = arith.select %eq3A_3254, %get3A_3196, %broadcast_in_dim3A_3256 : vector<16xi1>, vector<16xf32>
        %add3A_3258 = arith.addf %add3A_3127, %select_n3A_3257 : vector<16xf32>
        %eq3A_3259 = arith.constant 8 : i32
        %eq3A_3260 = vector.broadcast %eq3A_3259 : i32 to vector<16xi32>
        %eq3A_3261 = arith.cmpi eq, %get3A_3202, %eq3A_3260 : vector<16xi32>
        %jit3A_3262 = arith.constant 0.000000e+00 : f32
        %broadcast_in_dim3A_3263 = vector.broadcast %jit3A_3262 : f32 to vector<16xf32>
        %select_n3A_3264 = arith.select %eq3A_3261, %get3A_3196, %broadcast_in_dim3A_3263 : vector<16xi1>, vector<16xf32>
        %add3A_3265 = arith.addf %add3A_3134, %select_n3A_3264 : vector<16xf32>
        %eq3A_3266 = arith.constant 9 : i32
        %eq3A_3267 = vector.broadcast %eq3A_3266 : i32 to vector<16xi32>
        %eq3A_3268 = arith.cmpi eq, %get3A_3202, %eq3A_3267 : vector<16xi32>
        %jit3A_3269 = arith.constant 0.000000e+00 : f32
        %broadcast_in_dim3A_3270 = vector.broadcast %jit3A_3269 : f32 to vector<16xf32>
        %select_n3A_3271 = arith.select %eq3A_3268, %get3A_3196, %broadcast_in_dim3A_3270 : vector<16xi1>, vector<16xf32>
        %add3A_3272 = arith.addf %add3A_3141, %select_n3A_3271 : vector<16xf32>
        %eq3A_3273 = arith.constant 10 : i32
        %eq3A_3274 = vector.broadcast %eq3A_3273 : i32 to vector<16xi32>
        %eq3A_3275 = arith.cmpi eq, %get3A_3202, %eq3A_3274 : vector<16xi32>
        %jit3A_3276 = arith.constant 0.000000e+00 : f32
        %broadcast_in_dim3A_3277 = vector.broadcast %jit3A_3276 : f32 to vector<16xf32>
        %select_n3A_3278 = arith.select %eq3A_3275, %get3A_3196, %broadcast_in_dim3A_3277 : vector<16xi1>, vector<16xf32>
        %add3A_3279 = arith.addf %add3A_3148, %select_n3A_3278 : vector<16xf32>
        %eq3A_3280 = arith.constant 11 : i32
        %eq3A_3281 = vector.broadcast %eq3A_3280 : i32 to vector<16xi32>
        %eq3A_3282 = arith.cmpi eq, %get3A_3202, %eq3A_3281 : vector<16xi32>
        %jit3A_3283 = arith.constant 0.000000e+00 : f32
        %broadcast_in_dim3A_3284 = vector.broadcast %jit3A_3283 : f32 to vector<16xf32>
        %select_n3A_3285 = arith.select %eq3A_3282, %get3A_3196, %broadcast_in_dim3A_3284 : vector<16xi1>, vector<16xf32>
        %add3A_3286 = arith.addf %add3A_3155, %select_n3A_3285 : vector<16xf32>
        %eq3A_3287 = arith.constant 12 : i32
        %eq3A_3288 = vector.broadcast %eq3A_3287 : i32 to vector<16xi32>
        %eq3A_3289 = arith.cmpi eq, %get3A_3202, %eq3A_3288 : vector<16xi32>
        %jit3A_3290 = arith.constant 0.000000e+00 : f32
        %broadcast_in_dim3A_3291 = vector.broadcast %jit3A_3290 : f32 to vector<16xf32>
        %select_n3A_3292 = arith.select %eq3A_3289, %get3A_3196, %broadcast_in_dim3A_3291 : vector<16xi1>, vector<16xf32>
        %add3A_3293 = arith.addf %add3A_3162, %select_n3A_3292 : vector<16xf32>
        %eq3A_3294 = arith.constant 13 : i32
        %eq3A_3295 = vector.broadcast %eq3A_3294 : i32 to vector<16xi32>
        %eq3A_3296 = arith.cmpi eq, %get3A_3202, %eq3A_3295 : vector<16xi32>
        %jit3A_3297 = arith.constant 0.000000e+00 : f32
        %broadcast_in_dim3A_3298 = vector.broadcast %jit3A_3297 : f32 to vector<16xf32>
        %select_n3A_3299 = arith.select %eq3A_3296, %get3A_3196, %broadcast_in_dim3A_3298 : vector<16xi1>, vector<16xf32>
        %add3A_3300 = arith.addf %add3A_3169, %select_n3A_3299 : vector<16xf32>
        %eq3A_3301 = arith.constant 14 : i32
        %eq3A_3302 = vector.broadcast %eq3A_3301 : i32 to vector<16xi32>
        %eq3A_3303 = arith.cmpi eq, %get3A_3202, %eq3A_3302 : vector<16xi32>
        %jit3A_3304 = arith.constant 0.000000e+00 : f32
        %broadcast_in_dim3A_3305 = vector.broadcast %jit3A_3304 : f32 to vector<16xf32>
        %select_n3A_3306 = arith.select %eq3A_3303, %get3A_3196, %broadcast_in_dim3A_3305 : vector<16xi1>, vector<16xf32>
        %add3A_3307 = arith.addf %add3A_3176, %select_n3A_3306 : vector<16xf32>
        %eq3A_3308 = arith.constant 15 : i32
        %eq3A_3309 = vector.broadcast %eq3A_3308 : i32 to vector<16xi32>
        %eq3A_3310 = arith.cmpi eq, %get3A_3202, %eq3A_3309 : vector<16xi32>
        %jit3A_3311 = arith.constant 0.000000e+00 : f32
        %broadcast_in_dim3A_3312 = vector.broadcast %jit3A_3311 : f32 to vector<16xf32>
        %select_n3A_3313 = arith.select %eq3A_3310, %get3A_3196, %broadcast_in_dim3A_3312 : vector<16xi1>, vector<16xf32>
        %add3A_3314 = arith.addf %add3A_3183, %select_n3A_3313 : vector<16xf32>
        %eq3A_3315 = arith.constant 16 : i32
        %eq3A_3316 = vector.broadcast %eq3A_3315 : i32 to vector<16xi32>
        %eq3A_3317 = arith.cmpi eq, %get3A_3202, %eq3A_3316 : vector<16xi32>
        %jit3A_3318 = arith.constant 0.000000e+00 : f32
        %broadcast_in_dim3A_3319 = vector.broadcast %jit3A_3318 : f32 to vector<16xf32>
        %select_n3A_3320 = arith.select %eq3A_3317, %get3A_3196, %broadcast_in_dim3A_3319 : vector<16xi1>, vector<16xf32>
        %add3A_3321 = arith.addf %add3A_3190, %select_n3A_3320 : vector<16xf32>
        %add3A_3322 = arith.constant 24 : i32
        %add3A_3323 = arith.addi %mul3A_178, %add3A_3322 : i32
        %get3A_3324 = arith.index_cast %add3A_3323 : i32 to index
        %get3A_3325 = arith.index_cast %multiple_of3A : i32 to index
        %get3A_3326 = tpu.vector_load %arg5[%get3A_3324, %get3A_3325] {strides = array<i32>} : memref<256x128xf32, #tpu.memory_space<vmem>>, vector<1x16xf32>,
        %get3A_3327 = vector.shape_cast %get3A_3326 : vector<1x16xf32> to vector<16xf32>
        %add3A_3328 = arith.constant 24 : i32
        %add3A_3329 = arith.addi %mul3A_178, %add3A_3328 : i32
        %get3A_3330 = arith.index_cast %add3A_3329 : i32 to index
        %get3A_3331 = arith.index_cast %multiple_of3A : i32 to index
        %get3A_3332 = tpu.vector_load %arg6[%get3A_3330, %get3A_3331] {strides = array<i32>} : memref<256x128xi32, #tpu.memory_space<vmem>>, vector<1x16xi32>,
        %get3A_3333 = vector.shape_cast %get3A_3332 : vector<1x16xi32> to vector<16xi32>
        %eq3A_3334 = arith.constant 0 : i32
        %eq3A_3335 = vector.broadcast %eq3A_3334 : i32 to vector<16xi32>
        %eq3A_3336 = arith.cmpi eq, %get3A_3333, %eq3A_3335 : vector<16xi32>
        %jit3A_3337 = arith.constant 0.000000e+00 : f32
        %broadcast_in_dim3A_3338 = vector.broadcast %jit3A_3337 : f32 to vector<16xf32>
        %select_n3A_3339 = arith.select %eq3A_3336, %get3A_3327, %broadcast_in_dim3A_3338 : vector<16xi1>, vector<16xf32>
        %add3A_3340 = arith.addf %add3A_3209, %select_n3A_3339 : vector<16xf32>
        %eq3A_3341 = arith.constant 1 : i32
        %eq3A_3342 = vector.broadcast %eq3A_3341 : i32 to vector<16xi32>
        %eq3A_3343 = arith.cmpi eq, %get3A_3333, %eq3A_3342 : vector<16xi32>
        %jit3A_3344 = arith.constant 0.000000e+00 : f32
        %broadcast_in_dim3A_3345 = vector.broadcast %jit3A_3344 : f32 to vector<16xf32>
        %select_n3A_3346 = arith.select %eq3A_3343, %get3A_3327, %broadcast_in_dim3A_3345 : vector<16xi1>, vector<16xf32>
        %add3A_3347 = arith.addf %add3A_3216, %select_n3A_3346 : vector<16xf32>
        %eq3A_3348 = arith.constant 2 : i32
        %eq3A_3349 = vector.broadcast %eq3A_3348 : i32 to vector<16xi32>
        %eq3A_3350 = arith.cmpi eq, %get3A_3333, %eq3A_3349 : vector<16xi32>
        %jit3A_3351 = arith.constant 0.000000e+00 : f32
        %broadcast_in_dim3A_3352 = vector.broadcast %jit3A_3351 : f32 to vector<16xf32>
        %select_n3A_3353 = arith.select %eq3A_3350, %get3A_3327, %broadcast_in_dim3A_3352 : vector<16xi1>, vector<16xf32>
        %add3A_3354 = arith.addf %add3A_3223, %select_n3A_3353 : vector<16xf32>
        %eq3A_3355 = arith.constant 3 : i32
        %eq3A_3356 = vector.broadcast %eq3A_3355 : i32 to vector<16xi32>
        %eq3A_3357 = arith.cmpi eq, %get3A_3333, %eq3A_3356 : vector<16xi32>
        %jit3A_3358 = arith.constant 0.000000e+00 : f32
        %broadcast_in_dim3A_3359 = vector.broadcast %jit3A_3358 : f32 to vector<16xf32>
        %select_n3A_3360 = arith.select %eq3A_3357, %get3A_3327, %broadcast_in_dim3A_3359 : vector<16xi1>, vector<16xf32>
        %add3A_3361 = arith.addf %add3A_3230, %select_n3A_3360 : vector<16xf32>
        %eq3A_3362 = arith.constant 4 : i32
        %eq3A_3363 = vector.broadcast %eq3A_3362 : i32 to vector<16xi32>
        %eq3A_3364 = arith.cmpi eq, %get3A_3333, %eq3A_3363 : vector<16xi32>
        %jit3A_3365 = arith.constant 0.000000e+00 : f32
        %broadcast_in_dim3A_3366 = vector.broadcast %jit3A_3365 : f32 to vector<16xf32>
        %select_n3A_3367 = arith.select %eq3A_3364, %get3A_3327, %broadcast_in_dim3A_3366 : vector<16xi1>, vector<16xf32>
        %add3A_3368 = arith.addf %add3A_3237, %select_n3A_3367 : vector<16xf32>
        %eq3A_3369 = arith.constant 5 : i32
        %eq3A_3370 = vector.broadcast %eq3A_3369 : i32 to vector<16xi32>
        %eq3A_3371 = arith.cmpi eq, %get3A_3333, %eq3A_3370 : vector<16xi32>
        %jit3A_3372 = arith.constant 0.000000e+00 : f32
        %broadcast_in_dim3A_3373 = vector.broadcast %jit3A_3372 : f32 to vector<16xf32>
        %select_n3A_3374 = arith.select %eq3A_3371, %get3A_3327, %broadcast_in_dim3A_3373 : vector<16xi1>, vector<16xf32>
        %add3A_3375 = arith.addf %add3A_3244, %select_n3A_3374 : vector<16xf32>
        %eq3A_3376 = arith.constant 6 : i32
        %eq3A_3377 = vector.broadcast %eq3A_3376 : i32 to vector<16xi32>
        %eq3A_3378 = arith.cmpi eq, %get3A_3333, %eq3A_3377 : vector<16xi32>
        %jit3A_3379 = arith.constant 0.000000e+00 : f32
        %broadcast_in_dim3A_3380 = vector.broadcast %jit3A_3379 : f32 to vector<16xf32>
        %select_n3A_3381 = arith.select %eq3A_3378, %get3A_3327, %broadcast_in_dim3A_3380 : vector<16xi1>, vector<16xf32>
        %add3A_3382 = arith.addf %add3A_3251, %select_n3A_3381 : vector<16xf32>
        %eq3A_3383 = arith.constant 7 : i32
        %eq3A_3384 = vector.broadcast %eq3A_3383 : i32 to vector<16xi32>
        %eq3A_3385 = arith.cmpi eq, %get3A_3333, %eq3A_3384 : vector<16xi32>
        %jit3A_3386 = arith.constant 0.000000e+00 : f32
        %broadcast_in_dim3A_3387 = vector.broadcast %jit3A_3386 : f32 to vector<16xf32>
        %select_n3A_3388 = arith.select %eq3A_3385, %get3A_3327, %broadcast_in_dim3A_3387 : vector<16xi1>, vector<16xf32>
        %add3A_3389 = arith.addf %add3A_3258, %select_n3A_3388 : vector<16xf32>
        %eq3A_3390 = arith.constant 8 : i32
        %eq3A_3391 = vector.broadcast %eq3A_3390 : i32 to vector<16xi32>
        %eq3A_3392 = arith.cmpi eq, %get3A_3333, %eq3A_3391 : vector<16xi32>
        %jit3A_3393 = arith.constant 0.000000e+00 : f32
        %broadcast_in_dim3A_3394 = vector.broadcast %jit3A_3393 : f32 to vector<16xf32>
        %select_n3A_3395 = arith.select %eq3A_3392, %get3A_3327, %broadcast_in_dim3A_3394 : vector<16xi1>, vector<16xf32>
        %add3A_3396 = arith.addf %add3A_3265, %select_n3A_3395 : vector<16xf32>
        %eq3A_3397 = arith.constant 9 : i32
        %eq3A_3398 = vector.broadcast %eq3A_3397 : i32 to vector<16xi32>
        %eq3A_3399 = arith.cmpi eq, %get3A_3333, %eq3A_3398 : vector<16xi32>
        %jit3A_3400 = arith.constant 0.000000e+00 : f32
        %broadcast_in_dim3A_3401 = vector.broadcast %jit3A_3400 : f32 to vector<16xf32>
        %select_n3A_3402 = arith.select %eq3A_3399, %get3A_3327, %broadcast_in_dim3A_3401 : vector<16xi1>, vector<16xf32>
        %add3A_3403 = arith.addf %add3A_3272, %select_n3A_3402 : vector<16xf32>
        %eq3A_3404 = arith.constant 10 : i32
        %eq3A_3405 = vector.broadcast %eq3A_3404 : i32 to vector<16xi32>
        %eq3A_3406 = arith.cmpi eq, %get3A_3333, %eq3A_3405 : vector<16xi32>
        %jit3A_3407 = arith.constant 0.000000e+00 : f32
        %broadcast_in_dim3A_3408 = vector.broadcast %jit3A_3407 : f32 to vector<16xf32>
        %select_n3A_3409 = arith.select %eq3A_3406, %get3A_3327, %broadcast_in_dim3A_3408 : vector<16xi1>, vector<16xf32>
        %add3A_3410 = arith.addf %add3A_3279, %select_n3A_3409 : vector<16xf32>
        %eq3A_3411 = arith.constant 11 : i32
        %eq3A_3412 = vector.broadcast %eq3A_3411 : i32 to vector<16xi32>
        %eq3A_3413 = arith.cmpi eq, %get3A_3333, %eq3A_3412 : vector<16xi32>
        %jit3A_3414 = arith.constant 0.000000e+00 : f32
        %broadcast_in_dim3A_3415 = vector.broadcast %jit3A_3414 : f32 to vector<16xf32>
        %select_n3A_3416 = arith.select %eq3A_3413, %get3A_3327, %broadcast_in_dim3A_3415 : vector<16xi1>, vector<16xf32>
        %add3A_3417 = arith.addf %add3A_3286, %select_n3A_3416 : vector<16xf32>
        %eq3A_3418 = arith.constant 12 : i32
        %eq3A_3419 = vector.broadcast %eq3A_3418 : i32 to vector<16xi32>
        %eq3A_3420 = arith.cmpi eq, %get3A_3333, %eq3A_3419 : vector<16xi32>
        %jit3A_3421 = arith.constant 0.000000e+00 : f32
        %broadcast_in_dim3A_3422 = vector.broadcast %jit3A_3421 : f32 to vector<16xf32>
        %select_n3A_3423 = arith.select %eq3A_3420, %get3A_3327, %broadcast_in_dim3A_3422 : vector<16xi1>, vector<16xf32>
        %add3A_3424 = arith.addf %add3A_3293, %select_n3A_3423 : vector<16xf32>
        %eq3A_3425 = arith.constant 13 : i32
        %eq3A_3426 = vector.broadcast %eq3A_3425 : i32 to vector<16xi32>
        %eq3A_3427 = arith.cmpi eq, %get3A_3333, %eq3A_3426 : vector<16xi32>
        %jit3A_3428 = arith.constant 0.000000e+00 : f32
        %broadcast_in_dim3A_3429 = vector.broadcast %jit3A_3428 : f32 to vector<16xf32>
        %select_n3A_3430 = arith.select %eq3A_3427, %get3A_3327, %broadcast_in_dim3A_3429 : vector<16xi1>, vector<16xf32>
        %add3A_3431 = arith.addf %add3A_3300, %select_n3A_3430 : vector<16xf32>
        %eq3A_3432 = arith.constant 14 : i32
        %eq3A_3433 = vector.broadcast %eq3A_3432 : i32 to vector<16xi32>
        %eq3A_3434 = arith.cmpi eq, %get3A_3333, %eq3A_3433 : vector<16xi32>
        %jit3A_3435 = arith.constant 0.000000e+00 : f32
        %broadcast_in_dim3A_3436 = vector.broadcast %jit3A_3435 : f32 to vector<16xf32>
        %select_n3A_3437 = arith.select %eq3A_3434, %get3A_3327, %broadcast_in_dim3A_3436 : vector<16xi1>, vector<16xf32>
        %add3A_3438 = arith.addf %add3A_3307, %select_n3A_3437 : vector<16xf32>
        %eq3A_3439 = arith.constant 15 : i32
        %eq3A_3440 = vector.broadcast %eq3A_3439 : i32 to vector<16xi32>
        %eq3A_3441 = arith.cmpi eq, %get3A_3333, %eq3A_3440 : vector<16xi32>
        %jit3A_3442 = arith.constant 0.000000e+00 : f32
        %broadcast_in_dim3A_3443 = vector.broadcast %jit3A_3442 : f32 to vector<16xf32>
        %select_n3A_3444 = arith.select %eq3A_3441, %get3A_3327, %broadcast_in_dim3A_3443 : vector<16xi1>, vector<16xf32>
        %add3A_3445 = arith.addf %add3A_3314, %select_n3A_3444 : vector<16xf32>
        %eq3A_3446 = arith.constant 16 : i32
        %eq3A_3447 = vector.broadcast %eq3A_3446 : i32 to vector<16xi32>
        %eq3A_3448 = arith.cmpi eq, %get3A_3333, %eq3A_3447 : vector<16xi32>
        %jit3A_3449 = arith.constant 0.000000e+00 : f32
        %broadcast_in_dim3A_3450 = vector.broadcast %jit3A_3449 : f32 to vector<16xf32>
        %select_n3A_3451 = arith.select %eq3A_3448, %get3A_3327, %broadcast_in_dim3A_3450 : vector<16xi1>, vector<16xf32>
        %add3A_3452 = arith.addf %add3A_3321, %select_n3A_3451 : vector<16xf32>
        %add3A_3453 = arith.constant 25 : i32
        %add3A_3454 = arith.addi %mul3A_178, %add3A_3453 : i32
        %get3A_3455 = arith.index_cast %add3A_3454 : i32 to index
        %get3A_3456 = arith.index_cast %multiple_of3A : i32 to index
        %get3A_3457 = tpu.vector_load %arg5[%get3A_3455, %get3A_3456] {strides = array<i32>} : memref<256x128xf32, #tpu.memory_space<vmem>>, vector<1x16xf32>,
        %get3A_3458 = vector.shape_cast %get3A_3457 : vector<1x16xf32> to vector<16xf32>
        %add3A_3459 = arith.constant 25 : i32
        %add3A_3460 = arith.addi %mul3A_178, %add3A_3459 : i32
        %get3A_3461 = arith.index_cast %add3A_3460 : i32 to index
        %get3A_3462 = arith.index_cast %multiple_of3A : i32 to index
        %get3A_3463 = tpu.vector_load %arg6[%get3A_3461, %get3A_3462] {strides = array<i32>} : memref<256x128xi32, #tpu.memory_space<vmem>>, vector<1x16xi32>,
        %get3A_3464 = vector.shape_cast %get3A_3463 : vector<1x16xi32> to vector<16xi32>
        %eq3A_3465 = arith.constant 0 : i32
        %eq3A_3466 = vector.broadcast %eq3A_3465 : i32 to vector<16xi32>
        %eq3A_3467 = arith.cmpi eq, %get3A_3464, %eq3A_3466 : vector<16xi32>
        %jit3A_3468 = arith.constant 0.000000e+00 : f32
        %broadcast_in_dim3A_3469 = vector.broadcast %jit3A_3468 : f32 to vector<16xf32>
        %select_n3A_3470 = arith.select %eq3A_3467, %get3A_3458, %broadcast_in_dim3A_3469 : vector<16xi1>, vector<16xf32>
        %add3A_3471 = arith.addf %add3A_3340, %select_n3A_3470 : vector<16xf32>
        %eq3A_3472 = arith.constant 1 : i32
        %eq3A_3473 = vector.broadcast %eq3A_3472 : i32 to vector<16xi32>
        %eq3A_3474 = arith.cmpi eq, %get3A_3464, %eq3A_3473 : vector<16xi32>
        %jit3A_3475 = arith.constant 0.000000e+00 : f32
        %broadcast_in_dim3A_3476 = vector.broadcast %jit3A_3475 : f32 to vector<16xf32>
        %select_n3A_3477 = arith.select %eq3A_3474, %get3A_3458, %broadcast_in_dim3A_3476 : vector<16xi1>, vector<16xf32>
        %add3A_3478 = arith.addf %add3A_3347, %select_n3A_3477 : vector<16xf32>
        %eq3A_3479 = arith.constant 2 : i32
        %eq3A_3480 = vector.broadcast %eq3A_3479 : i32 to vector<16xi32>
        %eq3A_3481 = arith.cmpi eq, %get3A_3464, %eq3A_3480 : vector<16xi32>
        %jit3A_3482 = arith.constant 0.000000e+00 : f32
        %broadcast_in_dim3A_3483 = vector.broadcast %jit3A_3482 : f32 to vector<16xf32>
        %select_n3A_3484 = arith.select %eq3A_3481, %get3A_3458, %broadcast_in_dim3A_3483 : vector<16xi1>, vector<16xf32>
        %add3A_3485 = arith.addf %add3A_3354, %select_n3A_3484 : vector<16xf32>
        %eq3A_3486 = arith.constant 3 : i32
        %eq3A_3487 = vector.broadcast %eq3A_3486 : i32 to vector<16xi32>
        %eq3A_3488 = arith.cmpi eq, %get3A_3464, %eq3A_3487 : vector<16xi32>
        %jit3A_3489 = arith.constant 0.000000e+00 : f32
        %broadcast_in_dim3A_3490 = vector.broadcast %jit3A_3489 : f32 to vector<16xf32>
        %select_n3A_3491 = arith.select %eq3A_3488, %get3A_3458, %broadcast_in_dim3A_3490 : vector<16xi1>, vector<16xf32>
        %add3A_3492 = arith.addf %add3A_3361, %select_n3A_3491 : vector<16xf32>
        %eq3A_3493 = arith.constant 4 : i32
        %eq3A_3494 = vector.broadcast %eq3A_3493 : i32 to vector<16xi32>
        %eq3A_3495 = arith.cmpi eq, %get3A_3464, %eq3A_3494 : vector<16xi32>
        %jit3A_3496 = arith.constant 0.000000e+00 : f32
        %broadcast_in_dim3A_3497 = vector.broadcast %jit3A_3496 : f32 to vector<16xf32>
        %select_n3A_3498 = arith.select %eq3A_3495, %get3A_3458, %broadcast_in_dim3A_3497 : vector<16xi1>, vector<16xf32>
        %add3A_3499 = arith.addf %add3A_3368, %select_n3A_3498 : vector<16xf32>
        %eq3A_3500 = arith.constant 5 : i32
        %eq3A_3501 = vector.broadcast %eq3A_3500 : i32 to vector<16xi32>
        %eq3A_3502 = arith.cmpi eq, %get3A_3464, %eq3A_3501 : vector<16xi32>
        %jit3A_3503 = arith.constant 0.000000e+00 : f32
        %broadcast_in_dim3A_3504 = vector.broadcast %jit3A_3503 : f32 to vector<16xf32>
        %select_n3A_3505 = arith.select %eq3A_3502, %get3A_3458, %broadcast_in_dim3A_3504 : vector<16xi1>, vector<16xf32>
        %add3A_3506 = arith.addf %add3A_3375, %select_n3A_3505 : vector<16xf32>
        %eq3A_3507 = arith.constant 6 : i32
        %eq3A_3508 = vector.broadcast %eq3A_3507 : i32 to vector<16xi32>
        %eq3A_3509 = arith.cmpi eq, %get3A_3464, %eq3A_3508 : vector<16xi32>
        %jit3A_3510 = arith.constant 0.000000e+00 : f32
        %broadcast_in_dim3A_3511 = vector.broadcast %jit3A_3510 : f32 to vector<16xf32>
        %select_n3A_3512 = arith.select %eq3A_3509, %get3A_3458, %broadcast_in_dim3A_3511 : vector<16xi1>, vector<16xf32>
        %add3A_3513 = arith.addf %add3A_3382, %select_n3A_3512 : vector<16xf32>
        %eq3A_3514 = arith.constant 7 : i32
        %eq3A_3515 = vector.broadcast %eq3A_3514 : i32 to vector<16xi32>
        %eq3A_3516 = arith.cmpi eq, %get3A_3464, %eq3A_3515 : vector<16xi32>
        %jit3A_3517 = arith.constant 0.000000e+00 : f32
        %broadcast_in_dim3A_3518 = vector.broadcast %jit3A_3517 : f32 to vector<16xf32>
        %select_n3A_3519 = arith.select %eq3A_3516, %get3A_3458, %broadcast_in_dim3A_3518 : vector<16xi1>, vector<16xf32>
        %add3A_3520 = arith.addf %add3A_3389, %select_n3A_3519 : vector<16xf32>
        %eq3A_3521 = arith.constant 8 : i32
        %eq3A_3522 = vector.broadcast %eq3A_3521 : i32 to vector<16xi32>
        %eq3A_3523 = arith.cmpi eq, %get3A_3464, %eq3A_3522 : vector<16xi32>
        %jit3A_3524 = arith.constant 0.000000e+00 : f32
        %broadcast_in_dim3A_3525 = vector.broadcast %jit3A_3524 : f32 to vector<16xf32>
        %select_n3A_3526 = arith.select %eq3A_3523, %get3A_3458, %broadcast_in_dim3A_3525 : vector<16xi1>, vector<16xf32>
        %add3A_3527 = arith.addf %add3A_3396, %select_n3A_3526 : vector<16xf32>
        %eq3A_3528 = arith.constant 9 : i32
        %eq3A_3529 = vector.broadcast %eq3A_3528 : i32 to vector<16xi32>
        %eq3A_3530 = arith.cmpi eq, %get3A_3464, %eq3A_3529 : vector<16xi32>
        %jit3A_3531 = arith.constant 0.000000e+00 : f32
        %broadcast_in_dim3A_3532 = vector.broadcast %jit3A_3531 : f32 to vector<16xf32>
        %select_n3A_3533 = arith.select %eq3A_3530, %get3A_3458, %broadcast_in_dim3A_3532 : vector<16xi1>, vector<16xf32>
        %add3A_3534 = arith.addf %add3A_3403, %select_n3A_3533 : vector<16xf32>
        %eq3A_3535 = arith.constant 10 : i32
        %eq3A_3536 = vector.broadcast %eq3A_3535 : i32 to vector<16xi32>
        %eq3A_3537 = arith.cmpi eq, %get3A_3464, %eq3A_3536 : vector<16xi32>
        %jit3A_3538 = arith.constant 0.000000e+00 : f32
        %broadcast_in_dim3A_3539 = vector.broadcast %jit3A_3538 : f32 to vector<16xf32>
        %select_n3A_3540 = arith.select %eq3A_3537, %get3A_3458, %broadcast_in_dim3A_3539 : vector<16xi1>, vector<16xf32>
        %add3A_3541 = arith.addf %add3A_3410, %select_n3A_3540 : vector<16xf32>
        %eq3A_3542 = arith.constant 11 : i32
        %eq3A_3543 = vector.broadcast %eq3A_3542 : i32 to vector<16xi32>
        %eq3A_3544 = arith.cmpi eq, %get3A_3464, %eq3A_3543 : vector<16xi32>
        %jit3A_3545 = arith.constant 0.000000e+00 : f32
        %broadcast_in_dim3A_3546 = vector.broadcast %jit3A_3545 : f32 to vector<16xf32>
        %select_n3A_3547 = arith.select %eq3A_3544, %get3A_3458, %broadcast_in_dim3A_3546 : vector<16xi1>, vector<16xf32>
        %add3A_3548 = arith.addf %add3A_3417, %select_n3A_3547 : vector<16xf32>
        %eq3A_3549 = arith.constant 12 : i32
        %eq3A_3550 = vector.broadcast %eq3A_3549 : i32 to vector<16xi32>
        %eq3A_3551 = arith.cmpi eq, %get3A_3464, %eq3A_3550 : vector<16xi32>
        %jit3A_3552 = arith.constant 0.000000e+00 : f32
        %broadcast_in_dim3A_3553 = vector.broadcast %jit3A_3552 : f32 to vector<16xf32>
        %select_n3A_3554 = arith.select %eq3A_3551, %get3A_3458, %broadcast_in_dim3A_3553 : vector<16xi1>, vector<16xf32>
        %add3A_3555 = arith.addf %add3A_3424, %select_n3A_3554 : vector<16xf32>
        %eq3A_3556 = arith.constant 13 : i32
        %eq3A_3557 = vector.broadcast %eq3A_3556 : i32 to vector<16xi32>
        %eq3A_3558 = arith.cmpi eq, %get3A_3464, %eq3A_3557 : vector<16xi32>
        %jit3A_3559 = arith.constant 0.000000e+00 : f32
        %broadcast_in_dim3A_3560 = vector.broadcast %jit3A_3559 : f32 to vector<16xf32>
        %select_n3A_3561 = arith.select %eq3A_3558, %get3A_3458, %broadcast_in_dim3A_3560 : vector<16xi1>, vector<16xf32>
        %add3A_3562 = arith.addf %add3A_3431, %select_n3A_3561 : vector<16xf32>
        %eq3A_3563 = arith.constant 14 : i32
        %eq3A_3564 = vector.broadcast %eq3A_3563 : i32 to vector<16xi32>
        %eq3A_3565 = arith.cmpi eq, %get3A_3464, %eq3A_3564 : vector<16xi32>
        %jit3A_3566 = arith.constant 0.000000e+00 : f32
        %broadcast_in_dim3A_3567 = vector.broadcast %jit3A_3566 : f32 to vector<16xf32>
        %select_n3A_3568 = arith.select %eq3A_3565, %get3A_3458, %broadcast_in_dim3A_3567 : vector<16xi1>, vector<16xf32>
        %add3A_3569 = arith.addf %add3A_3438, %select_n3A_3568 : vector<16xf32>
        %eq3A_3570 = arith.constant 15 : i32
        %eq3A_3571 = vector.broadcast %eq3A_3570 : i32 to vector<16xi32>
        %eq3A_3572 = arith.cmpi eq, %get3A_3464, %eq3A_3571 : vector<16xi32>
        %jit3A_3573 = arith.constant 0.000000e+00 : f32
        %broadcast_in_dim3A_3574 = vector.broadcast %jit3A_3573 : f32 to vector<16xf32>
        %select_n3A_3575 = arith.select %eq3A_3572, %get3A_3458, %broadcast_in_dim3A_3574 : vector<16xi1>, vector<16xf32>
        %add3A_3576 = arith.addf %add3A_3445, %select_n3A_3575 : vector<16xf32>
        %eq3A_3577 = arith.constant 16 : i32
        %eq3A_3578 = vector.broadcast %eq3A_3577 : i32 to vector<16xi32>
        %eq3A_3579 = arith.cmpi eq, %get3A_3464, %eq3A_3578 : vector<16xi32>
        %jit3A_3580 = arith.constant 0.000000e+00 : f32
        %broadcast_in_dim3A_3581 = vector.broadcast %jit3A_3580 : f32 to vector<16xf32>
        %select_n3A_3582 = arith.select %eq3A_3579, %get3A_3458, %broadcast_in_dim3A_3581 : vector<16xi1>, vector<16xf32>
        %add3A_3583 = arith.addf %add3A_3452, %select_n3A_3582 : vector<16xf32>
        %add3A_3584 = arith.constant 26 : i32
        %add3A_3585 = arith.addi %mul3A_178, %add3A_3584 : i32
        %get3A_3586 = arith.index_cast %add3A_3585 : i32 to index
        %get3A_3587 = arith.index_cast %multiple_of3A : i32 to index
        %get3A_3588 = tpu.vector_load %arg5[%get3A_3586, %get3A_3587] {strides = array<i32>} : memref<256x128xf32, #tpu.memory_space<vmem>>, vector<1x16xf32>,
        %get3A_3589 = vector.shape_cast %get3A_3588 : vector<1x16xf32> to vector<16xf32>
        %add3A_3590 = arith.constant 26 : i32
        %add3A_3591 = arith.addi %mul3A_178, %add3A_3590 : i32
        %get3A_3592 = arith.index_cast %add3A_3591 : i32 to index
        %get3A_3593 = arith.index_cast %multiple_of3A : i32 to index
        %get3A_3594 = tpu.vector_load %arg6[%get3A_3592, %get3A_3593] {strides = array<i32>} : memref<256x128xi32, #tpu.memory_space<vmem>>, vector<1x16xi32>,
        %get3A_3595 = vector.shape_cast %get3A_3594 : vector<1x16xi32> to vector<16xi32>
        %eq3A_3596 = arith.constant 0 : i32
        %eq3A_3597 = vector.broadcast %eq3A_3596 : i32 to vector<16xi32>
        %eq3A_3598 = arith.cmpi eq, %get3A_3595, %eq3A_3597 : vector<16xi32>
        %jit3A_3599 = arith.constant 0.000000e+00 : f32
        %broadcast_in_dim3A_3600 = vector.broadcast %jit3A_3599 : f32 to vector<16xf32>
        %select_n3A_3601 = arith.select %eq3A_3598, %get3A_3589, %broadcast_in_dim3A_3600 : vector<16xi1>, vector<16xf32>
        %add3A_3602 = arith.addf %add3A_3471, %select_n3A_3601 : vector<16xf32>
        %eq3A_3603 = arith.constant 1 : i32
        %eq3A_3604 = vector.broadcast %eq3A_3603 : i32 to vector<16xi32>
        %eq3A_3605 = arith.cmpi eq, %get3A_3595, %eq3A_3604 : vector<16xi32>
        %jit3A_3606 = arith.constant 0.000000e+00 : f32
        %broadcast_in_dim3A_3607 = vector.broadcast %jit3A_3606 : f32 to vector<16xf32>
        %select_n3A_3608 = arith.select %eq3A_3605, %get3A_3589, %broadcast_in_dim3A_3607 : vector<16xi1>, vector<16xf32>
        %add3A_3609 = arith.addf %add3A_3478, %select_n3A_3608 : vector<16xf32>
        %eq3A_3610 = arith.constant 2 : i32
        %eq3A_3611 = vector.broadcast %eq3A_3610 : i32 to vector<16xi32>
        %eq3A_3612 = arith.cmpi eq, %get3A_3595, %eq3A_3611 : vector<16xi32>
        %jit3A_3613 = arith.constant 0.000000e+00 : f32
        %broadcast_in_dim3A_3614 = vector.broadcast %jit3A_3613 : f32 to vector<16xf32>
        %select_n3A_3615 = arith.select %eq3A_3612, %get3A_3589, %broadcast_in_dim3A_3614 : vector<16xi1>, vector<16xf32>
        %add3A_3616 = arith.addf %add3A_3485, %select_n3A_3615 : vector<16xf32>
        %eq3A_3617 = arith.constant 3 : i32
        %eq3A_3618 = vector.broadcast %eq3A_3617 : i32 to vector<16xi32>
        %eq3A_3619 = arith.cmpi eq, %get3A_3595, %eq3A_3618 : vector<16xi32>
        %jit3A_3620 = arith.constant 0.000000e+00 : f32
        %broadcast_in_dim3A_3621 = vector.broadcast %jit3A_3620 : f32 to vector<16xf32>
        %select_n3A_3622 = arith.select %eq3A_3619, %get3A_3589, %broadcast_in_dim3A_3621 : vector<16xi1>, vector<16xf32>
        %add3A_3623 = arith.addf %add3A_3492, %select_n3A_3622 : vector<16xf32>
        %eq3A_3624 = arith.constant 4 : i32
        %eq3A_3625 = vector.broadcast %eq3A_3624 : i32 to vector<16xi32>
        %eq3A_3626 = arith.cmpi eq, %get3A_3595, %eq3A_3625 : vector<16xi32>
        %jit3A_3627 = arith.constant 0.000000e+00 : f32
        %broadcast_in_dim3A_3628 = vector.broadcast %jit3A_3627 : f32 to vector<16xf32>
        %select_n3A_3629 = arith.select %eq3A_3626, %get3A_3589, %broadcast_in_dim3A_3628 : vector<16xi1>, vector<16xf32>
        %add3A_3630 = arith.addf %add3A_3499, %select_n3A_3629 : vector<16xf32>
        %eq3A_3631 = arith.constant 5 : i32
        %eq3A_3632 = vector.broadcast %eq3A_3631 : i32 to vector<16xi32>
        %eq3A_3633 = arith.cmpi eq, %get3A_3595, %eq3A_3632 : vector<16xi32>
        %jit3A_3634 = arith.constant 0.000000e+00 : f32
        %broadcast_in_dim3A_3635 = vector.broadcast %jit3A_3634 : f32 to vector<16xf32>
        %select_n3A_3636 = arith.select %eq3A_3633, %get3A_3589, %broadcast_in_dim3A_3635 : vector<16xi1>, vector<16xf32>
        %add3A_3637 = arith.addf %add3A_3506, %select_n3A_3636 : vector<16xf32>
        %eq3A_3638 = arith.constant 6 : i32
        %eq3A_3639 = vector.broadcast %eq3A_3638 : i32 to vector<16xi32>
        %eq3A_3640 = arith.cmpi eq, %get3A_3595, %eq3A_3639 : vector<16xi32>
        %jit3A_3641 = arith.constant 0.000000e+00 : f32
        %broadcast_in_dim3A_3642 = vector.broadcast %jit3A_3641 : f32 to vector<16xf32>
        %select_n3A_3643 = arith.select %eq3A_3640, %get3A_3589, %broadcast_in_dim3A_3642 : vector<16xi1>, vector<16xf32>
        %add3A_3644 = arith.addf %add3A_3513, %select_n3A_3643 : vector<16xf32>
        %eq3A_3645 = arith.constant 7 : i32
        %eq3A_3646 = vector.broadcast %eq3A_3645 : i32 to vector<16xi32>
        %eq3A_3647 = arith.cmpi eq, %get3A_3595, %eq3A_3646 : vector<16xi32>
        %jit3A_3648 = arith.constant 0.000000e+00 : f32
        %broadcast_in_dim3A_3649 = vector.broadcast %jit3A_3648 : f32 to vector<16xf32>
        %select_n3A_3650 = arith.select %eq3A_3647, %get3A_3589, %broadcast_in_dim3A_3649 : vector<16xi1>, vector<16xf32>
        %add3A_3651 = arith.addf %add3A_3520, %select_n3A_3650 : vector<16xf32>
        %eq3A_3652 = arith.constant 8 : i32
        %eq3A_3653 = vector.broadcast %eq3A_3652 : i32 to vector<16xi32>
        %eq3A_3654 = arith.cmpi eq, %get3A_3595, %eq3A_3653 : vector<16xi32>
        %jit3A_3655 = arith.constant 0.000000e+00 : f32
        %broadcast_in_dim3A_3656 = vector.broadcast %jit3A_3655 : f32 to vector<16xf32>
        %select_n3A_3657 = arith.select %eq3A_3654, %get3A_3589, %broadcast_in_dim3A_3656 : vector<16xi1>, vector<16xf32>
        %add3A_3658 = arith.addf %add3A_3527, %select_n3A_3657 : vector<16xf32>
        %eq3A_3659 = arith.constant 9 : i32
        %eq3A_3660 = vector.broadcast %eq3A_3659 : i32 to vector<16xi32>
        %eq3A_3661 = arith.cmpi eq, %get3A_3595, %eq3A_3660 : vector<16xi32>
        %jit3A_3662 = arith.constant 0.000000e+00 : f32
        %broadcast_in_dim3A_3663 = vector.broadcast %jit3A_3662 : f32 to vector<16xf32>
        %select_n3A_3664 = arith.select %eq3A_3661, %get3A_3589, %broadcast_in_dim3A_3663 : vector<16xi1>, vector<16xf32>
        %add3A_3665 = arith.addf %add3A_3534, %select_n3A_3664 : vector<16xf32>
        %eq3A_3666 = arith.constant 10 : i32
        %eq3A_3667 = vector.broadcast %eq3A_3666 : i32 to vector<16xi32>
        %eq3A_3668 = arith.cmpi eq, %get3A_3595, %eq3A_3667 : vector<16xi32>
        %jit3A_3669 = arith.constant 0.000000e+00 : f32
        %broadcast_in_dim3A_3670 = vector.broadcast %jit3A_3669 : f32 to vector<16xf32>
        %select_n3A_3671 = arith.select %eq3A_3668, %get3A_3589, %broadcast_in_dim3A_3670 : vector<16xi1>, vector<16xf32>
        %add3A_3672 = arith.addf %add3A_3541, %select_n3A_3671 : vector<16xf32>
        %eq3A_3673 = arith.constant 11 : i32
        %eq3A_3674 = vector.broadcast %eq3A_3673 : i32 to vector<16xi32>
        %eq3A_3675 = arith.cmpi eq, %get3A_3595, %eq3A_3674 : vector<16xi32>
        %jit3A_3676 = arith.constant 0.000000e+00 : f32
        %broadcast_in_dim3A_3677 = vector.broadcast %jit3A_3676 : f32 to vector<16xf32>
        %select_n3A_3678 = arith.select %eq3A_3675, %get3A_3589, %broadcast_in_dim3A_3677 : vector<16xi1>, vector<16xf32>
        %add3A_3679 = arith.addf %add3A_3548, %select_n3A_3678 : vector<16xf32>
        %eq3A_3680 = arith.constant 12 : i32
        %eq3A_3681 = vector.broadcast %eq3A_3680 : i32 to vector<16xi32>
        %eq3A_3682 = arith.cmpi eq, %get3A_3595, %eq3A_3681 : vector<16xi32>
        %jit3A_3683 = arith.constant 0.000000e+00 : f32
        %broadcast_in_dim3A_3684 = vector.broadcast %jit3A_3683 : f32 to vector<16xf32>
        %select_n3A_3685 = arith.select %eq3A_3682, %get3A_3589, %broadcast_in_dim3A_3684 : vector<16xi1>, vector<16xf32>
        %add3A_3686 = arith.addf %add3A_3555, %select_n3A_3685 : vector<16xf32>
        %eq3A_3687 = arith.constant 13 : i32
        %eq3A_3688 = vector.broadcast %eq3A_3687 : i32 to vector<16xi32>
        %eq3A_3689 = arith.cmpi eq, %get3A_3595, %eq3A_3688 : vector<16xi32>
        %jit3A_3690 = arith.constant 0.000000e+00 : f32
        %broadcast_in_dim3A_3691 = vector.broadcast %jit3A_3690 : f32 to vector<16xf32>
        %select_n3A_3692 = arith.select %eq3A_3689, %get3A_3589, %broadcast_in_dim3A_3691 : vector<16xi1>, vector<16xf32>
        %add3A_3693 = arith.addf %add3A_3562, %select_n3A_3692 : vector<16xf32>
        %eq3A_3694 = arith.constant 14 : i32
        %eq3A_3695 = vector.broadcast %eq3A_3694 : i32 to vector<16xi32>
        %eq3A_3696 = arith.cmpi eq, %get3A_3595, %eq3A_3695 : vector<16xi32>
        %jit3A_3697 = arith.constant 0.000000e+00 : f32
        %broadcast_in_dim3A_3698 = vector.broadcast %jit3A_3697 : f32 to vector<16xf32>
        %select_n3A_3699 = arith.select %eq3A_3696, %get3A_3589, %broadcast_in_dim3A_3698 : vector<16xi1>, vector<16xf32>
        %add3A_3700 = arith.addf %add3A_3569, %select_n3A_3699 : vector<16xf32>
        %eq3A_3701 = arith.constant 15 : i32
        %eq3A_3702 = vector.broadcast %eq3A_3701 : i32 to vector<16xi32>
        %eq3A_3703 = arith.cmpi eq, %get3A_3595, %eq3A_3702 : vector<16xi32>
        %jit3A_3704 = arith.constant 0.000000e+00 : f32
        %broadcast_in_dim3A_3705 = vector.broadcast %jit3A_3704 : f32 to vector<16xf32>
        %select_n3A_3706 = arith.select %eq3A_3703, %get3A_3589, %broadcast_in_dim3A_3705 : vector<16xi1>, vector<16xf32>
        %add3A_3707 = arith.addf %add3A_3576, %select_n3A_3706 : vector<16xf32>
        %eq3A_3708 = arith.constant 16 : i32
        %eq3A_3709 = vector.broadcast %eq3A_3708 : i32 to vector<16xi32>
        %eq3A_3710 = arith.cmpi eq, %get3A_3595, %eq3A_3709 : vector<16xi32>
        %jit3A_3711 = arith.constant 0.000000e+00 : f32
        %broadcast_in_dim3A_3712 = vector.broadcast %jit3A_3711 : f32 to vector<16xf32>
        %select_n3A_3713 = arith.select %eq3A_3710, %get3A_3589, %broadcast_in_dim3A_3712 : vector<16xi1>, vector<16xf32>
        %add3A_3714 = arith.addf %add3A_3583, %select_n3A_3713 : vector<16xf32>
        %add3A_3715 = arith.constant 27 : i32
        %add3A_3716 = arith.addi %mul3A_178, %add3A_3715 : i32
        %get3A_3717 = arith.index_cast %add3A_3716 : i32 to index
        %get3A_3718 = arith.index_cast %multiple_of3A : i32 to index
        %get3A_3719 = tpu.vector_load %arg5[%get3A_3717, %get3A_3718] {strides = array<i32>} : memref<256x128xf32, #tpu.memory_space<vmem>>, vector<1x16xf32>,
        %get3A_3720 = vector.shape_cast %get3A_3719 : vector<1x16xf32> to vector<16xf32>
        %add3A_3721 = arith.constant 27 : i32
        %add3A_3722 = arith.addi %mul3A_178, %add3A_3721 : i32
        %get3A_3723 = arith.index_cast %add3A_3722 : i32 to index
        %get3A_3724 = arith.index_cast %multiple_of3A : i32 to index
        %get3A_3725 = tpu.vector_load %arg6[%get3A_3723, %get3A_3724] {strides = array<i32>} : memref<256x128xi32, #tpu.memory_space<vmem>>, vector<1x16xi32>,
        %get3A_3726 = vector.shape_cast %get3A_3725 : vector<1x16xi32> to vector<16xi32>
        %eq3A_3727 = arith.constant 0 : i32
        %eq3A_3728 = vector.broadcast %eq3A_3727 : i32 to vector<16xi32>
        %eq3A_3729 = arith.cmpi eq, %get3A_3726, %eq3A_3728 : vector<16xi32>
        %jit3A_3730 = arith.constant 0.000000e+00 : f32
        %broadcast_in_dim3A_3731 = vector.broadcast %jit3A_3730 : f32 to vector<16xf32>
        %select_n3A_3732 = arith.select %eq3A_3729, %get3A_3720, %broadcast_in_dim3A_3731 : vector<16xi1>, vector<16xf32>
        %add3A_3733 = arith.addf %add3A_3602, %select_n3A_3732 : vector<16xf32>
        %eq3A_3734 = arith.constant 1 : i32
        %eq3A_3735 = vector.broadcast %eq3A_3734 : i32 to vector<16xi32>
        %eq3A_3736 = arith.cmpi eq, %get3A_3726, %eq3A_3735 : vector<16xi32>
        %jit3A_3737 = arith.constant 0.000000e+00 : f32
        %broadcast_in_dim3A_3738 = vector.broadcast %jit3A_3737 : f32 to vector<16xf32>
        %select_n3A_3739 = arith.select %eq3A_3736, %get3A_3720, %broadcast_in_dim3A_3738 : vector<16xi1>, vector<16xf32>
        %add3A_3740 = arith.addf %add3A_3609, %select_n3A_3739 : vector<16xf32>
        %eq3A_3741 = arith.constant 2 : i32
        %eq3A_3742 = vector.broadcast %eq3A_3741 : i32 to vector<16xi32>
        %eq3A_3743 = arith.cmpi eq, %get3A_3726, %eq3A_3742 : vector<16xi32>
        %jit3A_3744 = arith.constant 0.000000e+00 : f32
        %broadcast_in_dim3A_3745 = vector.broadcast %jit3A_3744 : f32 to vector<16xf32>
        %select_n3A_3746 = arith.select %eq3A_3743, %get3A_3720, %broadcast_in_dim3A_3745 : vector<16xi1>, vector<16xf32>
        %add3A_3747 = arith.addf %add3A_3616, %select_n3A_3746 : vector<16xf32>
        %eq3A_3748 = arith.constant 3 : i32
        %eq3A_3749 = vector.broadcast %eq3A_3748 : i32 to vector<16xi32>
        %eq3A_3750 = arith.cmpi eq, %get3A_3726, %eq3A_3749 : vector<16xi32>
        %jit3A_3751 = arith.constant 0.000000e+00 : f32
        %broadcast_in_dim3A_3752 = vector.broadcast %jit3A_3751 : f32 to vector<16xf32>
        %select_n3A_3753 = arith.select %eq3A_3750, %get3A_3720, %broadcast_in_dim3A_3752 : vector<16xi1>, vector<16xf32>
        %add3A_3754 = arith.addf %add3A_3623, %select_n3A_3753 : vector<16xf32>
        %eq3A_3755 = arith.constant 4 : i32
        %eq3A_3756 = vector.broadcast %eq3A_3755 : i32 to vector<16xi32>
        %eq3A_3757 = arith.cmpi eq, %get3A_3726, %eq3A_3756 : vector<16xi32>
        %jit3A_3758 = arith.constant 0.000000e+00 : f32
        %broadcast_in_dim3A_3759 = vector.broadcast %jit3A_3758 : f32 to vector<16xf32>
        %select_n3A_3760 = arith.select %eq3A_3757, %get3A_3720, %broadcast_in_dim3A_3759 : vector<16xi1>, vector<16xf32>
        %add3A_3761 = arith.addf %add3A_3630, %select_n3A_3760 : vector<16xf32>
        %eq3A_3762 = arith.constant 5 : i32
        %eq3A_3763 = vector.broadcast %eq3A_3762 : i32 to vector<16xi32>
        %eq3A_3764 = arith.cmpi eq, %get3A_3726, %eq3A_3763 : vector<16xi32>
        %jit3A_3765 = arith.constant 0.000000e+00 : f32
        %broadcast_in_dim3A_3766 = vector.broadcast %jit3A_3765 : f32 to vector<16xf32>
        %select_n3A_3767 = arith.select %eq3A_3764, %get3A_3720, %broadcast_in_dim3A_3766 : vector<16xi1>, vector<16xf32>
        %add3A_3768 = arith.addf %add3A_3637, %select_n3A_3767 : vector<16xf32>
        %eq3A_3769 = arith.constant 6 : i32
        %eq3A_3770 = vector.broadcast %eq3A_3769 : i32 to vector<16xi32>
        %eq3A_3771 = arith.cmpi eq, %get3A_3726, %eq3A_3770 : vector<16xi32>
        %jit3A_3772 = arith.constant 0.000000e+00 : f32
        %broadcast_in_dim3A_3773 = vector.broadcast %jit3A_3772 : f32 to vector<16xf32>
        %select_n3A_3774 = arith.select %eq3A_3771, %get3A_3720, %broadcast_in_dim3A_3773 : vector<16xi1>, vector<16xf32>
        %add3A_3775 = arith.addf %add3A_3644, %select_n3A_3774 : vector<16xf32>
        %eq3A_3776 = arith.constant 7 : i32
        %eq3A_3777 = vector.broadcast %eq3A_3776 : i32 to vector<16xi32>
        %eq3A_3778 = arith.cmpi eq, %get3A_3726, %eq3A_3777 : vector<16xi32>
        %jit3A_3779 = arith.constant 0.000000e+00 : f32
        %broadcast_in_dim3A_3780 = vector.broadcast %jit3A_3779 : f32 to vector<16xf32>
        %select_n3A_3781 = arith.select %eq3A_3778, %get3A_3720, %broadcast_in_dim3A_3780 : vector<16xi1>, vector<16xf32>
        %add3A_3782 = arith.addf %add3A_3651, %select_n3A_3781 : vector<16xf32>
        %eq3A_3783 = arith.constant 8 : i32
        %eq3A_3784 = vector.broadcast %eq3A_3783 : i32 to vector<16xi32>
        %eq3A_3785 = arith.cmpi eq, %get3A_3726, %eq3A_3784 : vector<16xi32>
        %jit3A_3786 = arith.constant 0.000000e+00 : f32
        %broadcast_in_dim3A_3787 = vector.broadcast %jit3A_3786 : f32 to vector<16xf32>
        %select_n3A_3788 = arith.select %eq3A_3785, %get3A_3720, %broadcast_in_dim3A_3787 : vector<16xi1>, vector<16xf32>
        %add3A_3789 = arith.addf %add3A_3658, %select_n3A_3788 : vector<16xf32>
        %eq3A_3790 = arith.constant 9 : i32
        %eq3A_3791 = vector.broadcast %eq3A_3790 : i32 to vector<16xi32>
        %eq3A_3792 = arith.cmpi eq, %get3A_3726, %eq3A_3791 : vector<16xi32>
        %jit3A_3793 = arith.constant 0.000000e+00 : f32
        %broadcast_in_dim3A_3794 = vector.broadcast %jit3A_3793 : f32 to vector<16xf32>
        %select_n3A_3795 = arith.select %eq3A_3792, %get3A_3720, %broadcast_in_dim3A_3794 : vector<16xi1>, vector<16xf32>
        %add3A_3796 = arith.addf %add3A_3665, %select_n3A_3795 : vector<16xf32>
        %eq3A_3797 = arith.constant 10 : i32
        %eq3A_3798 = vector.broadcast %eq3A_3797 : i32 to vector<16xi32>
        %eq3A_3799 = arith.cmpi eq, %get3A_3726, %eq3A_3798 : vector<16xi32>
        %jit3A_3800 = arith.constant 0.000000e+00 : f32
        %broadcast_in_dim3A_3801 = vector.broadcast %jit3A_3800 : f32 to vector<16xf32>
        %select_n3A_3802 = arith.select %eq3A_3799, %get3A_3720, %broadcast_in_dim3A_3801 : vector<16xi1>, vector<16xf32>
        %add3A_3803 = arith.addf %add3A_3672, %select_n3A_3802 : vector<16xf32>
        %eq3A_3804 = arith.constant 11 : i32
        %eq3A_3805 = vector.broadcast %eq3A_3804 : i32 to vector<16xi32>
        %eq3A_3806 = arith.cmpi eq, %get3A_3726, %eq3A_3805 : vector<16xi32>
        %jit3A_3807 = arith.constant 0.000000e+00 : f32
        %broadcast_in_dim3A_3808 = vector.broadcast %jit3A_3807 : f32 to vector<16xf32>
        %select_n3A_3809 = arith.select %eq3A_3806, %get3A_3720, %broadcast_in_dim3A_3808 : vector<16xi1>, vector<16xf32>
        %add3A_3810 = arith.addf %add3A_3679, %select_n3A_3809 : vector<16xf32>
        %eq3A_3811 = arith.constant 12 : i32
        %eq3A_3812 = vector.broadcast %eq3A_3811 : i32 to vector<16xi32>
        %eq3A_3813 = arith.cmpi eq, %get3A_3726, %eq3A_3812 : vector<16xi32>
        %jit3A_3814 = arith.constant 0.000000e+00 : f32
        %broadcast_in_dim3A_3815 = vector.broadcast %jit3A_3814 : f32 to vector<16xf32>
        %select_n3A_3816 = arith.select %eq3A_3813, %get3A_3720, %broadcast_in_dim3A_3815 : vector<16xi1>, vector<16xf32>
        %add3A_3817 = arith.addf %add3A_3686, %select_n3A_3816 : vector<16xf32>
        %eq3A_3818 = arith.constant 13 : i32
        %eq3A_3819 = vector.broadcast %eq3A_3818 : i32 to vector<16xi32>
        %eq3A_3820 = arith.cmpi eq, %get3A_3726, %eq3A_3819 : vector<16xi32>
        %jit3A_3821 = arith.constant 0.000000e+00 : f32
        %broadcast_in_dim3A_3822 = vector.broadcast %jit3A_3821 : f32 to vector<16xf32>
        %select_n3A_3823 = arith.select %eq3A_3820, %get3A_3720, %broadcast_in_dim3A_3822 : vector<16xi1>, vector<16xf32>
        %add3A_3824 = arith.addf %add3A_3693, %select_n3A_3823 : vector<16xf32>
        %eq3A_3825 = arith.constant 14 : i32
        %eq3A_3826 = vector.broadcast %eq3A_3825 : i32 to vector<16xi32>
        %eq3A_3827 = arith.cmpi eq, %get3A_3726, %eq3A_3826 : vector<16xi32>
        %jit3A_3828 = arith.constant 0.000000e+00 : f32
        %broadcast_in_dim3A_3829 = vector.broadcast %jit3A_3828 : f32 to vector<16xf32>
        %select_n3A_3830 = arith.select %eq3A_3827, %get3A_3720, %broadcast_in_dim3A_3829 : vector<16xi1>, vector<16xf32>
        %add3A_3831 = arith.addf %add3A_3700, %select_n3A_3830 : vector<16xf32>
        %eq3A_3832 = arith.constant 15 : i32
        %eq3A_3833 = vector.broadcast %eq3A_3832 : i32 to vector<16xi32>
        %eq3A_3834 = arith.cmpi eq, %get3A_3726, %eq3A_3833 : vector<16xi32>
        %jit3A_3835 = arith.constant 0.000000e+00 : f32
        %broadcast_in_dim3A_3836 = vector.broadcast %jit3A_3835 : f32 to vector<16xf32>
        %select_n3A_3837 = arith.select %eq3A_3834, %get3A_3720, %broadcast_in_dim3A_3836 : vector<16xi1>, vector<16xf32>
        %add3A_3838 = arith.addf %add3A_3707, %select_n3A_3837 : vector<16xf32>
        %eq3A_3839 = arith.constant 16 : i32
        %eq3A_3840 = vector.broadcast %eq3A_3839 : i32 to vector<16xi32>
        %eq3A_3841 = arith.cmpi eq, %get3A_3726, %eq3A_3840 : vector<16xi32>
        %jit3A_3842 = arith.constant 0.000000e+00 : f32
        %broadcast_in_dim3A_3843 = vector.broadcast %jit3A_3842 : f32 to vector<16xf32>
        %select_n3A_3844 = arith.select %eq3A_3841, %get3A_3720, %broadcast_in_dim3A_3843 : vector<16xi1>, vector<16xf32>
        %add3A_3845 = arith.addf %add3A_3714, %select_n3A_3844 : vector<16xf32>
        %add3A_3846 = arith.constant 28 : i32
        %add3A_3847 = arith.addi %mul3A_178, %add3A_3846 : i32
        %get3A_3848 = arith.index_cast %add3A_3847 : i32 to index
        %get3A_3849 = arith.index_cast %multiple_of3A : i32 to index
        %get3A_3850 = tpu.vector_load %arg5[%get3A_3848, %get3A_3849] {strides = array<i32>} : memref<256x128xf32, #tpu.memory_space<vmem>>, vector<1x16xf32>,
        %get3A_3851 = vector.shape_cast %get3A_3850 : vector<1x16xf32> to vector<16xf32>
        %add3A_3852 = arith.constant 28 : i32
        %add3A_3853 = arith.addi %mul3A_178, %add3A_3852 : i32
        %get3A_3854 = arith.index_cast %add3A_3853 : i32 to index
        %get3A_3855 = arith.index_cast %multiple_of3A : i32 to index
        %get3A_3856 = tpu.vector_load %arg6[%get3A_3854, %get3A_3855] {strides = array<i32>} : memref<256x128xi32, #tpu.memory_space<vmem>>, vector<1x16xi32>,
        %get3A_3857 = vector.shape_cast %get3A_3856 : vector<1x16xi32> to vector<16xi32>
        %eq3A_3858 = arith.constant 0 : i32
        %eq3A_3859 = vector.broadcast %eq3A_3858 : i32 to vector<16xi32>
        %eq3A_3860 = arith.cmpi eq, %get3A_3857, %eq3A_3859 : vector<16xi32>
        %jit3A_3861 = arith.constant 0.000000e+00 : f32
        %broadcast_in_dim3A_3862 = vector.broadcast %jit3A_3861 : f32 to vector<16xf32>
        %select_n3A_3863 = arith.select %eq3A_3860, %get3A_3851, %broadcast_in_dim3A_3862 : vector<16xi1>, vector<16xf32>
        %add3A_3864 = arith.addf %add3A_3733, %select_n3A_3863 : vector<16xf32>
        %eq3A_3865 = arith.constant 1 : i32
        %eq3A_3866 = vector.broadcast %eq3A_3865 : i32 to vector<16xi32>
        %eq3A_3867 = arith.cmpi eq, %get3A_3857, %eq3A_3866 : vector<16xi32>
        %jit3A_3868 = arith.constant 0.000000e+00 : f32
        %broadcast_in_dim3A_3869 = vector.broadcast %jit3A_3868 : f32 to vector<16xf32>
        %select_n3A_3870 = arith.select %eq3A_3867, %get3A_3851, %broadcast_in_dim3A_3869 : vector<16xi1>, vector<16xf32>
        %add3A_3871 = arith.addf %add3A_3740, %select_n3A_3870 : vector<16xf32>
        %eq3A_3872 = arith.constant 2 : i32
        %eq3A_3873 = vector.broadcast %eq3A_3872 : i32 to vector<16xi32>
        %eq3A_3874 = arith.cmpi eq, %get3A_3857, %eq3A_3873 : vector<16xi32>
        %jit3A_3875 = arith.constant 0.000000e+00 : f32
        %broadcast_in_dim3A_3876 = vector.broadcast %jit3A_3875 : f32 to vector<16xf32>
        %select_n3A_3877 = arith.select %eq3A_3874, %get3A_3851, %broadcast_in_dim3A_3876 : vector<16xi1>, vector<16xf32>
        %add3A_3878 = arith.addf %add3A_3747, %select_n3A_3877 : vector<16xf32>
        %eq3A_3879 = arith.constant 3 : i32
        %eq3A_3880 = vector.broadcast %eq3A_3879 : i32 to vector<16xi32>
        %eq3A_3881 = arith.cmpi eq, %get3A_3857, %eq3A_3880 : vector<16xi32>
        %jit3A_3882 = arith.constant 0.000000e+00 : f32
        %broadcast_in_dim3A_3883 = vector.broadcast %jit3A_3882 : f32 to vector<16xf32>
        %select_n3A_3884 = arith.select %eq3A_3881, %get3A_3851, %broadcast_in_dim3A_3883 : vector<16xi1>, vector<16xf32>
        %add3A_3885 = arith.addf %add3A_3754, %select_n3A_3884 : vector<16xf32>
        %eq3A_3886 = arith.constant 4 : i32
        %eq3A_3887 = vector.broadcast %eq3A_3886 : i32 to vector<16xi32>
        %eq3A_3888 = arith.cmpi eq, %get3A_3857, %eq3A_3887 : vector<16xi32>
        %jit3A_3889 = arith.constant 0.000000e+00 : f32
        %broadcast_in_dim3A_3890 = vector.broadcast %jit3A_3889 : f32 to vector<16xf32>
        %select_n3A_3891 = arith.select %eq3A_3888, %get3A_3851, %broadcast_in_dim3A_3890 : vector<16xi1>, vector<16xf32>
        %add3A_3892 = arith.addf %add3A_3761, %select_n3A_3891 : vector<16xf32>
        %eq3A_3893 = arith.constant 5 : i32
        %eq3A_3894 = vector.broadcast %eq3A_3893 : i32 to vector<16xi32>
        %eq3A_3895 = arith.cmpi eq, %get3A_3857, %eq3A_3894 : vector<16xi32>
        %jit3A_3896 = arith.constant 0.000000e+00 : f32
        %broadcast_in_dim3A_3897 = vector.broadcast %jit3A_3896 : f32 to vector<16xf32>
        %select_n3A_3898 = arith.select %eq3A_3895, %get3A_3851, %broadcast_in_dim3A_3897 : vector<16xi1>, vector<16xf32>
        %add3A_3899 = arith.addf %add3A_3768, %select_n3A_3898 : vector<16xf32>
        %eq3A_3900 = arith.constant 6 : i32
        %eq3A_3901 = vector.broadcast %eq3A_3900 : i32 to vector<16xi32>
        %eq3A_3902 = arith.cmpi eq, %get3A_3857, %eq3A_3901 : vector<16xi32>
        %jit3A_3903 = arith.constant 0.000000e+00 : f32
        %broadcast_in_dim3A_3904 = vector.broadcast %jit3A_3903 : f32 to vector<16xf32>
        %select_n3A_3905 = arith.select %eq3A_3902, %get3A_3851, %broadcast_in_dim3A_3904 : vector<16xi1>, vector<16xf32>
        %add3A_3906 = arith.addf %add3A_3775, %select_n3A_3905 : vector<16xf32>
        %eq3A_3907 = arith.constant 7 : i32
        %eq3A_3908 = vector.broadcast %eq3A_3907 : i32 to vector<16xi32>
        %eq3A_3909 = arith.cmpi eq, %get3A_3857, %eq3A_3908 : vector<16xi32>
        %jit3A_3910 = arith.constant 0.000000e+00 : f32
        %broadcast_in_dim3A_3911 = vector.broadcast %jit3A_3910 : f32 to vector<16xf32>
        %select_n3A_3912 = arith.select %eq3A_3909, %get3A_3851, %broadcast_in_dim3A_3911 : vector<16xi1>, vector<16xf32>
        %add3A_3913 = arith.addf %add3A_3782, %select_n3A_3912 : vector<16xf32>
        %eq3A_3914 = arith.constant 8 : i32
        %eq3A_3915 = vector.broadcast %eq3A_3914 : i32 to vector<16xi32>
        %eq3A_3916 = arith.cmpi eq, %get3A_3857, %eq3A_3915 : vector<16xi32>
        %jit3A_3917 = arith.constant 0.000000e+00 : f32
        %broadcast_in_dim3A_3918 = vector.broadcast %jit3A_3917 : f32 to vector<16xf32>
        %select_n3A_3919 = arith.select %eq3A_3916, %get3A_3851, %broadcast_in_dim3A_3918 : vector<16xi1>, vector<16xf32>
        %add3A_3920 = arith.addf %add3A_3789, %select_n3A_3919 : vector<16xf32>
        %eq3A_3921 = arith.constant 9 : i32
        %eq3A_3922 = vector.broadcast %eq3A_3921 : i32 to vector<16xi32>
        %eq3A_3923 = arith.cmpi eq, %get3A_3857, %eq3A_3922 : vector<16xi32>
        %jit3A_3924 = arith.constant 0.000000e+00 : f32
        %broadcast_in_dim3A_3925 = vector.broadcast %jit3A_3924 : f32 to vector<16xf32>
        %select_n3A_3926 = arith.select %eq3A_3923, %get3A_3851, %broadcast_in_dim3A_3925 : vector<16xi1>, vector<16xf32>
        %add3A_3927 = arith.addf %add3A_3796, %select_n3A_3926 : vector<16xf32>
        %eq3A_3928 = arith.constant 10 : i32
        %eq3A_3929 = vector.broadcast %eq3A_3928 : i32 to vector<16xi32>
        %eq3A_3930 = arith.cmpi eq, %get3A_3857, %eq3A_3929 : vector<16xi32>
        %jit3A_3931 = arith.constant 0.000000e+00 : f32
        %broadcast_in_dim3A_3932 = vector.broadcast %jit3A_3931 : f32 to vector<16xf32>
        %select_n3A_3933 = arith.select %eq3A_3930, %get3A_3851, %broadcast_in_dim3A_3932 : vector<16xi1>, vector<16xf32>
        %add3A_3934 = arith.addf %add3A_3803, %select_n3A_3933 : vector<16xf32>
        %eq3A_3935 = arith.constant 11 : i32
        %eq3A_3936 = vector.broadcast %eq3A_3935 : i32 to vector<16xi32>
        %eq3A_3937 = arith.cmpi eq, %get3A_3857, %eq3A_3936 : vector<16xi32>
        %jit3A_3938 = arith.constant 0.000000e+00 : f32
        %broadcast_in_dim3A_3939 = vector.broadcast %jit3A_3938 : f32 to vector<16xf32>
        %select_n3A_3940 = arith.select %eq3A_3937, %get3A_3851, %broadcast_in_dim3A_3939 : vector<16xi1>, vector<16xf32>
        %add3A_3941 = arith.addf %add3A_3810, %select_n3A_3940 : vector<16xf32>
        %eq3A_3942 = arith.constant 12 : i32
        %eq3A_3943 = vector.broadcast %eq3A_3942 : i32 to vector<16xi32>
        %eq3A_3944 = arith.cmpi eq, %get3A_3857, %eq3A_3943 : vector<16xi32>
        %jit3A_3945 = arith.constant 0.000000e+00 : f32
        %broadcast_in_dim3A_3946 = vector.broadcast %jit3A_3945 : f32 to vector<16xf32>
        %select_n3A_3947 = arith.select %eq3A_3944, %get3A_3851, %broadcast_in_dim3A_3946 : vector<16xi1>, vector<16xf32>
        %add3A_3948 = arith.addf %add3A_3817, %select_n3A_3947 : vector<16xf32>
        %eq3A_3949 = arith.constant 13 : i32
        %eq3A_3950 = vector.broadcast %eq3A_3949 : i32 to vector<16xi32>
        %eq3A_3951 = arith.cmpi eq, %get3A_3857, %eq3A_3950 : vector<16xi32>
        %jit3A_3952 = arith.constant 0.000000e+00 : f32
        %broadcast_in_dim3A_3953 = vector.broadcast %jit3A_3952 : f32 to vector<16xf32>
        %select_n3A_3954 = arith.select %eq3A_3951, %get3A_3851, %broadcast_in_dim3A_3953 : vector<16xi1>, vector<16xf32>
        %add3A_3955 = arith.addf %add3A_3824, %select_n3A_3954 : vector<16xf32>
        %eq3A_3956 = arith.constant 14 : i32
        %eq3A_3957 = vector.broadcast %eq3A_3956 : i32 to vector<16xi32>
        %eq3A_3958 = arith.cmpi eq, %get3A_3857, %eq3A_3957 : vector<16xi32>
        %jit3A_3959 = arith.constant 0.000000e+00 : f32
        %broadcast_in_dim3A_3960 = vector.broadcast %jit3A_3959 : f32 to vector<16xf32>
        %select_n3A_3961 = arith.select %eq3A_3958, %get3A_3851, %broadcast_in_dim3A_3960 : vector<16xi1>, vector<16xf32>
        %add3A_3962 = arith.addf %add3A_3831, %select_n3A_3961 : vector<16xf32>
        %eq3A_3963 = arith.constant 15 : i32
        %eq3A_3964 = vector.broadcast %eq3A_3963 : i32 to vector<16xi32>
        %eq3A_3965 = arith.cmpi eq, %get3A_3857, %eq3A_3964 : vector<16xi32>
        %jit3A_3966 = arith.constant 0.000000e+00 : f32
        %broadcast_in_dim3A_3967 = vector.broadcast %jit3A_3966 : f32 to vector<16xf32>
        %select_n3A_3968 = arith.select %eq3A_3965, %get3A_3851, %broadcast_in_dim3A_3967 : vector<16xi1>, vector<16xf32>
        %add3A_3969 = arith.addf %add3A_3838, %select_n3A_3968 : vector<16xf32>
        %eq3A_3970 = arith.constant 16 : i32
        %eq3A_3971 = vector.broadcast %eq3A_3970 : i32 to vector<16xi32>
        %eq3A_3972 = arith.cmpi eq, %get3A_3857, %eq3A_3971 : vector<16xi32>
        %jit3A_3973 = arith.constant 0.000000e+00 : f32
        %broadcast_in_dim3A_3974 = vector.broadcast %jit3A_3973 : f32 to vector<16xf32>
        %select_n3A_3975 = arith.select %eq3A_3972, %get3A_3851, %broadcast_in_dim3A_3974 : vector<16xi1>, vector<16xf32>
        %add3A_3976 = arith.addf %add3A_3845, %select_n3A_3975 : vector<16xf32>
        %add3A_3977 = arith.constant 29 : i32
        %add3A_3978 = arith.addi %mul3A_178, %add3A_3977 : i32
        %get3A_3979 = arith.index_cast %add3A_3978 : i32 to index
        %get3A_3980 = arith.index_cast %multiple_of3A : i32 to index
        %get3A_3981 = tpu.vector_load %arg5[%get3A_3979, %get3A_3980] {strides = array<i32>} : memref<256x128xf32, #tpu.memory_space<vmem>>, vector<1x16xf32>,
        %get3A_3982 = vector.shape_cast %get3A_3981 : vector<1x16xf32> to vector<16xf32>
        %add3A_3983 = arith.constant 29 : i32
        %add3A_3984 = arith.addi %mul3A_178, %add3A_3983 : i32
        %get3A_3985 = arith.index_cast %add3A_3984 : i32 to index
        %get3A_3986 = arith.index_cast %multiple_of3A : i32 to index
        %get3A_3987 = tpu.vector_load %arg6[%get3A_3985, %get3A_3986] {strides = array<i32>} : memref<256x128xi32, #tpu.memory_space<vmem>>, vector<1x16xi32>,
        %get3A_3988 = vector.shape_cast %get3A_3987 : vector<1x16xi32> to vector<16xi32>
        %eq3A_3989 = arith.constant 0 : i32
        %eq3A_3990 = vector.broadcast %eq3A_3989 : i32 to vector<16xi32>
        %eq3A_3991 = arith.cmpi eq, %get3A_3988, %eq3A_3990 : vector<16xi32>
        %jit3A_3992 = arith.constant 0.000000e+00 : f32
        %broadcast_in_dim3A_3993 = vector.broadcast %jit3A_3992 : f32 to vector<16xf32>
        %select_n3A_3994 = arith.select %eq3A_3991, %get3A_3982, %broadcast_in_dim3A_3993 : vector<16xi1>, vector<16xf32>
        %add3A_3995 = arith.addf %add3A_3864, %select_n3A_3994 : vector<16xf32>
        %eq3A_3996 = arith.constant 1 : i32
        %eq3A_3997 = vector.broadcast %eq3A_3996 : i32 to vector<16xi32>
        %eq3A_3998 = arith.cmpi eq, %get3A_3988, %eq3A_3997 : vector<16xi32>
        %jit3A_3999 = arith.constant 0.000000e+00 : f32
        %broadcast_in_dim3A_4000 = vector.broadcast %jit3A_3999 : f32 to vector<16xf32>
        %select_n3A_4001 = arith.select %eq3A_3998, %get3A_3982, %broadcast_in_dim3A_4000 : vector<16xi1>, vector<16xf32>
        %add3A_4002 = arith.addf %add3A_3871, %select_n3A_4001 : vector<16xf32>
        %eq3A_4003 = arith.constant 2 : i32
        %eq3A_4004 = vector.broadcast %eq3A_4003 : i32 to vector<16xi32>
        %eq3A_4005 = arith.cmpi eq, %get3A_3988, %eq3A_4004 : vector<16xi32>
        %jit3A_4006 = arith.constant 0.000000e+00 : f32
        %broadcast_in_dim3A_4007 = vector.broadcast %jit3A_4006 : f32 to vector<16xf32>
        %select_n3A_4008 = arith.select %eq3A_4005, %get3A_3982, %broadcast_in_dim3A_4007 : vector<16xi1>, vector<16xf32>
        %add3A_4009 = arith.addf %add3A_3878, %select_n3A_4008 : vector<16xf32>
        %eq3A_4010 = arith.constant 3 : i32
        %eq3A_4011 = vector.broadcast %eq3A_4010 : i32 to vector<16xi32>
        %eq3A_4012 = arith.cmpi eq, %get3A_3988, %eq3A_4011 : vector<16xi32>
        %jit3A_4013 = arith.constant 0.000000e+00 : f32
        %broadcast_in_dim3A_4014 = vector.broadcast %jit3A_4013 : f32 to vector<16xf32>
        %select_n3A_4015 = arith.select %eq3A_4012, %get3A_3982, %broadcast_in_dim3A_4014 : vector<16xi1>, vector<16xf32>
        %add3A_4016 = arith.addf %add3A_3885, %select_n3A_4015 : vector<16xf32>
        %eq3A_4017 = arith.constant 4 : i32
        %eq3A_4018 = vector.broadcast %eq3A_4017 : i32 to vector<16xi32>
        %eq3A_4019 = arith.cmpi eq, %get3A_3988, %eq3A_4018 : vector<16xi32>
        %jit3A_4020 = arith.constant 0.000000e+00 : f32
        %broadcast_in_dim3A_4021 = vector.broadcast %jit3A_4020 : f32 to vector<16xf32>
        %select_n3A_4022 = arith.select %eq3A_4019, %get3A_3982, %broadcast_in_dim3A_4021 : vector<16xi1>, vector<16xf32>
        %add3A_4023 = arith.addf %add3A_3892, %select_n3A_4022 : vector<16xf32>
        %eq3A_4024 = arith.constant 5 : i32
        %eq3A_4025 = vector.broadcast %eq3A_4024 : i32 to vector<16xi32>
        %eq3A_4026 = arith.cmpi eq, %get3A_3988, %eq3A_4025 : vector<16xi32>
        %jit3A_4027 = arith.constant 0.000000e+00 : f32
        %broadcast_in_dim3A_4028 = vector.broadcast %jit3A_4027 : f32 to vector<16xf32>
        %select_n3A_4029 = arith.select %eq3A_4026, %get3A_3982, %broadcast_in_dim3A_4028 : vector<16xi1>, vector<16xf32>
        %add3A_4030 = arith.addf %add3A_3899, %select_n3A_4029 : vector<16xf32>
        %eq3A_4031 = arith.constant 6 : i32
        %eq3A_4032 = vector.broadcast %eq3A_4031 : i32 to vector<16xi32>
        %eq3A_4033 = arith.cmpi eq, %get3A_3988, %eq3A_4032 : vector<16xi32>
        %jit3A_4034 = arith.constant 0.000000e+00 : f32
        %broadcast_in_dim3A_4035 = vector.broadcast %jit3A_4034 : f32 to vector<16xf32>
        %select_n3A_4036 = arith.select %eq3A_4033, %get3A_3982, %broadcast_in_dim3A_4035 : vector<16xi1>, vector<16xf32>
        %add3A_4037 = arith.addf %add3A_3906, %select_n3A_4036 : vector<16xf32>
        %eq3A_4038 = arith.constant 7 : i32
        %eq3A_4039 = vector.broadcast %eq3A_4038 : i32 to vector<16xi32>
        %eq3A_4040 = arith.cmpi eq, %get3A_3988, %eq3A_4039 : vector<16xi32>
        %jit3A_4041 = arith.constant 0.000000e+00 : f32
        %broadcast_in_dim3A_4042 = vector.broadcast %jit3A_4041 : f32 to vector<16xf32>
        %select_n3A_4043 = arith.select %eq3A_4040, %get3A_3982, %broadcast_in_dim3A_4042 : vector<16xi1>, vector<16xf32>
        %add3A_4044 = arith.addf %add3A_3913, %select_n3A_4043 : vector<16xf32>
        %eq3A_4045 = arith.constant 8 : i32
        %eq3A_4046 = vector.broadcast %eq3A_4045 : i32 to vector<16xi32>
        %eq3A_4047 = arith.cmpi eq, %get3A_3988, %eq3A_4046 : vector<16xi32>
        %jit3A_4048 = arith.constant 0.000000e+00 : f32
        %broadcast_in_dim3A_4049 = vector.broadcast %jit3A_4048 : f32 to vector<16xf32>
        %select_n3A_4050 = arith.select %eq3A_4047, %get3A_3982, %broadcast_in_dim3A_4049 : vector<16xi1>, vector<16xf32>
        %add3A_4051 = arith.addf %add3A_3920, %select_n3A_4050 : vector<16xf32>
        %eq3A_4052 = arith.constant 9 : i32
        %eq3A_4053 = vector.broadcast %eq3A_4052 : i32 to vector<16xi32>
        %eq3A_4054 = arith.cmpi eq, %get3A_3988, %eq3A_4053 : vector<16xi32>
        %jit3A_4055 = arith.constant 0.000000e+00 : f32
        %broadcast_in_dim3A_4056 = vector.broadcast %jit3A_4055 : f32 to vector<16xf32>
        %select_n3A_4057 = arith.select %eq3A_4054, %get3A_3982, %broadcast_in_dim3A_4056 : vector<16xi1>, vector<16xf32>
        %add3A_4058 = arith.addf %add3A_3927, %select_n3A_4057 : vector<16xf32>
        %eq3A_4059 = arith.constant 10 : i32
        %eq3A_4060 = vector.broadcast %eq3A_4059 : i32 to vector<16xi32>
        %eq3A_4061 = arith.cmpi eq, %get3A_3988, %eq3A_4060 : vector<16xi32>
        %jit3A_4062 = arith.constant 0.000000e+00 : f32
        %broadcast_in_dim3A_4063 = vector.broadcast %jit3A_4062 : f32 to vector<16xf32>
        %select_n3A_4064 = arith.select %eq3A_4061, %get3A_3982, %broadcast_in_dim3A_4063 : vector<16xi1>, vector<16xf32>
        %add3A_4065 = arith.addf %add3A_3934, %select_n3A_4064 : vector<16xf32>
        %eq3A_4066 = arith.constant 11 : i32
        %eq3A_4067 = vector.broadcast %eq3A_4066 : i32 to vector<16xi32>
        %eq3A_4068 = arith.cmpi eq, %get3A_3988, %eq3A_4067 : vector<16xi32>
        %jit3A_4069 = arith.constant 0.000000e+00 : f32
        %broadcast_in_dim3A_4070 = vector.broadcast %jit3A_4069 : f32 to vector<16xf32>
        %select_n3A_4071 = arith.select %eq3A_4068, %get3A_3982, %broadcast_in_dim3A_4070 : vector<16xi1>, vector<16xf32>
        %add3A_4072 = arith.addf %add3A_3941, %select_n3A_4071 : vector<16xf32>
        %eq3A_4073 = arith.constant 12 : i32
        %eq3A_4074 = vector.broadcast %eq3A_4073 : i32 to vector<16xi32>
        %eq3A_4075 = arith.cmpi eq, %get3A_3988, %eq3A_4074 : vector<16xi32>
        %jit3A_4076 = arith.constant 0.000000e+00 : f32
        %broadcast_in_dim3A_4077 = vector.broadcast %jit3A_4076 : f32 to vector<16xf32>
        %select_n3A_4078 = arith.select %eq3A_4075, %get3A_3982, %broadcast_in_dim3A_4077 : vector<16xi1>, vector<16xf32>
        %add3A_4079 = arith.addf %add3A_3948, %select_n3A_4078 : vector<16xf32>
        %eq3A_4080 = arith.constant 13 : i32
        %eq3A_4081 = vector.broadcast %eq3A_4080 : i32 to vector<16xi32>
        %eq3A_4082 = arith.cmpi eq, %get3A_3988, %eq3A_4081 : vector<16xi32>
        %jit3A_4083 = arith.constant 0.000000e+00 : f32
        %broadcast_in_dim3A_4084 = vector.broadcast %jit3A_4083 : f32 to vector<16xf32>
        %select_n3A_4085 = arith.select %eq3A_4082, %get3A_3982, %broadcast_in_dim3A_4084 : vector<16xi1>, vector<16xf32>
        %add3A_4086 = arith.addf %add3A_3955, %select_n3A_4085 : vector<16xf32>
        %eq3A_4087 = arith.constant 14 : i32
        %eq3A_4088 = vector.broadcast %eq3A_4087 : i32 to vector<16xi32>
        %eq3A_4089 = arith.cmpi eq, %get3A_3988, %eq3A_4088 : vector<16xi32>
        %jit3A_4090 = arith.constant 0.000000e+00 : f32
        %broadcast_in_dim3A_4091 = vector.broadcast %jit3A_4090 : f32 to vector<16xf32>
        %select_n3A_4092 = arith.select %eq3A_4089, %get3A_3982, %broadcast_in_dim3A_4091 : vector<16xi1>, vector<16xf32>
        %add3A_4093 = arith.addf %add3A_3962, %select_n3A_4092 : vector<16xf32>
        %eq3A_4094 = arith.constant 15 : i32
        %eq3A_4095 = vector.broadcast %eq3A_4094 : i32 to vector<16xi32>
        %eq3A_4096 = arith.cmpi eq, %get3A_3988, %eq3A_4095 : vector<16xi32>
        %jit3A_4097 = arith.constant 0.000000e+00 : f32
        %broadcast_in_dim3A_4098 = vector.broadcast %jit3A_4097 : f32 to vector<16xf32>
        %select_n3A_4099 = arith.select %eq3A_4096, %get3A_3982, %broadcast_in_dim3A_4098 : vector<16xi1>, vector<16xf32>
        %add3A_4100 = arith.addf %add3A_3969, %select_n3A_4099 : vector<16xf32>
        %eq3A_4101 = arith.constant 16 : i32
        %eq3A_4102 = vector.broadcast %eq3A_4101 : i32 to vector<16xi32>
        %eq3A_4103 = arith.cmpi eq, %get3A_3988, %eq3A_4102 : vector<16xi32>
        %jit3A_4104 = arith.constant 0.000000e+00 : f32
        %broadcast_in_dim3A_4105 = vector.broadcast %jit3A_4104 : f32 to vector<16xf32>
        %select_n3A_4106 = arith.select %eq3A_4103, %get3A_3982, %broadcast_in_dim3A_4105 : vector<16xi1>, vector<16xf32>
        %add3A_4107 = arith.addf %add3A_3976, %select_n3A_4106 : vector<16xf32>
        %add3A_4108 = arith.constant 30 : i32
        %add3A_4109 = arith.addi %mul3A_178, %add3A_4108 : i32
        %get3A_4110 = arith.index_cast %add3A_4109 : i32 to index
        %get3A_4111 = arith.index_cast %multiple_of3A : i32 to index
        %get3A_4112 = tpu.vector_load %arg5[%get3A_4110, %get3A_4111] {strides = array<i32>} : memref<256x128xf32, #tpu.memory_space<vmem>>, vector<1x16xf32>,
        %get3A_4113 = vector.shape_cast %get3A_4112 : vector<1x16xf32> to vector<16xf32>
        %add3A_4114 = arith.constant 30 : i32
        %add3A_4115 = arith.addi %mul3A_178, %add3A_4114 : i32
        %get3A_4116 = arith.index_cast %add3A_4115 : i32 to index
        %get3A_4117 = arith.index_cast %multiple_of3A : i32 to index
        %get3A_4118 = tpu.vector_load %arg6[%get3A_4116, %get3A_4117] {strides = array<i32>} : memref<256x128xi32, #tpu.memory_space<vmem>>, vector<1x16xi32>,
        %get3A_4119 = vector.shape_cast %get3A_4118 : vector<1x16xi32> to vector<16xi32>
        %eq3A_4120 = arith.constant 0 : i32
        %eq3A_4121 = vector.broadcast %eq3A_4120 : i32 to vector<16xi32>
        %eq3A_4122 = arith.cmpi eq, %get3A_4119, %eq3A_4121 : vector<16xi32>
        %jit3A_4123 = arith.constant 0.000000e+00 : f32
        %broadcast_in_dim3A_4124 = vector.broadcast %jit3A_4123 : f32 to vector<16xf32>
        %select_n3A_4125 = arith.select %eq3A_4122, %get3A_4113, %broadcast_in_dim3A_4124 : vector<16xi1>, vector<16xf32>
        %add3A_4126 = arith.addf %add3A_3995, %select_n3A_4125 : vector<16xf32>
        %eq3A_4127 = arith.constant 1 : i32
        %eq3A_4128 = vector.broadcast %eq3A_4127 : i32 to vector<16xi32>
        %eq3A_4129 = arith.cmpi eq, %get3A_4119, %eq3A_4128 : vector<16xi32>
        %jit3A_4130 = arith.constant 0.000000e+00 : f32
        %broadcast_in_dim3A_4131 = vector.broadcast %jit3A_4130 : f32 to vector<16xf32>
        %select_n3A_4132 = arith.select %eq3A_4129, %get3A_4113, %broadcast_in_dim3A_4131 : vector<16xi1>, vector<16xf32>
        %add3A_4133 = arith.addf %add3A_4002, %select_n3A_4132 : vector<16xf32>
        %eq3A_4134 = arith.constant 2 : i32
        %eq3A_4135 = vector.broadcast %eq3A_4134 : i32 to vector<16xi32>
        %eq3A_4136 = arith.cmpi eq, %get3A_4119, %eq3A_4135 : vector<16xi32>
        %jit3A_4137 = arith.constant 0.000000e+00 : f32
        %broadcast_in_dim3A_4138 = vector.broadcast %jit3A_4137 : f32 to vector<16xf32>
        %select_n3A_4139 = arith.select %eq3A_4136, %get3A_4113, %broadcast_in_dim3A_4138 : vector<16xi1>, vector<16xf32>
        %add3A_4140 = arith.addf %add3A_4009, %select_n3A_4139 : vector<16xf32>
        %eq3A_4141 = arith.constant 3 : i32
        %eq3A_4142 = vector.broadcast %eq3A_4141 : i32 to vector<16xi32>
        %eq3A_4143 = arith.cmpi eq, %get3A_4119, %eq3A_4142 : vector<16xi32>
        %jit3A_4144 = arith.constant 0.000000e+00 : f32
        %broadcast_in_dim3A_4145 = vector.broadcast %jit3A_4144 : f32 to vector<16xf32>
        %select_n3A_4146 = arith.select %eq3A_4143, %get3A_4113, %broadcast_in_dim3A_4145 : vector<16xi1>, vector<16xf32>
        %add3A_4147 = arith.addf %add3A_4016, %select_n3A_4146 : vector<16xf32>
        %eq3A_4148 = arith.constant 4 : i32
        %eq3A_4149 = vector.broadcast %eq3A_4148 : i32 to vector<16xi32>
        %eq3A_4150 = arith.cmpi eq, %get3A_4119, %eq3A_4149 : vector<16xi32>
        %jit3A_4151 = arith.constant 0.000000e+00 : f32
        %broadcast_in_dim3A_4152 = vector.broadcast %jit3A_4151 : f32 to vector<16xf32>
        %select_n3A_4153 = arith.select %eq3A_4150, %get3A_4113, %broadcast_in_dim3A_4152 : vector<16xi1>, vector<16xf32>
        %add3A_4154 = arith.addf %add3A_4023, %select_n3A_4153 : vector<16xf32>
        %eq3A_4155 = arith.constant 5 : i32
        %eq3A_4156 = vector.broadcast %eq3A_4155 : i32 to vector<16xi32>
        %eq3A_4157 = arith.cmpi eq, %get3A_4119, %eq3A_4156 : vector<16xi32>
        %jit3A_4158 = arith.constant 0.000000e+00 : f32
        %broadcast_in_dim3A_4159 = vector.broadcast %jit3A_4158 : f32 to vector<16xf32>
        %select_n3A_4160 = arith.select %eq3A_4157, %get3A_4113, %broadcast_in_dim3A_4159 : vector<16xi1>, vector<16xf32>
        %add3A_4161 = arith.addf %add3A_4030, %select_n3A_4160 : vector<16xf32>
        %eq3A_4162 = arith.constant 6 : i32
        %eq3A_4163 = vector.broadcast %eq3A_4162 : i32 to vector<16xi32>
        %eq3A_4164 = arith.cmpi eq, %get3A_4119, %eq3A_4163 : vector<16xi32>
        %jit3A_4165 = arith.constant 0.000000e+00 : f32
        %broadcast_in_dim3A_4166 = vector.broadcast %jit3A_4165 : f32 to vector<16xf32>
        %select_n3A_4167 = arith.select %eq3A_4164, %get3A_4113, %broadcast_in_dim3A_4166 : vector<16xi1>, vector<16xf32>
        %add3A_4168 = arith.addf %add3A_4037, %select_n3A_4167 : vector<16xf32>
        %eq3A_4169 = arith.constant 7 : i32
        %eq3A_4170 = vector.broadcast %eq3A_4169 : i32 to vector<16xi32>
        %eq3A_4171 = arith.cmpi eq, %get3A_4119, %eq3A_4170 : vector<16xi32>
        %jit3A_4172 = arith.constant 0.000000e+00 : f32
        %broadcast_in_dim3A_4173 = vector.broadcast %jit3A_4172 : f32 to vector<16xf32>
        %select_n3A_4174 = arith.select %eq3A_4171, %get3A_4113, %broadcast_in_dim3A_4173 : vector<16xi1>, vector<16xf32>
        %add3A_4175 = arith.addf %add3A_4044, %select_n3A_4174 : vector<16xf32>
        %eq3A_4176 = arith.constant 8 : i32
        %eq3A_4177 = vector.broadcast %eq3A_4176 : i32 to vector<16xi32>
        %eq3A_4178 = arith.cmpi eq, %get3A_4119, %eq3A_4177 : vector<16xi32>
        %jit3A_4179 = arith.constant 0.000000e+00 : f32
        %broadcast_in_dim3A_4180 = vector.broadcast %jit3A_4179 : f32 to vector<16xf32>
        %select_n3A_4181 = arith.select %eq3A_4178, %get3A_4113, %broadcast_in_dim3A_4180 : vector<16xi1>, vector<16xf32>
        %add3A_4182 = arith.addf %add3A_4051, %select_n3A_4181 : vector<16xf32>
        %eq3A_4183 = arith.constant 9 : i32
        %eq3A_4184 = vector.broadcast %eq3A_4183 : i32 to vector<16xi32>
        %eq3A_4185 = arith.cmpi eq, %get3A_4119, %eq3A_4184 : vector<16xi32>
        %jit3A_4186 = arith.constant 0.000000e+00 : f32
        %broadcast_in_dim3A_4187 = vector.broadcast %jit3A_4186 : f32 to vector<16xf32>
        %select_n3A_4188 = arith.select %eq3A_4185, %get3A_4113, %broadcast_in_dim3A_4187 : vector<16xi1>, vector<16xf32>
        %add3A_4189 = arith.addf %add3A_4058, %select_n3A_4188 : vector<16xf32>
        %eq3A_4190 = arith.constant 10 : i32
        %eq3A_4191 = vector.broadcast %eq3A_4190 : i32 to vector<16xi32>
        %eq3A_4192 = arith.cmpi eq, %get3A_4119, %eq3A_4191 : vector<16xi32>
        %jit3A_4193 = arith.constant 0.000000e+00 : f32
        %broadcast_in_dim3A_4194 = vector.broadcast %jit3A_4193 : f32 to vector<16xf32>
        %select_n3A_4195 = arith.select %eq3A_4192, %get3A_4113, %broadcast_in_dim3A_4194 : vector<16xi1>, vector<16xf32>
        %add3A_4196 = arith.addf %add3A_4065, %select_n3A_4195 : vector<16xf32>
        %eq3A_4197 = arith.constant 11 : i32
        %eq3A_4198 = vector.broadcast %eq3A_4197 : i32 to vector<16xi32>
        %eq3A_4199 = arith.cmpi eq, %get3A_4119, %eq3A_4198 : vector<16xi32>
        %jit3A_4200 = arith.constant 0.000000e+00 : f32
        %broadcast_in_dim3A_4201 = vector.broadcast %jit3A_4200 : f32 to vector<16xf32>
        %select_n3A_4202 = arith.select %eq3A_4199, %get3A_4113, %broadcast_in_dim3A_4201 : vector<16xi1>, vector<16xf32>
        %add3A_4203 = arith.addf %add3A_4072, %select_n3A_4202 : vector<16xf32>
        %eq3A_4204 = arith.constant 12 : i32
        %eq3A_4205 = vector.broadcast %eq3A_4204 : i32 to vector<16xi32>
        %eq3A_4206 = arith.cmpi eq, %get3A_4119, %eq3A_4205 : vector<16xi32>
        %jit3A_4207 = arith.constant 0.000000e+00 : f32
        %broadcast_in_dim3A_4208 = vector.broadcast %jit3A_4207 : f32 to vector<16xf32>
        %select_n3A_4209 = arith.select %eq3A_4206, %get3A_4113, %broadcast_in_dim3A_4208 : vector<16xi1>, vector<16xf32>
        %add3A_4210 = arith.addf %add3A_4079, %select_n3A_4209 : vector<16xf32>
        %eq3A_4211 = arith.constant 13 : i32
        %eq3A_4212 = vector.broadcast %eq3A_4211 : i32 to vector<16xi32>
        %eq3A_4213 = arith.cmpi eq, %get3A_4119, %eq3A_4212 : vector<16xi32>
        %jit3A_4214 = arith.constant 0.000000e+00 : f32
        %broadcast_in_dim3A_4215 = vector.broadcast %jit3A_4214 : f32 to vector<16xf32>
        %select_n3A_4216 = arith.select %eq3A_4213, %get3A_4113, %broadcast_in_dim3A_4215 : vector<16xi1>, vector<16xf32>
        %add3A_4217 = arith.addf %add3A_4086, %select_n3A_4216 : vector<16xf32>
        %eq3A_4218 = arith.constant 14 : i32
        %eq3A_4219 = vector.broadcast %eq3A_4218 : i32 to vector<16xi32>
        %eq3A_4220 = arith.cmpi eq, %get3A_4119, %eq3A_4219 : vector<16xi32>
        %jit3A_4221 = arith.constant 0.000000e+00 : f32
        %broadcast_in_dim3A_4222 = vector.broadcast %jit3A_4221 : f32 to vector<16xf32>
        %select_n3A_4223 = arith.select %eq3A_4220, %get3A_4113, %broadcast_in_dim3A_4222 : vector<16xi1>, vector<16xf32>
        %add3A_4224 = arith.addf %add3A_4093, %select_n3A_4223 : vector<16xf32>
        %eq3A_4225 = arith.constant 15 : i32
        %eq3A_4226 = vector.broadcast %eq3A_4225 : i32 to vector<16xi32>
        %eq3A_4227 = arith.cmpi eq, %get3A_4119, %eq3A_4226 : vector<16xi32>
        %jit3A_4228 = arith.constant 0.000000e+00 : f32
        %broadcast_in_dim3A_4229 = vector.broadcast %jit3A_4228 : f32 to vector<16xf32>
        %select_n3A_4230 = arith.select %eq3A_4227, %get3A_4113, %broadcast_in_dim3A_4229 : vector<16xi1>, vector<16xf32>
        %add3A_4231 = arith.addf %add3A_4100, %select_n3A_4230 : vector<16xf32>
        %eq3A_4232 = arith.constant 16 : i32
        %eq3A_4233 = vector.broadcast %eq3A_4232 : i32 to vector<16xi32>
        %eq3A_4234 = arith.cmpi eq, %get3A_4119, %eq3A_4233 : vector<16xi32>
        %jit3A_4235 = arith.constant 0.000000e+00 : f32
        %broadcast_in_dim3A_4236 = vector.broadcast %jit3A_4235 : f32 to vector<16xf32>
        %select_n3A_4237 = arith.select %eq3A_4234, %get3A_4113, %broadcast_in_dim3A_4236 : vector<16xi1>, vector<16xf32>
        %add3A_4238 = arith.addf %add3A_4107, %select_n3A_4237 : vector<16xf32>
        %add3A_4239 = arith.constant 31 : i32
        %add3A_4240 = arith.addi %mul3A_178, %add3A_4239 : i32
        %get3A_4241 = arith.index_cast %add3A_4240 : i32 to index
        %get3A_4242 = arith.index_cast %multiple_of3A : i32 to index
        %get3A_4243 = tpu.vector_load %arg5[%get3A_4241, %get3A_4242] {strides = array<i32>} : memref<256x128xf32, #tpu.memory_space<vmem>>, vector<1x16xf32>,
        %get3A_4244 = vector.shape_cast %get3A_4243 : vector<1x16xf32> to vector<16xf32>
        %add3A_4245 = arith.constant 31 : i32
        %add3A_4246 = arith.addi %mul3A_178, %add3A_4245 : i32
        %get3A_4247 = arith.index_cast %add3A_4246 : i32 to index
        %get3A_4248 = arith.index_cast %multiple_of3A : i32 to index
        %get3A_4249 = tpu.vector_load %arg6[%get3A_4247, %get3A_4248] {strides = array<i32>} : memref<256x128xi32, #tpu.memory_space<vmem>>, vector<1x16xi32>,
        %get3A_4250 = vector.shape_cast %get3A_4249 : vector<1x16xi32> to vector<16xi32>
        %eq3A_4251 = arith.constant 0 : i32
        %eq3A_4252 = vector.broadcast %eq3A_4251 : i32 to vector<16xi32>
        %eq3A_4253 = arith.cmpi eq, %get3A_4250, %eq3A_4252 : vector<16xi32>
        %jit3A_4254 = arith.constant 0.000000e+00 : f32
        %broadcast_in_dim3A_4255 = vector.broadcast %jit3A_4254 : f32 to vector<16xf32>
        %select_n3A_4256 = arith.select %eq3A_4253, %get3A_4244, %broadcast_in_dim3A_4255 : vector<16xi1>, vector<16xf32>
        %add3A_4257 = arith.addf %add3A_4126, %select_n3A_4256 : vector<16xf32>
        %eq3A_4258 = arith.constant 1 : i32
        %eq3A_4259 = vector.broadcast %eq3A_4258 : i32 to vector<16xi32>
        %eq3A_4260 = arith.cmpi eq, %get3A_4250, %eq3A_4259 : vector<16xi32>
        %jit3A_4261 = arith.constant 0.000000e+00 : f32
        %broadcast_in_dim3A_4262 = vector.broadcast %jit3A_4261 : f32 to vector<16xf32>
        %select_n3A_4263 = arith.select %eq3A_4260, %get3A_4244, %broadcast_in_dim3A_4262 : vector<16xi1>, vector<16xf32>
        %add3A_4264 = arith.addf %add3A_4133, %select_n3A_4263 : vector<16xf32>
        %eq3A_4265 = arith.constant 2 : i32
        %eq3A_4266 = vector.broadcast %eq3A_4265 : i32 to vector<16xi32>
        %eq3A_4267 = arith.cmpi eq, %get3A_4250, %eq3A_4266 : vector<16xi32>
        %jit3A_4268 = arith.constant 0.000000e+00 : f32
        %broadcast_in_dim3A_4269 = vector.broadcast %jit3A_4268 : f32 to vector<16xf32>
        %select_n3A_4270 = arith.select %eq3A_4267, %get3A_4244, %broadcast_in_dim3A_4269 : vector<16xi1>, vector<16xf32>
        %add3A_4271 = arith.addf %add3A_4140, %select_n3A_4270 : vector<16xf32>
        %eq3A_4272 = arith.constant 3 : i32
        %eq3A_4273 = vector.broadcast %eq3A_4272 : i32 to vector<16xi32>
        %eq3A_4274 = arith.cmpi eq, %get3A_4250, %eq3A_4273 : vector<16xi32>
        %jit3A_4275 = arith.constant 0.000000e+00 : f32
        %broadcast_in_dim3A_4276 = vector.broadcast %jit3A_4275 : f32 to vector<16xf32>
        %select_n3A_4277 = arith.select %eq3A_4274, %get3A_4244, %broadcast_in_dim3A_4276 : vector<16xi1>, vector<16xf32>
        %add3A_4278 = arith.addf %add3A_4147, %select_n3A_4277 : vector<16xf32>
        %eq3A_4279 = arith.constant 4 : i32
        %eq3A_4280 = vector.broadcast %eq3A_4279 : i32 to vector<16xi32>
        %eq3A_4281 = arith.cmpi eq, %get3A_4250, %eq3A_4280 : vector<16xi32>
        %jit3A_4282 = arith.constant 0.000000e+00 : f32
        %broadcast_in_dim3A_4283 = vector.broadcast %jit3A_4282 : f32 to vector<16xf32>
        %select_n3A_4284 = arith.select %eq3A_4281, %get3A_4244, %broadcast_in_dim3A_4283 : vector<16xi1>, vector<16xf32>
        %add3A_4285 = arith.addf %add3A_4154, %select_n3A_4284 : vector<16xf32>
        %eq3A_4286 = arith.constant 5 : i32
        %eq3A_4287 = vector.broadcast %eq3A_4286 : i32 to vector<16xi32>
        %eq3A_4288 = arith.cmpi eq, %get3A_4250, %eq3A_4287 : vector<16xi32>
        %jit3A_4289 = arith.constant 0.000000e+00 : f32
        %broadcast_in_dim3A_4290 = vector.broadcast %jit3A_4289 : f32 to vector<16xf32>
        %select_n3A_4291 = arith.select %eq3A_4288, %get3A_4244, %broadcast_in_dim3A_4290 : vector<16xi1>, vector<16xf32>
        %add3A_4292 = arith.addf %add3A_4161, %select_n3A_4291 : vector<16xf32>
        %eq3A_4293 = arith.constant 6 : i32
        %eq3A_4294 = vector.broadcast %eq3A_4293 : i32 to vector<16xi32>
        %eq3A_4295 = arith.cmpi eq, %get3A_4250, %eq3A_4294 : vector<16xi32>
        %jit3A_4296 = arith.constant 0.000000e+00 : f32
        %broadcast_in_dim3A_4297 = vector.broadcast %jit3A_4296 : f32 to vector<16xf32>
        %select_n3A_4298 = arith.select %eq3A_4295, %get3A_4244, %broadcast_in_dim3A_4297 : vector<16xi1>, vector<16xf32>
        %add3A_4299 = arith.addf %add3A_4168, %select_n3A_4298 : vector<16xf32>
        %eq3A_4300 = arith.constant 7 : i32
        %eq3A_4301 = vector.broadcast %eq3A_4300 : i32 to vector<16xi32>
        %eq3A_4302 = arith.cmpi eq, %get3A_4250, %eq3A_4301 : vector<16xi32>
        %jit3A_4303 = arith.constant 0.000000e+00 : f32
        %broadcast_in_dim3A_4304 = vector.broadcast %jit3A_4303 : f32 to vector<16xf32>
        %select_n3A_4305 = arith.select %eq3A_4302, %get3A_4244, %broadcast_in_dim3A_4304 : vector<16xi1>, vector<16xf32>
        %add3A_4306 = arith.addf %add3A_4175, %select_n3A_4305 : vector<16xf32>
        %eq3A_4307 = arith.constant 8 : i32
        %eq3A_4308 = vector.broadcast %eq3A_4307 : i32 to vector<16xi32>
        %eq3A_4309 = arith.cmpi eq, %get3A_4250, %eq3A_4308 : vector<16xi32>
        %jit3A_4310 = arith.constant 0.000000e+00 : f32
        %broadcast_in_dim3A_4311 = vector.broadcast %jit3A_4310 : f32 to vector<16xf32>
        %select_n3A_4312 = arith.select %eq3A_4309, %get3A_4244, %broadcast_in_dim3A_4311 : vector<16xi1>, vector<16xf32>
        %add3A_4313 = arith.addf %add3A_4182, %select_n3A_4312 : vector<16xf32>
        %eq3A_4314 = arith.constant 9 : i32
        %eq3A_4315 = vector.broadcast %eq3A_4314 : i32 to vector<16xi32>
        %eq3A_4316 = arith.cmpi eq, %get3A_4250, %eq3A_4315 : vector<16xi32>
        %jit3A_4317 = arith.constant 0.000000e+00 : f32
        %broadcast_in_dim3A_4318 = vector.broadcast %jit3A_4317 : f32 to vector<16xf32>
        %select_n3A_4319 = arith.select %eq3A_4316, %get3A_4244, %broadcast_in_dim3A_4318 : vector<16xi1>, vector<16xf32>
        %add3A_4320 = arith.addf %add3A_4189, %select_n3A_4319 : vector<16xf32>
        %eq3A_4321 = arith.constant 10 : i32
        %eq3A_4322 = vector.broadcast %eq3A_4321 : i32 to vector<16xi32>
        %eq3A_4323 = arith.cmpi eq, %get3A_4250, %eq3A_4322 : vector<16xi32>
        %jit3A_4324 = arith.constant 0.000000e+00 : f32
        %broadcast_in_dim3A_4325 = vector.broadcast %jit3A_4324 : f32 to vector<16xf32>
        %select_n3A_4326 = arith.select %eq3A_4323, %get3A_4244, %broadcast_in_dim3A_4325 : vector<16xi1>, vector<16xf32>
        %add3A_4327 = arith.addf %add3A_4196, %select_n3A_4326 : vector<16xf32>
        %eq3A_4328 = arith.constant 11 : i32
        %eq3A_4329 = vector.broadcast %eq3A_4328 : i32 to vector<16xi32>
        %eq3A_4330 = arith.cmpi eq, %get3A_4250, %eq3A_4329 : vector<16xi32>
        %jit3A_4331 = arith.constant 0.000000e+00 : f32
        %broadcast_in_dim3A_4332 = vector.broadcast %jit3A_4331 : f32 to vector<16xf32>
        %select_n3A_4333 = arith.select %eq3A_4330, %get3A_4244, %broadcast_in_dim3A_4332 : vector<16xi1>, vector<16xf32>
        %add3A_4334 = arith.addf %add3A_4203, %select_n3A_4333 : vector<16xf32>
        %eq3A_4335 = arith.constant 12 : i32
        %eq3A_4336 = vector.broadcast %eq3A_4335 : i32 to vector<16xi32>
        %eq3A_4337 = arith.cmpi eq, %get3A_4250, %eq3A_4336 : vector<16xi32>
        %jit3A_4338 = arith.constant 0.000000e+00 : f32
        %broadcast_in_dim3A_4339 = vector.broadcast %jit3A_4338 : f32 to vector<16xf32>
        %select_n3A_4340 = arith.select %eq3A_4337, %get3A_4244, %broadcast_in_dim3A_4339 : vector<16xi1>, vector<16xf32>
        %add3A_4341 = arith.addf %add3A_4210, %select_n3A_4340 : vector<16xf32>
        %eq3A_4342 = arith.constant 13 : i32
        %eq3A_4343 = vector.broadcast %eq3A_4342 : i32 to vector<16xi32>
        %eq3A_4344 = arith.cmpi eq, %get3A_4250, %eq3A_4343 : vector<16xi32>
        %jit3A_4345 = arith.constant 0.000000e+00 : f32
        %broadcast_in_dim3A_4346 = vector.broadcast %jit3A_4345 : f32 to vector<16xf32>
        %select_n3A_4347 = arith.select %eq3A_4344, %get3A_4244, %broadcast_in_dim3A_4346 : vector<16xi1>, vector<16xf32>
        %add3A_4348 = arith.addf %add3A_4217, %select_n3A_4347 : vector<16xf32>
        %eq3A_4349 = arith.constant 14 : i32
        %eq3A_4350 = vector.broadcast %eq3A_4349 : i32 to vector<16xi32>
        %eq3A_4351 = arith.cmpi eq, %get3A_4250, %eq3A_4350 : vector<16xi32>
        %jit3A_4352 = arith.constant 0.000000e+00 : f32
        %broadcast_in_dim3A_4353 = vector.broadcast %jit3A_4352 : f32 to vector<16xf32>
        %select_n3A_4354 = arith.select %eq3A_4351, %get3A_4244, %broadcast_in_dim3A_4353 : vector<16xi1>, vector<16xf32>
        %add3A_4355 = arith.addf %add3A_4224, %select_n3A_4354 : vector<16xf32>
        %eq3A_4356 = arith.constant 15 : i32
        %eq3A_4357 = vector.broadcast %eq3A_4356 : i32 to vector<16xi32>
        %eq3A_4358 = arith.cmpi eq, %get3A_4250, %eq3A_4357 : vector<16xi32>
        %jit3A_4359 = arith.constant 0.000000e+00 : f32
        %broadcast_in_dim3A_4360 = vector.broadcast %jit3A_4359 : f32 to vector<16xf32>
        %select_n3A_4361 = arith.select %eq3A_4358, %get3A_4244, %broadcast_in_dim3A_4360 : vector<16xi1>, vector<16xf32>
        %add3A_4362 = arith.addf %add3A_4231, %select_n3A_4361 : vector<16xf32>
        %eq3A_4363 = arith.constant 16 : i32
        %eq3A_4364 = vector.broadcast %eq3A_4363 : i32 to vector<16xi32>
        %eq3A_4365 = arith.cmpi eq, %get3A_4250, %eq3A_4364 : vector<16xi32>
        %jit3A_4366 = arith.constant 0.000000e+00 : f32
        %broadcast_in_dim3A_4367 = vector.broadcast %jit3A_4366 : f32 to vector<16xf32>
        %select_n3A_4368 = arith.select %eq3A_4365, %get3A_4244, %broadcast_in_dim3A_4367 : vector<16xi1>, vector<16xf32>
        %add3A_4369 = arith.addf %add3A_4238, %select_n3A_4368 : vector<16xf32>
        %get3A_4370 = arith.index_cast %scan3A_83 : i32 to index
        %get3A_4371 = arith.constant 0 : index
        %get3A_4372 = tpu.vector_load %arg7[%get3A_4370, %get3A_4371] {strides = array<i32>} : memref<8x272xf32, #tpu.memory_space<vmem>>, vector<1x16xf32>,
        %get3A_4373 = vector.shape_cast %get3A_4372 : vector<1x16xf32> to vector<16xf32>
        %add3A_4374 = arith.addf %get3A_4373, %add3A_4257 : vector<16xf32>
        %swap3A_4375 = arith.index_cast %scan3A_83 : i32 to index
        %swap3A_4376 = arith.constant 0 : index
        %swap3A_4377 = tpu.vector_load %arg7[%swap3A_4375, %swap3A_4376] {strides = array<i32>} : memref<8x272xf32, #tpu.memory_space<vmem>>, vector<1x16xf32>,
        %swap3A_4378 = vector.shape_cast %swap3A_4377 : vector<1x16xf32> to vector<16xf32>
        %swap3A_4379 = vector.shape_cast %add3A_4374 : vector<16xf32> to vector<1x16xf32>
        tpu.vector_store %arg7[%swap3A_4375, %swap3A_4376], %swap3A_4379 {strides = array<i32>} : memref<8x272xf32, #tpu.memory_space<vmem>>, vector<1x16xf32>,
        %get3A_4380 = arith.index_cast %scan3A_83 : i32 to index
        %get3A_4381 = arith.constant 16 : index
        %get3A_4382 = tpu.vector_load %arg7[%get3A_4380, %get3A_4381] {strides = array<i32>} : memref<8x272xf32, #tpu.memory_space<vmem>>, vector<1x16xf32>,
        %get3A_4383 = vector.shape_cast %get3A_4382 : vector<1x16xf32> to vector<16xf32>
        %add3A_4384 = arith.addf %get3A_4383, %add3A_4264 : vector<16xf32>
        %swap3A_4385 = arith.index_cast %scan3A_83 : i32 to index
        %swap3A_4386 = arith.constant 16 : index
        %swap3A_4387 = tpu.vector_load %arg7[%swap3A_4385, %swap3A_4386] {strides = array<i32>} : memref<8x272xf32, #tpu.memory_space<vmem>>, vector<1x16xf32>,
        %swap3A_4388 = vector.shape_cast %swap3A_4387 : vector<1x16xf32> to vector<16xf32>
        %swap3A_4389 = vector.shape_cast %add3A_4384 : vector<16xf32> to vector<1x16xf32>
        tpu.vector_store %arg7[%swap3A_4385, %swap3A_4386], %swap3A_4389 {strides = array<i32>} : memref<8x272xf32, #tpu.memory_space<vmem>>, vector<1x16xf32>,
        %get3A_4390 = arith.index_cast %scan3A_83 : i32 to index
        %get3A_4391 = arith.constant 32 : index
        %get3A_4392 = tpu.vector_load %arg7[%get3A_4390, %get3A_4391] {strides = array<i32>} : memref<8x272xf32, #tpu.memory_space<vmem>>, vector<1x16xf32>,
        %get3A_4393 = vector.shape_cast %get3A_4392 : vector<1x16xf32> to vector<16xf32>
        %add3A_4394 = arith.addf %get3A_4393, %add3A_4271 : vector<16xf32>
        %swap3A_4395 = arith.index_cast %scan3A_83 : i32 to index
        %swap3A_4396 = arith.constant 32 : index
        %swap3A_4397 = tpu.vector_load %arg7[%swap3A_4395, %swap3A_4396] {strides = array<i32>} : memref<8x272xf32, #tpu.memory_space<vmem>>, vector<1x16xf32>,
        %swap3A_4398 = vector.shape_cast %swap3A_4397 : vector<1x16xf32> to vector<16xf32>
        %swap3A_4399 = vector.shape_cast %add3A_4394 : vector<16xf32> to vector<1x16xf32>
        tpu.vector_store %arg7[%swap3A_4395, %swap3A_4396], %swap3A_4399 {strides = array<i32>} : memref<8x272xf32, #tpu.memory_space<vmem>>, vector<1x16xf32>,
        %get3A_4400 = arith.index_cast %scan3A_83 : i32 to index
        %get3A_4401 = arith.constant 48 : index
        %get3A_4402 = tpu.vector_load %arg7[%get3A_4400, %get3A_4401] {strides = array<i32>} : memref<8x272xf32, #tpu.memory_space<vmem>>, vector<1x16xf32>,
        %get3A_4403 = vector.shape_cast %get3A_4402 : vector<1x16xf32> to vector<16xf32>
        %add3A_4404 = arith.addf %get3A_4403, %add3A_4278 : vector<16xf32>
        %swap3A_4405 = arith.index_cast %scan3A_83 : i32 to index
        %swap3A_4406 = arith.constant 48 : index
        %swap3A_4407 = tpu.vector_load %arg7[%swap3A_4405, %swap3A_4406] {strides = array<i32>} : memref<8x272xf32, #tpu.memory_space<vmem>>, vector<1x16xf32>,
        %swap3A_4408 = vector.shape_cast %swap3A_4407 : vector<1x16xf32> to vector<16xf32>
        %swap3A_4409 = vector.shape_cast %add3A_4404 : vector<16xf32> to vector<1x16xf32>
        tpu.vector_store %arg7[%swap3A_4405, %swap3A_4406], %swap3A_4409 {strides = array<i32>} : memref<8x272xf32, #tpu.memory_space<vmem>>, vector<1x16xf32>,
        %get3A_4410 = arith.index_cast %scan3A_83 : i32 to index
        %get3A_4411 = arith.constant 64 : index
        %get3A_4412 = tpu.vector_load %arg7[%get3A_4410, %get3A_4411] {strides = array<i32>} : memref<8x272xf32, #tpu.memory_space<vmem>>, vector<1x16xf32>,
        %get3A_4413 = vector.shape_cast %get3A_4412 : vector<1x16xf32> to vector<16xf32>
        %add3A_4414 = arith.addf %get3A_4413, %add3A_4285 : vector<16xf32>
        %swap3A_4415 = arith.index_cast %scan3A_83 : i32 to index
        %swap3A_4416 = arith.constant 64 : index
        %swap3A_4417 = tpu.vector_load %arg7[%swap3A_4415, %swap3A_4416] {strides = array<i32>} : memref<8x272xf32, #tpu.memory_space<vmem>>, vector<1x16xf32>,
        %swap3A_4418 = vector.shape_cast %swap3A_4417 : vector<1x16xf32> to vector<16xf32>
        %swap3A_4419 = vector.shape_cast %add3A_4414 : vector<16xf32> to vector<1x16xf32>
        tpu.vector_store %arg7[%swap3A_4415, %swap3A_4416], %swap3A_4419 {strides = array<i32>} : memref<8x272xf32, #tpu.memory_space<vmem>>, vector<1x16xf32>,
        %get3A_4420 = arith.index_cast %scan3A_83 : i32 to index
        %get3A_4421 = arith.constant 80 : index
        %get3A_4422 = tpu.vector_load %arg7[%get3A_4420, %get3A_4421] {strides = array<i32>} : memref<8x272xf32, #tpu.memory_space<vmem>>, vector<1x16xf32>,
        %get3A_4423 = vector.shape_cast %get3A_4422 : vector<1x16xf32> to vector<16xf32>
        %add3A_4424 = arith.addf %get3A_4423, %add3A_4292 : vector<16xf32>
        %swap3A_4425 = arith.index_cast %scan3A_83 : i32 to index
        %swap3A_4426 = arith.constant 80 : index
        %swap3A_4427 = tpu.vector_load %arg7[%swap3A_4425, %swap3A_4426] {strides = array<i32>} : memref<8x272xf32, #tpu.memory_space<vmem>>, vector<1x16xf32>,
        %swap3A_4428 = vector.shape_cast %swap3A_4427 : vector<1x16xf32> to vector<16xf32>
        %swap3A_4429 = vector.shape_cast %add3A_4424 : vector<16xf32> to vector<1x16xf32>
        tpu.vector_store %arg7[%swap3A_4425, %swap3A_4426], %swap3A_4429 {strides = array<i32>} : memref<8x272xf32, #tpu.memory_space<vmem>>, vector<1x16xf32>,
        %get3A_4430 = arith.index_cast %scan3A_83 : i32 to index
        %get3A_4431 = arith.constant 96 : index
        %get3A_4432 = tpu.vector_load %arg7[%get3A_4430, %get3A_4431] {strides = array<i32>} : memref<8x272xf32, #tpu.memory_space<vmem>>, vector<1x16xf32>,
        %get3A_4433 = vector.shape_cast %get3A_4432 : vector<1x16xf32> to vector<16xf32>
        %add3A_4434 = arith.addf %get3A_4433, %add3A_4299 : vector<16xf32>
        %swap3A_4435 = arith.index_cast %scan3A_83 : i32 to index
        %swap3A_4436 = arith.constant 96 : index
        %swap3A_4437 = tpu.vector_load %arg7[%swap3A_4435, %swap3A_4436] {strides = array<i32>} : memref<8x272xf32, #tpu.memory_space<vmem>>, vector<1x16xf32>,
        %swap3A_4438 = vector.shape_cast %swap3A_4437 : vector<1x16xf32> to vector<16xf32>
        %swap3A_4439 = vector.shape_cast %add3A_4434 : vector<16xf32> to vector<1x16xf32>
        tpu.vector_store %arg7[%swap3A_4435, %swap3A_4436], %swap3A_4439 {strides = array<i32>} : memref<8x272xf32, #tpu.memory_space<vmem>>, vector<1x16xf32>,
        %get3A_4440 = arith.index_cast %scan3A_83 : i32 to index
        %get3A_4441 = arith.constant 112 : index
        %get3A_4442 = tpu.vector_load %arg7[%get3A_4440, %get3A_4441] {strides = array<i32>} : memref<8x272xf32, #tpu.memory_space<vmem>>, vector<1x16xf32>,
        %get3A_4443 = vector.shape_cast %get3A_4442 : vector<1x16xf32> to vector<16xf32>
        %add3A_4444 = arith.addf %get3A_4443, %add3A_4306 : vector<16xf32>
        %swap3A_4445 = arith.index_cast %scan3A_83 : i32 to index
        %swap3A_4446 = arith.constant 112 : index
        %swap3A_4447 = tpu.vector_load %arg7[%swap3A_4445, %swap3A_4446] {strides = array<i32>} : memref<8x272xf32, #tpu.memory_space<vmem>>, vector<1x16xf32>,
        %swap3A_4448 = vector.shape_cast %swap3A_4447 : vector<1x16xf32> to vector<16xf32>
        %swap3A_4449 = vector.shape_cast %add3A_4444 : vector<16xf32> to vector<1x16xf32>
        tpu.vector_store %arg7[%swap3A_4445, %swap3A_4446], %swap3A_4449 {strides = array<i32>} : memref<8x272xf32, #tpu.memory_space<vmem>>, vector<1x16xf32>,
        %get3A_4450 = arith.index_cast %scan3A_83 : i32 to index
        %get3A_4451 = arith.constant 128 : index
        %get3A_4452 = tpu.vector_load %arg7[%get3A_4450, %get3A_4451] {strides = array<i32>} : memref<8x272xf32, #tpu.memory_space<vmem>>, vector<1x16xf32>,
        %get3A_4453 = vector.shape_cast %get3A_4452 : vector<1x16xf32> to vector<16xf32>
        %add3A_4454 = arith.addf %get3A_4453, %add3A_4313 : vector<16xf32>
        %swap3A_4455 = arith.index_cast %scan3A_83 : i32 to index
        %swap3A_4456 = arith.constant 128 : index
        %swap3A_4457 = tpu.vector_load %arg7[%swap3A_4455, %swap3A_4456] {strides = array<i32>} : memref<8x272xf32, #tpu.memory_space<vmem>>, vector<1x16xf32>,
        %swap3A_4458 = vector.shape_cast %swap3A_4457 : vector<1x16xf32> to vector<16xf32>
        %swap3A_4459 = vector.shape_cast %add3A_4454 : vector<16xf32> to vector<1x16xf32>
        tpu.vector_store %arg7[%swap3A_4455, %swap3A_4456], %swap3A_4459 {strides = array<i32>} : memref<8x272xf32, #tpu.memory_space<vmem>>, vector<1x16xf32>,
        %get3A_4460 = arith.index_cast %scan3A_83 : i32 to index
        %get3A_4461 = arith.constant 144 : index
        %get3A_4462 = tpu.vector_load %arg7[%get3A_4460, %get3A_4461] {strides = array<i32>} : memref<8x272xf32, #tpu.memory_space<vmem>>, vector<1x16xf32>,
        %get3A_4463 = vector.shape_cast %get3A_4462 : vector<1x16xf32> to vector<16xf32>
        %add3A_4464 = arith.addf %get3A_4463, %add3A_4320 : vector<16xf32>
        %swap3A_4465 = arith.index_cast %scan3A_83 : i32 to index
        %swap3A_4466 = arith.constant 144 : index
        %swap3A_4467 = tpu.vector_load %arg7[%swap3A_4465, %swap3A_4466] {strides = array<i32>} : memref<8x272xf32, #tpu.memory_space<vmem>>, vector<1x16xf32>,
        %swap3A_4468 = vector.shape_cast %swap3A_4467 : vector<1x16xf32> to vector<16xf32>
        %swap3A_4469 = vector.shape_cast %add3A_4464 : vector<16xf32> to vector<1x16xf32>
        tpu.vector_store %arg7[%swap3A_4465, %swap3A_4466], %swap3A_4469 {strides = array<i32>} : memref<8x272xf32, #tpu.memory_space<vmem>>, vector<1x16xf32>,
        %get3A_4470 = arith.index_cast %scan3A_83 : i32 to index
        %get3A_4471 = arith.constant 160 : index
        %get3A_4472 = tpu.vector_load %arg7[%get3A_4470, %get3A_4471] {strides = array<i32>} : memref<8x272xf32, #tpu.memory_space<vmem>>, vector<1x16xf32>,
        %get3A_4473 = vector.shape_cast %get3A_4472 : vector<1x16xf32> to vector<16xf32>
        %add3A_4474 = arith.addf %get3A_4473, %add3A_4327 : vector<16xf32>
        %swap3A_4475 = arith.index_cast %scan3A_83 : i32 to index
        %swap3A_4476 = arith.constant 160 : index
        %swap3A_4477 = tpu.vector_load %arg7[%swap3A_4475, %swap3A_4476] {strides = array<i32>} : memref<8x272xf32, #tpu.memory_space<vmem>>, vector<1x16xf32>,
        %swap3A_4478 = vector.shape_cast %swap3A_4477 : vector<1x16xf32> to vector<16xf32>
        %swap3A_4479 = vector.shape_cast %add3A_4474 : vector<16xf32> to vector<1x16xf32>
        tpu.vector_store %arg7[%swap3A_4475, %swap3A_4476], %swap3A_4479 {strides = array<i32>} : memref<8x272xf32, #tpu.memory_space<vmem>>, vector<1x16xf32>,
        %get3A_4480 = arith.index_cast %scan3A_83 : i32 to index
        %get3A_4481 = arith.constant 176 : index
        %get3A_4482 = tpu.vector_load %arg7[%get3A_4480, %get3A_4481] {strides = array<i32>} : memref<8x272xf32, #tpu.memory_space<vmem>>, vector<1x16xf32>,
        %get3A_4483 = vector.shape_cast %get3A_4482 : vector<1x16xf32> to vector<16xf32>
        %add3A_4484 = arith.addf %get3A_4483, %add3A_4334 : vector<16xf32>
        %swap3A_4485 = arith.index_cast %scan3A_83 : i32 to index
        %swap3A_4486 = arith.constant 176 : index
        %swap3A_4487 = tpu.vector_load %arg7[%swap3A_4485, %swap3A_4486] {strides = array<i32>} : memref<8x272xf32, #tpu.memory_space<vmem>>, vector<1x16xf32>,
        %swap3A_4488 = vector.shape_cast %swap3A_4487 : vector<1x16xf32> to vector<16xf32>
        %swap3A_4489 = vector.shape_cast %add3A_4484 : vector<16xf32> to vector<1x16xf32>
        tpu.vector_store %arg7[%swap3A_4485, %swap3A_4486], %swap3A_4489 {strides = array<i32>} : memref<8x272xf32, #tpu.memory_space<vmem>>, vector<1x16xf32>,
        %get3A_4490 = arith.index_cast %scan3A_83 : i32 to index
        %get3A_4491 = arith.constant 192 : index
        %get3A_4492 = tpu.vector_load %arg7[%get3A_4490, %get3A_4491] {strides = array<i32>} : memref<8x272xf32, #tpu.memory_space<vmem>>, vector<1x16xf32>,
        %get3A_4493 = vector.shape_cast %get3A_4492 : vector<1x16xf32> to vector<16xf32>
        %add3A_4494 = arith.addf %get3A_4493, %add3A_4341 : vector<16xf32>
        %swap3A_4495 = arith.index_cast %scan3A_83 : i32 to index
        %swap3A_4496 = arith.constant 192 : index
        %swap3A_4497 = tpu.vector_load %arg7[%swap3A_4495, %swap3A_4496] {strides = array<i32>} : memref<8x272xf32, #tpu.memory_space<vmem>>, vector<1x16xf32>,
        %swap3A_4498 = vector.shape_cast %swap3A_4497 : vector<1x16xf32> to vector<16xf32>
        %swap3A_4499 = vector.shape_cast %add3A_4494 : vector<16xf32> to vector<1x16xf32>
        tpu.vector_store %arg7[%swap3A_4495, %swap3A_4496], %swap3A_4499 {strides = array<i32>} : memref<8x272xf32, #tpu.memory_space<vmem>>, vector<1x16xf32>,
        %get3A_4500 = arith.index_cast %scan3A_83 : i32 to index
        %get3A_4501 = arith.constant 208 : index
        %get3A_4502 = tpu.vector_load %arg7[%get3A_4500, %get3A_4501] {strides = array<i32>} : memref<8x272xf32, #tpu.memory_space<vmem>>, vector<1x16xf32>,
        %get3A_4503 = vector.shape_cast %get3A_4502 : vector<1x16xf32> to vector<16xf32>
        %add3A_4504 = arith.addf %get3A_4503, %add3A_4348 : vector<16xf32>
        %swap3A_4505 = arith.index_cast %scan3A_83 : i32 to index
        %swap3A_4506 = arith.constant 208 : index
        %swap3A_4507 = tpu.vector_load %arg7[%swap3A_4505, %swap3A_4506] {strides = array<i32>} : memref<8x272xf32, #tpu.memory_space<vmem>>, vector<1x16xf32>,
        %swap3A_4508 = vector.shape_cast %swap3A_4507 : vector<1x16xf32> to vector<16xf32>
        %swap3A_4509 = vector.shape_cast %add3A_4504 : vector<16xf32> to vector<1x16xf32>
        tpu.vector_store %arg7[%swap3A_4505, %swap3A_4506], %swap3A_4509 {strides = array<i32>} : memref<8x272xf32, #tpu.memory_space<vmem>>, vector<1x16xf32>,
        %get3A_4510 = arith.index_cast %scan3A_83 : i32 to index
        %get3A_4511 = arith.constant 224 : index
        %get3A_4512 = tpu.vector_load %arg7[%get3A_4510, %get3A_4511] {strides = array<i32>} : memref<8x272xf32, #tpu.memory_space<vmem>>, vector<1x16xf32>,
        %get3A_4513 = vector.shape_cast %get3A_4512 : vector<1x16xf32> to vector<16xf32>
        %add3A_4514 = arith.addf %get3A_4513, %add3A_4355 : vector<16xf32>
        %swap3A_4515 = arith.index_cast %scan3A_83 : i32 to index
        %swap3A_4516 = arith.constant 224 : index
        %swap3A_4517 = tpu.vector_load %arg7[%swap3A_4515, %swap3A_4516] {strides = array<i32>} : memref<8x272xf32, #tpu.memory_space<vmem>>, vector<1x16xf32>,
        %swap3A_4518 = vector.shape_cast %swap3A_4517 : vector<1x16xf32> to vector<16xf32>
        %swap3A_4519 = vector.shape_cast %add3A_4514 : vector<16xf32> to vector<1x16xf32>
        tpu.vector_store %arg7[%swap3A_4515, %swap3A_4516], %swap3A_4519 {strides = array<i32>} : memref<8x272xf32, #tpu.memory_space<vmem>>, vector<1x16xf32>,
        %get3A_4520 = arith.index_cast %scan3A_83 : i32 to index
        %get3A_4521 = arith.constant 240 : index
        %get3A_4522 = tpu.vector_load %arg7[%get3A_4520, %get3A_4521] {strides = array<i32>} : memref<8x272xf32, #tpu.memory_space<vmem>>, vector<1x16xf32>,
        %get3A_4523 = vector.shape_cast %get3A_4522 : vector<1x16xf32> to vector<16xf32>
        %add3A_4524 = arith.addf %get3A_4523, %add3A_4362 : vector<16xf32>
        %swap3A_4525 = arith.index_cast %scan3A_83 : i32 to index
        %swap3A_4526 = arith.constant 240 : index
        %swap3A_4527 = tpu.vector_load %arg7[%swap3A_4525, %swap3A_4526] {strides = array<i32>} : memref<8x272xf32, #tpu.memory_space<vmem>>, vector<1x16xf32>,
        %swap3A_4528 = vector.shape_cast %swap3A_4527 : vector<1x16xf32> to vector<16xf32>
        %swap3A_4529 = vector.shape_cast %add3A_4524 : vector<16xf32> to vector<1x16xf32>
        tpu.vector_store %arg7[%swap3A_4525, %swap3A_4526], %swap3A_4529 {strides = array<i32>} : memref<8x272xf32, #tpu.memory_space<vmem>>, vector<1x16xf32>,
        %get3A_4530 = arith.index_cast %scan3A_83 : i32 to index
        %get3A_4531 = arith.constant 256 : index
        %get3A_4532 = tpu.vector_load %arg7[%get3A_4530, %get3A_4531] {strides = array<i32>} : memref<8x272xf32, #tpu.memory_space<vmem>>, vector<1x16xf32>,
        %get3A_4533 = vector.shape_cast %get3A_4532 : vector<1x16xf32> to vector<16xf32>
        %add3A_4534 = arith.addf %get3A_4533, %add3A_4369 : vector<16xf32>
        %swap3A_4535 = arith.index_cast %scan3A_83 : i32 to index
        %swap3A_4536 = arith.constant 256 : index
        %swap3A_4537 = tpu.vector_load %arg7[%swap3A_4535, %swap3A_4536] {strides = array<i32>} : memref<8x272xf32, #tpu.memory_space<vmem>>, vector<1x16xf32>,
        %swap3A_4538 = vector.shape_cast %swap3A_4537 : vector<1x16xf32> to vector<16xf32>
        %swap3A_4539 = vector.shape_cast %add3A_4534 : vector<16xf32> to vector<1x16xf32>
        tpu.vector_store %arg7[%swap3A_4535, %swap3A_4536], %swap3A_4539 {strides = array<i32>} : memref<8x272xf32, #tpu.memory_space<vmem>>, vector<1x16xf32>,
      }
      %scan3A_175 = arith.constant 8 : i32
    }
    %scan3A_80 = arith.constant 8 : i32
    %mul3A_81 = arith.constant 8 : i32
    %mul3A_82 = arith.muli %select_n3A, %mul3A_81 : i32
    "tpu.region"() ({
      %run_scoped3A = tpu.sem_alloc : memref<!tpu.dma_semaphore, #tpu.memory_space<semaphore_mem>>
      %dma_start3A = arith.constant 0 : i32
      %dma_start3A_83 = tpu.memref_slice %arg4[%select_n3A_30, %mul3A_82, %dma_start3A] : memref<2x128x272xf32, #tpu.memory_space<hbm>> -> memref<1x8x272xf32, #tpu.memory_space<hbm>>
      %dma_start3A_84 = tpu.memref_squeeze %dma_start3A_83 : memref<1x8x272xf32, #tpu.memory_space<hbm>> -> memref<8x272xf32, #tpu.memory_space<hbm>>
      %dma_start3A_85 = arith.constant 0 : i32
      %dma_start3A_86 = tpu.memref_slice %arg4[%select_n3A_30, %mul3A_82, %dma_start3A_85] : memref<2x128x272xf32, #tpu.memory_space<hbm>> -> memref<1x8x272xf32, #tpu.memory_space<hbm>>
      %dma_start3A_87 = tpu.memref_squeeze %dma_start3A_86 : memref<1x8x272xf32, #tpu.memory_space<hbm>> -> memref<8x272xf32, #tpu.memory_space<hbm>>
      tpu.enqueue_dma source(%arg7 : memref<8x272xf32, #tpu.memory_space<vmem>>) target(%dma_start3A_87 : memref<8x272xf32, #tpu.memory_space<hbm>>) target_semaphore(%run_scoped3A : memref<!tpu.dma_semaphore, #tpu.memory_space<semaphore_mem>>)
      %dma_wait3A = arith.constant 0 : i32
      %dma_wait3A_88 = tpu.memref_slice %arg4[%select_n3A_30, %mul3A_82, %dma_wait3A] : memref<2x128x272xf32, #tpu.memory_space<hbm>> -> memref<1x8x272xf32, #tpu.memory_space<hbm>>
      %dma_wait3A_89 = tpu.memref_squeeze %dma_wait3A_88 : memref<1x8x272xf32, #tpu.memory_space<hbm>> -> memref<8x272xf32, #tpu.memory_space<hbm>>
      %dma_wait3A_90 = arith.constant 0 : i32
      %dma_wait3A_91 = tpu.memref_slice %arg4[%select_n3A_30, %mul3A_82, %dma_wait3A_90] : memref<2x128x272xf32, #tpu.memory_space<hbm>> -> memref<1x8x272xf32, #tpu.memory_space<hbm>>
      %dma_wait3A_92 = tpu.memref_squeeze %dma_wait3A_91 : memref<1x8x272xf32, #tpu.memory_space<hbm>> -> memref<8x272xf32, #tpu.memory_space<hbm>>
      tpu.wait_dma2 semaphore(%run_scoped3A : memref<!tpu.dma_semaphore, #tpu.memory_space<semaphore_mem>>) src(%arg7 : memref<8x272xf32, #tpu.memory_space<vmem>>) dst(%dma_wait3A_92 : memref<8x272xf32, #tpu.memory_space<hbm>>)
      tpu.yield
    }) : () -> ()
    return
  }
}

module attributes {stable_mosaic.version = 14 : i64} {
  func.func @_combine_body(%arg0: memref<2x128x272xf32, #tpu.memory_space<vmem>>, %arg1: memref<17x64xf32, #tpu.memory_space<vmem>>, %arg2: memref<2048x64xf32, #tpu.memory_space<vmem>>) attributes {dimension_semantics = [], scalar_prefetch = 0 : i64, scratch_operands = 0 : i64, tpu.core_type = #tpu.core_type<tc>} {
    %get3A = arith.constant 0 : index
    %get3A_0 = arith.constant 0 : index
    %get3A_1 = arith.constant 0 : index
    %get3A_2 = vector.load %arg0[%get3A, %get3A_0, %get3A_1] : memref<2x128x272xf32, #tpu.memory_space<vmem>>, vector<2x128x272xf32>
    %slice3A = vector.extract_strided_slice %get3A_2 {offsets = [0, 0, 0], sizes = [1, 128, 272], strides = [1, 1, 1]} : vector<2x128x272xf32> to vector<1x128x272xf32>
    %squeeze3A = vector.shape_cast %slice3A : vector<1x128x272xf32> to vector<128x272xf32>
    %slice3A_3 = vector.extract_strided_slice %get3A_2 {offsets = [1, 0, 0], sizes = [1, 128, 272], strides = [1, 1, 1]} : vector<2x128x272xf32> to vector<1x128x272xf32>
    %squeeze3A_4 = vector.shape_cast %slice3A_3 : vector<1x128x272xf32> to vector<128x272xf32>
    %add3A = arith.addf %squeeze3A, %squeeze3A_4 : vector<128x272xf32>
    %reshape3A = vector.shape_cast %add3A : vector<128x272xf32> to vector<128x17x16xf32>
    %transpose3A = tpu.transpose %reshape3A, [0, 2, 1] : vector<128x17x16xf32> -> vector<128x16x17xf32>
    %reshape3A_5 = vector.shape_cast %transpose3A : vector<128x16x17xf32> to vector<2048x17xf32>
    %get3A_6 = arith.constant 0 : index
    %get3A_7 = arith.constant 0 : index
    %get3A_8 = vector.load %arg1[%get3A_6, %get3A_7] : memref<17x64xf32, #tpu.memory_space<vmem>>, vector<17x64xf32>
    %dot_general3A = arith.constant dense<0.000000e+00> : vector<2048x64xf32>
    %dot_general3A_9 = tpu.matmul %reshape3A_5, %get3A_8, %dot_general3A {dimension_numbers = #tpu.dot_dimension_numbers<[1], [0], [0], [1], [0, 0, 1, 1], [], []>, precision = #tpu.contract_precision<fp32>, transpose_lhs_hint = false} : vector<2048x17xf32>, vector<17x64xf32>, vector<2048x64xf32> -> vector<2048x64xf32>
    %swap3A = arith.constant 0 : index
    %swap3A_10 = arith.constant 0 : index
    %swap3A_11 = vector.load %arg2[%swap3A, %swap3A_10] : memref<2048x64xf32, #tpu.memory_space<vmem>>, vector<2048x64xf32>
    tpu.vector_store %arg2[%swap3A, %swap3A_10], %dot_general3A_9 {strides = array<i32>} : memref<2048x64xf32, #tpu.memory_space<vmem>>, vector<2048x64xf32>,
    return
  }
}

module attributes {stable_mosaic.version = 14 : i64} {
  func.func @_mean_body(%arg0: i32, %arg1: i32, %arg2: memref<1x16x128x512xf32, #tpu.memory_space<vmem>>, %arg3: memref<1x512x128xf32, #tpu.memory_space<vmem>>) attributes {dimension_semantics = [#tpu.dimension_semantics<arbitrary>, #tpu.dimension_semantics<arbitrary>], iteration_bounds = array<i64: 4, 4>, scalar_prefetch = 0 : i64, scratch_operands = 0 : i64, tpu.core_type = #tpu.core_type<tc>, window_params = [{transform_indices = @transform_0, window_bounds = array<i64: 1, 16, 128, 512>}, {transform_indices = @transform_1, window_bounds = array<i64: 1, 512, 128>}]} {
    %get3A = arith.constant 0 : index
    %get3A_0 = arith.constant 0 : index
    %get3A_1 = arith.constant 0 : index
    %get3A_2 = arith.constant 0 : index
    %get3A_3 = vector.load %arg2[%get3A, %get3A_0, %get3A_1, %get3A_2] : memref<1x16x128x512xf32, #tpu.memory_space<vmem>>, vector<1x16x128x512xf32>
    %get3A_4 = vector.shape_cast %get3A_3 : vector<1x16x128x512xf32> to vector<16x128x512xf32>
    %reduce_sum3A = arith.constant dense<0.000000e+00> : vector<128x512xf32>
    %reduce_sum3A_5 = vector.multi_reduction <add>, %get3A_4, %reduce_sum3A [0] : vector<16x128x512xf32> to vector<128x512xf32>
    %mul3A = arith.constant 6.250000e-02 : f32
    %mul3A_6 = vector.broadcast %mul3A : f32 to vector<128x512xf32>
    %mul3A_7 = arith.mulf %reduce_sum3A_5, %mul3A_6 : vector<128x512xf32>
    %transpose3A = tpu.transpose %mul3A_7, [1, 0] : vector<128x512xf32> -> vector<512x128xf32>
    %swap3A = arith.constant 0 : index
    %swap3A_8 = arith.constant 0 : index
    %swap3A_9 = arith.constant 0 : index
    %swap3A_10 = vector.load %arg3[%swap3A, %swap3A_8, %swap3A_9] : memref<1x512x128xf32, #tpu.memory_space<vmem>>, vector<1x512x128xf32>
    %swap3A_11 = vector.shape_cast %swap3A_10 : vector<1x512x128xf32> to vector<512x128xf32>
    %swap3A_12 = vector.shape_cast %transpose3A : vector<512x128xf32> to vector<1x512x128xf32>
    tpu.vector_store %arg3[%swap3A, %swap3A_8, %swap3A_9], %swap3A_12 {strides = array<i32>} : memref<1x512x128xf32, #tpu.memory_space<vmem>>, vector<1x512x128xf32>,
    return
  }
  func.func @transform_0(%arg0: i32, %arg1: i32) -> (i32, i32, i32, i32) {
    %c0_i32 = arith.constant 0 : i32
    %c0_i32_0 = arith.constant 0 : i32
    %c0_i32_1 = arith.constant 0 : i32
    return %arg0, %c0_i32, %arg1, %c0_i32_0 : i32, i32, i32, i32
  }
  func.func @transform_1(%arg0: i32, %arg1: i32) -> (i32, i32, i32) {
    %c0_i32 = arith.constant 0 : i32
    %c0_i32_0 = arith.constant 0 : i32
    return %arg0, %c0_i32, %arg1 : i32, i32, i32
  }
}

</mosaic_0001>

<sc_bundles>
// kernel: kernel.5.cloned.1.call-start
scs
__scs_entry_jumppad:
0x0: {  	(pc) =	sbr.rel $0x88, $3  }
0x1: {  	(tag) =	ssettag $0x0;
	lr =	simm.s32 $0x1  }
0x2: {  	[smem:$0x3F9E] =	sst lr;
	_ =	strace $0xD0000000  }
0x3: {  	_ = 	snop  }
0x4: {  	_ = 	snop  }
0x5: {  	_ = 	snop  }
0x6: {  	_ = 	snop  }
0x7: {  	_ = 	snop  }
__scs_overlays_trampoline_lowered:
0x8: {  	[smem:$0x3FAD] =	sst s0  }
0x9: {  	[smem:$0x3FAE] =	sst s1  }
0xa: {  	[smem:$0x3FAF] =	sst s2  }
0xb: {  	[smem:$0x3FB0] =	sst s3  }
0xc: {  	[smem:$0x3FB1] =	sst s4  }
0xd: {  	[smem:$0x3FB2] =	sst s5  }
0xe: {  	[smem:$0x3FB3] =	sst s6  }
0xf: {  	[smem:$0x3FB4] =	sst s7  }
0x10: {  	[smem:$0x3FB5] =	sst s8  }
0x11: {  	[smem:$0x3FB6] =	sst s9;
	s0 =	simm.s32 @!p0 $0x0  }
0x12: {  	s1 =	sld [smem:$0x3F9C];
	s0 =	simm.s32 @p0 $0x1  }
0x13: {  	[smem:$0x3FB7] =	sst s0;
	s0 =	simm.s32 @!p1 $0x0  }
0x14: {  	s2 =	sld [smem:$0x3F9B];
	s0 =	simm.s32 @p1 $0x1  }
0x15: {  	[smem:$0x3FB8] =	sst s0;
	s0 =	simm.s32 @!p2 $0x0  }
0x16: {  	s3 =	sld [smem:$0x3FDB];
	s0 =	simm.s32 @p2 $0x1  }
0x17: {  	s4 =	simm.s32 $0x1BF5;
	[smem:$0x3FBA] =	sst s0  }
0x18: {  	s0 =	sld [smem:$0x3F9D];
	_ =	swait.ge [sflag:s4], $0x0  }
0x19: {  	s7 =	sld [smem:$0x3F9E]  }
0x1a: {  	s8 =	sadd.s32 $0xFFFFE003, lr  }
0x1b: {  	s9 =	sadd.s32 $0xFFFFFEF7, lr;
	s5 =	simm.s32 $0xFFFFFFFF;
	p2 =	slt.u32 s8, $0xFFFFF086  }
0x1c: {  	p1 =	slt.u32 s9, $0xF7A;
	s5 =	simm.s32 @!p2 $0x0  }
0x1d: {  	s5 =	simm.s32 @p1 $0x1;
	p0 =	seq.s32 s7, s2  }
0x1e: {  	s7 =	smul.u32 @!p0 $0xF7A, s2;
	p2 =	seq.s32 @!p0 s5, $0x0  }
0x1f: {  	s9 =	smul.u32 $0xF7A, s1;
	s8 =	simm.s32 @!p0 $0x1BF5;
	p2 =	por !p2, p0  }
0x20: {  	[sflag:s8] =	ssyncset.s32 @!p0 $0xFFFFF086;
	s6 =	sadd.s32 @!p0 s3, s7;
	s7 =	simm.s32 @!p0 $0x108  }
0x21: {  	s3 =	sadd.s32 s3, s9;
	s6 =	sadd.s32 @!p0 $0x88, s6;
	s7 =	simm.s32 @p2 $0x1082  }
0x22: {  	[simem:s7], [sflag:s8] =	dma.local @!p0 [hbm:s6], $0xF7A  }
0x23: {  	s9 =	sor.u32 $0xD0000000, s2;
	s6 =	simm.s32 $0x108;
	_ =	swait.ge @!p0 [sflag:s8], $0x0  }
0x24: {  	s3 =	sadd.s32 $0x88, s3;
	s6 =	simm.s32 @!p1 $0x1082;
	[sflag:s4] =	ssyncset.s32 $0xFFFFF086  }
0x25: {  	[simem:s6], [sflag:s4] =	dma.local [hbm:s3], $0xF7A  }
0x26: {  	[smem:$0x3F9E] =	sst s1;
	(tag) =	ssettag s2;
	_ =	strace s9  }
0x27: {  	s1 =	sld [smem:$0x3FAE]  }
0x28: {  	s2 =	sld [smem:$0x3FAF]  }
0x29: {  	s4 =	sld [smem:$0x3FB1]  }
0x2a: {  	p0 =	seq.s32 s5, $0x0;
	s5 =	sld [smem:$0x3FB2]  }
0x2b: {  	s6 =	sld [smem:$0x3FB3]  }
0x2c: {  	s7 =	sld [smem:$0x3FB4]  }
0x2d: {  	s3 =	simm.s32 $0x108;
	s8 =	sld [smem:$0x3FB5]  }
0x2e: {  	s3 =	simm.s32 @!p0 $0x1082;
	s9 =	sld [smem:$0x3FB6]  }
0x2f: {  	lr =	sadd.s32 s0, s3;
	s0 =	sld [smem:$0x3FAD]  }
0x30: {  	s3 =	sld [smem:$0x3FB0]  }
0x31: {  	[smem:$0x3FB9] =	sst s10  }
0x32: {  	s10 =	sld [smem:$0x3FB7];
	_ =	sdelay $0x3  }
0x33: {  	p0 =	seq.s32 s10, $0x1;
	s10 =	sld [smem:$0x3FB9];
	_ =	sdelay $0x3  }
0x34: {  	[smem:$0x3FB9] =	sst s10  }
0x35: {  	s10 =	sld [smem:$0x3FB8];
	_ =	sdelay $0x3  }
0x36: {  	p1 =	seq.s32 s10, $0x1;
	s10 =	sld [smem:$0x3FB9];
	_ =	sdelay $0x3  }
0x37: {  	[smem:$0x3FB9] =	sst s10  }
0x38: {  	s10 =	sld [smem:$0x3FBA]  }
0x39: {  	_ = 	snop;
	(pc) =	sbr.ind lr, $3  }
0x3a: {  	_ = 	snop  }
0x3b: {  	_ = 	snop  }
0x3c: {  	p2 =	seq.s32 s10, $0x1;
	s10 =	sld [smem:$0x3FB9]  }
0x3d: {  	_ =	shalt  }
0x3e: {  	_ =	shalt  }
0x3f: {  	_ =	shalt  }
0x40: {  	_ =	shalt  }
0x41: {  	_ =	shalt  }
0x42: {  	_ =	shalt  }
0x43: {  	_ =	shalt  }
0x44: {  	_ =	shalt  }
0x45: {  	_ =	shalt  }
0x46: {  	_ =	shalt  }
0x47: {  	_ =	shalt  }
0x48: {  	_ =	shalt  }
0x49: {  	_ =	shalt  }
0x4a: {  	_ =	shalt  }
0x4b: {  	_ =	shalt  }
0x4c: {  	_ =	shalt  }
0x4d: {  	_ =	shalt  }
0x4e: {  	_ =	shalt  }
0x4f: {  	_ =	shalt  }
0x50: {  	_ =	shalt  }
0x51: {  	_ =	shalt  }
0x52: {  	_ =	shalt  }
0x53: {  	_ =	shalt  }
0x54: {  	_ =	shalt  }
0x55: {  	_ =	shalt  }
0x56: {  	_ =	shalt  }
0x57: {  	_ =	shalt  }
0x58: {  	_ =	shalt  }
0x59: {  	_ =	shalt  }
0x5a: {  	_ =	shalt  }
0x5b: {  	_ =	shalt  }
0x5c: {  	_ =	shalt  }
0x5d: {  	_ =	shalt  }
0x5e: {  	_ =	shalt  }
0x5f: {  	_ =	shalt  }
0x60: {  	_ =	shalt  }
0x61: {  	_ =	shalt  }
0x62: {  	_ =	shalt  }
0x63: {  	_ =	shalt  }
0x64: {  	_ =	shalt  }
0x65: {  	_ =	shalt  }
0x66: {  	_ =	shalt  }
0x67: {  	_ =	shalt  }
0x68: {  	_ =	shalt  }
0x69: {  	_ =	shalt  }
0x6a: {  	_ =	shalt  }
0x6b: {  	_ =	shalt  }
0x6c: {  	_ =	shalt  }
0x6d: {  	_ =	shalt  }
0x6e: {  	_ =	shalt  }
0x6f: {  	_ =	shalt  }
0x70: {  	_ =	shalt  }
0x71: {  	_ =	shalt  }
0x72: {  	_ =	shalt  }
0x73: {  	_ =	shalt  }
0x74: {  	_ =	shalt  }
0x75: {  	_ =	shalt  }
0x76: {  	_ =	shalt  }
0x77: {  	_ =	shalt  }
0x78: {  	_ =	shalt  }
0x79: {  	_ =	shalt  }
0x7a: {  	_ =	shalt  }
0x7b: {  	_ =	shalt  }
0x7c: {  	_ =	shalt  }
0x7d: {  	_ =	shalt  }
0x7e: {  	_ =	shalt  }
0x7f: {  	_ =	shalt  }
0x80: {  	_ =	shalt  }
0x81: {  	_ =	shalt  }
0x82: {  	_ =	shalt  }
0x83: {  	_ =	shalt  }
0x84: {  	_ =	shalt  }
0x85: {  	_ =	shalt  }
0x86: {  	_ =	shalt  }
0x87: {  	_ =	shalt  }
.Lfunc_end0:
.L_simem_size_0:
called_computation_lowered:
.L_overlay_start_0:
0x88: {  	s2 =	sld [smem:$0x3FD9]  }
0x89: {  	s3 =	sld [smem:$0x3FFE];
	_ =	sdelay $0x1  }
0x8a: {  	s1 =	srdreg.scid  }
0x8b: {  	s0 =	sand.u32 $0x1, s1  }
0x8c: {  	s17 =	sshll.u32 s0, $0xA;
	s2 =	sadd.s32 s3, s2  }
0x8d: {  	s2 =	sadd.s32 s2, s17  }
0x8e: {  	[smem:$0x3FC5] =	sst s2  }
0x8f: {  	_ = 	snop  }
0x90: {  	s2 =	sld [smem:$0x3FC8]  }
0x91: {  	s18 =	sld [smem:$0x3FD0];
	(tm) =	ssettm $0x1  }
0x92: {  	s4 =	sld [smem:$0x3FFB];
	_ =	sdelay $0x3  }
0x93: {  	_ =	strace s4  }
0x94: {  	s4 =	sld [smem:$0x3FFC];
	_ =	sdelay $0x3  }
0x95: {  	_ =	strace s4  }
0x96: {  	s4 =	sld [smem:$0x3FFD];
	_ =	sdelay $0x3  }
0x97: {  	_ =	strace s4  }
0x98: {  	_ =	strace $0x8FFFFFFF  }
0x99: {  	s19 =	sld [smem:$0x3FDB];
	_ =	sdelay $0x1  }
0x9a: {  	s5 =	simm.s32 $_scs_section_size  }
0x9b: {  	s6 =	simm.s32 $_size__tile_overlayer_lowered;
	s7 =	simm.s32 $_tile_overlayer_lowered  }
0x9c: {  	s22 =	simm.s32 $0x1BFF;
	s21 =	sshll.u32 s7, $0x1;
	s4 =	sadd.s32 s5, s19  }
0x9d: {  	s8 =	simm.s32 $0x0;
	s20 =	sshll.u32 s6, $0x1;
	s6 =	sadd.s32 s21, s4  }
0x9e: {  	[timem:s8], [sflag:s22] =	dma.local [hbm:s6], s20  }
0x9f: {  	_ =	swait.ge [sflag:s22], s20  }
0xa0: {  	s5 =	ssub.s32 $0x0, s20;
	[sflag:s22] =	ssyncset.done $0x0  }
0xa1: {  	[sflag:s22] =	ssyncadd.s32 s5;
	_ =	sdelay $0x1  }
0xa2: {  	s23 =	simm.s32 $0x1B8B  }
0xa3: {  	_ =	swait.ge [sflag:s23], $0x1  }
0xa4: {  	[sflag:s23] =	ssyncset.done $0x0  }
0xa5: {  	s25 =	simm.s32 $0x1B8E;
	s24 =	sld [smem:$0x3FFE];
	[sflag:s23] =	ssyncadd.s32 $0xFFFFFFFF  }
0xa6: {  	s26 =	simm.s32 $execute0_lowered;
	[smem:$0x3FD2] =	sst s25  }
0xa7: {  	s6 =	sshll.u32 s26, $0x1;
	_ =	strace $0x80000046;
	[dreg:$0x1] =	wrdreg $0xFFFFFFFF  }
0xa8: {  	s28 =	simm.s32 $_size_execute0_lowered;
	s4 =	sadd.s32 s4, s6;
	[dreg:$0x0] =	wrdreg $0x0  }
0xa9: {  	s6 =	sshll.u32 s28, $0x1;
	[dreg:$0x2] =	wrdreg s4  }
0xaa: {  	[dreg:$0x3] =	wrdreg s6  }
0xab: {  	[dreg:$0x4] =	wrdreg $0xC0  }
0xac: {  	_ =	task [dreg:s8], $0x5FFFF  }
0xad: {  	[dreg:$0x1] =	wrdreg $0xFFFFFFFF  }
0xae: {  	[dreg:$0x0] =	wrdreg $0x60  }
0xaf: {  	[dreg:$0x2] =	wrdreg s24  }
0xb0: {  	[dreg:$0x3] =	wrdreg s2  }
0xb1: {  	[dreg:$0x4] =	wrdreg s18  }
0xb2: {  	[dreg:$0x5] =	wrdreg $0x9  }
0xb3: {  	_ =	task.clear_ibuf [dreg:s8], $0x6FFFF;
	_ =	strace $0x90000046  }
0xb4: {  	s29 =	simm.s32 $0x9;
	_ =	strace $0x80000048  }
0xb5: {  	_ =	swait.ge [sflag:s29], $0x1  }
0xb6: {  	[sflag:s29] =	ssyncadd.s32 $0xFFFFFFFF  }
0xb7: {  	_ =	strace $0x90000048  }
0xb8: {  	_ =	sfence  }
0xb9: {  	s30 =	sld [smem:$0x0];
	_ =	sdelay $0x2  }
0xba: {  	s31 =	sshll.u32 s1, $0xD;
	s1 =	sshrl.u32 s1, $0x2  }
0xbb: {  	s3 =	sand.u32 $0x4000, s31;
	s1 =	sadd.s32 s1, s30  }
0xbc: {  	s0 =	sor.u32 s3, s0;
	s1 =	sshll.u32 s1, $0x11  }
0xbd: {  	s0 =	sor.u32 s1, s0  }
0xbe: {  	s0 =	sadd.s32 $0x8F2B, s0  }
0xbf: {  	[sflag:s0] =	ssyncadd.remote.s32 $0x1  }
0xc0: {  	_ =	sfence.sel $0xFFFF  }
0xc1: {  	[dreg:$0x0] =	wrdreg $0xFFFFFFFF;
	(pc) =	sbr.abs _section_cstart, $3  }
0xc2: {  	[dreg:$0x1] =	wrdreg $0xFFFFFFFF  }
0xc3: {  	_ =	task.clear_ibuf [dreg:s8], $0x2FFFF;
	_ =	strace $0x9FFFFFFF  }
0xc4: {  	(tm) =	ssettm $0x7FFFFFFF  }
0xc5: {  	_ =	shalt  }
tec
execute0_lowered:
.L_overlay_start_1:
0x0: {  	(tag) =	ssettag $0x1  }
0x1: {  	s1 =	srdreg.scid  }
0x2: {  	s0 =	stileid.u32;
	s4 =	sand.u32 $0x1, s1  }
0x3: {  	s1 =	sor.u32 s4, s0  }
0x4: {  	p1 =	seq.s32 s4, $0x1;
	p0 =	seq.s32 s1, $0x0  }
0x5: {  	p0 =	por !p0, !p1  }
0x6: {  	s1 =	simm.s32 $0x1;
	p0 =	por !p0, !p0  }
0x7: {  	s1 =	simm.s32 @!p0 $0x0  }
0x8: {  	s3 =	ssub.s32 s0, s1  }
0x9: {  	s1 =	sand.u32 $0xC0, s3  }
0xa: {  	s1 =	sshrl.u32 s1, $0x6  }
0xb: {  	s6 =	rddreg [dreg:$0x0];
	s5 =	sadd.s32 s1, s3  }
0xc: {  	s8 =	rddreg [dreg:$0x1];
	s1 =	sand.u32 $0xFFFFFFFC, s5  }
0xd: {  	s9 =	rddreg [dreg:$0x2];
	s10 =	simm.s32 $0x1;
	s7 =	ssub.s32 s3, s1  }
0xe: {  	s2 =	simm.s32 $0x0;
	p5 =	slt.s32 s3, $0x1;
	p6 =	sne.s32 s7, $0x0  }
0xf: {  	s12 =	simm.s32 $0x0;
	[smem:$0x7FF] =	sst s2;
	p0 =	por !p5, !p6  }
0x10: {  	s29 =	sshll.u32 s4, $0x11;
	s11 =	smul.u32 $0xC000, s4;
	p0 =	por !p0, !p0  }
0x11: {  	s4 =	ssub.s32 $0x2, s4;
	s5 =	sshrl.u32 s5, $0x2;
	s10 =	simm.s32 @!p0 $0x0  }
0x12: {  	s31 =	sshrl.u32 s4, $0x1;
	s30 =	smul.u32 $0xC00, s3;
	s5 =	ssub.s32 s5, s10  }
0x13: {  	s1 =	rddreg [dreg:$0x3];
	s7 =	sshll.u32 s7, $0xA;
	s5 =	sshll.u32 s5, $0x12  }
0x14: {  	_ =	strace $0x80000047;
	s7 =	sand.u32 $0xC00, s7;
	s5 =	sor.u32 s29, s5  }
0x15: {  	s3 =	simm.s32 $0x1;
	s10 =	sadd.s32 s11, s30;
	s5 =	sor.u32 s7, s5  }
0x16: {  	s11 =	simm.s32 $0x10000;
	s7 =	ssub.s32 s4, s31;
	s5 =	sshrl.u32 s5, $0x3  }
0x17: {  	s10 =	sshrl.u32 s10, $0x3;
	s7 =	smax.u32 s7, $0x1;
	s6 =	sadd.s32 s5, s6  }
0x18: {  	s5 =	sadd.s32 s8, s5;
	s8 =	simm.s32 $0x400;
	s4 =	sadd.s32 $0xA00, s6  }
0x19: {  	s6 =	sadd.s32 s9, s10;
	s9 =	simm.s32 $0x1000;
	s10 =	simm.s32 $0x8000  }
.LBB2_1:
0x1a: {  	[tilespmem:s2], [sflag:$0x1] =	stream.strided.gather [hbm4b:s4+s8], $0x8000, s9, s8, $0x38;
	[tilespmem:$0x10C00] =	vst v63  }
0x1b: {  	_ =	swait.ge [sflag:s3], $0x8000  }
0x1c: {  	[sflag:s3] =	ssyncset.done $0x0  }
0x1d: {  	[sflag:s3] =	ssyncadd.s32 $0xFFFF8000  }
0x1e: {  	[tilespmem:s10], [sflag:$0x1] =	stream.strided.gather [hbm4b:s5+s8], $0x8000, s9, s8, $0x38;
	[tilespmem:$0x10C00] =	vst v63  }
0x1f: {  	_ =	swait.ge [sflag:s3], $0x8000  }
0x20: {  	s13 =	simm.s32 $0x8800;
	[sflag:s3] =	ssyncset.done $0x0  }
0x21: {  	s14 =	simm.s32 $0x0;
	s15 =	simm.s32 $0x0;
	[sflag:s3] =	ssyncadd.s32 $0xFFFF8000  }
.LBB2_2:
0x22: {  	s16 =	sshll.u32 s15, $0x7;
	v0 =	vimm.f32 $0.0e+00  }
0x23: {  	[tilespmem:s16+$0x10000] =	vst v0  }
0x24: {  	[tilespmem:s16+$0x10010] =	vst v0  }
0x25: {  	[tilespmem:s16+$0x10020] =	vst v0  }
0x26: {  	[tilespmem:s16+$0x10030] =	vst v0  }
0x27: {  	[tilespmem:s16+$0x10040] =	vst v0  }
0x28: {  	[tilespmem:s16+$0x10050] =	vst v0  }
0x29: {  	[tilespmem:s16+$0x10060] =	vst v0  }
0x2a: {  	[tilespmem:s16+$0x10070] =	vst v0  }
0x2b: {  	[tilespmem:s16+$0x10400] =	vst v0  }
0x2c: {  	[tilespmem:s16+$0x10410] =	vst v0  }
0x2d: {  	[tilespmem:s16+$0x10420] =	vst v0  }
0x2e: {  	v1 =	vmov s14;
	v2 =	vmov s13;
	v3 =	vimm.f32 $0.0e+00;
	[tilespmem:s16+$0x10430] =	vst v0  }
0x2f: {  	v4 =	vimm.f32 $0.0e+00;
	v5 =	vimm.f32 $0.0e+00;
	v6 =	vimm.f32 $0.0e+00;
	[tilespmem:s16+$0x10440] =	vst v0  }
0x30: {  	v7 =	vimm.f32 $0.0e+00;
	v8 =	vimm.f32 $0.0e+00;
	v9 =	vimm.f32 $0.0e+00;
	[tilespmem:s16+$0x10450] =	vst v0  }
0x31: {  	v10 =	vimm.f32 $0.0e+00;
	v11 =	vimm.f32 $0.0e+00;
	v12 =	vimm.f32 $0.0e+00;
	[tilespmem:s16+$0x10460] =	vst v0  }
0x32: {  	v13 =	vimm.f32 $0.0e+00;
	v14 =	vimm.f32 $0.0e+00;
	v15 =	vimm.f32 $0.0e+00;
	[tilespmem:s16+$0x10470] =	vst v0  }
0x33: {  	s17 =	simm.s32 $0x0;
	v16 =	vimm.f32 $0.0e+00;
	v17 =	vimm.f32 $0.0e+00;
	v18 =	vimm.f32 $0.0e+00;
	[tilespmem:s16+$0x10800] =	vst v0  }
.LBB2_3:
0x34: {  	s18 =	sshra.s32 s17, $0x2  }
0x35: {  	v19 =	vld.idx.msk [tilespmem:v1+s18+$0x0 ss:$0x1], $0xffff  }
0x36: {  	v20 =	vld.idx.msk [tilespmem:v2+s18+$0xFFFFF800 ss:$0x1], $0xffff;
	_ =	sdelay $0x4  }
0x37: {  	v19 =	vadd.f32 $0.0e+00, v19;
	vm0 =	veq.s32 v20, $0x0;
	vm1 =	veq.s32 v20, $0x1  }
0x38: {  	vm14 =	veq.s32 v20, $0x2;
	vm15 =	veq.s32 v20, $0x3;
	vm4 =	veq.s32 v20, $0x4  }
0x39: {  	vm5 =	veq.s32 v20, $0x5;
	vm6 =	veq.s32 v20, $0x6;
	vm7 =	veq.s32 v20, $0x7  }
0x3a: {  	vm8 =	veq.s32 v20, $0x8;
	vm9 =	veq.s32 v20, $0x9;
	vm10 =	veq.s32 v20, $0xA  }
0x3b: {  	vm11 =	veq.s32 v20, $0xB;
	vm12 =	veq.s32 v20, $0xC;
	vm13 =	veq.s32 v20, $0xD  }
0x3c: {  	v30 =	vld.idx.msk [tilespmem:v2+s18+$0xFFFFF880 ss:$0x1], $0xffff;
	v21 =	vnsel vm0, $0x0, v19;
	v22 =	vnsel vm1, $0x0, v19;
	v23 =	vnsel vm14, $0x0, v19  }
0x3d: {  	v24 =	vnsel vm15, $0x0, v19;
	v25 =	vnsel vm4, $0x0, v19;
	v26 =	vnsel vm5, $0x0, v19  }
0x3e: {  	v27 =	vnsel vm6, $0x0, v19;
	v28 =	vnsel vm7, $0x0, v19;
	v29 =	vnsel vm8, $0x0, v19  }
0x3f: {  	v31 =	vnsel vm9, $0x0, v19;
	v32 =	vnsel vm10, $0x0, v19;
	v34 =	vnsel vm11, $0x0, v19  }
0x40: {  	v33 =	vld.idx.msk [tilespmem:v1+s18+$0x80 ss:$0x1], $0xffff;
	v35 =	vnsel vm12, $0x0, v19;
	v36 =	vnsel vm13, $0x0, v19;
	vm14 =	veq.s32 v20, $0xE  }
0x41: {  	vm15 =	veq.s32 v20, $0xF;
	vm4 =	veq.s32 v20, $0x10;
	vm5 =	veq.s32 v30, $0x0  }
0x42: {  	vm6 =	veq.s32 v30, $0x1;
	vm7 =	veq.s32 v30, $0x2;
	vm8 =	veq.s32 v30, $0x3  }
0x43: {  	vm9 =	veq.s32 v30, $0x4;
	vm10 =	veq.s32 v30, $0x5;
	vm11 =	veq.s32 v30, $0x6  }
0x44: {  	vm12 =	veq.s32 v30, $0x7;
	vm13 =	veq.s32 v30, $0x8;
	v37 =	vnsel vm14, $0x0, v19  }
0x45: {  	v20 =	vnsel vm15, $0x0, v19;
	v19 =	vnsel vm4, $0x0, v19;
	v38 =	vnsel vm5, $0x0, v33  }
0x46: {  	v41 =	vld.idx.msk [tilespmem:v2+s18+$0xFFFFF900 ss:$0x1], $0xffff;
	v39 =	vnsel vm6, $0x0, v33;
	v40 =	vnsel vm7, $0x0, v33;
	v53 =	vnsel vm8, $0x0, v33  }
0x47: {  	v54 =	vnsel vm9, $0x0, v33;
	v55 =	vnsel vm10, $0x0, v33;
	v56 =	vnsel vm11, $0x0, v33  }
0x48: {  	v57 =	vnsel vm12, $0x0, v33;
	v58 =	vnsel vm13, $0x0, v33;
	vm14 =	veq.s32 v30, $0x9  }
0x49: {  	vm15 =	veq.s32 v30, $0xA;
	vm4 =	veq.s32 v30, $0xB;
	vm5 =	veq.s32 v30, $0xC  }
0x4a: {  	vm6 =	veq.s32 v30, $0xD;
	vm7 =	veq.s32 v30, $0xE;
	vm8 =	veq.s32 v30, $0xF  }
0x4b: {  	vm9 =	veq.s32 v30, $0x10;
	vm10 =	veq.s32 v41, $0x0;
	v21 =	vadd.f32 v38, v21  }
0x4c: {  	vm11 =	veq.s32 v41, $0x1;
	v22 =	vadd.f32 v39, v22;
	v23 =	vadd.f32 v40, v23  }
0x4d: {  	v42 =	vld.idx.msk [tilespmem:v1+s18+$0x100 ss:$0x1], $0xffff;
	vm12 =	veq.s32 v41, $0x2;
	v24 =	vadd.f32 v53, v24;
	v25 =	vadd.f32 v54, v25  }
0x4e: {  	vm13 =	veq.s32 v41, $0x3;
	v26 =	vadd.f32 v55, v26;
	v27 =	vadd.f32 v56, v27  }
0x4f: {  	v59 =	vnsel vm14, $0x0, v33;
	v28 =	vadd.f32 v57, v28;
	v60 =	vnsel vm15, $0x0, v33  }
0x50: {  	v29 =	vadd.f32 v58, v29;
	v61 =	vnsel vm4, $0x0, v33;
	v62 =	vnsel vm5, $0x0, v33  }
0x51: {  	v63 =	vnsel vm6, $0x0, v33;
	v44 =	vnsel vm7, $0x0, v33;
	v45 =	vnsel vm8, $0x0, v33  }
0x52: {  	v33 =	vnsel vm9, $0x0, v33;
	v48 =	vnsel vm10, $0x0, v42;
	v49 =	vnsel vm11, $0x0, v42  }
0x53: {  	v50 =	vnsel vm12, $0x0, v42;
	v51 =	vnsel vm13, $0x0, v42;
	vm14 =	veq.s32 v41, $0x4  }
0x54: {  	vm15 =	veq.s32 v41, $0x5;
	vm4 =	veq.s32 v41, $0x6;
	vm5 =	veq.s32 v41, $0x7  }
0x55: {  	vm6 =	veq.s32 v41, $0x8;
	vm7 =	veq.s32 v41, $0x9;
	vm8 =	veq.s32 v41, $0xA  }
0x56: {  	vm9 =	veq.s32 v41, $0xB;
	vm10 =	veq.s32 v41, $0xC;
	v31 =	vadd.f32 v59, v31  }
0x57: {  	vm11 =	veq.s32 v41, $0xD;
	v32 =	vadd.f32 v60, v32;
	v34 =	vadd.f32 v61, v34  }
0x58: {  	vm12 =	veq.s32 v41, $0xE;
	v35 =	vadd.f32 v62, v35;
	v46 =	vadd.f32 v63, v36  }
0x59: {  	vm13 =	veq.s32 v41, $0xF;
	v47 =	vadd.f32 v44, v37;
	v20 =	vadd.f32 v45, v20  }
0x5a: {  	v19 =	vadd.f32 v33, v19;
	v52 =	vnsel vm14, $0x0, v42;
	v53 =	vnsel vm15, $0x0, v42  }
0x5b: {  	v54 =	vnsel vm4, $0x0, v42;
	v55 =	vnsel vm5, $0x0, v42;
	v56 =	vnsel vm6, $0x0, v42  }
0x5c: {  	v57 =	vnsel vm7, $0x0, v42;
	v58 =	vnsel vm8, $0x0, v42;
	v21 =	vadd.f32 v48, v21  }
0x5d: {  	v59 =	vnsel vm9, $0x0, v42;
	v22 =	vadd.f32 v49, v22;
	v23 =	vadd.f32 v50, v23  }
0x5e: {  	v60 =	vnsel vm10, $0x0, v42;
	v24 =	vadd.f32 v51, v24;
	v25 =	vadd.f32 v52, v25  }
0x5f: {  	v39 =	vld.idx.msk [tilespmem:v2+s18+$0xFFFFF980 ss:$0x1], $0xffff;
	v62 =	vnsel vm11, $0x0, v42;
	v26 =	vadd.f32 v53, v26;
	v27 =	vadd.f32 v54, v27  }
0x60: {  	v63 =	vnsel vm12, $0x0, v42;
	v28 =	vadd.f32 v55, v28;
	v29 =	vadd.f32 v56, v29  }
0x61: {  	v43 =	vnsel vm13, $0x0, v42;
	v31 =	vadd.f32 v57, v31;
	v32 =	vadd.f32 v58, v32  }
0x62: {  	vm14 =	veq.s32 v41, $0x10;
	v33 =	vadd.f32 v59, v34;
	v35 =	vadd.f32 v60, v35  }
0x63: {  	v61 =	vld.idx.msk [tilespmem:v1+s18+$0x180 ss:$0x1], $0xffff;
	v44 =	vnsel vm14, $0x0, v42;
	v30 =	vadd.f32 v62, v46;
	v34 =	vadd.f32 v63, v47  }
0x64: {  	v20 =	vadd.f32 v43, v20;
	v19 =	vadd.f32 v44, v19;
	vm15 =	veq.s32 v39, $0x0  }
0x65: {  	vm4 =	veq.s32 v39, $0x1;
	vm5 =	veq.s32 v39, $0x2;
	vm6 =	veq.s32 v39, $0x3  }
0x66: {  	vm7 =	veq.s32 v39, $0x4;
	vm8 =	veq.s32 v39, $0x5;
	vm9 =	veq.s32 v39, $0x6  }
0x67: {  	vm10 =	veq.s32 v39, $0x7;
	vm11 =	veq.s32 v39, $0x8;
	vm12 =	veq.s32 v39, $0x9  }
0x68: {  	vm13 =	veq.s32 v39, $0xA;
	vm14 =	veq.s32 v39, $0xB;
	v45 =	vnsel vm15, $0x0, v61  }
0x69: {  	v41 =	vld.idx.msk [tilespmem:v2+s18+$0xFFFFFA00 ss:$0x1], $0xffff;
	v46 =	vnsel vm4, $0x0, v61;
	v47 =	vnsel vm5, $0x0, v61;
	v48 =	vnsel vm6, $0x0, v61  }
0x6a: {  	v49 =	vnsel vm7, $0x0, v61;
	v50 =	vnsel vm8, $0x0, v61;
	v51 =	vnsel vm9, $0x0, v61  }
0x6b: {  	v52 =	vnsel vm10, $0x0, v61;
	v53 =	vnsel vm11, $0x0, v61;
	v54 =	vnsel vm12, $0x0, v61  }
0x6c: {  	v55 =	vnsel vm13, $0x0, v61;
	v56 =	vnsel vm14, $0x0, v61;
	vm15 =	veq.s32 v39, $0xC  }
0x6d: {  	vm4 =	veq.s32 v39, $0xD;
	vm5 =	veq.s32 v39, $0xE;
	vm6 =	veq.s32 v39, $0xF  }
0x6e: {  	vm7 =	veq.s32 v39, $0x10;
	vm8 =	veq.s32 v41, $0x0;
	vm9 =	veq.s32 v41, $0x1  }
0x6f: {  	vm10 =	veq.s32 v41, $0x2;
	v21 =	vadd.f32 v45, v21;
	v22 =	vadd.f32 v46, v22  }
0x70: {  	vm11 =	veq.s32 v41, $0x3;
	v23 =	vadd.f32 v47, v23;
	v24 =	vadd.f32 v48, v24  }
0x71: {  	v42 =	vld.idx.msk [tilespmem:v1+s18+$0x200 ss:$0x1], $0xffff;
	vm12 =	veq.s32 v41, $0x4;
	v25 =	vadd.f32 v49, v25;
	v26 =	vadd.f32 v50, v26  }
0x72: {  	vm13 =	veq.s32 v41, $0x5;
	v27 =	vadd.f32 v51, v27;
	v28 =	vadd.f32 v52, v28  }
0x73: {  	vm14 =	veq.s32 v41, $0x6;
	v29 =	vadd.f32 v53, v29;
	v31 =	vadd.f32 v54, v31  }
0x74: {  	v57 =	vnsel vm15, $0x0, v61;
	v32 =	vadd.f32 v55, v32;
	v58 =	vnsel vm4, $0x0, v61  }
0x75: {  	v33 =	vadd.f32 v56, v33;
	v59 =	vnsel vm5, $0x0, v61;
	v60 =	vnsel vm6, $0x0, v61  }
0x76: {  	v61 =	vnsel vm7, $0x0, v61;
	v62 =	vnsel vm8, $0x0, v42;
	v63 =	vnsel vm9, $0x0, v42  }
0x77: {  	v40 =	vnsel vm10, $0x0, v42;
	v43 =	vnsel vm11, $0x0, v42;
	v44 =	vnsel vm12, $0x0, v42  }
0x78: {  	v45 =	vnsel vm13, $0x0, v42;
	v46 =	vnsel vm14, $0x0, v42;
	vm15 =	veq.s32 v41, $0x7  }
0x79: {  	vm4 =	veq.s32 v41, $0x8;
	vm5 =	veq.s32 v41, $0x9;
	vm6 =	veq.s32 v41, $0xA  }
0x7a: {  	vm7 =	veq.s32 v41, $0xB;
	vm8 =	veq.s32 v41, $0xC;
	vm9 =	veq.s32 v41, $0xD  }
0x7b: {  	vm10 =	veq.s32 v41, $0xE;
	vm11 =	veq.s32 v41, $0xF;
	v35 =	vadd.f32 v57, v35  }
0x7c: {  	vm12 =	veq.s32 v41, $0x10;
	v30 =	vadd.f32 v58, v30;
	v34 =	vadd.f32 v59, v34  }
0x7d: {  	v20 =	vadd.f32 v60, v20;
	v19 =	vadd.f32 v61, v19;
	v47 =	vnsel vm15, $0x0, v42  }
0x7e: {  	v48 =	vnsel vm4, $0x0, v42;
	v49 =	vnsel vm5, $0x0, v42;
	v21 =	vadd.f32 v62, v21  }
0x7f: {  	v50 =	vnsel vm6, $0x0, v42;
	v22 =	vadd.f32 v63, v22;
	v23 =	vadd.f32 v40, v23  }
0x80: {  	v51 =	vnsel vm7, $0x0, v42;
	v24 =	vadd.f32 v43, v24;
	v25 =	vadd.f32 v44, v25  }
0x81: {  	v52 =	vld.idx.msk [tilespmem:v2+s18+$0xFFFFFA80 ss:$0x1], $0xffff;
	v53 =	vnsel vm8, $0x0, v42;
	v26 =	vadd.f32 v45, v26;
	v27 =	vadd.f32 v46, v27  }
0x82: {  	v55 =	vnsel vm9, $0x0, v42;
	v28 =	vadd.f32 v47, v28;
	v29 =	vadd.f32 v48, v29  }
0x83: {  	v56 =	vnsel vm10, $0x0, v42;
	v31 =	vadd.f32 v49, v31;
	v32 =	vadd.f32 v50, v32  }
0x84: {  	v57 =	vnsel vm11, $0x0, v42;
	v33 =	vadd.f32 v51, v33;
	v35 =	vadd.f32 v53, v35  }
0x85: {  	v54 =	vld.idx.msk [tilespmem:v1+s18+$0x280 ss:$0x1], $0xffff;
	v58 =	vnsel vm12, $0x0, v42;
	v30 =	vadd.f32 v55, v30;
	v34 =	vadd.f32 v56, v34  }
0x86: {  	v20 =	vadd.f32 v57, v20;
	v19 =	vadd.f32 v58, v19;
	vm13 =	veq.s32 v52, $0x0  }
0x87: {  	vm14 =	veq.s32 v52, $0x1;
	vm15 =	veq.s32 v52, $0x2;
	vm4 =	veq.s32 v52, $0x3  }
0x88: {  	vm5 =	veq.s32 v52, $0x4;
	vm6 =	veq.s32 v52, $0x5;
	vm7 =	veq.s32 v52, $0x6  }
0x89: {  	vm8 =	veq.s32 v52, $0x7;
	vm9 =	veq.s32 v52, $0x8;
	vm10 =	veq.s32 v52, $0x9  }
0x8a: {  	vm11 =	veq.s32 v52, $0xA;
	vm12 =	veq.s32 v52, $0xB;
	v59 =	vnsel vm13, $0x0, v54  }
0x8b: {  	v60 =	vnsel vm14, $0x0, v54;
	v61 =	vnsel vm15, $0x0, v54;
	v62 =	vnsel vm4, $0x0, v54  }
0x8c: {  	v63 =	vnsel vm5, $0x0, v54;
	v41 =	vnsel vm6, $0x0, v54;
	v42 =	vnsel vm7, $0x0, v54  }
0x8d: {  	v43 =	vnsel vm8, $0x0, v54;
	v44 =	vnsel vm9, $0x0, v54;
	v45 =	vnsel vm10, $0x0, v54  }
0x8e: {  	v46 =	vnsel vm11, $0x0, v54;
	v47 =	vnsel vm12, $0x0, v54;
	vm13 =	veq.s32 v52, $0xC  }
0x8f: {  	vm14 =	veq.s32 v52, $0xD;
	v21 =	vadd.f32 v59, v21;
	v22 =	vadd.f32 v60, v22  }
0x90: {  	vm15 =	veq.s32 v52, $0xE;
	v23 =	vadd.f32 v61, v23;
	v24 =	vadd.f32 v62, v24  }
0x91: {  	vm4 =	veq.s32 v52, $0xF;
	v25 =	vadd.f32 v63, v25;
	v26 =	vadd.f32 v41, v26  }
0x92: {  	vm5 =	veq.s32 v52, $0x10;
	v27 =	vadd.f32 v42, v27;
	v28 =	vadd.f32 v43, v28;
	v41 =	vld.idx.msk [tilespmem:v2+s18+$0xFFFFFB00 ss:$0x1], $0xffff  }
0x93: {  	v29 =	vadd.f32 v44, v29;
	v31 =	vadd.f32 v45, v31;
	v48 =	vnsel vm13, $0x0, v54  }
0x94: {  	v32 =	vadd.f32 v46, v32;
	v49 =	vnsel vm14, $0x0, v54;
	v33 =	vadd.f32 v47, v33  }
0x95: {  	v50 =	vnsel vm15, $0x0, v54;
	v51 =	vnsel vm4, $0x0, v54;
	v35 =	vadd.f32 v48, v35  }
0x96: {  	v42 =	vld.idx.msk [tilespmem:v1+s18+$0x300 ss:$0x1], $0xffff;
	v52 =	vnsel vm5, $0x0, v54;
	v30 =	vadd.f32 v49, v30;
	v34 =	vadd.f32 v50, v34  }
0x97: {  	v20 =	vadd.f32 v51, v20;
	v19 =	vadd.f32 v52, v19;
	vm6 =	veq.s32 v41, $0x0  }
0x98: {  	vm7 =	veq.s32 v41, $0x1;
	vm8 =	veq.s32 v41, $0x2;
	vm9 =	veq.s32 v41, $0x3  }
0x99: {  	vm10 =	veq.s32 v41, $0x4;
	vm11 =	veq.s32 v41, $0x5;
	vm12 =	veq.s32 v41, $0x6  }
0x9a: {  	vm13 =	veq.s32 v41, $0x7;
	vm14 =	veq.s32 v41, $0x8;
	vm15 =	veq.s32 v41, $0x9  }
0x9b: {  	vm4 =	veq.s32 v41, $0xA;
	vm5 =	veq.s32 v41, $0xB;
	v53 =	vnsel vm6, $0x0, v42  }
0x9c: {  	v39 =	vld.idx.msk [tilespmem:v2+s18+$0xFFFFFB80 ss:$0x1], $0xffff;
	v54 =	vnsel vm7, $0x0, v42;
	v55 =	vnsel vm8, $0x0, v42;
	v56 =	vnsel vm9, $0x0, v42  }
0x9d: {  	v57 =	vnsel vm10, $0x0, v42;
	v58 =	vnsel vm11, $0x0, v42;
	v59 =	vnsel vm12, $0x0, v42  }
0x9e: {  	v60 =	vnsel vm13, $0x0, v42;
	v61 =	vnsel vm14, $0x0, v42;
	v62 =	vnsel vm15, $0x0, v42  }
0x9f: {  	v63 =	vnsel vm4, $0x0, v42;
	v44 =	vnsel vm5, $0x0, v42;
	vm6 =	veq.s32 v41, $0xC  }
0xa0: {  	vm7 =	veq.s32 v41, $0xD;
	vm8 =	veq.s32 v41, $0xE;
	vm9 =	veq.s32 v41, $0xF  }
0xa1: {  	vm10 =	veq.s32 v41, $0x10;
	vm11 =	veq.s32 v39, $0x0;
	vm12 =	veq.s32 v39, $0x1  }
0xa2: {  	vm13 =	veq.s32 v39, $0x2;
	v21 =	vadd.f32 v53, v21;
	v22 =	vadd.f32 v54, v22  }
0xa3: {  	vm14 =	veq.s32 v39, $0x3;
	v23 =	vadd.f32 v55, v23;
	v24 =	vadd.f32 v56, v24  }
0xa4: {  	v46 =	vld.idx.msk [tilespmem:v1+s18+$0x380 ss:$0x1], $0xffff;
	vm15 =	veq.s32 v39, $0x4;
	v25 =	vadd.f32 v57, v25;
	v26 =	vadd.f32 v58, v26  }
0xa5: {  	vm4 =	veq.s32 v39, $0x5;
	v27 =	vadd.f32 v59, v27;
	v28 =	vadd.f32 v60, v28  }
0xa6: {  	vm5 =	veq.s32 v39, $0x6;
	v29 =	vadd.f32 v61, v29;
	v31 =	vadd.f32 v62, v31  }
0xa7: {  	v45 =	vnsel vm6, $0x0, v42;
	v32 =	vadd.f32 v63, v32;
	v47 =	vnsel vm7, $0x0, v42  }
0xa8: {  	v33 =	vadd.f32 v44, v33;
	v48 =	vnsel vm8, $0x0, v42;
	v49 =	vnsel vm9, $0x0, v42  }
0xa9: {  	v50 =	vnsel vm10, $0x0, v42;
	v51 =	vnsel vm11, $0x0, v46;
	v52 =	vnsel vm12, $0x0, v46  }
0xaa: {  	v53 =	vnsel vm13, $0x0, v46;
	v54 =	vnsel vm14, $0x0, v46;
	v55 =	vnsel vm15, $0x0, v46  }
0xab: {  	v56 =	vnsel vm4, $0x0, v46;
	v57 =	vnsel vm5, $0x0, v46;
	vm6 =	veq.s32 v39, $0x7  }
0xac: {  	vm7 =	veq.s32 v39, $0x8;
	vm8 =	veq.s32 v39, $0x9;
	vm9 =	veq.s32 v39, $0xA  }
0xad: {  	vm10 =	veq.s32 v39, $0xB;
	vm11 =	veq.s32 v39, $0xC;
	vm12 =	veq.s32 v39, $0xD  }
0xae: {  	vm13 =	veq.s32 v39, $0xE;
	vm14 =	veq.s32 v39, $0xF;
	v35 =	vadd.f32 v45, v35  }
0xaf: {  	vm15 =	veq.s32 v39, $0x10;
	v30 =	vadd.f32 v47, v30;
	v34 =	vadd.f32 v48, v34  }
0xb0: {  	v20 =	vadd.f32 v49, v20;
	v19 =	vadd.f32 v50, v19;
	v58 =	vnsel vm6, $0x0, v46  }
0xb1: {  	v59 =	vnsel vm7, $0x0, v46;
	v60 =	vnsel vm8, $0x0, v46;
	v21 =	vadd.f32 v51, v21  }
0xb2: {  	v61 =	vnsel vm9, $0x0, v46;
	v22 =	vadd.f32 v52, v22;
	v23 =	vadd.f32 v53, v23  }
0xb3: {  	v62 =	vnsel vm10, $0x0, v46;
	v24 =	vadd.f32 v54, v24;
	v25 =	vadd.f32 v55, v25  }
0xb4: {  	v41 =	vld.idx.msk [tilespmem:v2+s18+$0xFFFFFC00 ss:$0x1], $0xffff;
	v63 =	vnsel vm11, $0x0, v46;
	v26 =	vadd.f32 v56, v26;
	v27 =	vadd.f32 v57, v27  }
0xb5: {  	v43 =	vnsel vm12, $0x0, v46;
	v28 =	vadd.f32 v58, v28;
	v29 =	vadd.f32 v59, v29  }
0xb6: {  	v44 =	vnsel vm13, $0x0, v46;
	v31 =	vadd.f32 v60, v31;
	v32 =	vadd.f32 v61, v32  }
0xb7: {  	v45 =	vnsel vm14, $0x0, v46;
	v33 =	vadd.f32 v62, v33;
	v35 =	vadd.f32 v63, v35  }
0xb8: {  	v42 =	vld.idx.msk [tilespmem:v1+s18+$0x400 ss:$0x1], $0xffff;
	v46 =	vnsel vm15, $0x0, v46;
	v30 =	vadd.f32 v43, v30;
	v34 =	vadd.f32 v44, v34  }
0xb9: {  	v20 =	vadd.f32 v45, v20;
	v19 =	vadd.f32 v46, v19;
	vm4 =	veq.s32 v41, $0x0  }
0xba: {  	vm5 =	veq.s32 v41, $0x1;
	vm6 =	veq.s32 v41, $0x2;
	vm7 =	veq.s32 v41, $0x3  }
0xbb: {  	vm8 =	veq.s32 v41, $0x4;
	vm9 =	veq.s32 v41, $0x5;
	vm10 =	veq.s32 v41, $0x6  }
0xbc: {  	vm11 =	veq.s32 v41, $0x7;
	vm12 =	veq.s32 v41, $0x8;
	vm13 =	veq.s32 v41, $0x9  }
0xbd: {  	vm14 =	veq.s32 v41, $0xA;
	vm15 =	veq.s32 v41, $0xB;
	v47 =	vnsel vm4, $0x0, v42  }
0xbe: {  	v39 =	vld.idx.msk [tilespmem:v2+s18+$0xFFFFFC80 ss:$0x1], $0xffff;
	v48 =	vnsel vm5, $0x0, v42;
	v49 =	vnsel vm6, $0x0, v42;
	v50 =	vnsel vm7, $0x0, v42  }
0xbf: {  	v51 =	vnsel vm8, $0x0, v42;
	v52 =	vnsel vm9, $0x0, v42;
	v53 =	vnsel vm10, $0x0, v42  }
0xc0: {  	v54 =	vnsel vm11, $0x0, v42;
	v55 =	vnsel vm12, $0x0, v42;
	v56 =	vnsel vm13, $0x0, v42  }
0xc1: {  	v57 =	vnsel vm14, $0x0, v42;
	v58 =	vnsel vm15, $0x0, v42;
	vm4 =	veq.s32 v41, $0xC  }
0xc2: {  	vm5 =	veq.s32 v41, $0xD;
	vm6 =	veq.s32 v41, $0xE;
	vm7 =	veq.s32 v41, $0xF  }
0xc3: {  	vm8 =	veq.s32 v41, $0x10;
	vm9 =	veq.s32 v39, $0x0;
	vm10 =	veq.s32 v39, $0x1  }
0xc4: {  	vm11 =	veq.s32 v39, $0x2;
	v21 =	vadd.f32 v47, v21;
	v22 =	vadd.f32 v48, v22  }
0xc5: {  	vm12 =	veq.s32 v39, $0x3;
	v23 =	vadd.f32 v49, v23;
	v24 =	vadd.f32 v50, v24  }
0xc6: {  	vm13 =	veq.s32 v39, $0x4;
	v25 =	vadd.f32 v51, v25;
	v26 =	vadd.f32 v52, v26  }
0xc7: {  	vm14 =	veq.s32 v39, $0x5;
	v27 =	vadd.f32 v53, v27;
	v28 =	vadd.f32 v54, v28  }
0xc8: {  	vm15 =	veq.s32 v39, $0x6;
	v29 =	vadd.f32 v55, v29;
	v31 =	vadd.f32 v56, v31  }
0xc9: {  	v60 =	vld.idx.msk [tilespmem:v1+s18+$0x480 ss:$0x1], $0xffff;
	v59 =	vnsel vm4, $0x0, v42;
	v32 =	vadd.f32 v57, v32;
	v61 =	vnsel vm5, $0x0, v42  }
0xca: {  	v33 =	vadd.f32 v58, v33;
	v62 =	vnsel vm6, $0x0, v42;
	v63 =	vnsel vm7, $0x0, v42  }
0xcb: {  	v43 =	vnsel vm8, $0x0, v42;
	vm4 =	veq.s32 v39, $0x7;
	vm5 =	veq.s32 v39, $0x8  }
0xcc: {  	vm6 =	veq.s32 v39, $0x9;
	vm7 =	veq.s32 v39, $0xA;
	v35 =	vadd.f32 v59, v35  }
0xcd: {  	vm8 =	veq.s32 v39, $0xB;
	v30 =	vadd.f32 v61, v30;
	v34 =	vadd.f32 v62, v34  }
0xce: {  	v44 =	vnsel vm9, $0x0, v60;
	v20 =	vadd.f32 v63, v20;
	v45 =	vnsel vm10, $0x0, v60  }
0xcf: {  	v19 =	vadd.f32 v43, v19;
	v46 =	vnsel vm11, $0x0, v60;
	v47 =	vnsel vm12, $0x0, v60  }
0xd0: {  	v48 =	vnsel vm13, $0x0, v60;
	v49 =	vnsel vm14, $0x0, v60;
	v50 =	vnsel vm15, $0x0, v60  }
0xd1: {  	v51 =	vnsel vm4, $0x0, v60;
	v52 =	vnsel vm5, $0x0, v60;
	v53 =	vnsel vm6, $0x0, v60  }
0xd2: {  	v54 =	vnsel vm7, $0x0, v60;
	v55 =	vnsel vm8, $0x0, v60;
	vm9 =	veq.s32 v39, $0xC  }
0xd3: {  	vm10 =	veq.s32 v39, $0xD;
	v21 =	vadd.f32 v44, v21;
	v22 =	vadd.f32 v45, v22  }
0xd4: {  	vm11 =	veq.s32 v39, $0xE;
	v23 =	vadd.f32 v46, v23;
	v24 =	vadd.f32 v47, v24  }
0xd5: {  	vm12 =	veq.s32 v39, $0xF;
	v25 =	vadd.f32 v48, v25;
	v26 =	vadd.f32 v49, v26  }
0xd6: {  	v41 =	vld.idx.msk [tilespmem:v2+s18+$0xFFFFFD00 ss:$0x1], $0xffff;
	vm13 =	veq.s32 v39, $0x10;
	v27 =	vadd.f32 v50, v27;
	v28 =	vadd.f32 v51, v28  }
0xd7: {  	v29 =	vadd.f32 v52, v29;
	v31 =	vadd.f32 v53, v31;
	v56 =	vnsel vm9, $0x0, v60  }
0xd8: {  	v32 =	vadd.f32 v54, v32;
	v57 =	vnsel vm10, $0x0, v60;
	v33 =	vadd.f32 v55, v33  }
0xd9: {  	v58 =	vnsel vm11, $0x0, v60;
	v59 =	vnsel vm12, $0x0, v60;
	v35 =	vadd.f32 v56, v35  }
0xda: {  	v42 =	vld.idx.msk [tilespmem:v1+s18+$0x500 ss:$0x1], $0xffff;
	v60 =	vnsel vm13, $0x0, v60;
	v30 =	vadd.f32 v57, v30;
	v34 =	vadd.f32 v58, v34  }
0xdb: {  	v20 =	vadd.f32 v59, v20;
	v19 =	vadd.f32 v60, v19;
	vm14 =	veq.s32 v41, $0x0  }
0xdc: {  	vm15 =	veq.s32 v41, $0x1;
	vm4 =	veq.s32 v41, $0x2;
	vm5 =	veq.s32 v41, $0x3  }
0xdd: {  	vm6 =	veq.s32 v41, $0x4;
	vm7 =	veq.s32 v41, $0x5;
	vm8 =	veq.s32 v41, $0x6  }
0xde: {  	vm9 =	veq.s32 v41, $0x7;
	vm10 =	veq.s32 v41, $0x8;
	vm11 =	veq.s32 v41, $0x9  }
0xdf: {  	vm12 =	veq.s32 v41, $0xA;
	vm13 =	veq.s32 v41, $0xB;
	v61 =	vnsel vm14, $0x0, v42  }
0xe0: {  	v62 =	vnsel vm15, $0x0, v42;
	v63 =	vnsel vm4, $0x0, v42;
	v40 =	vnsel vm5, $0x0, v42  }
0xe1: {  	v43 =	vnsel vm6, $0x0, v42;
	v44 =	vnsel vm7, $0x0, v42;
	v45 =	vnsel vm8, $0x0, v42  }
0xe2: {  	v46 =	vnsel vm9, $0x0, v42;
	v47 =	vnsel vm10, $0x0, v42;
	v48 =	vnsel vm11, $0x0, v42  }
0xe3: {  	v49 =	vnsel vm12, $0x0, v42;
	v50 =	vnsel vm13, $0x0, v42;
	vm14 =	veq.s32 v41, $0xC  }
0xe4: {  	vm15 =	veq.s32 v41, $0xD;
	v21 =	vadd.f32 v61, v21;
	v22 =	vadd.f32 v62, v22  }
0xe5: {  	vm4 =	veq.s32 v41, $0xE;
	v23 =	vadd.f32 v63, v23;
	v24 =	vadd.f32 v40, v24  }
0xe6: {  	v51 =	vld.idx.msk [tilespmem:v2+s18+$0xFFFFFD80 ss:$0x1], $0xffff;
	vm5 =	veq.s32 v41, $0xF;
	v25 =	vadd.f32 v43, v25;
	v26 =	vadd.f32 v44, v26  }
0xe7: {  	vm6 =	veq.s32 v41, $0x10;
	v27 =	vadd.f32 v45, v27;
	v28 =	vadd.f32 v46, v28  }
0xe8: {  	v29 =	vadd.f32 v47, v29;
	v31 =	vadd.f32 v48, v31;
	v52 =	vnsel vm14, $0x0, v42  }
0xe9: {  	v32 =	vadd.f32 v49, v32;
	v54 =	vnsel vm15, $0x0, v42;
	v33 =	vadd.f32 v50, v33  }
0xea: {  	v55 =	vnsel vm4, $0x0, v42;
	v56 =	vnsel vm5, $0x0, v42;
	v57 =	vnsel vm6, $0x0, v42  }
0xeb: {  	v53 =	vld.idx.msk [tilespmem:v1+s18+$0x580 ss:$0x1], $0xffff;
	v35 =	vadd.f32 v52, v35;
	v30 =	vadd.f32 v54, v30;
	vm7 =	veq.s32 v51, $0x0  }
0xec: {  	v34 =	vadd.f32 v55, v34;
	vm8 =	veq.s32 v51, $0x1;
	v20 =	vadd.f32 v56, v20  }
0xed: {  	vm9 =	veq.s32 v51, $0x2;
	v19 =	vadd.f32 v57, v19;
	vm10 =	veq.s32 v51, $0x3  }
0xee: {  	vm11 =	veq.s32 v51, $0x4;
	vm12 =	veq.s32 v51, $0x5;
	vm13 =	veq.s32 v51, $0x6  }
0xef: {  	vm14 =	veq.s32 v51, $0x7;
	vm15 =	veq.s32 v51, $0x8;
	vm4 =	veq.s32 v51, $0x9  }
0xf0: {  	vm5 =	veq.s32 v51, $0xA;
	vm6 =	veq.s32 v51, $0xB;
	v58 =	vnsel vm7, $0x0, v53  }
0xf1: {  	v59 =	vnsel vm8, $0x0, v53;
	v60 =	vnsel vm9, $0x0, v53;
	v61 =	vnsel vm10, $0x0, v53  }
0xf2: {  	v62 =	vnsel vm11, $0x0, v53;
	v63 =	vnsel vm12, $0x0, v53;
	v41 =	vnsel vm13, $0x0, v53  }
0xf3: {  	v42 =	vnsel vm14, $0x0, v53;
	v43 =	vnsel vm15, $0x0, v53;
	v44 =	vnsel vm4, $0x0, v53  }
0xf4: {  	v45 =	vnsel vm5, $0x0, v53;
	v46 =	vnsel vm6, $0x0, v53;
	vm7 =	veq.s32 v51, $0xC  }
0xf5: {  	vm8 =	veq.s32 v51, $0xD;
	v21 =	vadd.f32 v58, v21;
	v22 =	vadd.f32 v59, v22  }
0xf6: {  	vm9 =	veq.s32 v51, $0xE;
	v23 =	vadd.f32 v60, v23;
	v24 =	vadd.f32 v61, v24  }
0xf7: {  	vm10 =	veq.s32 v51, $0xF;
	v25 =	vadd.f32 v62, v25;
	v26 =	vadd.f32 v63, v26  }
0xf8: {  	vm11 =	veq.s32 v51, $0x10;
	v27 =	vadd.f32 v41, v27;
	v28 =	vadd.f32 v42, v28;
	v41 =	vld.idx.msk [tilespmem:v2+s18+$0xFFFFFE00 ss:$0x1], $0xffff  }
0xf9: {  	v29 =	vadd.f32 v43, v29;
	v31 =	vadd.f32 v44, v31;
	v47 =	vnsel vm7, $0x0, v53  }
0xfa: {  	v32 =	vadd.f32 v45, v32;
	v48 =	vnsel vm8, $0x0, v53;
	v33 =	vadd.f32 v46, v33  }
0xfb: {  	v49 =	vnsel vm9, $0x0, v53;
	v50 =	vnsel vm10, $0x0, v53;
	v35 =	vadd.f32 v47, v35  }
0xfc: {  	v42 =	vld.idx.msk [tilespmem:v1+s18+$0x600 ss:$0x1], $0xffff;
	v51 =	vnsel vm11, $0x0, v53;
	v30 =	vadd.f32 v48, v30;
	v34 =	vadd.f32 v49, v34  }
0xfd: {  	v20 =	vadd.f32 v50, v20;
	v19 =	vadd.f32 v51, v19;
	vm12 =	veq.s32 v41, $0x0  }
0xfe: {  	vm13 =	veq.s32 v41, $0x1;
	vm14 =	veq.s32 v41, $0x2;
	vm15 =	veq.s32 v41, $0x3  }
0xff: {  	vm4 =	veq.s32 v41, $0x4;
	vm5 =	veq.s32 v41, $0x5;
	vm6 =	veq.s32 v41, $0x6  }
0x100: {  	vm7 =	veq.s32 v41, $0x7;
	vm8 =	veq.s32 v41, $0x8;
	vm9 =	veq.s32 v41, $0x9  }
0x101: {  	vm10 =	veq.s32 v41, $0xA;
	vm11 =	veq.s32 v41, $0xB;
	v52 =	vnsel vm12, $0x0, v42  }
0x102: {  	v39 =	vld.idx.msk [tilespmem:v2+s18+$0xFFFFFE80 ss:$0x1], $0xffff;
	v53 =	vnsel vm13, $0x0, v42;
	v54 =	vnsel vm14, $0x0, v42;
	v55 =	vnsel vm15, $0x0, v42  }
0x103: {  	v56 =	vnsel vm4, $0x0, v42;
	v57 =	vnsel vm5, $0x0, v42;
	v58 =	vnsel vm6, $0x0, v42  }
0x104: {  	v59 =	vnsel vm7, $0x0, v42;
	v60 =	vnsel vm8, $0x0, v42;
	v61 =	vnsel vm9, $0x0, v42  }
0x105: {  	v62 =	vnsel vm10, $0x0, v42;
	v63 =	vnsel vm11, $0x0, v42;
	vm12 =	veq.s32 v41, $0xC  }
0x106: {  	vm13 =	veq.s32 v41, $0xD;
	vm14 =	veq.s32 v41, $0xE;
	vm15 =	veq.s32 v41, $0xF  }
0x107: {  	vm4 =	veq.s32 v41, $0x10;
	vm5 =	veq.s32 v39, $0x0;
	vm6 =	veq.s32 v39, $0x1  }
0x108: {  	vm7 =	veq.s32 v39, $0x2;
	v21 =	vadd.f32 v52, v21;
	v22 =	vadd.f32 v53, v22  }
0x109: {  	vm8 =	veq.s32 v39, $0x3;
	v23 =	vadd.f32 v54, v23;
	v24 =	vadd.f32 v55, v24  }
0x10a: {  	v40 =	vld.idx.msk [tilespmem:v1+s18+$0x680 ss:$0x1], $0xffff;
	vm9 =	veq.s32 v39, $0x4;
	v25 =	vadd.f32 v56, v25;
	v26 =	vadd.f32 v57, v26  }
0x10b: {  	vm10 =	veq.s32 v39, $0x5;
	v27 =	vadd.f32 v58, v27;
	v28 =	vadd.f32 v59, v28  }
0x10c: {  	vm11 =	veq.s32 v39, $0x6;
	v29 =	vadd.f32 v60, v29;
	v31 =	vadd.f32 v61, v31  }
0x10d: {  	v44 =	vnsel vm12, $0x0, v42;
	v32 =	vadd.f32 v62, v32;
	v45 =	vnsel vm13, $0x0, v42  }
0x10e: {  	v33 =	vadd.f32 v63, v33;
	v46 =	vnsel vm14, $0x0, v42;
	v47 =	vnsel vm15, $0x0, v42  }
0x10f: {  	v48 =	vnsel vm4, $0x0, v42;
	v49 =	vnsel vm5, $0x0, v40;
	v50 =	vnsel vm6, $0x0, v40  }
0x110: {  	v51 =	vnsel vm7, $0x0, v40;
	v52 =	vnsel vm8, $0x0, v40;
	v53 =	vnsel vm9, $0x0, v40  }
0x111: {  	v54 =	vnsel vm10, $0x0, v40;
	v55 =	vnsel vm11, $0x0, v40;
	vm12 =	veq.s32 v39, $0x7  }
0x112: {  	vm13 =	veq.s32 v39, $0x8;
	vm14 =	veq.s32 v39, $0x9;
	vm15 =	veq.s32 v39, $0xA  }
0x113: {  	vm4 =	veq.s32 v39, $0xB;
	vm5 =	veq.s32 v39, $0xC;
	vm6 =	veq.s32 v39, $0xD  }
0x114: {  	vm7 =	veq.s32 v39, $0xE;
	vm8 =	veq.s32 v39, $0xF;
	v35 =	vadd.f32 v44, v35  }
0x115: {  	vm9 =	veq.s32 v39, $0x10;
	v30 =	vadd.f32 v45, v30;
	v34 =	vadd.f32 v46, v34  }
0x116: {  	v20 =	vadd.f32 v47, v20;
	v19 =	vadd.f32 v48, v19;
	v56 =	vnsel vm12, $0x0, v40  }
0x117: {  	v57 =	vnsel vm13, $0x0, v40;
	v58 =	vnsel vm14, $0x0, v40;
	v21 =	vadd.f32 v49, v21  }
0x118: {  	v59 =	vnsel vm15, $0x0, v40;
	v22 =	vadd.f32 v50, v22;
	v23 =	vadd.f32 v51, v23  }
0x119: {  	v60 =	vnsel vm4, $0x0, v40;
	v24 =	vadd.f32 v52, v24;
	v25 =	vadd.f32 v53, v25  }
0x11a: {  	v41 =	vld.idx.msk [tilespmem:v2+s18+$0xFFFFFF00 ss:$0x1], $0xffff;
	v61 =	vnsel vm5, $0x0, v40;
	v26 =	vadd.f32 v54, v26;
	v27 =	vadd.f32 v55, v27  }
0x11b: {  	v62 =	vnsel vm6, $0x0, v40;
	v28 =	vadd.f32 v56, v28;
	v29 =	vadd.f32 v57, v29  }
0x11c: {  	v63 =	vnsel vm7, $0x0, v40;
	v31 =	vadd.f32 v58, v31;
	v32 =	vadd.f32 v59, v32  }
0x11d: {  	v43 =	vnsel vm8, $0x0, v40;
	v33 =	vadd.f32 v60, v33;
	v35 =	vadd.f32 v61, v35  }
0x11e: {  	v42 =	vld.idx.msk [tilespmem:v1+s18+$0x700 ss:$0x1], $0xffff;
	v44 =	vnsel vm9, $0x0, v40;
	v30 =	vadd.f32 v62, v30;
	v34 =	vadd.f32 v63, v34  }
0x11f: {  	v20 =	vadd.f32 v43, v20;
	v19 =	vadd.f32 v44, v19;
	vm10 =	veq.s32 v41, $0x0  }
0x120: {  	vm11 =	veq.s32 v41, $0x1;
	vm12 =	veq.s32 v41, $0x2;
	vm13 =	veq.s32 v41, $0x3  }
0x121: {  	vm14 =	veq.s32 v41, $0x4;
	vm15 =	veq.s32 v41, $0x5;
	vm4 =	veq.s32 v41, $0x6  }
0x122: {  	vm5 =	veq.s32 v41, $0x7;
	vm6 =	veq.s32 v41, $0x8;
	vm7 =	veq.s32 v41, $0x9  }
0x123: {  	vm8 =	veq.s32 v41, $0xA;
	vm9 =	veq.s32 v41, $0xB;
	v45 =	vnsel vm10, $0x0, v42  }
0x124: {  	v39 =	vld.idx.msk [tilespmem:v2+s18+$0xFFFFFF80 ss:$0x1], $0xffff;
	v46 =	vnsel vm11, $0x0, v42;
	v47 =	vnsel vm12, $0x0, v42;
	v48 =	vnsel vm13, $0x0, v42  }
0x125: {  	v49 =	vnsel vm14, $0x0, v42;
	v50 =	vnsel vm15, $0x0, v42;
	v51 =	vnsel vm4, $0x0, v42  }
0x126: {  	v52 =	vnsel vm5, $0x0, v42;
	v53 =	vnsel vm6, $0x0, v42;
	v54 =	vnsel vm7, $0x0, v42  }
0x127: {  	v55 =	vnsel vm8, $0x0, v42;
	v56 =	vnsel vm9, $0x0, v42;
	vm10 =	veq.s32 v41, $0xC  }
0x128: {  	vm11 =	veq.s32 v41, $0xD;
	vm12 =	veq.s32 v41, $0xE;
	vm13 =	veq.s32 v41, $0xF  }
0x129: {  	vm14 =	veq.s32 v41, $0x10;
	vm15 =	veq.s32 v39, $0x0;
	vm4 =	veq.s32 v39, $0x1  }
0x12a: {  	vm5 =	veq.s32 v39, $0x2;
	v21 =	vadd.f32 v45, v21;
	v22 =	vadd.f32 v46, v22  }
0x12b: {  	vm6 =	veq.s32 v39, $0x3;
	v23 =	vadd.f32 v47, v23;
	v24 =	vadd.f32 v48, v24  }
0x12c: {  	vm7 =	veq.s32 v39, $0x4;
	v25 =	vadd.f32 v49, v25;
	v26 =	vadd.f32 v50, v26  }
0x12d: {  	vm8 =	veq.s32 v39, $0x5;
	v27 =	vadd.f32 v51, v27;
	v28 =	vadd.f32 v52, v28  }
0x12e: {  	vm9 =	veq.s32 v39, $0x6;
	v29 =	vadd.f32 v53, v29;
	v31 =	vadd.f32 v54, v31  }
0x12f: {  	v58 =	vld.idx.msk [tilespmem:v1+s18+$0x780 ss:$0x1], $0xffff;
	v57 =	vnsel vm10, $0x0, v42;
	v32 =	vadd.f32 v55, v32;
	v59 =	vnsel vm11, $0x0, v42  }
0x130: {  	v33 =	vadd.f32 v56, v33;
	v60 =	vnsel vm12, $0x0, v42;
	v61 =	vnsel vm13, $0x0, v42  }
0x131: {  	v62 =	vnsel vm14, $0x0, v42;
	vm10 =	veq.s32 v39, $0x7;
	vm11 =	veq.s32 v39, $0x8  }
0x132: {  	vm12 =	veq.s32 v39, $0x9;
	vm13 =	veq.s32 v39, $0xA;
	v35 =	vadd.f32 v57, v35  }
0x133: {  	vm14 =	veq.s32 v39, $0xB;
	v30 =	vadd.f32 v59, v30;
	v34 =	vadd.f32 v60, v34  }
0x134: {  	v63 =	vnsel vm15, $0x0, v58;
	v20 =	vadd.f32 v61, v20;
	v41 =	vnsel vm4, $0x0, v58  }
0x135: {  	v19 =	vadd.f32 v62, v19;
	v42 =	vnsel vm5, $0x0, v58;
	v43 =	vnsel vm6, $0x0, v58  }
0x136: {  	v44 =	vnsel vm7, $0x0, v58;
	v45 =	vnsel vm8, $0x0, v58;
	v46 =	vnsel vm9, $0x0, v58  }
0x137: {  	v47 =	vnsel vm10, $0x0, v58;
	v48 =	vnsel vm11, $0x0, v58;
	v49 =	vnsel vm12, $0x0, v58  }
0x138: {  	v50 =	vnsel vm13, $0x0, v58;
	v51 =	vnsel vm14, $0x0, v58;
	vm15 =	veq.s32 v39, $0xC  }
0x139: {  	vm4 =	veq.s32 v39, $0xD;
	v21 =	vadd.f32 v63, v21;
	v22 =	vadd.f32 v41, v22  }
0x13a: {  	vm5 =	veq.s32 v39, $0xE;
	v23 =	vadd.f32 v42, v23;
	v24 =	vadd.f32 v43, v24  }
0x13b: {  	vm6 =	veq.s32 v39, $0xF;
	v25 =	vadd.f32 v44, v25;
	v26 =	vadd.f32 v45, v26  }
0x13c: {  	vm7 =	veq.s32 v39, $0x10;
	v27 =	vadd.f32 v46, v27;
	v28 =	vadd.f32 v47, v28;
	v41 =	vld.idx.msk [tilespmem:v2+s18+$0x0 ss:$0x1], $0xffff  }
0x13d: {  	v29 =	vadd.f32 v48, v29;
	v31 =	vadd.f32 v49, v31;
	v52 =	vnsel vm15, $0x0, v58  }
0x13e: {  	v32 =	vadd.f32 v50, v32;
	v54 =	vnsel vm4, $0x0, v58;
	v33 =	vadd.f32 v51, v33  }
0x13f: {  	v55 =	vnsel vm5, $0x0, v58;
	v56 =	vnsel vm6, $0x0, v58;
	v35 =	vadd.f32 v52, v35  }
0x140: {  	v53 =	vld.idx.msk [tilespmem:v1+s18+$0x800 ss:$0x1], $0xffff;
	v57 =	vnsel vm7, $0x0, v58;
	v30 =	vadd.f32 v54, v30;
	v34 =	vadd.f32 v55, v34  }
0x141: {  	v20 =	vadd.f32 v56, v20;
	v19 =	vadd.f32 v57, v19;
	vm8 =	veq.s32 v41, $0x0  }
0x142: {  	vm9 =	veq.s32 v41, $0x1;
	vm10 =	veq.s32 v41, $0x2;
	vm11 =	veq.s32 v41, $0x3  }
0x143: {  	vm12 =	veq.s32 v41, $0x4;
	vm13 =	veq.s32 v41, $0x5;
	vm14 =	veq.s32 v41, $0x6  }
0x144: {  	vm15 =	veq.s32 v41, $0x7;
	vm4 =	veq.s32 v41, $0x8;
	vm5 =	veq.s32 v41, $0x9  }
0x145: {  	vm6 =	veq.s32 v41, $0xA;
	vm7 =	veq.s32 v41, $0xB;
	v58 =	vnsel vm8, $0x0, v53  }
0x146: {  	v39 =	vld.idx.msk [tilespmem:v2+s18+$0x80 ss:$0x1], $0xffff;
	v59 =	vnsel vm9, $0x0, v53;
	v60 =	vnsel vm10, $0x0, v53;
	v61 =	vnsel vm11, $0x0, v53  }
0x147: {  	v62 =	vnsel vm12, $0x0, v53;
	v63 =	vnsel vm13, $0x0, v53;
	v40 =	vnsel vm14, $0x0, v53  }
0x148: {  	v43 =	vnsel vm15, $0x0, v53;
	v44 =	vnsel vm4, $0x0, v53;
	v45 =	vnsel vm5, $0x0, v53  }
0x149: {  	v46 =	vnsel vm6, $0x0, v53;
	v47 =	vnsel vm7, $0x0, v53;
	vm8 =	veq.s32 v41, $0xC  }
0x14a: {  	vm9 =	veq.s32 v41, $0xD;
	vm10 =	veq.s32 v41, $0xE;
	vm11 =	veq.s32 v41, $0xF  }
0x14b: {  	vm12 =	veq.s32 v41, $0x10;
	vm13 =	veq.s32 v39, $0x0;
	vm14 =	veq.s32 v39, $0x1  }
0x14c: {  	vm15 =	veq.s32 v39, $0x2;
	v21 =	vadd.f32 v58, v21;
	v22 =	vadd.f32 v59, v22  }
0x14d: {  	vm4 =	veq.s32 v39, $0x3;
	v23 =	vadd.f32 v60, v23;
	v24 =	vadd.f32 v61, v24  }
0x14e: {  	vm5 =	veq.s32 v39, $0x4;
	v25 =	vadd.f32 v62, v25;
	v26 =	vadd.f32 v63, v26  }
0x14f: {  	vm6 =	veq.s32 v39, $0x5;
	v27 =	vadd.f32 v40, v27;
	v28 =	vadd.f32 v43, v28  }
0x150: {  	vm7 =	veq.s32 v39, $0x6;
	v29 =	vadd.f32 v44, v29;
	v31 =	vadd.f32 v45, v31  }
0x151: {  	v48 =	vnsel vm8, $0x0, v53;
	v40 =	vld.idx.msk [tilespmem:v1+s18+$0x880 ss:$0x1], $0xffff;
	v32 =	vadd.f32 v46, v32;
	v49 =	vnsel vm9, $0x0, v53  }
0x152: {  	v33 =	vadd.f32 v47, v33;
	v50 =	vnsel vm10, $0x0, v53;
	v51 =	vnsel vm11, $0x0, v53  }
0x153: {  	v52 =	vnsel vm12, $0x0, v53;
	vm8 =	veq.s32 v39, $0x7;
	vm9 =	veq.s32 v39, $0x8  }
0x154: {  	vm10 =	veq.s32 v39, $0x9;
	vm11 =	veq.s32 v39, $0xA;
	v35 =	vadd.f32 v48, v35  }
0x155: {  	vm12 =	veq.s32 v39, $0xB;
	v30 =	vadd.f32 v49, v30;
	v34 =	vadd.f32 v50, v34  }
0x156: {  	v20 =	vadd.f32 v51, v20;
	v19 =	vadd.f32 v52, v19;
	v53 =	vnsel vm13, $0x0, v40  }
0x157: {  	v41 =	vld.idx.msk [tilespmem:v2+s18+$0x100 ss:$0x1], $0xffff;
	v54 =	vnsel vm14, $0x0, v40;
	v55 =	vnsel vm15, $0x0, v40;
	v56 =	vnsel vm4, $0x0, v40  }
0x158: {  	v57 =	vnsel vm5, $0x0, v40;
	v58 =	vnsel vm6, $0x0, v40;
	v59 =	vnsel vm7, $0x0, v40  }
0x159: {  	v60 =	vnsel vm8, $0x0, v40;
	v61 =	vnsel vm9, $0x0, v40;
	v62 =	vnsel vm10, $0x0, v40  }
0x15a: {  	v63 =	vnsel vm11, $0x0, v40;
	v45 =	vnsel vm12, $0x0, v40;
	vm13 =	veq.s32 v39, $0xC  }
0x15b: {  	vm14 =	veq.s32 v39, $0xD;
	vm15 =	veq.s32 v39, $0xE;
	vm4 =	veq.s32 v39, $0xF  }
0x15c: {  	vm5 =	veq.s32 v39, $0x10;
	vm6 =	veq.s32 v41, $0x0;
	vm7 =	veq.s32 v41, $0x1  }
0x15d: {  	vm8 =	veq.s32 v41, $0x2;
	v21 =	vadd.f32 v53, v21;
	v22 =	vadd.f32 v54, v22  }
0x15e: {  	vm9 =	veq.s32 v41, $0x3;
	v23 =	vadd.f32 v55, v23;
	v24 =	vadd.f32 v56, v24  }
0x15f: {  	v42 =	vld.idx.msk [tilespmem:v1+s18+$0x900 ss:$0x1], $0xffff;
	vm10 =	veq.s32 v41, $0x4;
	v25 =	vadd.f32 v57, v25;
	v26 =	vadd.f32 v58, v26  }
0x160: {  	vm11 =	veq.s32 v41, $0x5;
	v27 =	vadd.f32 v59, v27;
	v28 =	vadd.f32 v60, v28  }
0x161: {  	vm12 =	veq.s32 v41, $0x6;
	v29 =	vadd.f32 v61, v29;
	v31 =	vadd.f32 v62, v31  }
0x162: {  	v46 =	vnsel vm13, $0x0, v40;
	v32 =	vadd.f32 v63, v32;
	v47 =	vnsel vm14, $0x0, v40  }
0x163: {  	v33 =	vadd.f32 v45, v33;
	v48 =	vnsel vm15, $0x0, v40;
	v49 =	vnsel vm4, $0x0, v40  }
0x164: {  	v50 =	vnsel vm5, $0x0, v40;
	v51 =	vnsel vm6, $0x0, v42;
	v52 =	vnsel vm7, $0x0, v42  }
0x165: {  	v53 =	vnsel vm8, $0x0, v42;
	v54 =	vnsel vm9, $0x0, v42;
	v55 =	vnsel vm10, $0x0, v42  }
0x166: {  	v56 =	vnsel vm11, $0x0, v42;
	v57 =	vnsel vm12, $0x0, v42;
	vm13 =	veq.s32 v41, $0x7  }
0x167: {  	vm14 =	veq.s32 v41, $0x8;
	vm15 =	veq.s32 v41, $0x9;
	vm4 =	veq.s32 v41, $0xA  }
0x168: {  	vm5 =	veq.s32 v41, $0xB;
	vm6 =	veq.s32 v41, $0xC;
	vm7 =	veq.s32 v41, $0xD  }
0x169: {  	vm8 =	veq.s32 v41, $0xE;
	vm9 =	veq.s32 v41, $0xF;
	v35 =	vadd.f32 v46, v35  }
0x16a: {  	vm10 =	veq.s32 v41, $0x10;
	v30 =	vadd.f32 v47, v30;
	v34 =	vadd.f32 v48, v34  }
0x16b: {  	v20 =	vadd.f32 v49, v20;
	v19 =	vadd.f32 v50, v19;
	v58 =	vnsel vm13, $0x0, v42  }
0x16c: {  	v59 =	vnsel vm14, $0x0, v42;
	v60 =	vnsel vm15, $0x0, v42;
	v21 =	vadd.f32 v51, v21  }
0x16d: {  	v61 =	vnsel vm4, $0x0, v42;
	v22 =	vadd.f32 v52, v22;
	v23 =	vadd.f32 v53, v23  }
0x16e: {  	v62 =	vnsel vm5, $0x0, v42;
	v24 =	vadd.f32 v54, v24;
	v25 =	vadd.f32 v55, v25  }
0x16f: {  	v39 =	vld.idx.msk [tilespmem:v2+s18+$0x180 ss:$0x1], $0xffff;
	v63 =	vnsel vm6, $0x0, v42;
	v26 =	vadd.f32 v56, v26;
	v27 =	vadd.f32 v57, v27  }
0x170: {  	v44 =	vnsel vm7, $0x0, v42;
	v28 =	vadd.f32 v58, v28;
	v29 =	vadd.f32 v59, v29  }
0x171: {  	v45 =	vnsel vm8, $0x0, v42;
	v31 =	vadd.f32 v60, v31;
	v32 =	vadd.f32 v61, v32  }
0x172: {  	v46 =	vnsel vm9, $0x0, v42;
	v33 =	vadd.f32 v62, v33;
	v35 =	vadd.f32 v63, v35  }
0x173: {  	v40 =	vld.idx.msk [tilespmem:v1+s18+$0x980 ss:$0x1], $0xffff;
	v47 =	vnsel vm10, $0x0, v42;
	v30 =	vadd.f32 v44, v30;
	v34 =	vadd.f32 v45, v34  }
0x174: {  	v20 =	vadd.f32 v46, v20;
	v19 =	vadd.f32 v47, v19;
	vm11 =	veq.s32 v39, $0x0  }
0x175: {  	vm12 =	veq.s32 v39, $0x1;
	vm13 =	veq.s32 v39, $0x2;
	vm14 =	veq.s32 v39, $0x3  }
0x176: {  	vm15 =	veq.s32 v39, $0x4;
	vm4 =	veq.s32 v39, $0x5;
	vm5 =	veq.s32 v39, $0x6  }
0x177: {  	vm6 =	veq.s32 v39, $0x7;
	vm7 =	veq.s32 v39, $0x8;
	vm8 =	veq.s32 v39, $0x9  }
0x178: {  	vm9 =	veq.s32 v39, $0xA;
	vm10 =	veq.s32 v39, $0xB;
	v48 =	vnsel vm11, $0x0, v40  }
0x179: {  	v41 =	vld.idx.msk [tilespmem:v2+s18+$0x200 ss:$0x1], $0xffff;
	v49 =	vnsel vm12, $0x0, v40;
	v50 =	vnsel vm13, $0x0, v40;
	v51 =	vnsel vm14, $0x0, v40  }
0x17a: {  	v52 =	vnsel vm15, $0x0, v40;
	v53 =	vnsel vm4, $0x0, v40;
	v54 =	vnsel vm5, $0x0, v40  }
0x17b: {  	v55 =	vnsel vm6, $0x0, v40;
	v56 =	vnsel vm7, $0x0, v40;
	v57 =	vnsel vm8, $0x0, v40  }
0x17c: {  	v58 =	vnsel vm9, $0x0, v40;
	v59 =	vnsel vm10, $0x0, v40;
	vm11 =	veq.s32 v39, $0xC  }
0x17d: {  	vm12 =	veq.s32 v39, $0xD;
	vm13 =	veq.s32 v39, $0xE;
	vm14 =	veq.s32 v39, $0xF  }
0x17e: {  	vm15 =	veq.s32 v39, $0x10;
	vm4 =	veq.s32 v41, $0x0;
	vm5 =	veq.s32 v41, $0x1  }
0x17f: {  	vm6 =	veq.s32 v41, $0x2;
	v21 =	vadd.f32 v48, v21;
	v22 =	vadd.f32 v49, v22  }
0x180: {  	vm7 =	veq.s32 v41, $0x3;
	v23 =	vadd.f32 v50, v23;
	v24 =	vadd.f32 v51, v24  }
0x181: {  	v42 =	vld.idx.msk [tilespmem:v1+s18+$0xA00 ss:$0x1], $0xffff;
	vm8 =	veq.s32 v41, $0x4;
	v25 =	vadd.f32 v52, v25;
	v26 =	vadd.f32 v53, v26  }
0x182: {  	vm9 =	veq.s32 v41, $0x5;
	v27 =	vadd.f32 v54, v27;
	v28 =	vadd.f32 v55, v28  }
0x183: {  	vm10 =	veq.s32 v41, $0x6;
	v29 =	vadd.f32 v56, v29;
	v31 =	vadd.f32 v57, v31  }
0x184: {  	v60 =	vnsel vm11, $0x0, v40;
	v32 =	vadd.f32 v58, v32;
	v61 =	vnsel vm12, $0x0, v40  }
0x185: {  	v33 =	vadd.f32 v59, v33;
	v62 =	vnsel vm13, $0x0, v40;
	v63 =	vnsel vm14, $0x0, v40  }
0x186: {  	v43 =	vnsel vm15, $0x0, v40;
	v44 =	vnsel vm4, $0x0, v42;
	v45 =	vnsel vm5, $0x0, v42  }
0x187: {  	v46 =	vnsel vm6, $0x0, v42;
	v47 =	vnsel vm7, $0x0, v42;
	v48 =	vnsel vm8, $0x0, v42  }
0x188: {  	v49 =	vnsel vm9, $0x0, v42;
	v50 =	vnsel vm10, $0x0, v42;
	vm11 =	veq.s32 v41, $0x7  }
0x189: {  	vm12 =	veq.s32 v41, $0x8;
	vm13 =	veq.s32 v41, $0x9;
	vm14 =	veq.s32 v41, $0xA  }
0x18a: {  	vm15 =	veq.s32 v41, $0xB;
	vm4 =	veq.s32 v41, $0xC;
	vm5 =	veq.s32 v41, $0xD  }
0x18b: {  	vm6 =	veq.s32 v41, $0xE;
	vm7 =	veq.s32 v41, $0xF;
	v35 =	vadd.f32 v60, v35  }
0x18c: {  	vm8 =	veq.s32 v41, $0x10;
	v30 =	vadd.f32 v61, v30;
	v34 =	vadd.f32 v62, v34  }
0x18d: {  	v20 =	vadd.f32 v63, v20;
	v19 =	vadd.f32 v43, v19;
	v51 =	vnsel vm11, $0x0, v42  }
0x18e: {  	v52 =	vnsel vm12, $0x0, v42;
	v53 =	vnsel vm13, $0x0, v42;
	v21 =	vadd.f32 v44, v21  }
0x18f: {  	v54 =	vnsel vm14, $0x0, v42;
	v22 =	vadd.f32 v45, v22;
	v23 =	vadd.f32 v46, v23  }
0x190: {  	v55 =	vnsel vm15, $0x0, v42;
	v24 =	vadd.f32 v47, v24;
	v25 =	vadd.f32 v48, v25  }
0x191: {  	v39 =	vld.idx.msk [tilespmem:v2+s18+$0x280 ss:$0x1], $0xffff;
	v56 =	vnsel vm4, $0x0, v42;
	v26 =	vadd.f32 v49, v26;
	v27 =	vadd.f32 v50, v27  }
0x192: {  	v58 =	vnsel vm5, $0x0, v42;
	v28 =	vadd.f32 v51, v28;
	v29 =	vadd.f32 v52, v29  }
0x193: {  	v59 =	vnsel vm6, $0x0, v42;
	v31 =	vadd.f32 v53, v31;
	v32 =	vadd.f32 v54, v32  }
0x194: {  	v60 =	vnsel vm7, $0x0, v42;
	v33 =	vadd.f32 v55, v33;
	v35 =	vadd.f32 v56, v35  }
0x195: {  	v57 =	vld.idx.msk [tilespmem:v1+s18+$0xA80 ss:$0x1], $0xffff;
	v61 =	vnsel vm8, $0x0, v42;
	v30 =	vadd.f32 v58, v30;
	v34 =	vadd.f32 v59, v34  }
0x196: {  	v20 =	vadd.f32 v60, v20;
	v19 =	vadd.f32 v61, v19;
	vm9 =	veq.s32 v39, $0x0  }
0x197: {  	vm10 =	veq.s32 v39, $0x1;
	vm11 =	veq.s32 v39, $0x2;
	vm12 =	veq.s32 v39, $0x3  }
0x198: {  	vm13 =	veq.s32 v39, $0x4;
	vm14 =	veq.s32 v39, $0x5;
	vm15 =	veq.s32 v39, $0x6  }
0x199: {  	vm4 =	veq.s32 v39, $0x7;
	vm5 =	veq.s32 v39, $0x8;
	vm6 =	veq.s32 v39, $0x9  }
0x19a: {  	vm7 =	veq.s32 v39, $0xA;
	vm8 =	veq.s32 v39, $0xB;
	v62 =	vnsel vm9, $0x0, v57  }
0x19b: {  	v63 =	vnsel vm10, $0x0, v57;
	v41 =	vnsel vm11, $0x0, v57;
	v42 =	vnsel vm12, $0x0, v57  }
0x19c: {  	v43 =	vnsel vm13, $0x0, v57;
	v44 =	vnsel vm14, $0x0, v57;
	v45 =	vnsel vm15, $0x0, v57  }
0x19d: {  	v46 =	vnsel vm4, $0x0, v57;
	v47 =	vnsel vm5, $0x0, v57;
	v48 =	vnsel vm6, $0x0, v57  }
0x19e: {  	v49 =	vnsel vm7, $0x0, v57;
	v50 =	vnsel vm8, $0x0, v57;
	vm9 =	veq.s32 v39, $0xC  }
0x19f: {  	vm10 =	veq.s32 v39, $0xD;
	v21 =	vadd.f32 v62, v21;
	v22 =	vadd.f32 v63, v22  }
0x1a0: {  	vm11 =	veq.s32 v39, $0xE;
	v23 =	vadd.f32 v41, v23;
	v24 =	vadd.f32 v42, v24  }
0x1a1: {  	vm12 =	veq.s32 v39, $0xF;
	v25 =	vadd.f32 v43, v25;
	v26 =	vadd.f32 v44, v26  }
0x1a2: {  	vm13 =	veq.s32 v39, $0x10;
	v27 =	vadd.f32 v45, v27;
	v28 =	vadd.f32 v46, v28;
	v41 =	vld.idx.msk [tilespmem:v2+s18+$0x300 ss:$0x1], $0xffff  }
0x1a3: {  	v29 =	vadd.f32 v47, v29;
	v31 =	vadd.f32 v48, v31;
	v51 =	vnsel vm9, $0x0, v57  }
0x1a4: {  	v32 =	vadd.f32 v49, v32;
	v53 =	vnsel vm10, $0x0, v57;
	v33 =	vadd.f32 v50, v33  }
0x1a5: {  	v54 =	vnsel vm11, $0x0, v57;
	v55 =	vnsel vm12, $0x0, v57;
	v35 =	vadd.f32 v51, v35  }
0x1a6: {  	v52 =	vld.idx.msk [tilespmem:v1+s18+$0xB00 ss:$0x1], $0xffff;
	v56 =	vnsel vm13, $0x0, v57;
	v30 =	vadd.f32 v53, v30;
	v34 =	vadd.f32 v54, v34  }
0x1a7: {  	v20 =	vadd.f32 v55, v20;
	v19 =	vadd.f32 v56, v19;
	vm14 =	veq.s32 v41, $0x0  }
0x1a8: {  	vm15 =	veq.s32 v41, $0x1;
	vm4 =	veq.s32 v41, $0x2;
	vm5 =	veq.s32 v41, $0x3  }
0x1a9: {  	vm6 =	veq.s32 v41, $0x4;
	vm7 =	veq.s32 v41, $0x5;
	vm8 =	veq.s32 v41, $0x6  }
0x1aa: {  	vm9 =	veq.s32 v41, $0x7;
	vm10 =	veq.s32 v41, $0x8;
	vm11 =	veq.s32 v41, $0x9  }
0x1ab: {  	vm12 =	veq.s32 v41, $0xA;
	vm13 =	veq.s32 v41, $0xB;
	v57 =	vnsel vm14, $0x0, v52  }
0x1ac: {  	v39 =	vld.idx.msk [tilespmem:v2+s18+$0x380 ss:$0x1], $0xffff;
	v58 =	vnsel vm15, $0x0, v52;
	v59 =	vnsel vm4, $0x0, v52;
	v60 =	vnsel vm5, $0x0, v52  }
0x1ad: {  	v61 =	vnsel vm6, $0x0, v52;
	v62 =	vnsel vm7, $0x0, v52;
	v63 =	vnsel vm8, $0x0, v52  }
0x1ae: {  	v40 =	vnsel vm9, $0x0, v52;
	v43 =	vnsel vm10, $0x0, v52;
	v44 =	vnsel vm11, $0x0, v52  }
0x1af: {  	v45 =	vnsel vm12, $0x0, v52;
	v46 =	vnsel vm13, $0x0, v52;
	vm14 =	veq.s32 v41, $0xC  }
0x1b0: {  	vm15 =	veq.s32 v41, $0xD;
	vm4 =	veq.s32 v41, $0xE;
	vm5 =	veq.s32 v41, $0xF  }
0x1b1: {  	vm6 =	veq.s32 v41, $0x10;
	vm7 =	veq.s32 v39, $0x0;
	vm8 =	veq.s32 v39, $0x1  }
0x1b2: {  	vm9 =	veq.s32 v39, $0x2;
	v21 =	vadd.f32 v57, v21;
	v22 =	vadd.f32 v58, v22  }
0x1b3: {  	vm10 =	veq.s32 v39, $0x3;
	v23 =	vadd.f32 v59, v23;
	v24 =	vadd.f32 v60, v24  }
0x1b4: {  	vm11 =	veq.s32 v39, $0x4;
	v25 =	vadd.f32 v61, v25;
	v26 =	vadd.f32 v62, v26  }
0x1b5: {  	vm12 =	veq.s32 v39, $0x5;
	v27 =	vadd.f32 v63, v27;
	v28 =	vadd.f32 v40, v28  }
0x1b6: {  	vm13 =	veq.s32 v39, $0x6;
	v29 =	vadd.f32 v43, v29;
	v31 =	vadd.f32 v44, v31  }
0x1b7: {  	v47 =	vnsel vm14, $0x0, v52;
	v40 =	vld.idx.msk [tilespmem:v1+s18+$0xB80 ss:$0x1], $0xffff;
	v32 =	vadd.f32 v45, v32;
	v48 =	vnsel vm15, $0x0, v52  }
0x1b8: {  	v33 =	vadd.f32 v46, v33;
	v49 =	vnsel vm4, $0x0, v52;
	v50 =	vnsel vm5, $0x0, v52  }
0x1b9: {  	v51 =	vnsel vm6, $0x0, v52;
	vm14 =	veq.s32 v39, $0x7;
	vm15 =	veq.s32 v39, $0x8  }
0x1ba: {  	vm4 =	veq.s32 v39, $0x9;
	vm5 =	veq.s32 v39, $0xA;
	v35 =	vadd.f32 v47, v35  }
0x1bb: {  	vm6 =	veq.s32 v39, $0xB;
	v30 =	vadd.f32 v48, v30;
	v34 =	vadd.f32 v49, v34  }
0x1bc: {  	v20 =	vadd.f32 v50, v20;
	v19 =	vadd.f32 v51, v19;
	v52 =	vnsel vm7, $0x0, v40  }
0x1bd: {  	v41 =	vld.idx.msk [tilespmem:v2+s18+$0x400 ss:$0x1], $0xffff;
	v53 =	vnsel vm8, $0x0, v40;
	v54 =	vnsel vm9, $0x0, v40;
	v55 =	vnsel vm10, $0x0, v40  }
0x1be: {  	v56 =	vnsel vm11, $0x0, v40;
	v57 =	vnsel vm12, $0x0, v40;
	v58 =	vnsel vm13, $0x0, v40  }
0x1bf: {  	v59 =	vnsel vm14, $0x0, v40;
	v60 =	vnsel vm15, $0x0, v40;
	v61 =	vnsel vm4, $0x0, v40  }
0x1c0: {  	v62 =	vnsel vm5, $0x0, v40;
	v63 =	vnsel vm6, $0x0, v40;
	vm7 =	veq.s32 v39, $0xC  }
0x1c1: {  	vm8 =	veq.s32 v39, $0xD;
	vm9 =	veq.s32 v39, $0xE;
	vm10 =	veq.s32 v39, $0xF  }
0x1c2: {  	vm11 =	veq.s32 v39, $0x10;
	vm12 =	veq.s32 v41, $0x0;
	vm13 =	veq.s32 v41, $0x1  }
0x1c3: {  	vm14 =	veq.s32 v41, $0x2;
	v21 =	vadd.f32 v52, v21;
	v22 =	vadd.f32 v53, v22  }
0x1c4: {  	vm15 =	veq.s32 v41, $0x3;
	v23 =	vadd.f32 v54, v23;
	v24 =	vadd.f32 v55, v24  }
0x1c5: {  	v46 =	vld.idx.msk [tilespmem:v1+s18+$0xC00 ss:$0x1], $0xffff;
	vm4 =	veq.s32 v41, $0x4;
	v25 =	vadd.f32 v56, v25;
	v26 =	vadd.f32 v57, v26  }
0x1c6: {  	vm5 =	veq.s32 v41, $0x5;
	v27 =	vadd.f32 v58, v27;
	v28 =	vadd.f32 v59, v28  }
0x1c7: {  	vm6 =	veq.s32 v41, $0x6;
	v29 =	vadd.f32 v60, v29;
	v31 =	vadd.f32 v61, v31  }
0x1c8: {  	v45 =	vnsel vm7, $0x0, v40;
	v32 =	vadd.f32 v62, v32;
	v47 =	vnsel vm8, $0x0, v40  }
0x1c9: {  	v33 =	vadd.f32 v63, v33;
	v48 =	vnsel vm9, $0x0, v40;
	v49 =	vnsel vm10, $0x0, v40  }
0x1ca: {  	v50 =	vnsel vm11, $0x0, v40;
	v51 =	vnsel vm12, $0x0, v46;
	v52 =	vnsel vm13, $0x0, v46  }
0x1cb: {  	v53 =	vnsel vm14, $0x0, v46;
	v54 =	vnsel vm15, $0x0, v46;
	v55 =	vnsel vm4, $0x0, v46  }
0x1cc: {  	v56 =	vnsel vm5, $0x0, v46;
	v57 =	vnsel vm6, $0x0, v46;
	vm7 =	veq.s32 v41, $0x7  }
0x1cd: {  	vm8 =	veq.s32 v41, $0x8;
	vm9 =	veq.s32 v41, $0x9;
	vm10 =	veq.s32 v41, $0xA  }
0x1ce: {  	vm11 =	veq.s32 v41, $0xB;
	vm12 =	veq.s32 v41, $0xC;
	vm13 =	veq.s32 v41, $0xD  }
0x1cf: {  	vm14 =	veq.s32 v41, $0xE;
	vm15 =	veq.s32 v41, $0xF;
	v35 =	vadd.f32 v45, v35  }
0x1d0: {  	vm4 =	veq.s32 v41, $0x10;
	v30 =	vadd.f32 v47, v30;
	v34 =	vadd.f32 v48, v34  }
0x1d1: {  	v20 =	vadd.f32 v49, v20;
	v19 =	vadd.f32 v50, v19;
	v58 =	vnsel vm7, $0x0, v46  }
0x1d2: {  	v59 =	vnsel vm8, $0x0, v46;
	v60 =	vnsel vm9, $0x0, v46;
	v21 =	vadd.f32 v51, v21  }
0x1d3: {  	v61 =	vnsel vm10, $0x0, v46;
	v22 =	vadd.f32 v52, v22;
	v23 =	vadd.f32 v53, v23  }
0x1d4: {  	v62 =	vnsel vm11, $0x0, v46;
	v24 =	vadd.f32 v54, v24;
	v25 =	vadd.f32 v55, v25  }
0x1d5: {  	v39 =	vld.idx.msk [tilespmem:v2+s18+$0x480 ss:$0x1], $0xffff;
	v63 =	vnsel vm12, $0x0, v46;
	v26 =	vadd.f32 v56, v26;
	v27 =	vadd.f32 v57, v27  }
0x1d6: {  	v43 =	vnsel vm13, $0x0, v46;
	v28 =	vadd.f32 v58, v28;
	v29 =	vadd.f32 v59, v29  }
0x1d7: {  	v44 =	vnsel vm14, $0x0, v46;
	v31 =	vadd.f32 v60, v31;
	v32 =	vadd.f32 v61, v32  }
0x1d8: {  	v45 =	vnsel vm15, $0x0, v46;
	v33 =	vadd.f32 v62, v33;
	v35 =	vadd.f32 v63, v35  }
0x1d9: {  	v40 =	vld.idx.msk [tilespmem:v1+s18+$0xC80 ss:$0x1], $0xffff;
	v46 =	vnsel vm4, $0x0, v46;
	v30 =	vadd.f32 v43, v30;
	v34 =	vadd.f32 v44, v34  }
0x1da: {  	v20 =	vadd.f32 v45, v20;
	v19 =	vadd.f32 v46, v19;
	vm5 =	veq.s32 v39, $0x0  }
0x1db: {  	vm6 =	veq.s32 v39, $0x1;
	vm7 =	veq.s32 v39, $0x2;
	vm8 =	veq.s32 v39, $0x3  }
0x1dc: {  	vm9 =	veq.s32 v39, $0x4;
	vm10 =	veq.s32 v39, $0x5;
	vm11 =	veq.s32 v39, $0x6  }
0x1dd: {  	vm12 =	veq.s32 v39, $0x7;
	vm13 =	veq.s32 v39, $0x8;
	vm14 =	veq.s32 v39, $0x9  }
0x1de: {  	vm15 =	veq.s32 v39, $0xA;
	vm4 =	veq.s32 v39, $0xB;
	v47 =	vnsel vm5, $0x0, v40  }
0x1df: {  	v41 =	vld.idx.msk [tilespmem:v2+s18+$0x500 ss:$0x1], $0xffff;
	v48 =	vnsel vm6, $0x0, v40;
	v49 =	vnsel vm7, $0x0, v40;
	v50 =	vnsel vm8, $0x0, v40  }
0x1e0: {  	v51 =	vnsel vm9, $0x0, v40;
	v52 =	vnsel vm10, $0x0, v40;
	v53 =	vnsel vm11, $0x0, v40  }
0x1e1: {  	v54 =	vnsel vm12, $0x0, v40;
	v55 =	vnsel vm13, $0x0, v40;
	v56 =	vnsel vm14, $0x0, v40  }
0x1e2: {  	v57 =	vnsel vm15, $0x0, v40;
	v58 =	vnsel vm4, $0x0, v40;
	vm5 =	veq.s32 v39, $0xC  }
0x1e3: {  	vm6 =	veq.s32 v39, $0xD;
	vm7 =	veq.s32 v39, $0xE;
	vm8 =	veq.s32 v39, $0xF  }
0x1e4: {  	vm9 =	veq.s32 v39, $0x10;
	vm10 =	veq.s32 v41, $0x0;
	vm11 =	veq.s32 v41, $0x1  }
0x1e5: {  	vm12 =	veq.s32 v41, $0x2;
	v21 =	vadd.f32 v47, v21;
	v22 =	vadd.f32 v48, v22  }
0x1e6: {  	vm13 =	veq.s32 v41, $0x3;
	v23 =	vadd.f32 v49, v23;
	v24 =	vadd.f32 v50, v24  }
0x1e7: {  	vm14 =	veq.s32 v41, $0x4;
	v25 =	vadd.f32 v51, v25;
	v26 =	vadd.f32 v52, v26  }
0x1e8: {  	vm15 =	veq.s32 v41, $0x5;
	v27 =	vadd.f32 v53, v27;
	v28 =	vadd.f32 v54, v28  }
0x1e9: {  	vm4 =	veq.s32 v41, $0x6;
	v29 =	vadd.f32 v55, v29;
	v31 =	vadd.f32 v56, v31  }
0x1ea: {  	v60 =	vld.idx.msk [tilespmem:v1+s18+$0xD00 ss:$0x1], $0xffff;
	v59 =	vnsel vm5, $0x0, v40;
	v32 =	vadd.f32 v57, v32;
	v61 =	vnsel vm6, $0x0, v40  }
0x1eb: {  	v33 =	vadd.f32 v58, v33;
	v62 =	vnsel vm7, $0x0, v40;
	v63 =	vnsel vm8, $0x0, v40  }
0x1ec: {  	v40 =	vnsel vm9, $0x0, v40;
	vm5 =	veq.s32 v41, $0x7;
	vm6 =	veq.s32 v41, $0x8  }
0x1ed: {  	vm7 =	veq.s32 v41, $0x9;
	vm8 =	veq.s32 v41, $0xA;
	v35 =	vadd.f32 v59, v35  }
0x1ee: {  	vm9 =	veq.s32 v41, $0xB;
	v30 =	vadd.f32 v61, v30;
	v34 =	vadd.f32 v62, v34  }
0x1ef: {  	v43 =	vnsel vm10, $0x0, v60;
	v20 =	vadd.f32 v63, v20;
	v44 =	vnsel vm11, $0x0, v60  }
0x1f0: {  	v19 =	vadd.f32 v40, v19;
	v45 =	vnsel vm12, $0x0, v60;
	v46 =	vnsel vm13, $0x0, v60  }
0x1f1: {  	v47 =	vnsel vm14, $0x0, v60;
	v48 =	vnsel vm15, $0x0, v60;
	v49 =	vnsel vm4, $0x0, v60  }
0x1f2: {  	v50 =	vnsel vm5, $0x0, v60;
	v51 =	vnsel vm6, $0x0, v60;
	v52 =	vnsel vm7, $0x0, v60  }
0x1f3: {  	v53 =	vnsel vm8, $0x0, v60;
	v54 =	vnsel vm9, $0x0, v60;
	vm10 =	veq.s32 v41, $0xC  }
0x1f4: {  	vm11 =	veq.s32 v41, $0xD;
	v21 =	vadd.f32 v43, v21;
	v22 =	vadd.f32 v44, v22  }
0x1f5: {  	vm12 =	veq.s32 v41, $0xE;
	v23 =	vadd.f32 v45, v23;
	v24 =	vadd.f32 v46, v24  }
0x1f6: {  	vm13 =	veq.s32 v41, $0xF;
	v25 =	vadd.f32 v47, v25;
	v26 =	vadd.f32 v48, v26  }
0x1f7: {  	v39 =	vld.idx.msk [tilespmem:v2+s18+$0x580 ss:$0x1], $0xffff;
	vm14 =	veq.s32 v41, $0x10;
	v27 =	vadd.f32 v49, v27;
	v28 =	vadd.f32 v50, v28  }
0x1f8: {  	v29 =	vadd.f32 v51, v29;
	v31 =	vadd.f32 v52, v31;
	v55 =	vnsel vm10, $0x0, v60  }
0x1f9: {  	v32 =	vadd.f32 v53, v32;
	v57 =	vnsel vm11, $0x0, v60;
	v33 =	vadd.f32 v54, v33  }
0x1fa: {  	v58 =	vnsel vm12, $0x0, v60;
	v59 =	vnsel vm13, $0x0, v60;
	v35 =	vadd.f32 v55, v35  }
0x1fb: {  	v56 =	vld.idx.msk [tilespmem:v1+s18+$0xD80 ss:$0x1], $0xffff;
	v60 =	vnsel vm14, $0x0, v60;
	v30 =	vadd.f32 v57, v30;
	v34 =	vadd.f32 v58, v34  }
0x1fc: {  	v20 =	vadd.f32 v59, v20;
	v19 =	vadd.f32 v60, v19;
	vm15 =	veq.s32 v39, $0x0  }
0x1fd: {  	vm4 =	veq.s32 v39, $0x1;
	vm5 =	veq.s32 v39, $0x2;
	vm6 =	veq.s32 v39, $0x3  }
0x1fe: {  	vm7 =	veq.s32 v39, $0x4;
	vm8 =	veq.s32 v39, $0x5;
	vm9 =	veq.s32 v39, $0x6  }
0x1ff: {  	vm10 =	veq.s32 v39, $0x7;
	vm11 =	veq.s32 v39, $0x8;
	vm12 =	veq.s32 v39, $0x9  }
0x200: {  	vm13 =	veq.s32 v39, $0xA;
	vm14 =	veq.s32 v39, $0xB;
	v61 =	vnsel vm15, $0x0, v56  }
0x201: {  	v62 =	vnsel vm4, $0x0, v56;
	v63 =	vnsel vm5, $0x0, v56;
	v41 =	vnsel vm6, $0x0, v56  }
0x202: {  	v42 =	vnsel vm7, $0x0, v56;
	v43 =	vnsel vm8, $0x0, v56;
	v44 =	vnsel vm9, $0x0, v56  }
0x203: {  	v45 =	vnsel vm10, $0x0, v56;
	v46 =	vnsel vm11, $0x0, v56;
	v47 =	vnsel vm12, $0x0, v56  }
0x204: {  	v48 =	vnsel vm13, $0x0, v56;
	v49 =	vnsel vm14, $0x0, v56;
	vm15 =	veq.s32 v39, $0xC  }
0x205: {  	vm4 =	veq.s32 v39, $0xD;
	v21 =	vadd.f32 v61, v21;
	v22 =	vadd.f32 v62, v22  }
0x206: {  	vm5 =	veq.s32 v39, $0xE;
	v23 =	vadd.f32 v63, v23;
	v24 =	vadd.f32 v41, v24  }
0x207: {  	vm6 =	veq.s32 v39, $0xF;
	v25 =	vadd.f32 v42, v25;
	v26 =	vadd.f32 v43, v26  }
0x208: {  	vm7 =	veq.s32 v39, $0x10;
	v27 =	vadd.f32 v44, v27;
	v28 =	vadd.f32 v45, v28;
	v41 =	vld.idx.msk [tilespmem:v2+s18+$0x600 ss:$0x1], $0xffff  }
0x209: {  	v29 =	vadd.f32 v46, v29;
	v31 =	vadd.f32 v47, v31;
	v50 =	vnsel vm15, $0x0, v56  }
0x20a: {  	v32 =	vadd.f32 v48, v32;
	v52 =	vnsel vm4, $0x0, v56;
	v33 =	vadd.f32 v49, v33  }
0x20b: {  	v53 =	vnsel vm5, $0x0, v56;
	v54 =	vnsel vm6, $0x0, v56;
	v35 =	vadd.f32 v50, v35  }
0x20c: {  	v51 =	vld.idx.msk [tilespmem:v1+s18+$0xE00 ss:$0x1], $0xffff;
	v55 =	vnsel vm7, $0x0, v56;
	v30 =	vadd.f32 v52, v30;
	v34 =	vadd.f32 v53, v34  }
0x20d: {  	v20 =	vadd.f32 v54, v20;
	v19 =	vadd.f32 v55, v19;
	vm8 =	veq.s32 v41, $0x0  }
0x20e: {  	vm9 =	veq.s32 v41, $0x1;
	vm10 =	veq.s32 v41, $0x2;
	vm11 =	veq.s32 v41, $0x3  }
0x20f: {  	vm12 =	veq.s32 v41, $0x4;
	vm13 =	veq.s32 v41, $0x5;
	vm14 =	veq.s32 v41, $0x6  }
0x210: {  	vm15 =	veq.s32 v41, $0x7;
	vm4 =	veq.s32 v41, $0x8;
	vm5 =	veq.s32 v41, $0x9  }
0x211: {  	vm6 =	veq.s32 v41, $0xA;
	vm7 =	veq.s32 v41, $0xB;
	v56 =	vnsel vm8, $0x0, v51  }
0x212: {  	v39 =	vld.idx.msk [tilespmem:v2+s18+$0x680 ss:$0x1], $0xffff;
	v57 =	vnsel vm9, $0x0, v51;
	v58 =	vnsel vm10, $0x0, v51;
	v59 =	vnsel vm11, $0x0, v51  }
0x213: {  	v60 =	vnsel vm12, $0x0, v51;
	v61 =	vnsel vm13, $0x0, v51;
	v62 =	vnsel vm14, $0x0, v51  }
0x214: {  	v63 =	vnsel vm15, $0x0, v51;
	v40 =	vnsel vm4, $0x0, v51;
	v43 =	vnsel vm5, $0x0, v51  }
0x215: {  	v44 =	vnsel vm6, $0x0, v51;
	v45 =	vnsel vm7, $0x0, v51;
	vm8 =	veq.s32 v41, $0xC  }
0x216: {  	vm9 =	veq.s32 v41, $0xD;
	vm10 =	veq.s32 v41, $0xE;
	vm11 =	veq.s32 v41, $0xF  }
0x217: {  	vm12 =	veq.s32 v41, $0x10;
	vm13 =	veq.s32 v39, $0x0;
	vm14 =	veq.s32 v39, $0x1  }
0x218: {  	vm15 =	veq.s32 v39, $0x2;
	v21 =	vadd.f32 v56, v21;
	v22 =	vadd.f32 v57, v22  }
0x219: {  	vm4 =	veq.s32 v39, $0x3;
	v23 =	vadd.f32 v58, v23;
	v24 =	vadd.f32 v59, v24  }
0x21a: {  	vm5 =	veq.s32 v39, $0x4;
	v25 =	vadd.f32 v60, v25;
	v26 =	vadd.f32 v61, v26  }
0x21b: {  	vm6 =	veq.s32 v39, $0x5;
	v27 =	vadd.f32 v62, v27;
	v28 =	vadd.f32 v63, v28  }
0x21c: {  	vm7 =	veq.s32 v39, $0x6;
	v29 =	vadd.f32 v40, v29;
	v31 =	vadd.f32 v43, v31  }
0x21d: {  	v46 =	vnsel vm8, $0x0, v51;
	v40 =	vld.idx.msk [tilespmem:v1+s18+$0xE80 ss:$0x1], $0xffff;
	v32 =	vadd.f32 v44, v32;
	v47 =	vnsel vm9, $0x0, v51  }
0x21e: {  	v33 =	vadd.f32 v45, v33;
	v48 =	vnsel vm10, $0x0, v51;
	v49 =	vnsel vm11, $0x0, v51  }
0x21f: {  	v50 =	vnsel vm12, $0x0, v51;
	vm8 =	veq.s32 v39, $0x7;
	vm9 =	veq.s32 v39, $0x8  }
0x220: {  	vm10 =	veq.s32 v39, $0x9;
	vm11 =	veq.s32 v39, $0xA;
	v35 =	vadd.f32 v46, v35  }
0x221: {  	vm12 =	veq.s32 v39, $0xB;
	v30 =	vadd.f32 v47, v30;
	v34 =	vadd.f32 v48, v34  }
0x222: {  	v20 =	vadd.f32 v49, v20;
	v19 =	vadd.f32 v50, v19;
	v51 =	vnsel vm13, $0x0, v40  }
0x223: {  	v41 =	vld.idx.msk [tilespmem:v2+s18+$0x700 ss:$0x1], $0xffff;
	v52 =	vnsel vm14, $0x0, v40;
	v53 =	vnsel vm15, $0x0, v40;
	v54 =	vnsel vm4, $0x0, v40  }
0x224: {  	v55 =	vnsel vm5, $0x0, v40;
	v56 =	vnsel vm6, $0x0, v40;
	v57 =	vnsel vm7, $0x0, v40  }
0x225: {  	v58 =	vnsel vm8, $0x0, v40;
	v59 =	vnsel vm9, $0x0, v40;
	v60 =	vnsel vm10, $0x0, v40  }
0x226: {  	v61 =	vnsel vm11, $0x0, v40;
	v62 =	vnsel vm12, $0x0, v40;
	vm13 =	veq.s32 v39, $0xC  }
0x227: {  	vm14 =	veq.s32 v39, $0xD;
	vm15 =	veq.s32 v39, $0xE;
	vm4 =	veq.s32 v39, $0xF  }
0x228: {  	vm5 =	veq.s32 v39, $0x10;
	vm6 =	veq.s32 v41, $0x0;
	vm7 =	veq.s32 v41, $0x1  }
0x229: {  	vm8 =	veq.s32 v41, $0x2;
	v21 =	vadd.f32 v51, v21;
	v22 =	vadd.f32 v52, v22  }
0x22a: {  	vm9 =	veq.s32 v41, $0x3;
	v23 =	vadd.f32 v53, v23;
	v24 =	vadd.f32 v54, v24  }
0x22b: {  	v42 =	vld.idx.msk [tilespmem:v1+s18+$0xF00 ss:$0x1], $0xffff;
	vm10 =	veq.s32 v41, $0x4;
	v25 =	vadd.f32 v55, v25;
	v26 =	vadd.f32 v56, v26  }
0x22c: {  	vm11 =	veq.s32 v41, $0x5;
	v27 =	vadd.f32 v57, v27;
	v28 =	vadd.f32 v58, v28  }
0x22d: {  	vm12 =	veq.s32 v41, $0x6;
	v29 =	vadd.f32 v59, v29;
	v31 =	vadd.f32 v60, v31  }
0x22e: {  	v63 =	vnsel vm13, $0x0, v40;
	v32 =	vadd.f32 v61, v32;
	v44 =	vnsel vm14, $0x0, v40  }
0x22f: {  	v33 =	vadd.f32 v62, v33;
	v45 =	vnsel vm15, $0x0, v40;
	v46 =	vnsel vm4, $0x0, v40  }
0x230: {  	v47 =	vnsel vm5, $0x0, v40;
	v48 =	vnsel vm6, $0x0, v42;
	v49 =	vnsel vm7, $0x0, v42  }
0x231: {  	v50 =	vnsel vm8, $0x0, v42;
	v51 =	vnsel vm9, $0x0, v42;
	v52 =	vnsel vm10, $0x0, v42  }
0x232: {  	v53 =	vnsel vm11, $0x0, v42;
	v54 =	vnsel vm12, $0x0, v42;
	vm13 =	veq.s32 v41, $0x7  }
0x233: {  	vm14 =	veq.s32 v41, $0x8;
	vm15 =	veq.s32 v41, $0x9;
	vm4 =	veq.s32 v41, $0xA  }
0x234: {  	vm5 =	veq.s32 v41, $0xB;
	vm6 =	veq.s32 v41, $0xC;
	vm7 =	veq.s32 v41, $0xD  }
0x235: {  	vm8 =	veq.s32 v41, $0xE;
	vm9 =	veq.s32 v41, $0xF;
	v35 =	vadd.f32 v63, v35  }
0x236: {  	vm10 =	veq.s32 v41, $0x10;
	v30 =	vadd.f32 v44, v30;
	v34 =	vadd.f32 v45, v34  }
0x237: {  	v20 =	vadd.f32 v46, v20;
	v19 =	vadd.f32 v47, v19;
	v55 =	vnsel vm13, $0x0, v42  }
0x238: {  	v56 =	vnsel vm14, $0x0, v42;
	v57 =	vnsel vm15, $0x0, v42;
	v21 =	vadd.f32 v48, v21  }
0x239: {  	v58 =	vnsel vm4, $0x0, v42;
	v22 =	vadd.f32 v49, v22;
	v23 =	vadd.f32 v50, v23  }
0x23a: {  	v59 =	vnsel vm5, $0x0, v42;
	v24 =	vadd.f32 v51, v24;
	v25 =	vadd.f32 v52, v25  }
0x23b: {  	v39 =	vld.idx.msk [tilespmem:v2+s18+$0x780 ss:$0x1], $0xffff;
	v60 =	vnsel vm6, $0x0, v42;
	v26 =	vadd.f32 v53, v26;
	v27 =	vadd.f32 v54, v27  }
0x23c: {  	v61 =	vnsel vm7, $0x0, v42;
	v28 =	vadd.f32 v55, v28;
	v29 =	vadd.f32 v56, v29  }
0x23d: {  	v62 =	vnsel vm8, $0x0, v42;
	v31 =	vadd.f32 v57, v31;
	v32 =	vadd.f32 v58, v32  }
0x23e: {  	v63 =	vnsel vm9, $0x0, v42;
	v33 =	vadd.f32 v59, v33;
	v35 =	vadd.f32 v60, v35  }
0x23f: {  	v40 =	vld.idx.msk [tilespmem:v1+s18+$0xF80 ss:$0x1], $0xffff;
	v43 =	vnsel vm10, $0x0, v42;
	v30 =	vadd.f32 v61, v30;
	v34 =	vadd.f32 v62, v34  }
0x240: {  	v20 =	vadd.f32 v63, v20;
	v19 =	vadd.f32 v43, v19;
	vm11 =	veq.s32 v39, $0x0  }
0x241: {  	vm12 =	veq.s32 v39, $0x1;
	vm13 =	veq.s32 v39, $0x2;
	vm14 =	veq.s32 v39, $0x3  }
0x242: {  	vm15 =	veq.s32 v39, $0x4;
	vm4 =	veq.s32 v39, $0x5;
	vm5 =	veq.s32 v39, $0x6  }
0x243: {  	vm6 =	veq.s32 v39, $0x7;
	vm7 =	veq.s32 v39, $0x8;
	vm8 =	veq.s32 v39, $0x9  }
0x244: {  	vm9 =	veq.s32 v39, $0xA;
	vm10 =	veq.s32 v39, $0xB;
	v44 =	vnsel vm11, $0x0, v40  }
0x245: {  	v45 =	vnsel vm12, $0x0, v40;
	v46 =	vnsel vm13, $0x0, v40;
	v47 =	vnsel vm14, $0x0, v40  }
0x246: {  	v48 =	vnsel vm15, $0x0, v40;
	v49 =	vnsel vm4, $0x0, v40;
	v21 =	vadd.f32 v44, v21  }
0x247: {  	v50 =	vnsel vm5, $0x0, v40;
	v51 =	vnsel vm6, $0x0, v40;
	v22 =	vadd.f32 v45, v22  }
0x248: {  	v53 =	vnsel vm7, $0x0, v40;
	v23 =	vadd.f32 v46, v23;
	v0 =	vadd.f32 v21, v0  }
0x249: {  	v55 =	vnsel vm8, $0x0, v40;
	v24 =	vadd.f32 v47, v24;
	v3 =	vadd.f32 v22, v3  }
0x24a: {  	v56 =	vnsel vm9, $0x0, v40;
	v25 =	vadd.f32 v48, v25;
	v4 =	vadd.f32 v4, v23;
	[tilespmem:s16+$0x10000] =	vst v0  }
0x24b: {  	vm11 =	veq.s32 v39, $0xC;
	v26 =	vadd.f32 v49, v26;
	v5 =	vadd.f32 v5, v24;
	[tilespmem:s16+$0x10010] =	vst v3  }
0x24c: {  	vm14 =	veq.s32 v39, $0xF;
	v27 =	vadd.f32 v50, v27;
	v6 =	vadd.f32 v6, v25;
	[tilespmem:s16+$0x10020] =	vst v4  }
0x24d: {  	vm15 =	veq.s32 v39, $0x10;
	v52 =	vadd.f32 v51, v28;
	v7 =	vadd.f32 v7, v26;
	[tilespmem:s16+$0x10030] =	vst v5  }
0x24e: {  	v54 =	vadd.f32 v53, v29;
	v58 =	vnsel vm11, $0x0, v40;
	v8 =	vadd.f32 v8, v27;
	[tilespmem:s16+$0x10040] =	vst v6  }
0x24f: {  	v62 =	vnsel vm14, $0x0, v40;
	v59 =	vadd.f32 v58, v35;
	v9 =	vadd.f32 v9, v52;
	[tilespmem:s16+$0x10050] =	vst v7  }
0x250: {  	v63 =	vnsel vm15, $0x0, v40;
	v20 =	vadd.f32 v62, v20;
	v10 =	vadd.f32 v10, v54;
	[tilespmem:s16+$0x10060] =	vst v8  }
0x251: {  	v57 =	vnsel vm10, $0x0, v40;
	v19 =	vadd.f32 v63, v19;
	v14 =	vadd.f32 v14, v59;
	[tilespmem:s16+$0x10070] =	vst v9  }
0x252: {  	vm12 =	veq.s32 v39, $0xD;
	v23 =	vadd.f32 v55, v31;
	v17 =	vadd.f32 v17, v20;
	[tilespmem:s16+$0x10400] =	vst v10  }
0x253: {  	vm13 =	veq.s32 v39, $0xE;
	v24 =	vadd.f32 v56, v32;
	v18 =	vadd.f32 v18, v19;
	[tilespmem:s16+$0x10440] =	vst v14  }
0x254: {  	v60 =	vnsel vm12, $0x0, v40;
	v25 =	vadd.f32 v57, v33;
	v11 =	vadd.f32 v11, v23;
	[tilespmem:s16+$0x10470] =	vst v17  }
0x255: {  	p0 =	sne.s32 s17, $0x1C000;
	v61 =	vnsel vm13, $0x0, v40;
	v22 =	vadd.f32 v60, v30;
	v12 =	vadd.f32 v12, v24;
	[tilespmem:s16+$0x10800] =	vst v18  }
.Ltmp0:
0x256: {  	v23 =	vadd.f32 v61, v34;
	v13 =	vadd.f32 v13, v25;
	[tilespmem:s16+$0x10410] =	vst v11;
	(pc) =	sbr.rel @p0 .LBB2_3-.Ltmp0, $4  }
0x257: {  	v15 =	vadd.f32 v15, v22;
	[tilespmem:s16+$0x10420] =	vst v12  }
0x258: {  	[tilespmem:s16+$0x10430] =	vst v13;
	v16 =	vadd.f32 v16, v23  }
0x259: {  	[tilespmem:s16+$0x10450] =	vst v15  }
0x25a: {  	s17 =	sadd.s32 $0x4000, s17;
	[tilespmem:s16+$0x10460] =	vst v16  }
0x25b: {  	s15 =	sadd.s32 $0x1, s15  }
0x25c: {  	p0 =	sne.s32 s15, $0x8  }
.Ltmp1:
0x25d: {  	_ = 	snop;
	(pc) =	sbr.rel @p0 .LBB2_2-.Ltmp1, $2  }
0x25e: {  	_ =	sdelay $0x2  }
0x25f: {  	s13 =	sadd.s32 $0x10, s13;
	s14 =	sadd.s32 $0x10, s14  }
0x260: {  	s12 =	sadd.s32 $0x1, s12  }
0x261: {  	p0 =	sne.s32 s12, s7  }
.Ltmp2:
0x262: {  	_ = 	snop;
	(pc) =	sbr.rel @p0 .LBB2_1-.Ltmp2, $4  }
0x263: {  	[hbm4b:s6+s2] =	stream.linear.scatter [tilespmem:s11], [sflag:$0x1], $0xC00, $0x38;
	[tilespmem:$0x10C00] =	vst v63  }
0x264: {  	_ =	swait.ge [sflag:s3], $0xC00  }
0x265: {  	[sflag:s3] =	ssyncset.done $0x0  }
0x266: {  	[sflag:s3] =	ssyncadd.s32 $0xFFFFF400  }
0x267: {  	_ =	sfence.sel $0x180000  }
0x268: {  	[bflag:$0x0] =	sbarrier.arrive $0xFFFF  }
0x269: {  	p0 =	sne.s32 s0, $0x0;
	_ =	strace $0x90000047  }
0x26a: {  	s0 =	sadd.s32 @!p0 $0x100000, s1;
	[bflag:$0x2] =	sbarrier.arrive $0xFFFF  }
0x26b: {  	[sflag:s0] =	ssyncadd.tile.s32 @!p0 $0x1;
	_ =	shalt  }
.Lfunc_end2:
_tile_overlayer_lowered:
.L_overlay_start_2:
0x26c: {  	(tag) =	ssettag $0x2  }
0x26d: {  	s0 =	rddreg [dreg:$0x0];
	s2 =	stileid.u32  }
0x26e: {  	s1 =	rddreg [dreg:$0x1];
	p0 =	sne.s32 s2, $0x0  }
0x26f: {  	s3 =	rddreg [dreg:$0x2];
	[bflag:$0x3] =	sbarrier.arrive $0xFFFF;
	s2 =	simm.s32 @!p0 $0x1C01  }
0x270: {  	[timem:s3], [sflag:s2] =	dma.local @!p0 [hbm:s0], s1  }
0x271: {  	s0 =	simm.s32 @!p0 $0x1  }
0x272: {  	_ =	swait.ge @!p0 [sflag:s0], s1  }
0x273: {  	s1 =	ssub.s32 @!p0 $0x0, s1;
	[sflag:s0] =	ssyncset.done @!p0 $0x0  }
0x274: {  	[sflag:s0] =	ssyncadd.s32 @!p0 s1  }
0x275: {  	[bflag:$0x3] =	sbarrier.arrive $0xFFFF  }
0x276: {  	_ =	shalt  }

</sc_bundles>
